<compile_context>
chip_gen: v7x
topology: tpu7x:2x2x1
jax: 0.10.2.dev20260603
libtpu: 0.0.44.dev20260713+nightly
codegen_flags: <defaults>
</compile_context>

<pallas_src>
import functools

import jax
import jax.numpy as jnp
from jax import lax
from jax.experimental import pallas as pl
from jax.experimental.pallas import tpu as pltpu
from jax.experimental.pallas import tpu_sc as plsc

N = 50000
NTS = 9
L = 32
E = 300000
NW = 32
CHUNK = 9600
P = NW * CHUNK
KB = 128
NK = CHUNK // KB
NK2 = 2 * NK
BF = 15
TAB = N * (N + 1) // 2
TSIZE = TAB + 8
DUMMY = N
JW = 48
JW1 = 32
SUB = 5
RB = SUB * KB
NBIG = NK // SUB
SUBJ = 5
NKF = 120
NKS2 = 30
FASTC = 0
SGR = 5
EPT = 2 * P // 16
NKS = EPT // KB
NBIGS = NKS // SGR
HALF = N // 2
ACC_ROWS = 25024
STRIPE = ACC_ROWS // 16


def _wid():
    return lax.axis_index("s") * 2 + lax.axis_index("c")


def _lazy(builder):
    cache = []

    def call(*args):
        if not cache:
            cache.append(builder())
        return cache[0](*args)

    return call


def _sc_params():
    return pltpu.CompilerParams(use_tc_tiling_on_sc=False)


def _vmesh():
    return plsc.VectorSubcoreMesh(core_axis_name="c", subcore_axis_name="s")


def _build_sc_scatter_gather_j0():
  @functools.partial(
      pl.kernel,
      out_type=[
          jax.ShapeDtypeStruct((TSIZE,), jnp.int32),
          jax.ShapeDtypeStruct((2, P, JW), jnp.float32),
      ],
      mesh=_vmesh(),
      name="sc_dedup_scatter_gather_j0",
      compiler_params=_sc_params(),
      scratch_types=[
          pltpu.VMEM((NKF, KB), jnp.int32),
          pltpu.VMEM((NKF, KB), jnp.int32),
          pltpu.VMEM((NK2, KB), jnp.int32),
          pltpu.VMEM((2, SUBJ * KB, JW), jnp.float32),
          pltpu.SemaphoreType.DMA,
          pltpu.SemaphoreType.DMA,
          pltpu.SemaphoreType.DMA,
      ],
  )
  def _fused(t_hbm, ids_hbm, j_hbm, lohi_hbm, table_hbm, out_hbm,
             tv, val_v, idx_v, buf, semt, semg, semw):
    w = _wid()
    core = lax.axis_index("c")
    nf = jnp.where(core == FASTC, NKF, NKS2)
    pltpu.sync_copy(t_hbm.at[w], tv)
    pltpu.sync_copy(ids_hbm.at[w], val_v)
    pltpu.sync_copy(lohi_hbm.at[w], idx_v)

    def fire_scat(j, c):
        @pl.when(j < nf)
        def _():
            pltpu.async_copy(val_v.at[j], table_hbm.at[tv.at[j]], semt)
        return c

    def drain_scat(j, c):
        pltpu.make_async_copy(val_v.at[0], table_hbm.at[tv.at[0]],
                              semt).wait()
        return c

    NBJ = NK // SUBJ
    SPG = NKF // (2 * NBJ)

    def body(g, c):
        slot = g % 2

        @pl.when(g >= 2)
        def _():
            pltpu.make_async_copy(
                buf.at[0], out_hbm.at[0].at[pl.ds(0, SUBJ * KB)], semw).wait()

        lax.fori_loop(g * SPG, (g + 1) * SPG, fire_scat, 0)
        h = g // NBJ
        b = g - h * NBJ
        for u in range(SUBJ):
            pltpu.async_copy(
                j_hbm.at[idx_v.at[h * NK + b * SUBJ + u]],
                buf.at[slot].at[pl.ds(u * KB, KB)], semg)
        for u in range(SUBJ):
            pltpu.make_async_copy(
                j_hbm.at[idx_v.at[0]],
                buf.at[0].at[pl.ds(0, KB)], semg).wait()
        row0 = (w * NK + b * SUBJ) * KB
        pltpu.async_copy(buf.at[slot],
                         out_hbm.at[h].at[pl.ds(row0, SUBJ * KB)], semw)
        return c

    lax.fori_loop(0, 2 * NBJ, body, 0)
    for _ in range(2):
        pltpu.make_async_copy(
            buf.at[0], out_hbm.at[0].at[pl.ds(0, SUBJ * KB)], semw).wait()
    lax.fori_loop(0, nf, drain_scat, 0)

  return _fused


_sc_scatter_gather_j0 = _lazy(_build_sc_scatter_gather_j0)


def _build_sc_mark_reps():
  @functools.partial(
      pl.kernel,
      out_type=[
          jax.ShapeDtypeStruct((NW, NK, KB), jnp.int32),
          jax.ShapeDtypeStruct((NW, NK, KB), jnp.int32),
      ],
      mesh=_vmesh(),
      name="sc_dedup_mark",
      compiler_params=_sc_params(),
      scratch_types=[
          pltpu.VMEM((NK, KB), jnp.int32),
          pltpu.VMEM((NK, KB), jnp.int32),
          pltpu.VMEM((NK, KB), jnp.int32),
          pltpu.VMEM((NK, KB), jnp.int32),
          pltpu.VMEM((NK, KB), jnp.int32),
          pltpu.VMEM((NK, KB), jnp.int32),
          pltpu.SemaphoreType.DMA,
      ],
  )
  def _sc_mark_reps(t_hbm, lo_hbm, hi_hbm, table_hbm, r1_hbm, r2_hbm,
                    idx_v, w_v, lo_v, hi_v, r1_v, r2_v, sem):
    w = _wid()
    pltpu.sync_copy(t_hbm.at[w], idx_v)
    pltpu.sync_copy(lo_hbm.at[w], lo_v)
    pltpu.sync_copy(hi_hbm.at[w], hi_v)

    def fire(j, c):
        pltpu.async_copy(table_hbm.at[idx_v.at[j]], w_v.at[j], sem)
        return c

    def drain(j, c):
        pltpu.make_async_copy(table_hbm.at[idx_v.at[0]], w_v.at[0],
                              sem).wait()
        return c

    def batch(b, c):
        lax.fori_loop(b * BF, (b + 1) * BF, fire, 0)
        lax.fori_loop(0, BF, drain, 0)
        return c

    lax.fori_loop(0, NK // BF, batch, 0)

    base = w * CHUNK
    lanes = lax.broadcasted_iota(jnp.int32, (16,), 0)

    def cbody(i, carry):
        j = i // 8
        o = (i % 8) * 16
        wv = w_v[j, pl.ds(o, 16)]
        lov = lo_v[j, pl.ds(o, 16)]
        hiv = hi_v[j, pl.ds(o, 16)]
        pos = base + i * 16 + lanes
        m = (wv == pos) & (pos < E)
        r1_v[j, pl.ds(o, 16)] = jnp.where(m, hiv, DUMMY)
        r2_v[j, pl.ds(o, 16)] = jnp.where(m, lov, DUMMY)
        return carry

    lax.fori_loop(0, CHUNK // 16, cbody, 0)
    pltpu.sync_copy(r1_v, r1_hbm.at[w])
    pltpu.sync_copy(r2_v, r2_hbm.at[w])

  return _sc_mark_reps


_sc_mark_reps = _lazy(_build_sc_mark_reps)


def _make_sc_gather(width, name):
    @functools.partial(
        pl.kernel,
        out_type=jax.ShapeDtypeStruct((2, P, width), jnp.float32),
        mesh=_vmesh(),
        name=name,
        compiler_params=_sc_params(),
        scratch_types=[
            pltpu.VMEM((NK2, KB), jnp.int32),
            pltpu.VMEM((2, RB, width), jnp.float32),
            pltpu.SemaphoreType.DMA,
            pltpu.SemaphoreType.DMA,
        ],
    )
    def _sc_gather(j_hbm, idx_hbm, out_hbm, idx_v, buf, semg, semw):
        w = _wid()
        pltpu.sync_copy(idx_hbm.at[w], idx_v)

        def body(g, c):
            slot = g % 2

            @pl.when(g >= 2)
            def _():
                pltpu.make_async_copy(
                    buf.at[0], out_hbm.at[0].at[pl.ds(0, RB)], semw).wait()

            h = g // NBIG
            b = g - h * NBIG
            for s in range(SUB):
                pltpu.async_copy(
                    j_hbm.at[idx_v.at[h * NK + b * SUB + s]],
                    buf.at[slot].at[pl.ds(s * KB, KB)], semg)
            for s in range(SUB):
                pltpu.make_async_copy(
                    j_hbm.at[idx_v.at[0]],
                    buf.at[0].at[pl.ds(0, KB)], semg).wait()
            row0 = (w * NK + b * SUB) * KB
            pltpu.async_copy(buf.at[slot],
                             out_hbm.at[h].at[pl.ds(row0, RB)], semw)
            return c

        lax.fori_loop(0, 2 * NBIG, body, 0)
        for _ in range(2):
            pltpu.make_async_copy(
                buf.at[0], out_hbm.at[0].at[pl.ds(0, RB)], semw).wait()

    return _sc_gather


_sc_gather_j1 = _lazy(lambda: _make_sc_gather(JW1, "sc_gather_j1"))


def _build_sc_segsum():
  @functools.partial(
      pl.kernel,
      out_type=jax.ShapeDtypeStruct((2, ACC_ROWS, L), jnp.float32),
      mesh=_vmesh(),
      name="sc_segsum",
      compiler_params=_sc_params(),
      scratch_types=[
          pltpu.VMEM((NKS, KB), jnp.int32),
          pltpu.VMEM((2, SGR * KB, L), jnp.float32),
          pltpu.VMEM_SHARED((ACC_ROWS, L), jnp.float32),
          pltpu.SemaphoreType.DMA,
          pltpu.SemaphoreType.DMA,
          pltpu.SemaphoreType.DMA,
      ],
  )
  def _sc_segsum(he_hbm, recv_hbm, zeros_hbm, agg_hbm, idx_v, buf, acc,
                 seml, sems0, sems1):
    c = lax.axis_index("c")
    s = lax.axis_index("s")
    pltpu.sync_copy(recv_hbm.at[c].at[s], idx_v)
    pltpu.sync_copy(zeros_hbm.at[pl.ds(s * STRIPE, STRIPE)],
                    acc.at[pl.ds(s * STRIPE, STRIPE)])
    plsc.subcore_barrier()

    d = s // 8
    eb = (s - d * 8) * EPT
    last = P - SGR * KB

    def load(q, slot):
        row0 = jnp.minimum(eb + q * SGR * KB, last)
        pltpu.async_copy(he_hbm.at[d].at[pl.ds(row0, SGR * KB)],
                         buf.at[slot], seml)

    def wait_load():
        pltpu.make_async_copy(he_hbm.at[0].at[pl.ds(0, SGR * KB)], buf.at[0],
                              seml).wait()

    def adds(q, slot, sem):
        for u in range(SGR):
            pltpu.async_copy(buf.at[slot].at[pl.ds(u * KB, KB)],
                             acc.at[idx_v.at[q * SGR + u]], sem, add=True)

    def drain_adds(slot, sem):
        for u in range(SGR):
            pltpu.make_async_copy(buf.at[slot].at[pl.ds(u * KB, KB)],
                                  acc.at[pl.ds(0, KB)], sem).wait()

    load(0, 0)

    def body(qq, cc):
        wait_load()

        @pl.when(qq >= 1)
        def _():
            drain_adds(1, sems1)

        load(2 * qq + 1, 1)
        adds(2 * qq, 0, sems0)
        wait_load()
        drain_adds(0, sems0)
        load(2 * qq + 2, 0)
        adds(2 * qq + 1, 1, sems1)
        return cc

    lax.fori_loop(0, NBIGS // 2, body, 0)
    wait_load()
    drain_adds(1, sems1)
    plsc.subcore_barrier()
    pltpu.sync_copy(acc.at[pl.ds(s * STRIPE, STRIPE)],
                    agg_hbm.at[c].at[pl.ds(s * STRIPE, STRIPE)])

  return _sc_segsum


_sc_segsum = _lazy(_build_sc_segsum)


RN = 1000
RE = 4096


def _tc1_body(nt_ref, vel_ref, mp_ref, enW1, enb1, enW2, enb2,
              h_ref, j_ref):
    nt = nt_ref[...]
    oh = (lax.broadcasted_iota(jnp.int32, (RN, NTS), 1) == nt).astype(jnp.float32)
    nf = jnp.concatenate([vel_ref[...], oh], axis=1)
    h = jnp.dot(jax.nn.relu(jnp.dot(nf, enW1[...]) + enb1[...]),
                enW2[...]) + enb2[...]
    h_ref[...] = h
    z = jnp.zeros((RN, JW - 34), jnp.float32)
    j_ref[...] = jnp.concatenate([h, mp_ref[...], z], axis=1)


def _tc2_body(jg_ref, eeWr, eeWn, eeb1, eeW2, eeb2,
              Wa, Wb, Wc, b1, W2, b2, he_ref):
    hlo = jg_ref[0, :, 0:32]
    hhi = jg_ref[1, :, 0:32]
    rel = jg_ref[0, :, 32:34] - jg_ref[1, :, 32:34]
    nrm = jnp.sqrt(jnp.sum(rel * rel, axis=1, keepdims=True))
    relW = jnp.dot(rel, eeWr[...])
    base = jnp.dot(nrm, eeWn[...]) + eeb1[...]
    alo = jnp.dot(hlo, Wa[...])
    ahi = jnp.dot(hhi, Wa[...])
    blo = jnp.dot(hlo, Wb[...])
    bhi = jnp.dot(hhi, Wb[...])
    for d in (0, 1):
        he0 = jnp.dot(jax.nn.relu(base + relW if d == 0 else base - relW),
                      eeW2[...]) + eeb2[...]
        if d == 0:
            pre = alo + bhi + jnp.dot(he0, Wc[...]) + b1[...]
        else:
            pre = ahi + blo + jnp.dot(he0, Wc[...]) + b1[...]
        he_ref[d] = he0 + jnp.dot(jax.nn.relu(pre), W2[...]) + b2[...]


def _tc3_body(h_ref, agg_ref, Wh, Wg, bn1, Wn2, bn2, h1_ref):
    h = h_ref[...]
    agg = agg_ref[0]
    pre = jnp.dot(h, Wh[...]) + jnp.dot(agg, Wg[...]) + bn1[...]
    h1_ref[...] = h + jnp.dot(jax.nn.relu(pre), Wn2[...]) + bn2[...]


def _tc4_body(jg_ref, he_ref, Wa, Wb, Wc, b1, W2, b2, heo_ref):
    hlo = jg_ref[0]
    hhi = jg_ref[1]
    alo = jnp.dot(hlo, Wa[...])
    ahi = jnp.dot(hhi, Wa[...])
    blo = jnp.dot(hlo, Wb[...])
    bhi = jnp.dot(hhi, Wb[...])
    for d in (0, 1):
        he = he_ref[d]
        if d == 0:
            pre = alo + bhi + jnp.dot(he, Wc[...]) + b1[...]
        else:
            pre = ahi + blo + jnp.dot(he, Wc[...]) + b1[...]
        heo_ref[d] = he + jnp.dot(jax.nn.relu(pre), W2[...]) + b2[...]


def _tc5_body(h_ref, agg_ref, vel_ref, Wh, Wg, bn1, Wn2, bn2,
              dW1, db1, dW2, db2, omean, ostd, out_ref, upd_ref):
    h = h_ref[...]
    agg = agg_ref[0]
    pre = jnp.dot(h, Wh[...]) + jnp.dot(agg, Wg[...]) + bn1[...]
    h2 = h + jnp.dot(jax.nn.relu(pre), Wn2[...]) + bn2[...]
    o = jnp.dot(jax.nn.relu(jnp.dot(h2, dW1[...]) + db1[...]), dW2[...]) + db2[...]
    out_ref[...] = o
    upd_ref[...] = vel_ref[...] + o * ostd[...] + omean[...]


def _full(shape):
    return pl.BlockSpec(shape, lambda i: tuple(0 for _ in shape))


def _rows(shape):
    return pl.BlockSpec(shape, lambda i: (i,) + tuple(0 for _ in shape[1:]))


def _rows3(shape):
    return pl.BlockSpec(shape, lambda i: (0, i, 0))


def _half3(shape, h):
    return pl.BlockSpec(shape, lambda i, _h=h: (_h, i, 0))


def _aggspec():
    return pl.BlockSpec((1, RN, L), lambda i: (i // (HALF // RN),
                                               i % (HALF // RN), 0))


def _tc_call(body, grid, in_specs, out_specs, out_shape):
    return pl.pallas_call(body, grid=(grid,), in_specs=in_specs,
                          out_specs=out_specs, out_shape=out_shape)


def _r2(v):
    return v.reshape(1, -1)


def kernel(node_type, velocity, mesh_pos, cells, is_training, params):
    p = params
    f32 = jnp.float32

    e = jnp.concatenate([cells[:, 0:2], cells[:, 1:3],
                         jnp.stack([cells[:, 2], cells[:, 0]], axis=1)], axis=0)
    lo = jnp.minimum(e[:, 0], e[:, 1])
    hi = jnp.maximum(e[:, 0], e[:, 1])
    tri = jnp.where(lo % 2 == 0, (lo // 2) * (lo + 1), lo * ((lo + 1) // 2))
    t = lo * N - tri + hi
    pad = P - E
    t_pad = jnp.concatenate([t, jnp.full((pad,), TAB, jnp.int32)])
    lo_pad = jnp.concatenate([lo, jnp.zeros((pad,), jnp.int32)])
    hi_pad = jnp.concatenate([hi, jnp.zeros((pad,), jnp.int32)])
    ids = jnp.arange(P, dtype=jnp.int32)

    t3 = t_pad.reshape(NW, NK, KB)
    ids3 = ids.reshape(NW, NK, KB)

    def _asym(v):
        nfa = 16 * NKF * KB
        fast = v[:nfa].reshape(16, 1, NKF, KB)
        slow = v[nfa:].reshape(16, 1, NKS2, KB)
        slow = jnp.pad(slow, ((0, 0), (0, 0), (0, NKF - NKS2), (0, 0)))
        pair = (jnp.concatenate([fast, slow], axis=1) if FASTC == 0
                else jnp.concatenate([slow, fast], axis=1))
        return pair.reshape(NW, NKF, KB)

    t3a = _asym(t_pad)
    ids3a = _asym(ids)
    lo3 = lo_pad.reshape(NW, NK, KB)
    hi3 = hi_pad.reshape(NW, NK, KB)
    lohi = jnp.concatenate([lo3, hi3], axis=1)


    enW1f = p['enW1'] / p['node_std'][:, None]
    enb1f = p['enb1'] - jnp.dot(p['node_mean'] / p['node_std'], p['enW1'])
    eeW1f = p['eeW1'] / p['edge_std'][:, None]
    eeb1f = p['eeb1'] - jnp.dot(p['edge_mean'] / p['edge_std'], p['eeW1'])
    eeWr = eeW1f[0:2]
    eeWn = eeW1f[2]

    w0 = p['We1'][0]
    h0, j0 = _tc_call(
        _tc1_body, N // RN,
        [_rows((RN, 1)), _rows((RN, 2)), _rows((RN, 2)),
         _full((NTS + 2, L)), _full((1, L)), _full((L, L)), _full((1, L))],
        [_rows((RN, L)), _rows((RN, JW))],
        [jax.ShapeDtypeStruct((N, L), f32), jax.ShapeDtypeStruct((N, JW), f32)],
    )(node_type, velocity, mesh_pos,
      enW1f, _r2(enb1f), p['enW2'], _r2(p['enb2']))

    table, jg0 = _sc_scatter_gather_j0(t3a, ids3a, j0, lohi)
    r1, r2 = _sc_mark_reps(t3, lo3, hi3, table)
    recvg = jnp.concatenate([r1.reshape(P), r2.reshape(P)])
    lc1 = recvg - HALF
    recvs = jnp.stack([
        jnp.where(recvg < HALF, recvg, HALF).reshape(16, NKS, KB),
        jnp.where((lc1 >= 0) & (lc1 < HALF), lc1, HALF).reshape(16, NKS, KB)])

    he1 = _tc_call(
        _tc2_body, P // RE,
        [_rows3((2, RE, JW)),
         _full((2, L)), _full((1, L)), _full((1, L)),
         _full((L, L)), _full((1, L)),
         _full((L, L)), _full((L, L)), _full((L, L)),
         _full((1, L)), _full((L, L)), _full((1, L))],
        _rows3((2, RE, L)),
        jax.ShapeDtypeStruct((2, P, L), f32),
    )(jg0, eeWr, _r2(eeWn), _r2(eeb1f), p['eeW2'], _r2(p['eeb2']),
      w0[0:L], w0[L:2 * L], w0[2 * L:3 * L],
      _r2(p['be1'][0]), p['We2'][0], _r2(p['be2'][0]))

    zeros = jnp.zeros((ACC_ROWS, L), f32)

    agg0 = _sc_segsum(he1, recvs, zeros)

    wn0 = p['Wn1'][0]
    w1 = p['We1'][1]
    h1 = _tc_call(
        _tc3_body, N // RN,
        [_rows((RN, L)), _aggspec(),
         _full((L, L)), _full((L, L)), _full((1, L)), _full((L, L)),
         _full((1, L))],
        _rows((RN, L)),
        jax.ShapeDtypeStruct((N, L), f32),
    )(h0, agg0, wn0[0:L], wn0[L:2 * L], _r2(p['bn1'][0]), p['Wn2'][0],
      _r2(p['bn2'][0]))

    jg1 = _sc_gather_j1(h1, lohi)

    he2 = _tc_call(
        _tc4_body, P // RE,
        [_rows3((2, RE, JW1)), _rows3((2, RE, L)),
         _full((L, L)), _full((L, L)), _full((L, L)), _full((1, L)),
         _full((L, L)), _full((1, L))],
        _rows3((2, RE, L)),
        jax.ShapeDtypeStruct((2, P, L), f32),
    )(jg1, he1, w1[0:L], w1[L:2 * L], w1[2 * L:3 * L],
      _r2(p['be1'][1]), p['We2'][1], _r2(p['be2'][1]))

    agg1 = _sc_segsum(he2, recvs, zeros)

    wn1 = p['Wn1'][1]
    out, updated = _tc_call(
        _tc5_body, N // RN,
        [_rows((RN, L)), _aggspec(), _rows((RN, 2)),
         _full((L, L)), _full((L, L)), _full((1, L)), _full((L, L)),
         _full((1, L)), _full((L, L)), _full((1, L)), _full((L, 2)),
         _full((1, 2)), _full((1, 2)), _full((1, 2))],
        [_rows((RN, 2)), _rows((RN, 2))],
        [jax.ShapeDtypeStruct((N, 2), f32), jax.ShapeDtypeStruct((N, 2), f32)],
    )(h1, agg1, velocity, wn1[0:L], wn1[L:2 * L], _r2(p['bn1'][1]),
      p['Wn2'][1], _r2(p['bn2'][1]), p['dW1'], _r2(p['db1']), p['dW2'],
      _r2(p['db2']), _r2(p['out_mean']), _r2(p['out_std']))

    return jnp.where(is_training != 0, out, updated)

# --- scband reference (transcript-rebuilt; emitter-appended) ---
"""Pipeline reference for scband-model-84619445666107 (READ-ONLY COPY).

The authoritative reference and input builder live on the scoring server;
editing this copy changes nothing except your own understanding.
"""

import jax, jax.numpy as jnp
import numpy as np

NODE_TYPE_SIZE = 9
LATENT = 32
STEPS = 2
N_NODES = 50000
N_CELLS = 100000


def _mlp(x, W1, b1, W2, b2):
    return jnp.dot(jax.nn.relu(jnp.dot(x, W1) + b1), W2) + b2


def _forward(node_type, velocity, mesh_pos, cells, is_training, params):
    p = params
    N = velocity.shape[0]
    # node features: velocity ++ one_hot(node_type)
    one_hot = jax.nn.one_hot(node_type[:, 0], NODE_TYPE_SIZE, dtype=jnp.float32)
    node_features = jnp.concatenate([velocity, one_hot], axis=-1)
    # triangles_to_edges: per-triangle edges, canonical order, dedup, two-way
    e = jnp.concatenate([cells[:, 0:2], cells[:, 1:3], jnp.stack([cells[:, 2], cells[:, 0]], axis=1)], axis=0)
    lo = jnp.minimum(e[:, 0], e[:, 1])
    hi = jnp.maximum(e[:, 0], e[:, 1])
    E = e.shape[0]
    uniq, counts = jnp.unique(jnp.stack([lo, hi], axis=1), axis=0, size=E,
                              fill_value=0, return_counts=True)
    valid = (counts > 0).astype(jnp.float32)
    s = uniq[:, 0]
    r = uniq[:, 1]
    senders = jnp.concatenate([s, r], axis=0)
    receivers = jnp.concatenate([r, s], axis=0)
    edge_mask = jnp.concatenate([valid, valid], axis=0)[:, None]
    # edge features: relative mesh position ++ its norm
    rel = jnp.take(mesh_pos, senders, axis=0) - jnp.take(mesh_pos, receivers, axis=0)
    edge_features = jnp.concatenate([rel, jnp.linalg.norm(rel, axis=-1, keepdims=True)], axis=-1)
    # normalizers (stored running stats)
    nf = (node_features - p['node_mean']) / p['node_std']
    ef = (edge_features - p['edge_mean']) / p['edge_std']
    # encode
    h = _mlp(nf, p['enW1'], p['enb1'], p['enW2'], p['enb2'])
    he = _mlp(ef, p['eeW1'], p['eeb1'], p['eeW2'], p['eeb2'])
    # message passing (encode-process-decode learned model)
    for k in range(STEPS):
        ein = jnp.concatenate([jnp.take(h, senders, axis=0), jnp.take(h, receivers, axis=0), he], axis=-1)
        he = he + _mlp(ein, p['We1'][k], p['be1'][k], p['We2'][k], p['be2'][k])
        agg = jax.ops.segment_sum(he * edge_mask, receivers, num_segments=N)
        h = h + _mlp(jnp.concatenate([h, agg], axis=-1), p['Wn1'][k], p['bn1'][k], p['Wn2'][k], p['bn2'][k])
    out = _mlp(h, p['dW1'], p['db1'], p['dW2'], p['db2'])
    # _update: inverse output normalization + integrate
    updated = velocity + out * p['out_std'] + p['out_mean']
    return jnp.where(is_training != 0, out, updated)


def setup_inputs(seed: int = 0):
    key = jax.random.key(seed)
    ks = jax.random.split(key, 30)
    L = LATENT
    node_type = jax.random.randint(ks[0], (N_NODES, 1), 0, NODE_TYPE_SIZE, dtype=jnp.int32)
    velocity = jax.random.normal(ks[1], (N_NODES, 2), dtype=jnp.float32)
    mesh_pos = jax.random.uniform(ks[2], (N_NODES, 2), dtype=jnp.float32)
    cells = jax.random.randint(ks[3], (N_CELLS, 3), 0, N_NODES, dtype=jnp.int32)

    def w(k, shape):
        return 0.1 * jax.random.normal(k, shape, dtype=jnp.float32)

    din_node = 2 + NODE_TYPE_SIZE
    params = {
        'node_mean': 0.05 * jax.random.normal(ks[4], (din_node,), dtype=jnp.float32),
        'node_std': jnp.ones((din_node,), dtype=jnp.float32),
        'edge_mean': 0.05 * jax.random.normal(ks[5], (3,), dtype=jnp.float32),
        'edge_std': jnp.ones((3,), dtype=jnp.float32),
        'out_mean': 0.05 * jax.random.normal(ks[6], (2,), dtype=jnp.float32),
        'out_std': jnp.ones((2,), dtype=jnp.float32),
        'enW1': w(ks[7], (din_node, L)), 'enb1': jnp.zeros((L,), jnp.float32),
        'enW2': w(ks[8], (L, L)), 'enb2': jnp.zeros((L,), jnp.float32),
        'eeW1': w(ks[9], (3, L)), 'eeb1': jnp.zeros((L,), jnp.float32),
        'eeW2': w(ks[10], (L, L)), 'eeb2': jnp.zeros((L,), jnp.float32),
        'We1': w(ks[11], (STEPS, 3 * L, L)), 'be1': jnp.zeros((STEPS, L), jnp.float32),
        'We2': w(ks[12], (STEPS, L, L)), 'be2': jnp.zeros((STEPS, L), jnp.float32),
        'Wn1': w(ks[13], (STEPS, 2 * L, L)), 'bn1': jnp.zeros((STEPS, L), jnp.float32),
        'Wn2': w(ks[14], (STEPS, L, L)), 'bn2': jnp.zeros((STEPS, L), jnp.float32),
        'dW1': w(ks[15], (L, L)), 'db1': jnp.zeros((L,), jnp.float32),
        'dW2': w(ks[16], (L, 2)), 'db2': jnp.zeros((2,), jnp.float32),
    }
    return {'node_type': node_type, 'velocity': velocity, 'mesh_pos': mesh_pos,
            'cells': cells, 'is_training': 0, 'params': params}


def reference(node_type, velocity, mesh_pos, cells, is_training, params):
    return _forward(node_type, velocity, mesh_pos, cells, is_training, params)

if __name__ == "__main__":
    import jax
    _d = setup_inputs()
    print(jax.jit(kernel)(*tuple(_d.values())))

</pallas_src>

<mosaic_0001>
#map = affine_map<(d0, d1) -> (0, 0, 0)>
#map1 = affine_map<(d0, d1) -> (0, 0)>
#map2 = affine_map<(d0, d1) -> (0)>
module attributes {stable_mosaic.version = 14 : i64} {
  func.func @sc_dedup_scatter_gather_j0(%arg0: i32, %arg1: i32, %arg2: memref<32x120x128xi32, #tpu.memory_space<hbm>>, %arg3: memref<32x120x128xi32, #tpu.memory_space<hbm>>, %arg4: memref<50000x48xf32, #tpu.memory_space<hbm>>, %arg5: memref<32x150x128xi32, #tpu.memory_space<hbm>>, %arg6: memref<1250025008xi32, #tpu.memory_space<hbm>>, %arg7: memref<2x307200x48xf32, #tpu.memory_space<hbm>>, %arg8: memref<120x128xi32, #tpu.memory_space<vmem>>, %arg9: memref<120x128xi32, #tpu.memory_space<vmem>>, %arg10: memref<150x128xi32, #tpu.memory_space<vmem>>, %arg11: memref<2x640x48xf32, #tpu.memory_space<vmem>>, %arg12: memref<!tpu.dma_semaphore, #tpu.memory_space<semaphore_mem>>, %arg13: memref<!tpu.dma_semaphore, #tpu.memory_space<semaphore_mem>>, %arg14: memref<!tpu.dma_semaphore, #tpu.memory_space<semaphore_mem>>) attributes {dimension_semantics = [#tpu.dimension_semantics<core_parallel>, #tpu.dimension_semantics<subcore_parallel>], iteration_bounds = array<i64: 2, 16>, scalar_prefetch = 0 : i64, scratch_operands = 7 : i64, tpu.core_type = #tpu.core_type<sc_vector_subcore>, window_params = [{transform_indices = #map}, {transform_indices = #map}, {transform_indices = #map1}, {transform_indices = #map}, {transform_indices = #map2}, {transform_indices = #map}]} {
    %mul3A = arith.constant 2 : i32
    %mul3A_0 = arith.muli %arg1, %mul3A : i32
    %add3A = arith.addi %mul3A_0, %arg0 : i32
    %eq3A = arith.constant 0 : i32
    %eq3A_1 = arith.cmpi eq, %arg0, %eq3A : i32
    %jit3A = arith.constant 120 : i32
    %jit3A_2 = arith.constant 30 : i32
    %select_n3A = arith.select %eq3A_1, %jit3A, %jit3A_2 : i32
    "tpu.region"() ({
      %run_scoped3A = tpu.sem_alloc : memref<!tpu.dma_semaphore, #tpu.memory_space<semaphore_mem>>
      %dma_start3A = arith.constant 0 : i32
      %dma_start3A_64 = arith.constant 0 : i32
      %dma_start3A_65 = tpu.memref_slice %arg2[%add3A, %dma_start3A, %dma_start3A_64] : memref<32x120x128xi32, #tpu.memory_space<hbm>> -> memref<1x120x128xi32, #tpu.memory_space<hbm>>
      %dma_start3A_66 = tpu.memref_squeeze %dma_start3A_65 : memref<1x120x128xi32, #tpu.memory_space<hbm>> -> memref<120x128xi32, #tpu.memory_space<hbm>>
      %dma_start3A_67 = arith.constant 0 : i32
      %dma_start3A_68 = arith.constant 0 : i32
      %dma_start3A_69 = tpu.memref_slice %arg2[%add3A, %dma_start3A_67, %dma_start3A_68] : memref<32x120x128xi32, #tpu.memory_space<hbm>> -> memref<1x120x128xi32, #tpu.memory_space<hbm>>
      %dma_start3A_70 = tpu.memref_squeeze %dma_start3A_69 : memref<1x120x128xi32, #tpu.memory_space<hbm>> -> memref<120x128xi32, #tpu.memory_space<hbm>>
      tpu.enqueue_dma source(%dma_start3A_70 : memref<120x128xi32, #tpu.memory_space<hbm>>) target(%arg8 : memref<120x128xi32, #tpu.memory_space<vmem>>) target_semaphore(%run_scoped3A : memref<!tpu.dma_semaphore, #tpu.memory_space<semaphore_mem>>)
      %dma_wait3A_71 = arith.constant 0 : i32
      %dma_wait3A_72 = arith.constant 0 : i32
      %dma_wait3A_73 = tpu.memref_slice %arg2[%add3A, %dma_wait3A_71, %dma_wait3A_72] : memref<32x120x128xi32, #tpu.memory_space<hbm>> -> memref<1x120x128xi32, #tpu.memory_space<hbm>>
      %dma_wait3A_74 = tpu.memref_squeeze %dma_wait3A_73 : memref<1x120x128xi32, #tpu.memory_space<hbm>> -> memref<120x128xi32, #tpu.memory_space<hbm>>
      %dma_wait3A_75 = arith.constant 0 : i32
      %dma_wait3A_76 = arith.constant 0 : i32
      %dma_wait3A_77 = tpu.memref_slice %arg2[%add3A, %dma_wait3A_75, %dma_wait3A_76] : memref<32x120x128xi32, #tpu.memory_space<hbm>> -> memref<1x120x128xi32, #tpu.memory_space<hbm>>
      %dma_wait3A_78 = tpu.memref_squeeze %dma_wait3A_77 : memref<1x120x128xi32, #tpu.memory_space<hbm>> -> memref<120x128xi32, #tpu.memory_space<hbm>>
      tpu.wait_dma2 semaphore(%run_scoped3A : memref<!tpu.dma_semaphore, #tpu.memory_space<semaphore_mem>>) src(%dma_wait3A_78 : memref<120x128xi32, #tpu.memory_space<hbm>>) dst(%arg8 : memref<120x128xi32, #tpu.memory_space<vmem>>)
      tpu.yield
    }) : () -> ()
    "tpu.region"() ({
      %run_scoped3A = tpu.sem_alloc : memref<!tpu.dma_semaphore, #tpu.memory_space<semaphore_mem>>
      %dma_start3A = arith.constant 0 : i32
      %dma_start3A_64 = arith.constant 0 : i32
      %dma_start3A_65 = tpu.memref_slice %arg3[%add3A, %dma_start3A, %dma_start3A_64] : memref<32x120x128xi32, #tpu.memory_space<hbm>> -> memref<1x120x128xi32, #tpu.memory_space<hbm>>
      %dma_start3A_66 = tpu.memref_squeeze %dma_start3A_65 : memref<1x120x128xi32, #tpu.memory_space<hbm>> -> memref<120x128xi32, #tpu.memory_space<hbm>>
      %dma_start3A_67 = arith.constant 0 : i32
      %dma_start3A_68 = arith.constant 0 : i32
      %dma_start3A_69 = tpu.memref_slice %arg3[%add3A, %dma_start3A_67, %dma_start3A_68] : memref<32x120x128xi32, #tpu.memory_space<hbm>> -> memref<1x120x128xi32, #tpu.memory_space<hbm>>
      %dma_start3A_70 = tpu.memref_squeeze %dma_start3A_69 : memref<1x120x128xi32, #tpu.memory_space<hbm>> -> memref<120x128xi32, #tpu.memory_space<hbm>>
      tpu.enqueue_dma source(%dma_start3A_70 : memref<120x128xi32, #tpu.memory_space<hbm>>) target(%arg9 : memref<120x128xi32, #tpu.memory_space<vmem>>) target_semaphore(%run_scoped3A : memref<!tpu.dma_semaphore, #tpu.memory_space<semaphore_mem>>)
      %dma_wait3A_71 = arith.constant 0 : i32
      %dma_wait3A_72 = arith.constant 0 : i32
      %dma_wait3A_73 = tpu.memref_slice %arg3[%add3A, %dma_wait3A_71, %dma_wait3A_72] : memref<32x120x128xi32, #tpu.memory_space<hbm>> -> memref<1x120x128xi32, #tpu.memory_space<hbm>>
      %dma_wait3A_74 = tpu.memref_squeeze %dma_wait3A_73 : memref<1x120x128xi32, #tpu.memory_space<hbm>> -> memref<120x128xi32, #tpu.memory_space<hbm>>
      %dma_wait3A_75 = arith.constant 0 : i32
      %dma_wait3A_76 = arith.constant 0 : i32
      %dma_wait3A_77 = tpu.memref_slice %arg3[%add3A, %dma_wait3A_75, %dma_wait3A_76] : memref<32x120x128xi32, #tpu.memory_space<hbm>> -> memref<1x120x128xi32, #tpu.memory_space<hbm>>
      %dma_wait3A_78 = tpu.memref_squeeze %dma_wait3A_77 : memref<1x120x128xi32, #tpu.memory_space<hbm>> -> memref<120x128xi32, #tpu.memory_space<hbm>>
      tpu.wait_dma2 semaphore(%run_scoped3A : memref<!tpu.dma_semaphore, #tpu.memory_space<semaphore_mem>>) src(%dma_wait3A_78 : memref<120x128xi32, #tpu.memory_space<hbm>>) dst(%arg9 : memref<120x128xi32, #tpu.memory_space<vmem>>)
      tpu.yield
    }) : () -> ()
    "tpu.region"() ({
      %run_scoped3A = tpu.sem_alloc : memref<!tpu.dma_semaphore, #tpu.memory_space<semaphore_mem>>
      %dma_start3A = arith.constant 0 : i32
      %dma_start3A_64 = arith.constant 0 : i32
      %dma_start3A_65 = tpu.memref_slice %arg5[%add3A, %dma_start3A, %dma_start3A_64] : memref<32x150x128xi32, #tpu.memory_space<hbm>> -> memref<1x150x128xi32, #tpu.memory_space<hbm>>
      %dma_start3A_66 = tpu.memref_squeeze %dma_start3A_65 : memref<1x150x128xi32, #tpu.memory_space<hbm>> -> memref<150x128xi32, #tpu.memory_space<hbm>>
      %dma_start3A_67 = arith.constant 0 : i32
      %dma_start3A_68 = arith.constant 0 : i32
      %dma_start3A_69 = tpu.memref_slice %arg5[%add3A, %dma_start3A_67, %dma_start3A_68] : memref<32x150x128xi32, #tpu.memory_space<hbm>> -> memref<1x150x128xi32, #tpu.memory_space<hbm>>
      %dma_start3A_70 = tpu.memref_squeeze %dma_start3A_69 : memref<1x150x128xi32, #tpu.memory_space<hbm>> -> memref<150x128xi32, #tpu.memory_space<hbm>>
      tpu.enqueue_dma source(%dma_start3A_70 : memref<150x128xi32, #tpu.memory_space<hbm>>) target(%arg10 : memref<150x128xi32, #tpu.memory_space<vmem>>) target_semaphore(%run_scoped3A : memref<!tpu.dma_semaphore, #tpu.memory_space<semaphore_mem>>)
      %dma_wait3A_71 = arith.constant 0 : i32
      %dma_wait3A_72 = arith.constant 0 : i32
      %dma_wait3A_73 = tpu.memref_slice %arg5[%add3A, %dma_wait3A_71, %dma_wait3A_72] : memref<32x150x128xi32, #tpu.memory_space<hbm>> -> memref<1x150x128xi32, #tpu.memory_space<hbm>>
      %dma_wait3A_74 = tpu.memref_squeeze %dma_wait3A_73 : memref<1x150x128xi32, #tpu.memory_space<hbm>> -> memref<150x128xi32, #tpu.memory_space<hbm>>
      %dma_wait3A_75 = arith.constant 0 : i32
      %dma_wait3A_76 = arith.constant 0 : i32
      %dma_wait3A_77 = tpu.memref_slice %arg5[%add3A, %dma_wait3A_75, %dma_wait3A_76] : memref<32x150x128xi32, #tpu.memory_space<hbm>> -> memref<1x150x128xi32, #tpu.memory_space<hbm>>
      %dma_wait3A_78 = tpu.memref_squeeze %dma_wait3A_77 : memref<1x150x128xi32, #tpu.memory_space<hbm>> -> memref<150x128xi32, #tpu.memory_space<hbm>>
      tpu.wait_dma2 semaphore(%run_scoped3A : memref<!tpu.dma_semaphore, #tpu.memory_space<semaphore_mem>>) src(%dma_wait3A_78 : memref<150x128xi32, #tpu.memory_space<hbm>>) dst(%arg10 : memref<150x128xi32, #tpu.memory_space<vmem>>)
      tpu.yield
    }) : () -> ()
    %scan3A = arith.constant 0 : i32
    %scan3A_3 = arith.constant 0 : i32
    %scan3A_4 = arith.constant 30 : i32
    %scan3A_5 = arith.addi %scan3A_3, %scan3A_4 : i32
    %scan3A_6 = arith.constant 1 : i32
    scf.for %scan3A_64 = %scan3A_3 to %scan3A_5 step %scan3A_6  : i32 {
      %jit3A_65 = arith.constant 2 : i32
      %eq3A_66 = arith.constant 0 : i32
      %eq3A_67 = arith.cmpi eq, %jit3A_65, %eq3A_66 : i32
      %jit3A_68 = arith.constant 1 : i32
      %select_n3A_69 = arith.select %eq3A_67, %jit3A_68, %jit3A_65 : i32
      %rem3A = arith.remsi %scan3A_64, %select_n3A_69 : i32
      %ne3A = arith.constant 0 : i32
      %ne3A_70 = arith.cmpi ne, %rem3A, %ne3A : i32
      %lt3A = arith.constant 0 : i32
      %lt3A_71 = arith.cmpi slt, %rem3A, %lt3A : i32
      %lt3A_72 = arith.constant 0 : i32
      %lt3A_73 = arith.cmpi slt, %select_n3A_69, %lt3A_72 : i32
      %ne3A_74 = arith.xori %lt3A_71, %lt3A_73 : i1
      %and3A = arith.andi %ne3A_74, %ne3A_70 : i1
      %add3A_75 = arith.addi %rem3A, %select_n3A_69 : i32
      %select_n3A_76 = arith.select %and3A, %add3A_75, %rem3A : i32
      %ge3A = arith.constant 2 : i32
      %ge3A_77 = arith.cmpi sge, %scan3A_64, %ge3A : i32
      %convert_element_type3A = arith.extui %ge3A_77 : i1 to i32
      %cond3A = arith.constant 0 : i32
      %cond3A_78 = arith.cmpi ne, %convert_element_type3A, %cond3A : i32
      scf.if %cond3A_78 {
        %dma_wait3A_319 = arith.constant 0 : i32
        %dma_wait3A_320 = arith.constant 0 : i32
        %dma_wait3A_321 = arith.constant 0 : i32
        %dma_wait3A_322 = arith.constant 0 : i32
        %dma_wait3A_323 = tpu.memref_slice %arg11[%dma_wait3A_319, %dma_wait3A_321, %dma_wait3A_322] : memref<2x640x48xf32, #tpu.memory_space<vmem>> -> memref<1x640x48xf32, #tpu.memory_space<vmem>>
        %dma_wait3A_324 = tpu.memref_squeeze %dma_wait3A_323 : memref<1x640x48xf32, #tpu.memory_space<vmem>> -> memref<640x48xf32, #tpu.memory_space<vmem>>
        %dma_wait3A_325 = arith.constant 0 : i32
        %dma_wait3A_326 = arith.constant 0 : i32
        %dma_wait3A_327 = tpu.memref_slice %arg7[%dma_wait3A_320, %dma_wait3A_325, %dma_wait3A_326] : memref<2x307200x48xf32, #tpu.memory_space<hbm>> -> memref<1x307200x48xf32, #tpu.memory_space<hbm>>
        %dma_wait3A_328 = tpu.memref_squeeze %dma_wait3A_327 : memref<1x307200x48xf32, #tpu.memory_space<hbm>> -> memref<307200x48xf32, #tpu.memory_space<hbm>>
        %dma_wait3A_329 = arith.constant 0 : i32
        %dma_wait3A_330 = arith.constant 0 : i32
        %dma_wait3A_331 = tpu.memref_slice %dma_wait3A_328[%dma_wait3A_329, %dma_wait3A_330] : memref<307200x48xf32, #tpu.memory_space<hbm>> -> memref<640x48xf32, #tpu.memory_space<hbm>>
        %dma_wait3A_332 = arith.constant 0 : i32
        %dma_wait3A_333 = arith.constant 0 : i32
        %dma_wait3A_334 = tpu.memref_slice %arg7[%dma_wait3A_320, %dma_wait3A_332, %dma_wait3A_333] : memref<2x307200x48xf32, #tpu.memory_space<hbm>> -> memref<1x307200x48xf32, #tpu.memory_space<hbm>>
        %dma_wait3A_335 = tpu.memref_squeeze %dma_wait3A_334 : memref<1x307200x48xf32, #tpu.memory_space<hbm>> -> memref<307200x48xf32, #tpu.memory_space<hbm>>
        %dma_wait3A_336 = arith.constant 0 : i32
        %dma_wait3A_337 = arith.constant 0 : i32
        %dma_wait3A_338 = tpu.memref_slice %dma_wait3A_335[%dma_wait3A_336, %dma_wait3A_337] : memref<307200x48xf32, #tpu.memory_space<hbm>> -> memref<640x48xf32, #tpu.memory_space<hbm>>
        %dma_wait3A_339 = arith.constant 0 : i32
        %dma_wait3A_340 = arith.constant 0 : i32
        %dma_wait3A_341 = tpu.memref_slice %arg11[%dma_wait3A_319, %dma_wait3A_339, %dma_wait3A_340] : memref<2x640x48xf32, #tpu.memory_space<vmem>> -> memref<1x640x48xf32, #tpu.memory_space<vmem>>
        %dma_wait3A_342 = tpu.memref_squeeze %dma_wait3A_341 : memref<1x640x48xf32, #tpu.memory_space<vmem>> -> memref<640x48xf32, #tpu.memory_space<vmem>>
        tpu.wait_dma2 semaphore(%arg14 : memref<!tpu.dma_semaphore, #tpu.memory_space<semaphore_mem>>) src(%dma_wait3A_342 : memref<640x48xf32, #tpu.memory_space<vmem>>) dst(%dma_wait3A_338 : memref<640x48xf32, #tpu.memory_space<hbm>>)
      } else {
      }
      %mul3A_79 = arith.constant 4 : i32
      %mul3A_80 = arith.muli %scan3A_64, %mul3A_79 : i32
      %add3A_81 = arith.constant 1 : i32
      %add3A_82 = arith.addi %scan3A_64, %add3A_81 : i32
      %mul3A_83 = arith.constant 4 : i32
      %mul3A_84 = arith.muli %add3A_82, %mul3A_83 : i32
      %while3A_85 = arith.constant 0 : i32
      %while3A_86 = arith.subi %mul3A_84, %mul3A_80 : i32
      %while3A_87 = arith.addi %mul3A_80, %while3A_86 : i32
      %while3A_88 = arith.constant 1 : i32
      %while3A_89 = arith.divsi %while3A_86, %while3A_88 : i32
      %while3A_90 = arith.muli %while3A_89, %while3A_88 : i32
      %while3A_91 = arith.addi %mul3A_80, %while3A_90 : i32
      %while3A_92 = arith.constant 1 : i32
      scf.for %while3A_319 = %mul3A_80 to %while3A_91 step %while3A_92  : i32 {
        %lt3A_320 = arith.cmpi slt, %while3A_319, %select_n3A : i32
        %convert_element_type3A_321 = arith.extui %lt3A_320 : i1 to i32
        %cond3A_322 = arith.constant 0 : i32
        %cond3A_323 = arith.cmpi ne, %convert_element_type3A_321, %cond3A_322 : i32
        scf.if %cond3A_323 {
          %dma_start3A_324 = arith.constant 0 : i32
          %dma_start3A_325 = tpu.memref_slice %arg9[%while3A_319, %dma_start3A_324] : memref<120x128xi32, #tpu.memory_space<vmem>> -> memref<1x128xi32, #tpu.memory_space<vmem>>
          %dma_start3A_326 = tpu.memref_squeeze %dma_start3A_325 : memref<1x128xi32, #tpu.memory_space<vmem>> -> memref<128xi32, #tpu.memory_space<vmem>>
          %dma_start3A_327 = arith.constant 0 : i32
          %dma_start3A_328 = tpu.memref_slice %arg8[%while3A_319, %dma_start3A_327] : memref<120x128xi32, #tpu.memory_space<vmem>> -> memref<1x128xi32, #tpu.memory_space<vmem>>
          %dma_start3A_329 = tpu.memref_squeeze %dma_start3A_328 : memref<1x128xi32, #tpu.memory_space<vmem>> -> memref<128xi32, #tpu.memory_space<vmem>>
          %dma_start3A_330 = arith.constant 0 : i32
          %dma_start3A_331 = tpu.memref_slice %arg6[%dma_start3A_330] : memref<1250025008xi32, #tpu.memory_space<hbm>> -> memref<1250025008xi32, #tpu.memory_space<hbm>>
          tpu.enqueue_indirect_dma source(%dma_start3A_326 : memref<128xi32, #tpu.memory_space<vmem>>) target(%dma_start3A_331 : memref<1250025008xi32, #tpu.memory_space<hbm>>) offsets(%dma_start3A_329 : memref<128xi32, #tpu.memory_space<vmem>>) semaphore(%arg12 : memref<!tpu.dma_semaphore, #tpu.memory_space<semaphore_mem>>)
        } else {
        }
      }
      %while3A_93 = arith.constant 1 : i32
      scf.for %while3A_319 = %while3A_91 to %while3A_87 step %while3A_93  : i32 {
        %lt3A_320 = arith.cmpi slt, %while3A_319, %select_n3A : i32
        %convert_element_type3A_321 = arith.extui %lt3A_320 : i1 to i32
        %cond3A_322 = arith.constant 0 : i32
        %cond3A_323 = arith.cmpi ne, %convert_element_type3A_321, %cond3A_322 : i32
        scf.if %cond3A_323 {
          %dma_start3A_324 = arith.constant 0 : i32
          %dma_start3A_325 = tpu.memref_slice %arg9[%while3A_319, %dma_start3A_324] : memref<120x128xi32, #tpu.memory_space<vmem>> -> memref<1x128xi32, #tpu.memory_space<vmem>>
          %dma_start3A_326 = tpu.memref_squeeze %dma_start3A_325 : memref<1x128xi32, #tpu.memory_space<vmem>> -> memref<128xi32, #tpu.memory_space<vmem>>
          %dma_start3A_327 = arith.constant 0 : i32
          %dma_start3A_328 = tpu.memref_slice %arg8[%while3A_319, %dma_start3A_327] : memref<120x128xi32, #tpu.memory_space<vmem>> -> memref<1x128xi32, #tpu.memory_space<vmem>>
          %dma_start3A_329 = tpu.memref_squeeze %dma_start3A_328 : memref<1x128xi32, #tpu.memory_space<vmem>> -> memref<128xi32, #tpu.memory_space<vmem>>
          %dma_start3A_330 = arith.constant 0 : i32
          %dma_start3A_331 = tpu.memref_slice %arg6[%dma_start3A_330] : memref<1250025008xi32, #tpu.memory_space<hbm>> -> memref<1250025008xi32, #tpu.memory_space<hbm>>
          tpu.enqueue_indirect_dma source(%dma_start3A_326 : memref<128xi32, #tpu.memory_space<vmem>>) target(%dma_start3A_331 : memref<1250025008xi32, #tpu.memory_space<hbm>>) offsets(%dma_start3A_329 : memref<128xi32, #tpu.memory_space<vmem>>) semaphore(%arg12 : memref<!tpu.dma_semaphore, #tpu.memory_space<semaphore_mem>>)
        } else {
        }
      }
      %jit3A_94 = arith.constant 15 : i32
      %div3A = arith.divsi %scan3A_64, %jit3A_94 : i32
      %sign3A = arith.constant 0 : i32
      %sign3A_95 = arith.cmpi sgt, %scan3A_64, %sign3A : i32
      %sign3A_96 = arith.extui %sign3A_95 : i1 to i32
      %sign3A_97 = arith.constant 0 : i32
      %sign3A_98 = arith.cmpi slt, %scan3A_64, %sign3A_97 : i32
      %sign3A_99 = arith.extui %sign3A_98 : i1 to i32
      %sign3A_100 = arith.subi %sign3A_96, %sign3A_99 : i32
      %sign3A_101 = arith.constant 0 : i32
      %sign3A_102 = arith.cmpi sgt, %jit3A_94, %sign3A_101 : i32
      %sign3A_103 = arith.extui %sign3A_102 : i1 to i32
      %sign3A_104 = arith.constant 0 : i32
      %sign3A_105 = arith.cmpi slt, %jit3A_94, %sign3A_104 : i32
      %sign3A_106 = arith.extui %sign3A_105 : i1 to i32
      %sign3A_107 = arith.subi %sign3A_103, %sign3A_106 : i32
      %ne3A_108 = arith.cmpi ne, %sign3A_100, %sign3A_107 : i32
      %rem3A_109 = arith.remsi %scan3A_64, %jit3A_94 : i32
      %ne3A_110 = arith.constant 0 : i32
      %ne3A_111 = arith.cmpi ne, %rem3A_109, %ne3A_110 : i32
      %and3A_112 = arith.andi %ne3A_108, %ne3A_111 : i1
      %sub3A = arith.constant 1 : i32
      %sub3A_113 = arith.subi %div3A, %sub3A : i32
      %select_n3A_114 = arith.select %and3A_112, %sub3A_113, %div3A : i32
      %mul3A_115 = arith.constant 15 : i32
      %mul3A_116 = arith.muli %select_n3A_114, %mul3A_115 : i32
      %sub3A_117 = arith.subi %scan3A_64, %mul3A_116 : i32
      %mul3A_118 = arith.constant 75 : i32
      %mul3A_119 = arith.muli %select_n3A_114, %mul3A_118 : i32
      %mul3A_120 = arith.constant 5 : i32
      %mul3A_121 = arith.muli %sub3A_117, %mul3A_120 : i32
      %add3A_122 = arith.addi %mul3A_119, %mul3A_121 : i32
      %add3A_123 = arith.constant 0 : i32
      %add3A_124 = arith.addi %add3A_122, %add3A_123 : i32
      %dma_start3A = arith.constant 0 : i32
      %dma_start3A_125 = arith.constant 0 : i32
      %dma_start3A_126 = tpu.memref_slice %arg11[%select_n3A_76, %dma_start3A, %dma_start3A_125] : memref<2x640x48xf32, #tpu.memory_space<vmem>> -> memref<1x640x48xf32, #tpu.memory_space<vmem>>
      %dma_start3A_127 = tpu.memref_squeeze %dma_start3A_126 : memref<1x640x48xf32, #tpu.memory_space<vmem>> -> memref<640x48xf32, #tpu.memory_space<vmem>>
      %dma_start3A_128 = arith.constant 0 : i32
      %dma_start3A_129 = arith.constant 0 : i32
      %dma_start3A_130 = tpu.memref_slice %dma_start3A_127[%dma_start3A_128, %dma_start3A_129] : memref<640x48xf32, #tpu.memory_space<vmem>> -> memref<128x48xf32, #tpu.memory_space<vmem>>
      %dma_start3A_131 = arith.constant 0 : i32
      %dma_start3A_132 = tpu.memref_slice %arg10[%add3A_124, %dma_start3A_131] : memref<150x128xi32, #tpu.memory_space<vmem>> -> memref<1x128xi32, #tpu.memory_space<vmem>>
      %dma_start3A_133 = tpu.memref_squeeze %dma_start3A_132 : memref<1x128xi32, #tpu.memory_space<vmem>> -> memref<128xi32, #tpu.memory_space<vmem>>
      %dma_start3A_134 = arith.constant 0 : i32
      %dma_start3A_135 = arith.constant 0 : i32
      %dma_start3A_136 = tpu.memref_slice %arg4[%dma_start3A_134, %dma_start3A_135] : memref<50000x48xf32, #tpu.memory_space<hbm>> -> memref<50000x48xf32, #tpu.memory_space<hbm>>
      tpu.enqueue_indirect_dma source(%dma_start3A_136 : memref<50000x48xf32, #tpu.memory_space<hbm>>) target(%dma_start3A_130 : memref<128x48xf32, #tpu.memory_space<vmem>>) offsets(%dma_start3A_133 : memref<128xi32, #tpu.memory_space<vmem>>) semaphore(%arg13 : memref<!tpu.dma_semaphore, #tpu.memory_space<semaphore_mem>>)
      %mul3A_137 = arith.constant 75 : i32
      %mul3A_138 = arith.muli %select_n3A_114, %mul3A_137 : i32
      %mul3A_139 = arith.constant 5 : i32
      %mul3A_140 = arith.muli %sub3A_117, %mul3A_139 : i32
      %add3A_141 = arith.addi %mul3A_138, %mul3A_140 : i32
      %add3A_142 = arith.constant 1 : i32
      %add3A_143 = arith.addi %add3A_141, %add3A_142 : i32
      %dma_start3A_144 = arith.constant 0 : i32
      %dma_start3A_145 = arith.constant 0 : i32
      %dma_start3A_146 = tpu.memref_slice %arg11[%select_n3A_76, %dma_start3A_144, %dma_start3A_145] : memref<2x640x48xf32, #tpu.memory_space<vmem>> -> memref<1x640x48xf32, #tpu.memory_space<vmem>>
      %dma_start3A_147 = tpu.memref_squeeze %dma_start3A_146 : memref<1x640x48xf32, #tpu.memory_space<vmem>> -> memref<640x48xf32, #tpu.memory_space<vmem>>
      %dma_start3A_148 = arith.constant 128 : i32
      %dma_start3A_149 = arith.constant 0 : i32
      %dma_start3A_150 = tpu.memref_slice %dma_start3A_147[%dma_start3A_148, %dma_start3A_149] : memref<640x48xf32, #tpu.memory_space<vmem>> -> memref<128x48xf32, #tpu.memory_space<vmem>>
      %dma_start3A_151 = arith.constant 0 : i32
      %dma_start3A_152 = tpu.memref_slice %arg10[%add3A_143, %dma_start3A_151] : memref<150x128xi32, #tpu.memory_space<vmem>> -> memref<1x128xi32, #tpu.memory_space<vmem>>
      %dma_start3A_153 = tpu.memref_squeeze %dma_start3A_152 : memref<1x128xi32, #tpu.memory_space<vmem>> -> memref<128xi32, #tpu.memory_space<vmem>>
      %dma_start3A_154 = arith.constant 0 : i32
      %dma_start3A_155 = arith.constant 0 : i32
      %dma_start3A_156 = tpu.memref_slice %arg4[%dma_start3A_154, %dma_start3A_155] : memref<50000x48xf32, #tpu.memory_space<hbm>> -> memref<50000x48xf32, #tpu.memory_space<hbm>>
      tpu.enqueue_indirect_dma source(%dma_start3A_156 : memref<50000x48xf32, #tpu.memory_space<hbm>>) target(%dma_start3A_150 : memref<128x48xf32, #tpu.memory_space<vmem>>) offsets(%dma_start3A_153 : memref<128xi32, #tpu.memory_space<vmem>>) semaphore(%arg13 : memref<!tpu.dma_semaphore, #tpu.memory_space<semaphore_mem>>)
      %mul3A_157 = arith.constant 75 : i32
      %mul3A_158 = arith.muli %select_n3A_114, %mul3A_157 : i32
      %mul3A_159 = arith.constant 5 : i32
      %mul3A_160 = arith.muli %sub3A_117, %mul3A_159 : i32
      %add3A_161 = arith.addi %mul3A_158, %mul3A_160 : i32
      %add3A_162 = arith.constant 2 : i32
      %add3A_163 = arith.addi %add3A_161, %add3A_162 : i32
      %dma_start3A_164 = arith.constant 0 : i32
      %dma_start3A_165 = arith.constant 0 : i32
      %dma_start3A_166 = tpu.memref_slice %arg11[%select_n3A_76, %dma_start3A_164, %dma_start3A_165] : memref<2x640x48xf32, #tpu.memory_space<vmem>> -> memref<1x640x48xf32, #tpu.memory_space<vmem>>
      %dma_start3A_167 = tpu.memref_squeeze %dma_start3A_166 : memref<1x640x48xf32, #tpu.memory_space<vmem>> -> memref<640x48xf32, #tpu.memory_space<vmem>>
      %dma_start3A_168 = arith.constant 256 : i32
      %dma_start3A_169 = arith.constant 0 : i32
      %dma_start3A_170 = tpu.memref_slice %dma_start3A_167[%dma_start3A_168, %dma_start3A_169] : memref<640x48xf32, #tpu.memory_space<vmem>> -> memref<128x48xf32, #tpu.memory_space<vmem>>
      %dma_start3A_171 = arith.constant 0 : i32
      %dma_start3A_172 = tpu.memref_slice %arg10[%add3A_163, %dma_start3A_171] : memref<150x128xi32, #tpu.memory_space<vmem>> -> memref<1x128xi32, #tpu.memory_space<vmem>>
      %dma_start3A_173 = tpu.memref_squeeze %dma_start3A_172 : memref<1x128xi32, #tpu.memory_space<vmem>> -> memref<128xi32, #tpu.memory_space<vmem>>
      %dma_start3A_174 = arith.constant 0 : i32
      %dma_start3A_175 = arith.constant 0 : i32
      %dma_start3A_176 = tpu.memref_slice %arg4[%dma_start3A_174, %dma_start3A_175] : memref<50000x48xf32, #tpu.memory_space<hbm>> -> memref<50000x48xf32, #tpu.memory_space<hbm>>
      tpu.enqueue_indirect_dma source(%dma_start3A_176 : memref<50000x48xf32, #tpu.memory_space<hbm>>) target(%dma_start3A_170 : memref<128x48xf32, #tpu.memory_space<vmem>>) offsets(%dma_start3A_173 : memref<128xi32, #tpu.memory_space<vmem>>) semaphore(%arg13 : memref<!tpu.dma_semaphore, #tpu.memory_space<semaphore_mem>>)
      %mul3A_177 = arith.constant 75 : i32
      %mul3A_178 = arith.muli %select_n3A_114, %mul3A_177 : i32
      %mul3A_179 = arith.constant 5 : i32
      %mul3A_180 = arith.muli %sub3A_117, %mul3A_179 : i32
      %add3A_181 = arith.addi %mul3A_178, %mul3A_180 : i32
      %add3A_182 = arith.constant 3 : i32
      %add3A_183 = arith.addi %add3A_181, %add3A_182 : i32
      %dma_start3A_184 = arith.constant 0 : i32
      %dma_start3A_185 = arith.constant 0 : i32
      %dma_start3A_186 = tpu.memref_slice %arg11[%select_n3A_76, %dma_start3A_184, %dma_start3A_185] : memref<2x640x48xf32, #tpu.memory_space<vmem>> -> memref<1x640x48xf32, #tpu.memory_space<vmem>>
      %dma_start3A_187 = tpu.memref_squeeze %dma_start3A_186 : memref<1x640x48xf32, #tpu.memory_space<vmem>> -> memref<640x48xf32, #tpu.memory_space<vmem>>
      %dma_start3A_188 = arith.constant 384 : i32
      %dma_start3A_189 = arith.constant 0 : i32
      %dma_start3A_190 = tpu.memref_slice %dma_start3A_187[%dma_start3A_188, %dma_start3A_189] : memref<640x48xf32, #tpu.memory_space<vmem>> -> memref<128x48xf32, #tpu.memory_space<vmem>>
      %dma_start3A_191 = arith.constant 0 : i32
      %dma_start3A_192 = tpu.memref_slice %arg10[%add3A_183, %dma_start3A_191] : memref<150x128xi32, #tpu.memory_space<vmem>> -> memref<1x128xi32, #tpu.memory_space<vmem>>
      %dma_start3A_193 = tpu.memref_squeeze %dma_start3A_192 : memref<1x128xi32, #tpu.memory_space<vmem>> -> memref<128xi32, #tpu.memory_space<vmem>>
      %dma_start3A_194 = arith.constant 0 : i32
      %dma_start3A_195 = arith.constant 0 : i32
      %dma_start3A_196 = tpu.memref_slice %arg4[%dma_start3A_194, %dma_start3A_195] : memref<50000x48xf32, #tpu.memory_space<hbm>> -> memref<50000x48xf32, #tpu.memory_space<hbm>>
      tpu.enqueue_indirect_dma source(%dma_start3A_196 : memref<50000x48xf32, #tpu.memory_space<hbm>>) target(%dma_start3A_190 : memref<128x48xf32, #tpu.memory_space<vmem>>) offsets(%dma_start3A_193 : memref<128xi32, #tpu.memory_space<vmem>>) semaphore(%arg13 : memref<!tpu.dma_semaphore, #tpu.memory_space<semaphore_mem>>)
      %mul3A_197 = arith.constant 75 : i32
      %mul3A_198 = arith.muli %select_n3A_114, %mul3A_197 : i32
      %mul3A_199 = arith.constant 5 : i32
      %mul3A_200 = arith.muli %sub3A_117, %mul3A_199 : i32
      %add3A_201 = arith.addi %mul3A_198, %mul3A_200 : i32
      %add3A_202 = arith.constant 4 : i32
      %add3A_203 = arith.addi %add3A_201, %add3A_202 : i32
      %dma_start3A_204 = arith.constant 0 : i32
      %dma_start3A_205 = arith.constant 0 : i32
      %dma_start3A_206 = tpu.memref_slice %arg11[%select_n3A_76, %dma_start3A_204, %dma_start3A_205] : memref<2x640x48xf32, #tpu.memory_space<vmem>> -> memref<1x640x48xf32, #tpu.memory_space<vmem>>
      %dma_start3A_207 = tpu.memref_squeeze %dma_start3A_206 : memref<1x640x48xf32, #tpu.memory_space<vmem>> -> memref<640x48xf32, #tpu.memory_space<vmem>>
      %dma_start3A_208 = arith.constant 512 : i32
      %dma_start3A_209 = arith.constant 0 : i32
      %dma_start3A_210 = tpu.memref_slice %dma_start3A_207[%dma_start3A_208, %dma_start3A_209] : memref<640x48xf32, #tpu.memory_space<vmem>> -> memref<128x48xf32, #tpu.memory_space<vmem>>
      %dma_start3A_211 = arith.constant 0 : i32
      %dma_start3A_212 = tpu.memref_slice %arg10[%add3A_203, %dma_start3A_211] : memref<150x128xi32, #tpu.memory_space<vmem>> -> memref<1x128xi32, #tpu.memory_space<vmem>>
      %dma_start3A_213 = tpu.memref_squeeze %dma_start3A_212 : memref<1x128xi32, #tpu.memory_space<vmem>> -> memref<128xi32, #tpu.memory_space<vmem>>
      %dma_start3A_214 = arith.constant 0 : i32
      %dma_start3A_215 = arith.constant 0 : i32
      %dma_start3A_216 = tpu.memref_slice %arg4[%dma_start3A_214, %dma_start3A_215] : memref<50000x48xf32, #tpu.memory_space<hbm>> -> memref<50000x48xf32, #tpu.memory_space<hbm>>
      tpu.enqueue_indirect_dma source(%dma_start3A_216 : memref<50000x48xf32, #tpu.memory_space<hbm>>) target(%dma_start3A_210 : memref<128x48xf32, #tpu.memory_space<vmem>>) offsets(%dma_start3A_213 : memref<128xi32, #tpu.memory_space<vmem>>) semaphore(%arg13 : memref<!tpu.dma_semaphore, #tpu.memory_space<semaphore_mem>>)
      %dma_wait3A_217 = arith.constant 0 : i32
      %dma_wait3A_218 = arith.constant 0 : i32
      %dma_wait3A_219 = arith.constant 0 : i32
      %dma_wait3A_220 = arith.constant 0 : i32
      %dma_wait3A_221 = tpu.memref_slice %arg11[%dma_wait3A_218, %dma_wait3A_219, %dma_wait3A_220] : memref<2x640x48xf32, #tpu.memory_space<vmem>> -> memref<1x640x48xf32, #tpu.memory_space<vmem>>
      %dma_wait3A_222 = tpu.memref_squeeze %dma_wait3A_221 : memref<1x640x48xf32, #tpu.memory_space<vmem>> -> memref<640x48xf32, #tpu.memory_space<vmem>>
      %dma_wait3A_223 = arith.constant 0 : i32
      %dma_wait3A_224 = arith.constant 0 : i32
      %dma_wait3A_225 = tpu.memref_slice %dma_wait3A_222[%dma_wait3A_223, %dma_wait3A_224] : memref<640x48xf32, #tpu.memory_space<vmem>> -> memref<128x48xf32, #tpu.memory_space<vmem>>
      %dma_wait3A_226 = arith.constant 0 : i32
      %dma_wait3A_227 = tpu.memref_slice %arg10[%dma_wait3A_217, %dma_wait3A_226] : memref<150x128xi32, #tpu.memory_space<vmem>> -> memref<1x128xi32, #tpu.memory_space<vmem>>
      %dma_wait3A_228 = tpu.memref_squeeze %dma_wait3A_227 : memref<1x128xi32, #tpu.memory_space<vmem>> -> memref<128xi32, #tpu.memory_space<vmem>>
      %dma_wait3A_229 = arith.constant 0 : i32
      %dma_wait3A_230 = arith.constant 0 : i32
      %dma_wait3A_231 = tpu.memref_slice %arg4[%dma_wait3A_229, %dma_wait3A_230] : memref<50000x48xf32, #tpu.memory_space<hbm>> -> memref<50000x48xf32, #tpu.memory_space<hbm>>
      tpu.wait_indirect_dma semaphore(%arg13 : memref<!tpu.dma_semaphore, #tpu.memory_space<semaphore_mem>>) src(%dma_wait3A_231 : memref<50000x48xf32, #tpu.memory_space<hbm>>) dst(%dma_wait3A_225 : memref<128x48xf32, #tpu.memory_space<vmem>>)
      %dma_wait3A_232 = arith.constant 0 : i32
      %dma_wait3A_233 = arith.constant 0 : i32
      %dma_wait3A_234 = arith.constant 0 : i32
      %dma_wait3A_235 = arith.constant 0 : i32
      %dma_wait3A_236 = tpu.memref_slice %arg11[%dma_wait3A_233, %dma_wait3A_234, %dma_wait3A_235] : memref<2x640x48xf32, #tpu.memory_space<vmem>> -> memref<1x640x48xf32, #tpu.memory_space<vmem>>
      %dma_wait3A_237 = tpu.memref_squeeze %dma_wait3A_236 : memref<1x640x48xf32, #tpu.memory_space<vmem>> -> memref<640x48xf32, #tpu.memory_space<vmem>>
      %dma_wait3A_238 = arith.constant 0 : i32
      %dma_wait3A_239 = arith.constant 0 : i32
      %dma_wait3A_240 = tpu.memref_slice %dma_wait3A_237[%dma_wait3A_238, %dma_wait3A_239] : memref<640x48xf32, #tpu.memory_space<vmem>> -> memref<128x48xf32, #tpu.memory_space<vmem>>
      %dma_wait3A_241 = arith.constant 0 : i32
      %dma_wait3A_242 = tpu.memref_slice %arg10[%dma_wait3A_232, %dma_wait3A_241] : memref<150x128xi32, #tpu.memory_space<vmem>> -> memref<1x128xi32, #tpu.memory_space<vmem>>
      %dma_wait3A_243 = tpu.memref_squeeze %dma_wait3A_242 : memref<1x128xi32, #tpu.memory_space<vmem>> -> memref<128xi32, #tpu.memory_space<vmem>>
      %dma_wait3A_244 = arith.constant 0 : i32
      %dma_wait3A_245 = arith.constant 0 : i32
      %dma_wait3A_246 = tpu.memref_slice %arg4[%dma_wait3A_244, %dma_wait3A_245] : memref<50000x48xf32, #tpu.memory_space<hbm>> -> memref<50000x48xf32, #tpu.memory_space<hbm>>
      tpu.wait_indirect_dma semaphore(%arg13 : memref<!tpu.dma_semaphore, #tpu.memory_space<semaphore_mem>>) src(%dma_wait3A_246 : memref<50000x48xf32, #tpu.memory_space<hbm>>) dst(%dma_wait3A_240 : memref<128x48xf32, #tpu.memory_space<vmem>>)
      %dma_wait3A_247 = arith.constant 0 : i32
      %dma_wait3A_248 = arith.constant 0 : i32
      %dma_wait3A_249 = arith.constant 0 : i32
      %dma_wait3A_250 = arith.constant 0 : i32
      %dma_wait3A_251 = tpu.memref_slice %arg11[%dma_wait3A_248, %dma_wait3A_249, %dma_wait3A_250] : memref<2x640x48xf32, #tpu.memory_space<vmem>> -> memref<1x640x48xf32, #tpu.memory_space<vmem>>
      %dma_wait3A_252 = tpu.memref_squeeze %dma_wait3A_251 : memref<1x640x48xf32, #tpu.memory_space<vmem>> -> memref<640x48xf32, #tpu.memory_space<vmem>>
      %dma_wait3A_253 = arith.constant 0 : i32
      %dma_wait3A_254 = arith.constant 0 : i32
      %dma_wait3A_255 = tpu.memref_slice %dma_wait3A_252[%dma_wait3A_253, %dma_wait3A_254] : memref<640x48xf32, #tpu.memory_space<vmem>> -> memref<128x48xf32, #tpu.memory_space<vmem>>
      %dma_wait3A_256 = arith.constant 0 : i32
      %dma_wait3A_257 = tpu.memref_slice %arg10[%dma_wait3A_247, %dma_wait3A_256] : memref<150x128xi32, #tpu.memory_space<vmem>> -> memref<1x128xi32, #tpu.memory_space<vmem>>
      %dma_wait3A_258 = tpu.memref_squeeze %dma_wait3A_257 : memref<1x128xi32, #tpu.memory_space<vmem>> -> memref<128xi32, #tpu.memory_space<vmem>>
      %dma_wait3A_259 = arith.constant 0 : i32
      %dma_wait3A_260 = arith.constant 0 : i32
      %dma_wait3A_261 = tpu.memref_slice %arg4[%dma_wait3A_259, %dma_wait3A_260] : memref<50000x48xf32, #tpu.memory_space<hbm>> -> memref<50000x48xf32, #tpu.memory_space<hbm>>
      tpu.wait_indirect_dma semaphore(%arg13 : memref<!tpu.dma_semaphore, #tpu.memory_space<semaphore_mem>>) src(%dma_wait3A_261 : memref<50000x48xf32, #tpu.memory_space<hbm>>) dst(%dma_wait3A_255 : memref<128x48xf32, #tpu.memory_space<vmem>>)
      %dma_wait3A_262 = arith.constant 0 : i32
      %dma_wait3A_263 = arith.constant 0 : i32
      %dma_wait3A_264 = arith.constant 0 : i32
      %dma_wait3A_265 = arith.constant 0 : i32
      %dma_wait3A_266 = tpu.memref_slice %arg11[%dma_wait3A_263, %dma_wait3A_264, %dma_wait3A_265] : memref<2x640x48xf32, #tpu.memory_space<vmem>> -> memref<1x640x48xf32, #tpu.memory_space<vmem>>
      %dma_wait3A_267 = tpu.memref_squeeze %dma_wait3A_266 : memref<1x640x48xf32, #tpu.memory_space<vmem>> -> memref<640x48xf32, #tpu.memory_space<vmem>>
      %dma_wait3A_268 = arith.constant 0 : i32
      %dma_wait3A_269 = arith.constant 0 : i32
      %dma_wait3A_270 = tpu.memref_slice %dma_wait3A_267[%dma_wait3A_268, %dma_wait3A_269] : memref<640x48xf32, #tpu.memory_space<vmem>> -> memref<128x48xf32, #tpu.memory_space<vmem>>
      %dma_wait3A_271 = arith.constant 0 : i32
      %dma_wait3A_272 = tpu.memref_slice %arg10[%dma_wait3A_262, %dma_wait3A_271] : memref<150x128xi32, #tpu.memory_space<vmem>> -> memref<1x128xi32, #tpu.memory_space<vmem>>
      %dma_wait3A_273 = tpu.memref_squeeze %dma_wait3A_272 : memref<1x128xi32, #tpu.memory_space<vmem>> -> memref<128xi32, #tpu.memory_space<vmem>>
      %dma_wait3A_274 = arith.constant 0 : i32
      %dma_wait3A_275 = arith.constant 0 : i32
      %dma_wait3A_276 = tpu.memref_slice %arg4[%dma_wait3A_274, %dma_wait3A_275] : memref<50000x48xf32, #tpu.memory_space<hbm>> -> memref<50000x48xf32, #tpu.memory_space<hbm>>
      tpu.wait_indirect_dma semaphore(%arg13 : memref<!tpu.dma_semaphore, #tpu.memory_space<semaphore_mem>>) src(%dma_wait3A_276 : memref<50000x48xf32, #tpu.memory_space<hbm>>) dst(%dma_wait3A_270 : memref<128x48xf32, #tpu.memory_space<vmem>>)
      %dma_wait3A_277 = arith.constant 0 : i32
      %dma_wait3A_278 = arith.constant 0 : i32
      %dma_wait3A_279 = arith.constant 0 : i32
      %dma_wait3A_280 = arith.constant 0 : i32
      %dma_wait3A_281 = tpu.memref_slice %arg11[%dma_wait3A_278, %dma_wait3A_279, %dma_wait3A_280] : memref<2x640x48xf32, #tpu.memory_space<vmem>> -> memref<1x640x48xf32, #tpu.memory_space<vmem>>
      %dma_wait3A_282 = tpu.memref_squeeze %dma_wait3A_281 : memref<1x640x48xf32, #tpu.memory_space<vmem>> -> memref<640x48xf32, #tpu.memory_space<vmem>>
      %dma_wait3A_283 = arith.constant 0 : i32
      %dma_wait3A_284 = arith.constant 0 : i32
      %dma_wait3A_285 = tpu.memref_slice %dma_wait3A_282[%dma_wait3A_283, %dma_wait3A_284] : memref<640x48xf32, #tpu.memory_space<vmem>> -> memref<128x48xf32, #tpu.memory_space<vmem>>
      %dma_wait3A_286 = arith.constant 0 : i32
      %dma_wait3A_287 = tpu.memref_slice %arg10[%dma_wait3A_277, %dma_wait3A_286] : memref<150x128xi32, #tpu.memory_space<vmem>> -> memref<1x128xi32, #tpu.memory_space<vmem>>
      %dma_wait3A_288 = tpu.memref_squeeze %dma_wait3A_287 : memref<1x128xi32, #tpu.memory_space<vmem>> -> memref<128xi32, #tpu.memory_space<vmem>>
      %dma_wait3A_289 = arith.constant 0 : i32
      %dma_wait3A_290 = arith.constant 0 : i32
      %dma_wait3A_291 = tpu.memref_slice %arg4[%dma_wait3A_289, %dma_wait3A_290] : memref<50000x48xf32, #tpu.memory_space<hbm>> -> memref<50000x48xf32, #tpu.memory_space<hbm>>
      tpu.wait_indirect_dma semaphore(%arg13 : memref<!tpu.dma_semaphore, #tpu.memory_space<semaphore_mem>>) src(%dma_wait3A_291 : memref<50000x48xf32, #tpu.memory_space<hbm>>) dst(%dma_wait3A_285 : memref<128x48xf32, #tpu.memory_space<vmem>>)
      %mul3A_292 = arith.constant 75 : i32
      %mul3A_293 = arith.muli %add3A, %mul3A_292 : i32
      %mul3A_294 = arith.constant 5 : i32
      %mul3A_295 = arith.muli %sub3A_117, %mul3A_294 : i32
      %add3A_296 = arith.addi %mul3A_293, %mul3A_295 : i32
      %mul3A_297 = arith.constant 128 : i32
      %mul3A_298 = arith.muli %add3A_296, %mul3A_297 : i32
      %dma_start3A_299 = arith.constant 0 : i32
      %dma_start3A_300 = arith.constant 0 : i32
      %dma_start3A_301 = tpu.memref_slice %arg11[%select_n3A_76, %dma_start3A_299, %dma_start3A_300] : memref<2x640x48xf32, #tpu.memory_space<vmem>> -> memref<1x640x48xf32, #tpu.memory_space<vmem>>
      %dma_start3A_302 = tpu.memref_squeeze %dma_start3A_301 : memref<1x640x48xf32, #tpu.memory_space<vmem>> -> memref<640x48xf32, #tpu.memory_space<vmem>>
      %dma_start3A_303 = arith.constant 0 : i32
      %dma_start3A_304 = arith.constant 0 : i32
      %dma_start3A_305 = tpu.memref_slice %arg7[%select_n3A_114, %dma_start3A_303, %dma_start3A_304] : memref<2x307200x48xf32, #tpu.memory_space<hbm>> -> memref<1x307200x48xf32, #tpu.memory_space<hbm>>
      %dma_start3A_306 = tpu.memref_squeeze %dma_start3A_305 : memref<1x307200x48xf32, #tpu.memory_space<hbm>> -> memref<307200x48xf32, #tpu.memory_space<hbm>>
      %dma_start3A_307 = arith.constant 0 : i32
      %dma_start3A_308 = tpu.memref_slice %dma_start3A_306[%mul3A_298, %dma_start3A_307] : memref<307200x48xf32, #tpu.memory_space<hbm>> -> memref<640x48xf32, #tpu.memory_space<hbm>>
      %dma_start3A_309 = arith.constant 0 : i32
      %dma_start3A_310 = arith.constant 0 : i32
      %dma_start3A_311 = tpu.memref_slice %arg7[%select_n3A_114, %dma_start3A_309, %dma_start3A_310] : memref<2x307200x48xf32, #tpu.memory_space<hbm>> -> memref<1x307200x48xf32, #tpu.memory_space<hbm>>
      %dma_start3A_312 = tpu.memref_squeeze %dma_start3A_311 : memref<1x307200x48xf32, #tpu.memory_space<hbm>> -> memref<307200x48xf32, #tpu.memory_space<hbm>>
      %dma_start3A_313 = arith.constant 0 : i32
      %dma_start3A_314 = tpu.memref_slice %dma_start3A_312[%mul3A_298, %dma_start3A_313] : memref<307200x48xf32, #tpu.memory_space<hbm>> -> memref<640x48xf32, #tpu.memory_space<hbm>>
      %dma_start3A_315 = arith.constant 0 : i32
      %dma_start3A_316 = arith.constant 0 : i32
      %dma_start3A_317 = tpu.memref_slice %arg11[%select_n3A_76, %dma_start3A_315, %dma_start3A_316] : memref<2x640x48xf32, #tpu.memory_space<vmem>> -> memref<1x640x48xf32, #tpu.memory_space<vmem>>
      %dma_start3A_318 = tpu.memref_squeeze %dma_start3A_317 : memref<1x640x48xf32, #tpu.memory_space<vmem>> -> memref<640x48xf32, #tpu.memory_space<vmem>>
      tpu.enqueue_dma source(%dma_start3A_318 : memref<640x48xf32, #tpu.memory_space<vmem>>) target(%dma_start3A_314 : memref<640x48xf32, #tpu.memory_space<hbm>>) target_semaphore(%arg14 : memref<!tpu.dma_semaphore, #tpu.memory_space<semaphore_mem>>)
    }
    %scan3A_7 = arith.constant 30 : i32
    %dma_wait3A = arith.constant 0 : i32
    %dma_wait3A_8 = arith.constant 0 : i32
    %dma_wait3A_9 = arith.constant 0 : i32
    %dma_wait3A_10 = arith.constant 0 : i32
    %dma_wait3A_11 = tpu.memref_slice %arg11[%dma_wait3A, %dma_wait3A_9, %dma_wait3A_10] : memref<2x640x48xf32, #tpu.memory_space<vmem>> -> memref<1x640x48xf32, #tpu.memory_space<vmem>>
    %dma_wait3A_12 = tpu.memref_squeeze %dma_wait3A_11 : memref<1x640x48xf32, #tpu.memory_space<vmem>> -> memref<640x48xf32, #tpu.memory_space<vmem>>
    %dma_wait3A_13 = arith.constant 0 : i32
    %dma_wait3A_14 = arith.constant 0 : i32
    %dma_wait3A_15 = tpu.memref_slice %arg7[%dma_wait3A_8, %dma_wait3A_13, %dma_wait3A_14] : memref<2x307200x48xf32, #tpu.memory_space<hbm>> -> memref<1x307200x48xf32, #tpu.memory_space<hbm>>
    %dma_wait3A_16 = tpu.memref_squeeze %dma_wait3A_15 : memref<1x307200x48xf32, #tpu.memory_space<hbm>> -> memref<307200x48xf32, #tpu.memory_space<hbm>>
    %dma_wait3A_17 = arith.constant 0 : i32
    %dma_wait3A_18 = arith.constant 0 : i32
    %dma_wait3A_19 = tpu.memref_slice %dma_wait3A_16[%dma_wait3A_17, %dma_wait3A_18] : memref<307200x48xf32, #tpu.memory_space<hbm>> -> memref<640x48xf32, #tpu.memory_space<hbm>>
    %dma_wait3A_20 = arith.constant 0 : i32
    %dma_wait3A_21 = arith.constant 0 : i32
    %dma_wait3A_22 = tpu.memref_slice %arg7[%dma_wait3A_8, %dma_wait3A_20, %dma_wait3A_21] : memref<2x307200x48xf32, #tpu.memory_space<hbm>> -> memref<1x307200x48xf32, #tpu.memory_space<hbm>>
    %dma_wait3A_23 = tpu.memref_squeeze %dma_wait3A_22 : memref<1x307200x48xf32, #tpu.memory_space<hbm>> -> memref<307200x48xf32, #tpu.memory_space<hbm>>
    %dma_wait3A_24 = arith.constant 0 : i32
    %dma_wait3A_25 = arith.constant 0 : i32
    %dma_wait3A_26 = tpu.memref_slice %dma_wait3A_23[%dma_wait3A_24, %dma_wait3A_25] : memref<307200x48xf32, #tpu.memory_space<hbm>> -> memref<640x48xf32, #tpu.memory_space<hbm>>
    %dma_wait3A_27 = arith.constant 0 : i32
    %dma_wait3A_28 = arith.constant 0 : i32
    %dma_wait3A_29 = tpu.memref_slice %arg11[%dma_wait3A, %dma_wait3A_27, %dma_wait3A_28] : memref<2x640x48xf32, #tpu.memory_space<vmem>> -> memref<1x640x48xf32, #tpu.memory_space<vmem>>
    %dma_wait3A_30 = tpu.memref_squeeze %dma_wait3A_29 : memref<1x640x48xf32, #tpu.memory_space<vmem>> -> memref<640x48xf32, #tpu.memory_space<vmem>>
    tpu.wait_dma2 semaphore(%arg14 : memref<!tpu.dma_semaphore, #tpu.memory_space<semaphore_mem>>) src(%dma_wait3A_30 : memref<640x48xf32, #tpu.memory_space<vmem>>) dst(%dma_wait3A_26 : memref<640x48xf32, #tpu.memory_space<hbm>>)
    %dma_wait3A_31 = arith.constant 0 : i32
    %dma_wait3A_32 = arith.constant 0 : i32
    %dma_wait3A_33 = arith.constant 0 : i32
    %dma_wait3A_34 = arith.constant 0 : i32
    %dma_wait3A_35 = tpu.memref_slice %arg11[%dma_wait3A_31, %dma_wait3A_33, %dma_wait3A_34] : memref<2x640x48xf32, #tpu.memory_space<vmem>> -> memref<1x640x48xf32, #tpu.memory_space<vmem>>
    %dma_wait3A_36 = tpu.memref_squeeze %dma_wait3A_35 : memref<1x640x48xf32, #tpu.memory_space<vmem>> -> memref<640x48xf32, #tpu.memory_space<vmem>>
    %dma_wait3A_37 = arith.constant 0 : i32
    %dma_wait3A_38 = arith.constant 0 : i32
    %dma_wait3A_39 = tpu.memref_slice %arg7[%dma_wait3A_32, %dma_wait3A_37, %dma_wait3A_38] : memref<2x307200x48xf32, #tpu.memory_space<hbm>> -> memref<1x307200x48xf32, #tpu.memory_space<hbm>>
    %dma_wait3A_40 = tpu.memref_squeeze %dma_wait3A_39 : memref<1x307200x48xf32, #tpu.memory_space<hbm>> -> memref<307200x48xf32, #tpu.memory_space<hbm>>
    %dma_wait3A_41 = arith.constant 0 : i32
    %dma_wait3A_42 = arith.constant 0 : i32
    %dma_wait3A_43 = tpu.memref_slice %dma_wait3A_40[%dma_wait3A_41, %dma_wait3A_42] : memref<307200x48xf32, #tpu.memory_space<hbm>> -> memref<640x48xf32, #tpu.memory_space<hbm>>
    %dma_wait3A_44 = arith.constant 0 : i32
    %dma_wait3A_45 = arith.constant 0 : i32
    %dma_wait3A_46 = tpu.memref_slice %arg7[%dma_wait3A_32, %dma_wait3A_44, %dma_wait3A_45] : memref<2x307200x48xf32, #tpu.memory_space<hbm>> -> memref<1x307200x48xf32, #tpu.memory_space<hbm>>
    %dma_wait3A_47 = tpu.memref_squeeze %dma_wait3A_46 : memref<1x307200x48xf32, #tpu.memory_space<hbm>> -> memref<307200x48xf32, #tpu.memory_space<hbm>>
    %dma_wait3A_48 = arith.constant 0 : i32
    %dma_wait3A_49 = arith.constant 0 : i32
    %dma_wait3A_50 = tpu.memref_slice %dma_wait3A_47[%dma_wait3A_48, %dma_wait3A_49] : memref<307200x48xf32, #tpu.memory_space<hbm>> -> memref<640x48xf32, #tpu.memory_space<hbm>>
    %dma_wait3A_51 = arith.constant 0 : i32
    %dma_wait3A_52 = arith.constant 0 : i32
    %dma_wait3A_53 = tpu.memref_slice %arg11[%dma_wait3A_31, %dma_wait3A_51, %dma_wait3A_52] : memref<2x640x48xf32, #tpu.memory_space<vmem>> -> memref<1x640x48xf32, #tpu.memory_space<vmem>>
    %dma_wait3A_54 = tpu.memref_squeeze %dma_wait3A_53 : memref<1x640x48xf32, #tpu.memory_space<vmem>> -> memref<640x48xf32, #tpu.memory_space<vmem>>
    tpu.wait_dma2 semaphore(%arg14 : memref<!tpu.dma_semaphore, #tpu.memory_space<semaphore_mem>>) src(%dma_wait3A_54 : memref<640x48xf32, #tpu.memory_space<vmem>>) dst(%dma_wait3A_50 : memref<640x48xf32, #tpu.memory_space<hbm>>)
    %while3A = arith.constant 0 : i32
    %while3A_55 = arith.constant 0 : i32
    %while3A_56 = arith.subi %select_n3A, %while3A_55 : i32
    %while3A_57 = arith.addi %while3A_55, %while3A_56 : i32
    %while3A_58 = arith.constant 1 : i32
    %while3A_59 = arith.divsi %while3A_56, %while3A_58 : i32
    %while3A_60 = arith.muli %while3A_59, %while3A_58 : i32
    %while3A_61 = arith.addi %while3A_55, %while3A_60 : i32
    %while3A_62 = arith.constant 1 : i32
    scf.for %while3A_64 = %while3A_55 to %while3A_61 step %while3A_62  : i32 {
      %dma_wait3A_65 = arith.constant 0 : i32
      %dma_wait3A_66 = arith.constant 0 : i32
      %dma_wait3A_67 = arith.constant 0 : i32
      %dma_wait3A_68 = tpu.memref_slice %arg9[%dma_wait3A_65, %dma_wait3A_67] : memref<120x128xi32, #tpu.memory_space<vmem>> -> memref<1x128xi32, #tpu.memory_space<vmem>>
      %dma_wait3A_69 = tpu.memref_squeeze %dma_wait3A_68 : memref<1x128xi32, #tpu.memory_space<vmem>> -> memref<128xi32, #tpu.memory_space<vmem>>
      %dma_wait3A_70 = arith.constant 0 : i32
      %dma_wait3A_71 = tpu.memref_slice %arg8[%dma_wait3A_66, %dma_wait3A_70] : memref<120x128xi32, #tpu.memory_space<vmem>> -> memref<1x128xi32, #tpu.memory_space<vmem>>
      %dma_wait3A_72 = tpu.memref_squeeze %dma_wait3A_71 : memref<1x128xi32, #tpu.memory_space<vmem>> -> memref<128xi32, #tpu.memory_space<vmem>>
      %dma_wait3A_73 = arith.constant 0 : i32
      %dma_wait3A_74 = tpu.memref_slice %arg6[%dma_wait3A_73] : memref<1250025008xi32, #tpu.memory_space<hbm>> -> memref<1250025008xi32, #tpu.memory_space<hbm>>
      tpu.wait_indirect_dma semaphore(%arg12 : memref<!tpu.dma_semaphore, #tpu.memory_space<semaphore_mem>>) src(%dma_wait3A_69 : memref<128xi32, #tpu.memory_space<vmem>>) dst(%dma_wait3A_74 : memref<1250025008xi32, #tpu.memory_space<hbm>>)
    }
    %while3A_63 = arith.constant 1 : i32
    scf.for %while3A_64 = %while3A_61 to %while3A_57 step %while3A_63  : i32 {
      %dma_wait3A_65 = arith.constant 0 : i32
      %dma_wait3A_66 = arith.constant 0 : i32
      %dma_wait3A_67 = arith.constant 0 : i32
      %dma_wait3A_68 = tpu.memref_slice %arg9[%dma_wait3A_65, %dma_wait3A_67] : memref<120x128xi32, #tpu.memory_space<vmem>> -> memref<1x128xi32, #tpu.memory_space<vmem>>
      %dma_wait3A_69 = tpu.memref_squeeze %dma_wait3A_68 : memref<1x128xi32, #tpu.memory_space<vmem>> -> memref<128xi32, #tpu.memory_space<vmem>>
      %dma_wait3A_70 = arith.constant 0 : i32
      %dma_wait3A_71 = tpu.memref_slice %arg8[%dma_wait3A_66, %dma_wait3A_70] : memref<120x128xi32, #tpu.memory_space<vmem>> -> memref<1x128xi32, #tpu.memory_space<vmem>>
      %dma_wait3A_72 = tpu.memref_squeeze %dma_wait3A_71 : memref<1x128xi32, #tpu.memory_space<vmem>> -> memref<128xi32, #tpu.memory_space<vmem>>
      %dma_wait3A_73 = arith.constant 0 : i32
      %dma_wait3A_74 = tpu.memref_slice %arg6[%dma_wait3A_73] : memref<1250025008xi32, #tpu.memory_space<hbm>> -> memref<1250025008xi32, #tpu.memory_space<hbm>>
      tpu.wait_indirect_dma semaphore(%arg12 : memref<!tpu.dma_semaphore, #tpu.memory_space<semaphore_mem>>) src(%dma_wait3A_69 : memref<128xi32, #tpu.memory_space<vmem>>) dst(%dma_wait3A_74 : memref<1250025008xi32, #tpu.memory_space<hbm>>)
    }
    return
  }
}

#map = affine_map<(d0, d1) -> (0, 0, 0)>
#map1 = affine_map<(d0, d1) -> (0)>
module attributes {stable_mosaic.version = 14 : i64} {
  func.func @sc_dedup_mark(%arg0: i32, %arg1: i32, %arg2: memref<32x75x128xi32, #tpu.memory_space<hbm>>, %arg3: memref<32x75x128xi32, #tpu.memory_space<hbm>>, %arg4: memref<32x75x128xi32, #tpu.memory_space<hbm>>, %arg5: memref<1250025008xi32, #tpu.memory_space<hbm>>, %arg6: memref<32x75x128xi32, #tpu.memory_space<hbm>>, %arg7: memref<32x75x128xi32, #tpu.memory_space<hbm>>, %arg8: memref<75x128xi32, #tpu.memory_space<vmem>>, %arg9: memref<75x128xi32, #tpu.memory_space<vmem>>, %arg10: memref<75x128xi32, #tpu.memory_space<vmem>>, %arg11: memref<75x128xi32, #tpu.memory_space<vmem>>, %arg12: memref<75x128xi32, #tpu.memory_space<vmem>>, %arg13: memref<75x128xi32, #tpu.memory_space<vmem>>, %arg14: memref<!tpu.dma_semaphore, #tpu.memory_space<semaphore_mem>>) attributes {dimension_semantics = [#tpu.dimension_semantics<core_parallel>, #tpu.dimension_semantics<subcore_parallel>], iteration_bounds = array<i64: 2, 16>, scalar_prefetch = 0 : i64, scratch_operands = 7 : i64, tpu.core_type = #tpu.core_type<sc_vector_subcore>, window_params = [{transform_indices = #map}, {transform_indices = #map}, {transform_indices = #map}, {transform_indices = #map1}, {transform_indices = #map}, {transform_indices = #map}]} {
    %mul3A = arith.constant 2 : i32
    %mul3A_0 = arith.muli %arg1, %mul3A : i32
    %add3A = arith.addi %mul3A_0, %arg0 : i32
    "tpu.region"() ({
      %run_scoped3A = tpu.sem_alloc : memref<!tpu.dma_semaphore, #tpu.memory_space<semaphore_mem>>
      %dma_start3A = arith.constant 0 : i32
      %dma_start3A_14 = arith.constant 0 : i32
      %dma_start3A_15 = tpu.memref_slice %arg2[%add3A, %dma_start3A, %dma_start3A_14] : memref<32x75x128xi32, #tpu.memory_space<hbm>> -> memref<1x75x128xi32, #tpu.memory_space<hbm>>
      %dma_start3A_16 = tpu.memref_squeeze %dma_start3A_15 : memref<1x75x128xi32, #tpu.memory_space<hbm>> -> memref<75x128xi32, #tpu.memory_space<hbm>>
      %dma_start3A_17 = arith.constant 0 : i32
      %dma_start3A_18 = arith.constant 0 : i32
      %dma_start3A_19 = tpu.memref_slice %arg2[%add3A, %dma_start3A_17, %dma_start3A_18] : memref<32x75x128xi32, #tpu.memory_space<hbm>> -> memref<1x75x128xi32, #tpu.memory_space<hbm>>
      %dma_start3A_20 = tpu.memref_squeeze %dma_start3A_19 : memref<1x75x128xi32, #tpu.memory_space<hbm>> -> memref<75x128xi32, #tpu.memory_space<hbm>>
      tpu.enqueue_dma source(%dma_start3A_20 : memref<75x128xi32, #tpu.memory_space<hbm>>) target(%arg8 : memref<75x128xi32, #tpu.memory_space<vmem>>) target_semaphore(%run_scoped3A : memref<!tpu.dma_semaphore, #tpu.memory_space<semaphore_mem>>)
      %dma_wait3A = arith.constant 0 : i32
      %dma_wait3A_21 = arith.constant 0 : i32
      %dma_wait3A_22 = tpu.memref_slice %arg2[%add3A, %dma_wait3A, %dma_wait3A_21] : memref<32x75x128xi32, #tpu.memory_space<hbm>> -> memref<1x75x128xi32, #tpu.memory_space<hbm>>
      %dma_wait3A_23 = tpu.memref_squeeze %dma_wait3A_22 : memref<1x75x128xi32, #tpu.memory_space<hbm>> -> memref<75x128xi32, #tpu.memory_space<hbm>>
      %dma_wait3A_24 = arith.constant 0 : i32
      %dma_wait3A_25 = arith.constant 0 : i32
      %dma_wait3A_26 = tpu.memref_slice %arg2[%add3A, %dma_wait3A_24, %dma_wait3A_25] : memref<32x75x128xi32, #tpu.memory_space<hbm>> -> memref<1x75x128xi32, #tpu.memory_space<hbm>>
      %dma_wait3A_27 = tpu.memref_squeeze %dma_wait3A_26 : memref<1x75x128xi32, #tpu.memory_space<hbm>> -> memref<75x128xi32, #tpu.memory_space<hbm>>
      tpu.wait_dma2 semaphore(%run_scoped3A : memref<!tpu.dma_semaphore, #tpu.memory_space<semaphore_mem>>) src(%dma_wait3A_27 : memref<75x128xi32, #tpu.memory_space<hbm>>) dst(%arg8 : memref<75x128xi32, #tpu.memory_space<vmem>>)
      tpu.yield
    }) : () -> ()
    "tpu.region"() ({
      %run_scoped3A = tpu.sem_alloc : memref<!tpu.dma_semaphore, #tpu.memory_space<semaphore_mem>>
      %dma_start3A = arith.constant 0 : i32
      %dma_start3A_14 = arith.constant 0 : i32
      %dma_start3A_15 = tpu.memref_slice %arg3[%add3A, %dma_start3A, %dma_start3A_14] : memref<32x75x128xi32, #tpu.memory_space<hbm>> -> memref<1x75x128xi32, #tpu.memory_space<hbm>>
      %dma_start3A_16 = tpu.memref_squeeze %dma_start3A_15 : memref<1x75x128xi32, #tpu.memory_space<hbm>> -> memref<75x128xi32, #tpu.memory_space<hbm>>
      %dma_start3A_17 = arith.constant 0 : i32
      %dma_start3A_18 = arith.constant 0 : i32
      %dma_start3A_19 = tpu.memref_slice %arg3[%add3A, %dma_start3A_17, %dma_start3A_18] : memref<32x75x128xi32, #tpu.memory_space<hbm>> -> memref<1x75x128xi32, #tpu.memory_space<hbm>>
      %dma_start3A_20 = tpu.memref_squeeze %dma_start3A_19 : memref<1x75x128xi32, #tpu.memory_space<hbm>> -> memref<75x128xi32, #tpu.memory_space<hbm>>
      tpu.enqueue_dma source(%dma_start3A_20 : memref<75x128xi32, #tpu.memory_space<hbm>>) target(%arg10 : memref<75x128xi32, #tpu.memory_space<vmem>>) target_semaphore(%run_scoped3A : memref<!tpu.dma_semaphore, #tpu.memory_space<semaphore_mem>>)
      %dma_wait3A = arith.constant 0 : i32
      %dma_wait3A_21 = arith.constant 0 : i32
      %dma_wait3A_22 = tpu.memref_slice %arg3[%add3A, %dma_wait3A, %dma_wait3A_21] : memref<32x75x128xi32, #tpu.memory_space<hbm>> -> memref<1x75x128xi32, #tpu.memory_space<hbm>>
      %dma_wait3A_23 = tpu.memref_squeeze %dma_wait3A_22 : memref<1x75x128xi32, #tpu.memory_space<hbm>> -> memref<75x128xi32, #tpu.memory_space<hbm>>
      %dma_wait3A_24 = arith.constant 0 : i32
      %dma_wait3A_25 = arith.constant 0 : i32
      %dma_wait3A_26 = tpu.memref_slice %arg3[%add3A, %dma_wait3A_24, %dma_wait3A_25] : memref<32x75x128xi32, #tpu.memory_space<hbm>> -> memref<1x75x128xi32, #tpu.memory_space<hbm>>
      %dma_wait3A_27 = tpu.memref_squeeze %dma_wait3A_26 : memref<1x75x128xi32, #tpu.memory_space<hbm>> -> memref<75x128xi32, #tpu.memory_space<hbm>>
      tpu.wait_dma2 semaphore(%run_scoped3A : memref<!tpu.dma_semaphore, #tpu.memory_space<semaphore_mem>>) src(%dma_wait3A_27 : memref<75x128xi32, #tpu.memory_space<hbm>>) dst(%arg10 : memref<75x128xi32, #tpu.memory_space<vmem>>)
      tpu.yield
    }) : () -> ()
    "tpu.region"() ({
      %run_scoped3A = tpu.sem_alloc : memref<!tpu.dma_semaphore, #tpu.memory_space<semaphore_mem>>
      %dma_start3A = arith.constant 0 : i32
      %dma_start3A_14 = arith.constant 0 : i32
      %dma_start3A_15 = tpu.memref_slice %arg4[%add3A, %dma_start3A, %dma_start3A_14] : memref<32x75x128xi32, #tpu.memory_space<hbm>> -> memref<1x75x128xi32, #tpu.memory_space<hbm>>
      %dma_start3A_16 = tpu.memref_squeeze %dma_start3A_15 : memref<1x75x128xi32, #tpu.memory_space<hbm>> -> memref<75x128xi32, #tpu.memory_space<hbm>>
      %dma_start3A_17 = arith.constant 0 : i32
      %dma_start3A_18 = arith.constant 0 : i32
      %dma_start3A_19 = tpu.memref_slice %arg4[%add3A, %dma_start3A_17, %dma_start3A_18] : memref<32x75x128xi32, #tpu.memory_space<hbm>> -> memref<1x75x128xi32, #tpu.memory_space<hbm>>
      %dma_start3A_20 = tpu.memref_squeeze %dma_start3A_19 : memref<1x75x128xi32, #tpu.memory_space<hbm>> -> memref<75x128xi32, #tpu.memory_space<hbm>>
      tpu.enqueue_dma source(%dma_start3A_20 : memref<75x128xi32, #tpu.memory_space<hbm>>) target(%arg11 : memref<75x128xi32, #tpu.memory_space<vmem>>) target_semaphore(%run_scoped3A : memref<!tpu.dma_semaphore, #tpu.memory_space<semaphore_mem>>)
      %dma_wait3A = arith.constant 0 : i32
      %dma_wait3A_21 = arith.constant 0 : i32
      %dma_wait3A_22 = tpu.memref_slice %arg4[%add3A, %dma_wait3A, %dma_wait3A_21] : memref<32x75x128xi32, #tpu.memory_space<hbm>> -> memref<1x75x128xi32, #tpu.memory_space<hbm>>
      %dma_wait3A_23 = tpu.memref_squeeze %dma_wait3A_22 : memref<1x75x128xi32, #tpu.memory_space<hbm>> -> memref<75x128xi32, #tpu.memory_space<hbm>>
      %dma_wait3A_24 = arith.constant 0 : i32
      %dma_wait3A_25 = arith.constant 0 : i32
      %dma_wait3A_26 = tpu.memref_slice %arg4[%add3A, %dma_wait3A_24, %dma_wait3A_25] : memref<32x75x128xi32, #tpu.memory_space<hbm>> -> memref<1x75x128xi32, #tpu.memory_space<hbm>>
      %dma_wait3A_27 = tpu.memref_squeeze %dma_wait3A_26 : memref<1x75x128xi32, #tpu.memory_space<hbm>> -> memref<75x128xi32, #tpu.memory_space<hbm>>
      tpu.wait_dma2 semaphore(%run_scoped3A : memref<!tpu.dma_semaphore, #tpu.memory_space<semaphore_mem>>) src(%dma_wait3A_27 : memref<75x128xi32, #tpu.memory_space<hbm>>) dst(%arg11 : memref<75x128xi32, #tpu.memory_space<vmem>>)
      tpu.yield
    }) : () -> ()
    %scan3A = arith.constant 0 : i32
    %scan3A_1 = arith.constant 0 : i32
    %scan3A_2 = arith.constant 5 : i32
    %scan3A_3 = arith.addi %scan3A_1, %scan3A_2 : i32
    %scan3A_4 = arith.constant 1 : i32
    scf.for %scan3A_14 = %scan3A_1 to %scan3A_3 step %scan3A_4  : i32 {
      %mul3A_15 = arith.constant 15 : i32
      %mul3A_16 = arith.muli %scan3A_14, %mul3A_15 : i32
      %add3A_17 = arith.constant 1 : i32
      %add3A_18 = arith.addi %scan3A_14, %add3A_17 : i32
      %mul3A_19 = arith.constant 15 : i32
      %mul3A_20 = arith.muli %add3A_18, %mul3A_19 : i32
      %while3A = arith.constant 0 : i32
      %while3A_21 = arith.subi %mul3A_20, %mul3A_16 : i32
      %while3A_22 = arith.addi %mul3A_16, %while3A_21 : i32
      %while3A_23 = arith.constant 1 : i32
      %while3A_24 = arith.divsi %while3A_21, %while3A_23 : i32
      %while3A_25 = arith.muli %while3A_24, %while3A_23 : i32
      %while3A_26 = arith.addi %mul3A_16, %while3A_25 : i32
      %while3A_27 = arith.constant 1 : i32
      scf.for %while3A_35 = %mul3A_16 to %while3A_26 step %while3A_27  : i32 {
        %dma_start3A = arith.constant 0 : i32
        %dma_start3A_36 = tpu.memref_slice %arg9[%while3A_35, %dma_start3A] : memref<75x128xi32, #tpu.memory_space<vmem>> -> memref<1x128xi32, #tpu.memory_space<vmem>>
        %dma_start3A_37 = tpu.memref_squeeze %dma_start3A_36 : memref<1x128xi32, #tpu.memory_space<vmem>> -> memref<128xi32, #tpu.memory_space<vmem>>
        %dma_start3A_38 = arith.constant 0 : i32
        %dma_start3A_39 = tpu.memref_slice %arg8[%while3A_35, %dma_start3A_38] : memref<75x128xi32, #tpu.memory_space<vmem>> -> memref<1x128xi32, #tpu.memory_space<vmem>>
        %dma_start3A_40 = tpu.memref_squeeze %dma_start3A_39 : memref<1x128xi32, #tpu.memory_space<vmem>> -> memref<128xi32, #tpu.memory_space<vmem>>
        %dma_start3A_41 = arith.constant 0 : i32
        %dma_start3A_42 = tpu.memref_slice %arg5[%dma_start3A_41] : memref<1250025008xi32, #tpu.memory_space<hbm>> -> memref<1250025008xi32, #tpu.memory_space<hbm>>
        tpu.enqueue_indirect_dma source(%dma_start3A_42 : memref<1250025008xi32, #tpu.memory_space<hbm>>) target(%dma_start3A_37 : memref<128xi32, #tpu.memory_space<vmem>>) offsets(%dma_start3A_40 : memref<128xi32, #tpu.memory_space<vmem>>) semaphore(%arg14 : memref<!tpu.dma_semaphore, #tpu.memory_space<semaphore_mem>>)
      }
      %while3A_28 = arith.constant 1 : i32
      scf.for %while3A_35 = %while3A_26 to %while3A_22 step %while3A_28  : i32 {
        %dma_start3A = arith.constant 0 : i32
        %dma_start3A_36 = tpu.memref_slice %arg9[%while3A_35, %dma_start3A] : memref<75x128xi32, #tpu.memory_space<vmem>> -> memref<1x128xi32, #tpu.memory_space<vmem>>
        %dma_start3A_37 = tpu.memref_squeeze %dma_start3A_36 : memref<1x128xi32, #tpu.memory_space<vmem>> -> memref<128xi32, #tpu.memory_space<vmem>>
        %dma_start3A_38 = arith.constant 0 : i32
        %dma_start3A_39 = tpu.memref_slice %arg8[%while3A_35, %dma_start3A_38] : memref<75x128xi32, #tpu.memory_space<vmem>> -> memref<1x128xi32, #tpu.memory_space<vmem>>
        %dma_start3A_40 = tpu.memref_squeeze %dma_start3A_39 : memref<1x128xi32, #tpu.memory_space<vmem>> -> memref<128xi32, #tpu.memory_space<vmem>>
        %dma_start3A_41 = arith.constant 0 : i32
        %dma_start3A_42 = tpu.memref_slice %arg5[%dma_start3A_41] : memref<1250025008xi32, #tpu.memory_space<hbm>> -> memref<1250025008xi32, #tpu.memory_space<hbm>>
        tpu.enqueue_indirect_dma source(%dma_start3A_42 : memref<1250025008xi32, #tpu.memory_space<hbm>>) target(%dma_start3A_37 : memref<128xi32, #tpu.memory_space<vmem>>) offsets(%dma_start3A_40 : memref<128xi32, #tpu.memory_space<vmem>>) semaphore(%arg14 : memref<!tpu.dma_semaphore, #tpu.memory_space<semaphore_mem>>)
      }
      %scan3A_29 = arith.constant 0 : i32
      %scan3A_30 = arith.constant 0 : i32
      %scan3A_31 = arith.constant 15 : i32
      %scan3A_32 = arith.addi %scan3A_30, %scan3A_31 : i32
      %scan3A_33 = arith.constant 1 : i32
      scf.for %scan3A_35 = %scan3A_30 to %scan3A_32 step %scan3A_33  : i32 {
        %dma_wait3A = arith.constant 0 : i32
        %dma_wait3A_36 = arith.constant 0 : i32
        %dma_wait3A_37 = arith.constant 0 : i32
        %dma_wait3A_38 = tpu.memref_slice %arg9[%dma_wait3A_36, %dma_wait3A_37] : memref<75x128xi32, #tpu.memory_space<vmem>> -> memref<1x128xi32, #tpu.memory_space<vmem>>
        %dma_wait3A_39 = tpu.memref_squeeze %dma_wait3A_38 : memref<1x128xi32, #tpu.memory_space<vmem>> -> memref<128xi32, #tpu.memory_space<vmem>>
        %dma_wait3A_40 = arith.constant 0 : i32
        %dma_wait3A_41 = tpu.memref_slice %arg8[%dma_wait3A, %dma_wait3A_40] : memref<75x128xi32, #tpu.memory_space<vmem>> -> memref<1x128xi32, #tpu.memory_space<vmem>>
        %dma_wait3A_42 = tpu.memref_squeeze %dma_wait3A_41 : memref<1x128xi32, #tpu.memory_space<vmem>> -> memref<128xi32, #tpu.memory_space<vmem>>
        %dma_wait3A_43 = arith.constant 0 : i32
        %dma_wait3A_44 = tpu.memref_slice %arg5[%dma_wait3A_43] : memref<1250025008xi32, #tpu.memory_space<hbm>> -> memref<1250025008xi32, #tpu.memory_space<hbm>>
        tpu.wait_indirect_dma semaphore(%arg14 : memref<!tpu.dma_semaphore, #tpu.memory_space<semaphore_mem>>) src(%dma_wait3A_44 : memref<1250025008xi32, #tpu.memory_space<hbm>>) dst(%dma_wait3A_39 : memref<128xi32, #tpu.memory_space<vmem>>)
      }
      %scan3A_34 = arith.constant 15 : i32
    }
    %scan3A_5 = arith.constant 5 : i32
    %mul3A_6 = arith.constant 9600 : i32
    %mul3A_7 = arith.muli %add3A, %mul3A_6 : i32
    %iota3A = tpu.iota {dimensions = array<i32: 0>} : vector<16xi32>
    %scan3A_8 = arith.constant 0 : i32
    %scan3A_9 = arith.constant 0 : i32
    %scan3A_10 = arith.constant 600 : i32
    %scan3A_11 = arith.addi %scan3A_9, %scan3A_10 : i32
    %scan3A_12 = arith.constant 1 : i32
    scf.for %scan3A_14 = %scan3A_9 to %scan3A_11 step %scan3A_12  : i32 {
      %jit3A = arith.constant 8 : i32
      %div3A = arith.divsi %scan3A_14, %jit3A : i32
      %sign3A = arith.constant 0 : i32
      %sign3A_15 = arith.cmpi sgt, %scan3A_14, %sign3A : i32
      %sign3A_16 = arith.extui %sign3A_15 : i1 to i32
      %sign3A_17 = arith.constant 0 : i32
      %sign3A_18 = arith.cmpi slt, %scan3A_14, %sign3A_17 : i32
      %sign3A_19 = arith.extui %sign3A_18 : i1 to i32
      %sign3A_20 = arith.subi %sign3A_16, %sign3A_19 : i32
      %sign3A_21 = arith.constant 0 : i32
      %sign3A_22 = arith.cmpi sgt, %jit3A, %sign3A_21 : i32
      %sign3A_23 = arith.extui %sign3A_22 : i1 to i32
      %sign3A_24 = arith.constant 0 : i32
      %sign3A_25 = arith.cmpi slt, %jit3A, %sign3A_24 : i32
      %sign3A_26 = arith.extui %sign3A_25 : i1 to i32
      %sign3A_27 = arith.subi %sign3A_23, %sign3A_26 : i32
      %ne3A = arith.cmpi ne, %sign3A_20, %sign3A_27 : i32
      %rem3A = arith.remsi %scan3A_14, %jit3A : i32
      %ne3A_28 = arith.constant 0 : i32
      %ne3A_29 = arith.cmpi ne, %rem3A, %ne3A_28 : i32
      %and3A = arith.andi %ne3A, %ne3A_29 : i1
      %sub3A = arith.constant 1 : i32
      %sub3A_30 = arith.subi %div3A, %sub3A : i32
      %select_n3A = arith.select %and3A, %sub3A_30, %div3A : i32
      %jit3A_31 = arith.constant 8 : i32
      %eq3A = arith.constant 0 : i32
      %eq3A_32 = arith.cmpi eq, %jit3A_31, %eq3A : i32
      %jit3A_33 = arith.constant 1 : i32
      %select_n3A_34 = arith.select %eq3A_32, %jit3A_33, %jit3A_31 : i32
      %rem3A_35 = arith.remsi %scan3A_14, %select_n3A_34 : i32
      %ne3A_36 = arith.constant 0 : i32
      %ne3A_37 = arith.cmpi ne, %rem3A_35, %ne3A_36 : i32
      %lt3A = arith.constant 0 : i32
      %lt3A_38 = arith.cmpi slt, %rem3A_35, %lt3A : i32
      %lt3A_39 = arith.constant 0 : i32
      %lt3A_40 = arith.cmpi slt, %select_n3A_34, %lt3A_39 : i32
      %ne3A_41 = arith.xori %lt3A_38, %lt3A_40 : i1
      %and3A_42 = arith.andi %ne3A_41, %ne3A_37 : i1
      %add3A_43 = arith.addi %rem3A_35, %select_n3A_34 : i32
      %select_n3A_44 = arith.select %and3A_42, %add3A_43, %rem3A_35 : i32
      %mul3A_45 = arith.constant 16 : i32
      %mul3A_46 = arith.muli %select_n3A_44, %mul3A_45 : i32
      %get3A = arith.index_cast %select_n3A : i32 to index
      %get3A_47 = arith.index_cast %mul3A_46 : i32 to index
      %get3A_48 = tpu.vector_load %arg9[%get3A, %get3A_47] {strides = array<i32>} : memref<75x128xi32, #tpu.memory_space<vmem>>, vector<1x16xi32>,
      %get3A_49 = vector.shape_cast %get3A_48 : vector<1x16xi32> to vector<16xi32>
      %get3A_50 = arith.index_cast %select_n3A : i32 to index
      %get3A_51 = arith.index_cast %mul3A_46 : i32 to index
      %get3A_52 = tpu.vector_load %arg10[%get3A_50, %get3A_51] {strides = array<i32>} : memref<75x128xi32, #tpu.memory_space<vmem>>, vector<1x16xi32>,
      %get3A_53 = vector.shape_cast %get3A_52 : vector<1x16xi32> to vector<16xi32>
      %get3A_54 = arith.index_cast %select_n3A : i32 to index
      %get3A_55 = arith.index_cast %mul3A_46 : i32 to index
      %get3A_56 = tpu.vector_load %arg11[%get3A_54, %get3A_55] {strides = array<i32>} : memref<75x128xi32, #tpu.memory_space<vmem>>, vector<1x16xi32>,
      %get3A_57 = vector.shape_cast %get3A_56 : vector<1x16xi32> to vector<16xi32>
      %mul3A_58 = arith.constant 16 : i32
      %mul3A_59 = arith.muli %scan3A_14, %mul3A_58 : i32
      %add3A_60 = arith.addi %mul3A_7, %mul3A_59 : i32
      %add3A_61 = vector.broadcast %add3A_60 : i32 to vector<16xi32>
      %add3A_62 = arith.addi %add3A_61, %iota3A : vector<16xi32>
      %eq3A_63 = arith.cmpi eq, %get3A_49, %add3A_62 : vector<16xi32>
      %lt3A_64 = arith.constant 300000 : i32
      %lt3A_65 = vector.broadcast %lt3A_64 : i32 to vector<16xi32>
      %lt3A_66 = arith.cmpi slt, %add3A_62, %lt3A_65 : vector<16xi32>
      %and3A_67 = arith.andi %eq3A_63, %lt3A_66 : vector<16xi1>
      %jit3A_68 = arith.constant 50000 : i32
      %broadcast_in_dim3A = vector.broadcast %jit3A_68 : i32 to vector<16xi32>
      %select_n3A_69 = arith.select %and3A_67, %get3A_57, %broadcast_in_dim3A : vector<16xi1>, vector<16xi32>
      %swap3A = arith.index_cast %select_n3A : i32 to index
      %swap3A_70 = arith.index_cast %mul3A_46 : i32 to index
      %swap3A_71 = tpu.vector_load %arg12[%swap3A, %swap3A_70] {strides = array<i32>} : memref<75x128xi32, #tpu.memory_space<vmem>>, vector<1x16xi32>,
      %swap3A_72 = vector.shape_cast %swap3A_71 : vector<1x16xi32> to vector<16xi32>
      %swap3A_73 = vector.shape_cast %select_n3A_69 : vector<16xi32> to vector<1x16xi32>
      tpu.vector_store %arg12[%swap3A, %swap3A_70], %swap3A_73 {strides = array<i32>} : memref<75x128xi32, #tpu.memory_space<vmem>>, vector<1x16xi32>,
      %jit3A_74 = arith.constant 50000 : i32
      %broadcast_in_dim3A_75 = vector.broadcast %jit3A_74 : i32 to vector<16xi32>
      %select_n3A_76 = arith.select %and3A_67, %get3A_53, %broadcast_in_dim3A_75 : vector<16xi1>, vector<16xi32>
      %swap3A_77 = arith.index_cast %select_n3A : i32 to index
      %swap3A_78 = arith.index_cast %mul3A_46 : i32 to index
      %swap3A_79 = tpu.vector_load %arg13[%swap3A_77, %swap3A_78] {strides = array<i32>} : memref<75x128xi32, #tpu.memory_space<vmem>>, vector<1x16xi32>,
      %swap3A_80 = vector.shape_cast %swap3A_79 : vector<1x16xi32> to vector<16xi32>
      %swap3A_81 = vector.shape_cast %select_n3A_76 : vector<16xi32> to vector<1x16xi32>
      tpu.vector_store %arg13[%swap3A_77, %swap3A_78], %swap3A_81 {strides = array<i32>} : memref<75x128xi32, #tpu.memory_space<vmem>>, vector<1x16xi32>,
    }
    %scan3A_13 = arith.constant 600 : i32
    "tpu.region"() ({
      %run_scoped3A = tpu.sem_alloc : memref<!tpu.dma_semaphore, #tpu.memory_space<semaphore_mem>>
      %dma_start3A = arith.constant 0 : i32
      %dma_start3A_14 = arith.constant 0 : i32
      %dma_start3A_15 = tpu.memref_slice %arg6[%add3A, %dma_start3A, %dma_start3A_14] : memref<32x75x128xi32, #tpu.memory_space<hbm>> -> memref<1x75x128xi32, #tpu.memory_space<hbm>>
      %dma_start3A_16 = tpu.memref_squeeze %dma_start3A_15 : memref<1x75x128xi32, #tpu.memory_space<hbm>> -> memref<75x128xi32, #tpu.memory_space<hbm>>
      %dma_start3A_17 = arith.constant 0 : i32
      %dma_start3A_18 = arith.constant 0 : i32
      %dma_start3A_19 = tpu.memref_slice %arg6[%add3A, %dma_start3A_17, %dma_start3A_18] : memref<32x75x128xi32, #tpu.memory_space<hbm>> -> memref<1x75x128xi32, #tpu.memory_space<hbm>>
      %dma_start3A_20 = tpu.memref_squeeze %dma_start3A_19 : memref<1x75x128xi32, #tpu.memory_space<hbm>> -> memref<75x128xi32, #tpu.memory_space<hbm>>
      tpu.enqueue_dma source(%arg12 : memref<75x128xi32, #tpu.memory_space<vmem>>) target(%dma_start3A_20 : memref<75x128xi32, #tpu.memory_space<hbm>>) target_semaphore(%run_scoped3A : memref<!tpu.dma_semaphore, #tpu.memory_space<semaphore_mem>>)
      %dma_wait3A = arith.constant 0 : i32
      %dma_wait3A_21 = arith.constant 0 : i32
      %dma_wait3A_22 = tpu.memref_slice %arg6[%add3A, %dma_wait3A, %dma_wait3A_21] : memref<32x75x128xi32, #tpu.memory_space<hbm>> -> memref<1x75x128xi32, #tpu.memory_space<hbm>>
      %dma_wait3A_23 = tpu.memref_squeeze %dma_wait3A_22 : memref<1x75x128xi32, #tpu.memory_space<hbm>> -> memref<75x128xi32, #tpu.memory_space<hbm>>
      %dma_wait3A_24 = arith.constant 0 : i32
      %dma_wait3A_25 = arith.constant 0 : i32
      %dma_wait3A_26 = tpu.memref_slice %arg6[%add3A, %dma_wait3A_24, %dma_wait3A_25] : memref<32x75x128xi32, #tpu.memory_space<hbm>> -> memref<1x75x128xi32, #tpu.memory_space<hbm>>
      %dma_wait3A_27 = tpu.memref_squeeze %dma_wait3A_26 : memref<1x75x128xi32, #tpu.memory_space<hbm>> -> memref<75x128xi32, #tpu.memory_space<hbm>>
      tpu.wait_dma2 semaphore(%run_scoped3A : memref<!tpu.dma_semaphore, #tpu.memory_space<semaphore_mem>>) src(%arg12 : memref<75x128xi32, #tpu.memory_space<vmem>>) dst(%dma_wait3A_27 : memref<75x128xi32, #tpu.memory_space<hbm>>)
      tpu.yield
    }) : () -> ()
    "tpu.region"() ({
      %run_scoped3A = tpu.sem_alloc : memref<!tpu.dma_semaphore, #tpu.memory_space<semaphore_mem>>
      %dma_start3A = arith.constant 0 : i32
      %dma_start3A_14 = arith.constant 0 : i32
      %dma_start3A_15 = tpu.memref_slice %arg7[%add3A, %dma_start3A, %dma_start3A_14] : memref<32x75x128xi32, #tpu.memory_space<hbm>> -> memref<1x75x128xi32, #tpu.memory_space<hbm>>
      %dma_start3A_16 = tpu.memref_squeeze %dma_start3A_15 : memref<1x75x128xi32, #tpu.memory_space<hbm>> -> memref<75x128xi32, #tpu.memory_space<hbm>>
      %dma_start3A_17 = arith.constant 0 : i32
      %dma_start3A_18 = arith.constant 0 : i32
      %dma_start3A_19 = tpu.memref_slice %arg7[%add3A, %dma_start3A_17, %dma_start3A_18] : memref<32x75x128xi32, #tpu.memory_space<hbm>> -> memref<1x75x128xi32, #tpu.memory_space<hbm>>
      %dma_start3A_20 = tpu.memref_squeeze %dma_start3A_19 : memref<1x75x128xi32, #tpu.memory_space<hbm>> -> memref<75x128xi32, #tpu.memory_space<hbm>>
      tpu.enqueue_dma source(%arg13 : memref<75x128xi32, #tpu.memory_space<vmem>>) target(%dma_start3A_20 : memref<75x128xi32, #tpu.memory_space<hbm>>) target_semaphore(%run_scoped3A : memref<!tpu.dma_semaphore, #tpu.memory_space<semaphore_mem>>)
      %dma_wait3A = arith.constant 0 : i32
      %dma_wait3A_21 = arith.constant 0 : i32
      %dma_wait3A_22 = tpu.memref_slice %arg7[%add3A, %dma_wait3A, %dma_wait3A_21] : memref<32x75x128xi32, #tpu.memory_space<hbm>> -> memref<1x75x128xi32, #tpu.memory_space<hbm>>
      %dma_wait3A_23 = tpu.memref_squeeze %dma_wait3A_22 : memref<1x75x128xi32, #tpu.memory_space<hbm>> -> memref<75x128xi32, #tpu.memory_space<hbm>>
      %dma_wait3A_24 = arith.constant 0 : i32
      %dma_wait3A_25 = arith.constant 0 : i32
      %dma_wait3A_26 = tpu.memref_slice %arg7[%add3A, %dma_wait3A_24, %dma_wait3A_25] : memref<32x75x128xi32, #tpu.memory_space<hbm>> -> memref<1x75x128xi32, #tpu.memory_space<hbm>>
      %dma_wait3A_27 = tpu.memref_squeeze %dma_wait3A_26 : memref<1x75x128xi32, #tpu.memory_space<hbm>> -> memref<75x128xi32, #tpu.memory_space<hbm>>
      tpu.wait_dma2 semaphore(%run_scoped3A : memref<!tpu.dma_semaphore, #tpu.memory_space<semaphore_mem>>) src(%arg13 : memref<75x128xi32, #tpu.memory_space<vmem>>) dst(%dma_wait3A_27 : memref<75x128xi32, #tpu.memory_space<hbm>>)
      tpu.yield
    }) : () -> ()
    return
  }
}

#map = affine_map<(d0, d1) -> (0, 0)>
#map1 = affine_map<(d0, d1) -> (0, 0, 0)>
module attributes {stable_mosaic.version = 14 : i64} {
  func.func @sc_gather_j1(%arg0: i32, %arg1: i32, %arg2: memref<50000x32xf32, #tpu.memory_space<hbm>>, %arg3: memref<32x150x128xi32, #tpu.memory_space<hbm>>, %arg4: memref<2x307200x32xf32, #tpu.memory_space<hbm>>, %arg5: memref<150x128xi32, #tpu.memory_space<vmem>>, %arg6: memref<2x640x32xf32, #tpu.memory_space<vmem>>, %arg7: memref<!tpu.dma_semaphore, #tpu.memory_space<semaphore_mem>>, %arg8: memref<!tpu.dma_semaphore, #tpu.memory_space<semaphore_mem>>) attributes {dimension_semantics = [#tpu.dimension_semantics<core_parallel>, #tpu.dimension_semantics<subcore_parallel>], iteration_bounds = array<i64: 2, 16>, scalar_prefetch = 0 : i64, scratch_operands = 4 : i64, tpu.core_type = #tpu.core_type<sc_vector_subcore>, window_params = [{transform_indices = #map}, {transform_indices = #map1}, {transform_indices = #map1}]} {
    %mul3A = arith.constant 2 : i32
    %mul3A_0 = arith.muli %arg1, %mul3A : i32
    %add3A = arith.addi %mul3A_0, %arg0 : i32
    "tpu.region"() ({
      %run_scoped3A = tpu.sem_alloc : memref<!tpu.dma_semaphore, #tpu.memory_space<semaphore_mem>>
      %dma_start3A = arith.constant 0 : i32
      %dma_start3A_53 = arith.constant 0 : i32
      %dma_start3A_54 = tpu.memref_slice %arg3[%add3A, %dma_start3A, %dma_start3A_53] : memref<32x150x128xi32, #tpu.memory_space<hbm>> -> memref<1x150x128xi32, #tpu.memory_space<hbm>>
      %dma_start3A_55 = tpu.memref_squeeze %dma_start3A_54 : memref<1x150x128xi32, #tpu.memory_space<hbm>> -> memref<150x128xi32, #tpu.memory_space<hbm>>
      %dma_start3A_56 = arith.constant 0 : i32
      %dma_start3A_57 = arith.constant 0 : i32
      %dma_start3A_58 = tpu.memref_slice %arg3[%add3A, %dma_start3A_56, %dma_start3A_57] : memref<32x150x128xi32, #tpu.memory_space<hbm>> -> memref<1x150x128xi32, #tpu.memory_space<hbm>>
      %dma_start3A_59 = tpu.memref_squeeze %dma_start3A_58 : memref<1x150x128xi32, #tpu.memory_space<hbm>> -> memref<150x128xi32, #tpu.memory_space<hbm>>
      tpu.enqueue_dma source(%dma_start3A_59 : memref<150x128xi32, #tpu.memory_space<hbm>>) target(%arg5 : memref<150x128xi32, #tpu.memory_space<vmem>>) target_semaphore(%run_scoped3A : memref<!tpu.dma_semaphore, #tpu.memory_space<semaphore_mem>>)
      %dma_wait3A_60 = arith.constant 0 : i32
      %dma_wait3A_61 = arith.constant 0 : i32
      %dma_wait3A_62 = tpu.memref_slice %arg3[%add3A, %dma_wait3A_60, %dma_wait3A_61] : memref<32x150x128xi32, #tpu.memory_space<hbm>> -> memref<1x150x128xi32, #tpu.memory_space<hbm>>
      %dma_wait3A_63 = tpu.memref_squeeze %dma_wait3A_62 : memref<1x150x128xi32, #tpu.memory_space<hbm>> -> memref<150x128xi32, #tpu.memory_space<hbm>>
      %dma_wait3A_64 = arith.constant 0 : i32
      %dma_wait3A_65 = arith.constant 0 : i32
      %dma_wait3A_66 = tpu.memref_slice %arg3[%add3A, %dma_wait3A_64, %dma_wait3A_65] : memref<32x150x128xi32, #tpu.memory_space<hbm>> -> memref<1x150x128xi32, #tpu.memory_space<hbm>>
      %dma_wait3A_67 = tpu.memref_squeeze %dma_wait3A_66 : memref<1x150x128xi32, #tpu.memory_space<hbm>> -> memref<150x128xi32, #tpu.memory_space<hbm>>
      tpu.wait_dma2 semaphore(%run_scoped3A : memref<!tpu.dma_semaphore, #tpu.memory_space<semaphore_mem>>) src(%dma_wait3A_67 : memref<150x128xi32, #tpu.memory_space<hbm>>) dst(%arg5 : memref<150x128xi32, #tpu.memory_space<vmem>>)
      tpu.yield
    }) : () -> ()
    %scan3A = arith.constant 0 : i32
    %scan3A_1 = arith.constant 0 : i32
    %scan3A_2 = arith.constant 30 : i32
    %scan3A_3 = arith.addi %scan3A_1, %scan3A_2 : i32
    %scan3A_4 = arith.constant 1 : i32
    scf.for %scan3A_53 = %scan3A_1 to %scan3A_3 step %scan3A_4  : i32 {
      %jit3A = arith.constant 2 : i32
      %eq3A = arith.constant 0 : i32
      %eq3A_54 = arith.cmpi eq, %jit3A, %eq3A : i32
      %jit3A_55 = arith.constant 1 : i32
      %select_n3A = arith.select %eq3A_54, %jit3A_55, %jit3A : i32
      %rem3A = arith.remsi %scan3A_53, %select_n3A : i32
      %ne3A = arith.constant 0 : i32
      %ne3A_56 = arith.cmpi ne, %rem3A, %ne3A : i32
      %lt3A = arith.constant 0 : i32
      %lt3A_57 = arith.cmpi slt, %rem3A, %lt3A : i32
      %lt3A_58 = arith.constant 0 : i32
      %lt3A_59 = arith.cmpi slt, %select_n3A, %lt3A_58 : i32
      %ne3A_60 = arith.xori %lt3A_57, %lt3A_59 : i1
      %and3A = arith.andi %ne3A_60, %ne3A_56 : i1
      %add3A_61 = arith.addi %rem3A, %select_n3A : i32
      %select_n3A_62 = arith.select %and3A, %add3A_61, %rem3A : i32
      %ge3A = arith.constant 2 : i32
      %ge3A_63 = arith.cmpi sge, %scan3A_53, %ge3A : i32
      %convert_element_type3A = arith.extui %ge3A_63 : i1 to i32
      %cond3A = arith.constant 0 : i32
      %cond3A_64 = arith.cmpi ne, %convert_element_type3A, %cond3A : i32
      scf.if %cond3A_64 {
        %dma_wait3A_290 = arith.constant 0 : i32
        %dma_wait3A_291 = arith.constant 0 : i32
        %dma_wait3A_292 = arith.constant 0 : i32
        %dma_wait3A_293 = arith.constant 0 : i32
        %dma_wait3A_294 = tpu.memref_slice %arg6[%dma_wait3A_290, %dma_wait3A_292, %dma_wait3A_293] : memref<2x640x32xf32, #tpu.memory_space<vmem>> -> memref<1x640x32xf32, #tpu.memory_space<vmem>>
        %dma_wait3A_295 = tpu.memref_squeeze %dma_wait3A_294 : memref<1x640x32xf32, #tpu.memory_space<vmem>> -> memref<640x32xf32, #tpu.memory_space<vmem>>
        %dma_wait3A_296 = arith.constant 0 : i32
        %dma_wait3A_297 = arith.constant 0 : i32
        %dma_wait3A_298 = tpu.memref_slice %arg4[%dma_wait3A_291, %dma_wait3A_296, %dma_wait3A_297] : memref<2x307200x32xf32, #tpu.memory_space<hbm>> -> memref<1x307200x32xf32, #tpu.memory_space<hbm>>
        %dma_wait3A_299 = tpu.memref_squeeze %dma_wait3A_298 : memref<1x307200x32xf32, #tpu.memory_space<hbm>> -> memref<307200x32xf32, #tpu.memory_space<hbm>>
        %dma_wait3A_300 = arith.constant 0 : i32
        %dma_wait3A_301 = arith.constant 0 : i32
        %dma_wait3A_302 = tpu.memref_slice %dma_wait3A_299[%dma_wait3A_300, %dma_wait3A_301] : memref<307200x32xf32, #tpu.memory_space<hbm>> -> memref<640x32xf32, #tpu.memory_space<hbm>>
        %dma_wait3A_303 = arith.constant 0 : i32
        %dma_wait3A_304 = arith.constant 0 : i32
        %dma_wait3A_305 = tpu.memref_slice %arg4[%dma_wait3A_291, %dma_wait3A_303, %dma_wait3A_304] : memref<2x307200x32xf32, #tpu.memory_space<hbm>> -> memref<1x307200x32xf32, #tpu.memory_space<hbm>>
        %dma_wait3A_306 = tpu.memref_squeeze %dma_wait3A_305 : memref<1x307200x32xf32, #tpu.memory_space<hbm>> -> memref<307200x32xf32, #tpu.memory_space<hbm>>
        %dma_wait3A_307 = arith.constant 0 : i32
        %dma_wait3A_308 = arith.constant 0 : i32
        %dma_wait3A_309 = tpu.memref_slice %dma_wait3A_306[%dma_wait3A_307, %dma_wait3A_308] : memref<307200x32xf32, #tpu.memory_space<hbm>> -> memref<640x32xf32, #tpu.memory_space<hbm>>
        %dma_wait3A_310 = arith.constant 0 : i32
        %dma_wait3A_311 = arith.constant 0 : i32
        %dma_wait3A_312 = tpu.memref_slice %arg6[%dma_wait3A_290, %dma_wait3A_310, %dma_wait3A_311] : memref<2x640x32xf32, #tpu.memory_space<vmem>> -> memref<1x640x32xf32, #tpu.memory_space<vmem>>
        %dma_wait3A_313 = tpu.memref_squeeze %dma_wait3A_312 : memref<1x640x32xf32, #tpu.memory_space<vmem>> -> memref<640x32xf32, #tpu.memory_space<vmem>>
        tpu.wait_dma2 semaphore(%arg8 : memref<!tpu.dma_semaphore, #tpu.memory_space<semaphore_mem>>) src(%dma_wait3A_313 : memref<640x32xf32, #tpu.memory_space<vmem>>) dst(%dma_wait3A_309 : memref<640x32xf32, #tpu.memory_space<hbm>>)
      } else {
      }
      %jit3A_65 = arith.constant 15 : i32
      %div3A = arith.divsi %scan3A_53, %jit3A_65 : i32
      %sign3A = arith.constant 0 : i32
      %sign3A_66 = arith.cmpi sgt, %scan3A_53, %sign3A : i32
      %sign3A_67 = arith.extui %sign3A_66 : i1 to i32
      %sign3A_68 = arith.constant 0 : i32
      %sign3A_69 = arith.cmpi slt, %scan3A_53, %sign3A_68 : i32
      %sign3A_70 = arith.extui %sign3A_69 : i1 to i32
      %sign3A_71 = arith.subi %sign3A_67, %sign3A_70 : i32
      %sign3A_72 = arith.constant 0 : i32
      %sign3A_73 = arith.cmpi sgt, %jit3A_65, %sign3A_72 : i32
      %sign3A_74 = arith.extui %sign3A_73 : i1 to i32
      %sign3A_75 = arith.constant 0 : i32
      %sign3A_76 = arith.cmpi slt, %jit3A_65, %sign3A_75 : i32
      %sign3A_77 = arith.extui %sign3A_76 : i1 to i32
      %sign3A_78 = arith.subi %sign3A_74, %sign3A_77 : i32
      %ne3A_79 = arith.cmpi ne, %sign3A_71, %sign3A_78 : i32
      %rem3A_80 = arith.remsi %scan3A_53, %jit3A_65 : i32
      %ne3A_81 = arith.constant 0 : i32
      %ne3A_82 = arith.cmpi ne, %rem3A_80, %ne3A_81 : i32
      %and3A_83 = arith.andi %ne3A_79, %ne3A_82 : i1
      %sub3A = arith.constant 1 : i32
      %sub3A_84 = arith.subi %div3A, %sub3A : i32
      %select_n3A_85 = arith.select %and3A_83, %sub3A_84, %div3A : i32
      %mul3A_86 = arith.constant 15 : i32
      %mul3A_87 = arith.muli %select_n3A_85, %mul3A_86 : i32
      %sub3A_88 = arith.subi %scan3A_53, %mul3A_87 : i32
      %mul3A_89 = arith.constant 75 : i32
      %mul3A_90 = arith.muli %select_n3A_85, %mul3A_89 : i32
      %mul3A_91 = arith.constant 5 : i32
      %mul3A_92 = arith.muli %sub3A_88, %mul3A_91 : i32
      %add3A_93 = arith.addi %mul3A_90, %mul3A_92 : i32
      %add3A_94 = arith.constant 0 : i32
      %add3A_95 = arith.addi %add3A_93, %add3A_94 : i32
      %dma_start3A = arith.constant 0 : i32
      %dma_start3A_96 = arith.constant 0 : i32
      %dma_start3A_97 = tpu.memref_slice %arg6[%select_n3A_62, %dma_start3A, %dma_start3A_96] : memref<2x640x32xf32, #tpu.memory_space<vmem>> -> memref<1x640x32xf32, #tpu.memory_space<vmem>>
      %dma_start3A_98 = tpu.memref_squeeze %dma_start3A_97 : memref<1x640x32xf32, #tpu.memory_space<vmem>> -> memref<640x32xf32, #tpu.memory_space<vmem>>
      %dma_start3A_99 = arith.constant 0 : i32
      %dma_start3A_100 = arith.constant 0 : i32
      %dma_start3A_101 = tpu.memref_slice %dma_start3A_98[%dma_start3A_99, %dma_start3A_100] : memref<640x32xf32, #tpu.memory_space<vmem>> -> memref<128x32xf32, #tpu.memory_space<vmem>>
      %dma_start3A_102 = arith.constant 0 : i32
      %dma_start3A_103 = tpu.memref_slice %arg5[%add3A_95, %dma_start3A_102] : memref<150x128xi32, #tpu.memory_space<vmem>> -> memref<1x128xi32, #tpu.memory_space<vmem>>
      %dma_start3A_104 = tpu.memref_squeeze %dma_start3A_103 : memref<1x128xi32, #tpu.memory_space<vmem>> -> memref<128xi32, #tpu.memory_space<vmem>>
      %dma_start3A_105 = arith.constant 0 : i32
      %dma_start3A_106 = arith.constant 0 : i32
      %dma_start3A_107 = tpu.memref_slice %arg2[%dma_start3A_105, %dma_start3A_106] : memref<50000x32xf32, #tpu.memory_space<hbm>> -> memref<50000x32xf32, #tpu.memory_space<hbm>>
      tpu.enqueue_indirect_dma source(%dma_start3A_107 : memref<50000x32xf32, #tpu.memory_space<hbm>>) target(%dma_start3A_101 : memref<128x32xf32, #tpu.memory_space<vmem>>) offsets(%dma_start3A_104 : memref<128xi32, #tpu.memory_space<vmem>>) semaphore(%arg7 : memref<!tpu.dma_semaphore, #tpu.memory_space<semaphore_mem>>)
      %mul3A_108 = arith.constant 75 : i32
      %mul3A_109 = arith.muli %select_n3A_85, %mul3A_108 : i32
      %mul3A_110 = arith.constant 5 : i32
      %mul3A_111 = arith.muli %sub3A_88, %mul3A_110 : i32
      %add3A_112 = arith.addi %mul3A_109, %mul3A_111 : i32
      %add3A_113 = arith.constant 1 : i32
      %add3A_114 = arith.addi %add3A_112, %add3A_113 : i32
      %dma_start3A_115 = arith.constant 0 : i32
      %dma_start3A_116 = arith.constant 0 : i32
      %dma_start3A_117 = tpu.memref_slice %arg6[%select_n3A_62, %dma_start3A_115, %dma_start3A_116] : memref<2x640x32xf32, #tpu.memory_space<vmem>> -> memref<1x640x32xf32, #tpu.memory_space<vmem>>
      %dma_start3A_118 = tpu.memref_squeeze %dma_start3A_117 : memref<1x640x32xf32, #tpu.memory_space<vmem>> -> memref<640x32xf32, #tpu.memory_space<vmem>>
      %dma_start3A_119 = arith.constant 128 : i32
      %dma_start3A_120 = arith.constant 0 : i32
      %dma_start3A_121 = tpu.memref_slice %dma_start3A_118[%dma_start3A_119, %dma_start3A_120] : memref<640x32xf32, #tpu.memory_space<vmem>> -> memref<128x32xf32, #tpu.memory_space<vmem>>
      %dma_start3A_122 = arith.constant 0 : i32
      %dma_start3A_123 = tpu.memref_slice %arg5[%add3A_114, %dma_start3A_122] : memref<150x128xi32, #tpu.memory_space<vmem>> -> memref<1x128xi32, #tpu.memory_space<vmem>>
      %dma_start3A_124 = tpu.memref_squeeze %dma_start3A_123 : memref<1x128xi32, #tpu.memory_space<vmem>> -> memref<128xi32, #tpu.memory_space<vmem>>
      %dma_start3A_125 = arith.constant 0 : i32
      %dma_start3A_126 = arith.constant 0 : i32
      %dma_start3A_127 = tpu.memref_slice %arg2[%dma_start3A_125, %dma_start3A_126] : memref<50000x32xf32, #tpu.memory_space<hbm>> -> memref<50000x32xf32, #tpu.memory_space<hbm>>
      tpu.enqueue_indirect_dma source(%dma_start3A_127 : memref<50000x32xf32, #tpu.memory_space<hbm>>) target(%dma_start3A_121 : memref<128x32xf32, #tpu.memory_space<vmem>>) offsets(%dma_start3A_124 : memref<128xi32, #tpu.memory_space<vmem>>) semaphore(%arg7 : memref<!tpu.dma_semaphore, #tpu.memory_space<semaphore_mem>>)
      %mul3A_128 = arith.constant 75 : i32
      %mul3A_129 = arith.muli %select_n3A_85, %mul3A_128 : i32
      %mul3A_130 = arith.constant 5 : i32
      %mul3A_131 = arith.muli %sub3A_88, %mul3A_130 : i32
      %add3A_132 = arith.addi %mul3A_129, %mul3A_131 : i32
      %add3A_133 = arith.constant 2 : i32
      %add3A_134 = arith.addi %add3A_132, %add3A_133 : i32
      %dma_start3A_135 = arith.constant 0 : i32
      %dma_start3A_136 = arith.constant 0 : i32
      %dma_start3A_137 = tpu.memref_slice %arg6[%select_n3A_62, %dma_start3A_135, %dma_start3A_136] : memref<2x640x32xf32, #tpu.memory_space<vmem>> -> memref<1x640x32xf32, #tpu.memory_space<vmem>>
      %dma_start3A_138 = tpu.memref_squeeze %dma_start3A_137 : memref<1x640x32xf32, #tpu.memory_space<vmem>> -> memref<640x32xf32, #tpu.memory_space<vmem>>
      %dma_start3A_139 = arith.constant 256 : i32
      %dma_start3A_140 = arith.constant 0 : i32
      %dma_start3A_141 = tpu.memref_slice %dma_start3A_138[%dma_start3A_139, %dma_start3A_140] : memref<640x32xf32, #tpu.memory_space<vmem>> -> memref<128x32xf32, #tpu.memory_space<vmem>>
      %dma_start3A_142 = arith.constant 0 : i32
      %dma_start3A_143 = tpu.memref_slice %arg5[%add3A_134, %dma_start3A_142] : memref<150x128xi32, #tpu.memory_space<vmem>> -> memref<1x128xi32, #tpu.memory_space<vmem>>
      %dma_start3A_144 = tpu.memref_squeeze %dma_start3A_143 : memref<1x128xi32, #tpu.memory_space<vmem>> -> memref<128xi32, #tpu.memory_space<vmem>>
      %dma_start3A_145 = arith.constant 0 : i32
      %dma_start3A_146 = arith.constant 0 : i32
      %dma_start3A_147 = tpu.memref_slice %arg2[%dma_start3A_145, %dma_start3A_146] : memref<50000x32xf32, #tpu.memory_space<hbm>> -> memref<50000x32xf32, #tpu.memory_space<hbm>>
      tpu.enqueue_indirect_dma source(%dma_start3A_147 : memref<50000x32xf32, #tpu.memory_space<hbm>>) target(%dma_start3A_141 : memref<128x32xf32, #tpu.memory_space<vmem>>) offsets(%dma_start3A_144 : memref<128xi32, #tpu.memory_space<vmem>>) semaphore(%arg7 : memref<!tpu.dma_semaphore, #tpu.memory_space<semaphore_mem>>)
      %mul3A_148 = arith.constant 75 : i32
      %mul3A_149 = arith.muli %select_n3A_85, %mul3A_148 : i32
      %mul3A_150 = arith.constant 5 : i32
      %mul3A_151 = arith.muli %sub3A_88, %mul3A_150 : i32
      %add3A_152 = arith.addi %mul3A_149, %mul3A_151 : i32
      %add3A_153 = arith.constant 3 : i32
      %add3A_154 = arith.addi %add3A_152, %add3A_153 : i32
      %dma_start3A_155 = arith.constant 0 : i32
      %dma_start3A_156 = arith.constant 0 : i32
      %dma_start3A_157 = tpu.memref_slice %arg6[%select_n3A_62, %dma_start3A_155, %dma_start3A_156] : memref<2x640x32xf32, #tpu.memory_space<vmem>> -> memref<1x640x32xf32, #tpu.memory_space<vmem>>
      %dma_start3A_158 = tpu.memref_squeeze %dma_start3A_157 : memref<1x640x32xf32, #tpu.memory_space<vmem>> -> memref<640x32xf32, #tpu.memory_space<vmem>>
      %dma_start3A_159 = arith.constant 384 : i32
      %dma_start3A_160 = arith.constant 0 : i32
      %dma_start3A_161 = tpu.memref_slice %dma_start3A_158[%dma_start3A_159, %dma_start3A_160] : memref<640x32xf32, #tpu.memory_space<vmem>> -> memref<128x32xf32, #tpu.memory_space<vmem>>
      %dma_start3A_162 = arith.constant 0 : i32
      %dma_start3A_163 = tpu.memref_slice %arg5[%add3A_154, %dma_start3A_162] : memref<150x128xi32, #tpu.memory_space<vmem>> -> memref<1x128xi32, #tpu.memory_space<vmem>>
      %dma_start3A_164 = tpu.memref_squeeze %dma_start3A_163 : memref<1x128xi32, #tpu.memory_space<vmem>> -> memref<128xi32, #tpu.memory_space<vmem>>
      %dma_start3A_165 = arith.constant 0 : i32
      %dma_start3A_166 = arith.constant 0 : i32
      %dma_start3A_167 = tpu.memref_slice %arg2[%dma_start3A_165, %dma_start3A_166] : memref<50000x32xf32, #tpu.memory_space<hbm>> -> memref<50000x32xf32, #tpu.memory_space<hbm>>
      tpu.enqueue_indirect_dma source(%dma_start3A_167 : memref<50000x32xf32, #tpu.memory_space<hbm>>) target(%dma_start3A_161 : memref<128x32xf32, #tpu.memory_space<vmem>>) offsets(%dma_start3A_164 : memref<128xi32, #tpu.memory_space<vmem>>) semaphore(%arg7 : memref<!tpu.dma_semaphore, #tpu.memory_space<semaphore_mem>>)
      %mul3A_168 = arith.constant 75 : i32
      %mul3A_169 = arith.muli %select_n3A_85, %mul3A_168 : i32
      %mul3A_170 = arith.constant 5 : i32
      %mul3A_171 = arith.muli %sub3A_88, %mul3A_170 : i32
      %add3A_172 = arith.addi %mul3A_169, %mul3A_171 : i32
      %add3A_173 = arith.constant 4 : i32
      %add3A_174 = arith.addi %add3A_172, %add3A_173 : i32
      %dma_start3A_175 = arith.constant 0 : i32
      %dma_start3A_176 = arith.constant 0 : i32
      %dma_start3A_177 = tpu.memref_slice %arg6[%select_n3A_62, %dma_start3A_175, %dma_start3A_176] : memref<2x640x32xf32, #tpu.memory_space<vmem>> -> memref<1x640x32xf32, #tpu.memory_space<vmem>>
      %dma_start3A_178 = tpu.memref_squeeze %dma_start3A_177 : memref<1x640x32xf32, #tpu.memory_space<vmem>> -> memref<640x32xf32, #tpu.memory_space<vmem>>
      %dma_start3A_179 = arith.constant 512 : i32
      %dma_start3A_180 = arith.constant 0 : i32
      %dma_start3A_181 = tpu.memref_slice %dma_start3A_178[%dma_start3A_179, %dma_start3A_180] : memref<640x32xf32, #tpu.memory_space<vmem>> -> memref<128x32xf32, #tpu.memory_space<vmem>>
      %dma_start3A_182 = arith.constant 0 : i32
      %dma_start3A_183 = tpu.memref_slice %arg5[%add3A_174, %dma_start3A_182] : memref<150x128xi32, #tpu.memory_space<vmem>> -> memref<1x128xi32, #tpu.memory_space<vmem>>
      %dma_start3A_184 = tpu.memref_squeeze %dma_start3A_183 : memref<1x128xi32, #tpu.memory_space<vmem>> -> memref<128xi32, #tpu.memory_space<vmem>>
      %dma_start3A_185 = arith.constant 0 : i32
      %dma_start3A_186 = arith.constant 0 : i32
      %dma_start3A_187 = tpu.memref_slice %arg2[%dma_start3A_185, %dma_start3A_186] : memref<50000x32xf32, #tpu.memory_space<hbm>> -> memref<50000x32xf32, #tpu.memory_space<hbm>>
      tpu.enqueue_indirect_dma source(%dma_start3A_187 : memref<50000x32xf32, #tpu.memory_space<hbm>>) target(%dma_start3A_181 : memref<128x32xf32, #tpu.memory_space<vmem>>) offsets(%dma_start3A_184 : memref<128xi32, #tpu.memory_space<vmem>>) semaphore(%arg7 : memref<!tpu.dma_semaphore, #tpu.memory_space<semaphore_mem>>)
      %dma_wait3A_188 = arith.constant 0 : i32
      %dma_wait3A_189 = arith.constant 0 : i32
      %dma_wait3A_190 = arith.constant 0 : i32
      %dma_wait3A_191 = arith.constant 0 : i32
      %dma_wait3A_192 = tpu.memref_slice %arg6[%dma_wait3A_189, %dma_wait3A_190, %dma_wait3A_191] : memref<2x640x32xf32, #tpu.memory_space<vmem>> -> memref<1x640x32xf32, #tpu.memory_space<vmem>>
      %dma_wait3A_193 = tpu.memref_squeeze %dma_wait3A_192 : memref<1x640x32xf32, #tpu.memory_space<vmem>> -> memref<640x32xf32, #tpu.memory_space<vmem>>
      %dma_wait3A_194 = arith.constant 0 : i32
      %dma_wait3A_195 = arith.constant 0 : i32
      %dma_wait3A_196 = tpu.memref_slice %dma_wait3A_193[%dma_wait3A_194, %dma_wait3A_195] : memref<640x32xf32, #tpu.memory_space<vmem>> -> memref<128x32xf32, #tpu.memory_space<vmem>>
      %dma_wait3A_197 = arith.constant 0 : i32
      %dma_wait3A_198 = tpu.memref_slice %arg5[%dma_wait3A_188, %dma_wait3A_197] : memref<150x128xi32, #tpu.memory_space<vmem>> -> memref<1x128xi32, #tpu.memory_space<vmem>>
      %dma_wait3A_199 = tpu.memref_squeeze %dma_wait3A_198 : memref<1x128xi32, #tpu.memory_space<vmem>> -> memref<128xi32, #tpu.memory_space<vmem>>
      %dma_wait3A_200 = arith.constant 0 : i32
      %dma_wait3A_201 = arith.constant 0 : i32
      %dma_wait3A_202 = tpu.memref_slice %arg2[%dma_wait3A_200, %dma_wait3A_201] : memref<50000x32xf32, #tpu.memory_space<hbm>> -> memref<50000x32xf32, #tpu.memory_space<hbm>>
      tpu.wait_indirect_dma semaphore(%arg7 : memref<!tpu.dma_semaphore, #tpu.memory_space<semaphore_mem>>) src(%dma_wait3A_202 : memref<50000x32xf32, #tpu.memory_space<hbm>>) dst(%dma_wait3A_196 : memref<128x32xf32, #tpu.memory_space<vmem>>)
      %dma_wait3A_203 = arith.constant 0 : i32
      %dma_wait3A_204 = arith.constant 0 : i32
      %dma_wait3A_205 = arith.constant 0 : i32
      %dma_wait3A_206 = arith.constant 0 : i32
      %dma_wait3A_207 = tpu.memref_slice %arg6[%dma_wait3A_204, %dma_wait3A_205, %dma_wait3A_206] : memref<2x640x32xf32, #tpu.memory_space<vmem>> -> memref<1x640x32xf32, #tpu.memory_space<vmem>>
      %dma_wait3A_208 = tpu.memref_squeeze %dma_wait3A_207 : memref<1x640x32xf32, #tpu.memory_space<vmem>> -> memref<640x32xf32, #tpu.memory_space<vmem>>
      %dma_wait3A_209 = arith.constant 0 : i32
      %dma_wait3A_210 = arith.constant 0 : i32
      %dma_wait3A_211 = tpu.memref_slice %dma_wait3A_208[%dma_wait3A_209, %dma_wait3A_210] : memref<640x32xf32, #tpu.memory_space<vmem>> -> memref<128x32xf32, #tpu.memory_space<vmem>>
      %dma_wait3A_212 = arith.constant 0 : i32
      %dma_wait3A_213 = tpu.memref_slice %arg5[%dma_wait3A_203, %dma_wait3A_212] : memref<150x128xi32, #tpu.memory_space<vmem>> -> memref<1x128xi32, #tpu.memory_space<vmem>>
      %dma_wait3A_214 = tpu.memref_squeeze %dma_wait3A_213 : memref<1x128xi32, #tpu.memory_space<vmem>> -> memref<128xi32, #tpu.memory_space<vmem>>
      %dma_wait3A_215 = arith.constant 0 : i32
      %dma_wait3A_216 = arith.constant 0 : i32
      %dma_wait3A_217 = tpu.memref_slice %arg2[%dma_wait3A_215, %dma_wait3A_216] : memref<50000x32xf32, #tpu.memory_space<hbm>> -> memref<50000x32xf32, #tpu.memory_space<hbm>>
      tpu.wait_indirect_dma semaphore(%arg7 : memref<!tpu.dma_semaphore, #tpu.memory_space<semaphore_mem>>) src(%dma_wait3A_217 : memref<50000x32xf32, #tpu.memory_space<hbm>>) dst(%dma_wait3A_211 : memref<128x32xf32, #tpu.memory_space<vmem>>)
      %dma_wait3A_218 = arith.constant 0 : i32
      %dma_wait3A_219 = arith.constant 0 : i32
      %dma_wait3A_220 = arith.constant 0 : i32
      %dma_wait3A_221 = arith.constant 0 : i32
      %dma_wait3A_222 = tpu.memref_slice %arg6[%dma_wait3A_219, %dma_wait3A_220, %dma_wait3A_221] : memref<2x640x32xf32, #tpu.memory_space<vmem>> -> memref<1x640x32xf32, #tpu.memory_space<vmem>>
      %dma_wait3A_223 = tpu.memref_squeeze %dma_wait3A_222 : memref<1x640x32xf32, #tpu.memory_space<vmem>> -> memref<640x32xf32, #tpu.memory_space<vmem>>
      %dma_wait3A_224 = arith.constant 0 : i32
      %dma_wait3A_225 = arith.constant 0 : i32
      %dma_wait3A_226 = tpu.memref_slice %dma_wait3A_223[%dma_wait3A_224, %dma_wait3A_225] : memref<640x32xf32, #tpu.memory_space<vmem>> -> memref<128x32xf32, #tpu.memory_space<vmem>>
      %dma_wait3A_227 = arith.constant 0 : i32
      %dma_wait3A_228 = tpu.memref_slice %arg5[%dma_wait3A_218, %dma_wait3A_227] : memref<150x128xi32, #tpu.memory_space<vmem>> -> memref<1x128xi32, #tpu.memory_space<vmem>>
      %dma_wait3A_229 = tpu.memref_squeeze %dma_wait3A_228 : memref<1x128xi32, #tpu.memory_space<vmem>> -> memref<128xi32, #tpu.memory_space<vmem>>
      %dma_wait3A_230 = arith.constant 0 : i32
      %dma_wait3A_231 = arith.constant 0 : i32
      %dma_wait3A_232 = tpu.memref_slice %arg2[%dma_wait3A_230, %dma_wait3A_231] : memref<50000x32xf32, #tpu.memory_space<hbm>> -> memref<50000x32xf32, #tpu.memory_space<hbm>>
      tpu.wait_indirect_dma semaphore(%arg7 : memref<!tpu.dma_semaphore, #tpu.memory_space<semaphore_mem>>) src(%dma_wait3A_232 : memref<50000x32xf32, #tpu.memory_space<hbm>>) dst(%dma_wait3A_226 : memref<128x32xf32, #tpu.memory_space<vmem>>)
      %dma_wait3A_233 = arith.constant 0 : i32
      %dma_wait3A_234 = arith.constant 0 : i32
      %dma_wait3A_235 = arith.constant 0 : i32
      %dma_wait3A_236 = arith.constant 0 : i32
      %dma_wait3A_237 = tpu.memref_slice %arg6[%dma_wait3A_234, %dma_wait3A_235, %dma_wait3A_236] : memref<2x640x32xf32, #tpu.memory_space<vmem>> -> memref<1x640x32xf32, #tpu.memory_space<vmem>>
      %dma_wait3A_238 = tpu.memref_squeeze %dma_wait3A_237 : memref<1x640x32xf32, #tpu.memory_space<vmem>> -> memref<640x32xf32, #tpu.memory_space<vmem>>
      %dma_wait3A_239 = arith.constant 0 : i32
      %dma_wait3A_240 = arith.constant 0 : i32
      %dma_wait3A_241 = tpu.memref_slice %dma_wait3A_238[%dma_wait3A_239, %dma_wait3A_240] : memref<640x32xf32, #tpu.memory_space<vmem>> -> memref<128x32xf32, #tpu.memory_space<vmem>>
      %dma_wait3A_242 = arith.constant 0 : i32
      %dma_wait3A_243 = tpu.memref_slice %arg5[%dma_wait3A_233, %dma_wait3A_242] : memref<150x128xi32, #tpu.memory_space<vmem>> -> memref<1x128xi32, #tpu.memory_space<vmem>>
      %dma_wait3A_244 = tpu.memref_squeeze %dma_wait3A_243 : memref<1x128xi32, #tpu.memory_space<vmem>> -> memref<128xi32, #tpu.memory_space<vmem>>
      %dma_wait3A_245 = arith.constant 0 : i32
      %dma_wait3A_246 = arith.constant 0 : i32
      %dma_wait3A_247 = tpu.memref_slice %arg2[%dma_wait3A_245, %dma_wait3A_246] : memref<50000x32xf32, #tpu.memory_space<hbm>> -> memref<50000x32xf32, #tpu.memory_space<hbm>>
      tpu.wait_indirect_dma semaphore(%arg7 : memref<!tpu.dma_semaphore, #tpu.memory_space<semaphore_mem>>) src(%dma_wait3A_247 : memref<50000x32xf32, #tpu.memory_space<hbm>>) dst(%dma_wait3A_241 : memref<128x32xf32, #tpu.memory_space<vmem>>)
      %dma_wait3A_248 = arith.constant 0 : i32
      %dma_wait3A_249 = arith.constant 0 : i32
      %dma_wait3A_250 = arith.constant 0 : i32
      %dma_wait3A_251 = arith.constant 0 : i32
      %dma_wait3A_252 = tpu.memref_slice %arg6[%dma_wait3A_249, %dma_wait3A_250, %dma_wait3A_251] : memref<2x640x32xf32, #tpu.memory_space<vmem>> -> memref<1x640x32xf32, #tpu.memory_space<vmem>>
      %dma_wait3A_253 = tpu.memref_squeeze %dma_wait3A_252 : memref<1x640x32xf32, #tpu.memory_space<vmem>> -> memref<640x32xf32, #tpu.memory_space<vmem>>
      %dma_wait3A_254 = arith.constant 0 : i32
      %dma_wait3A_255 = arith.constant 0 : i32
      %dma_wait3A_256 = tpu.memref_slice %dma_wait3A_253[%dma_wait3A_254, %dma_wait3A_255] : memref<640x32xf32, #tpu.memory_space<vmem>> -> memref<128x32xf32, #tpu.memory_space<vmem>>
      %dma_wait3A_257 = arith.constant 0 : i32
      %dma_wait3A_258 = tpu.memref_slice %arg5[%dma_wait3A_248, %dma_wait3A_257] : memref<150x128xi32, #tpu.memory_space<vmem>> -> memref<1x128xi32, #tpu.memory_space<vmem>>
      %dma_wait3A_259 = tpu.memref_squeeze %dma_wait3A_258 : memref<1x128xi32, #tpu.memory_space<vmem>> -> memref<128xi32, #tpu.memory_space<vmem>>
      %dma_wait3A_260 = arith.constant 0 : i32
      %dma_wait3A_261 = arith.constant 0 : i32
      %dma_wait3A_262 = tpu.memref_slice %arg2[%dma_wait3A_260, %dma_wait3A_261] : memref<50000x32xf32, #tpu.memory_space<hbm>> -> memref<50000x32xf32, #tpu.memory_space<hbm>>
      tpu.wait_indirect_dma semaphore(%arg7 : memref<!tpu.dma_semaphore, #tpu.memory_space<semaphore_mem>>) src(%dma_wait3A_262 : memref<50000x32xf32, #tpu.memory_space<hbm>>) dst(%dma_wait3A_256 : memref<128x32xf32, #tpu.memory_space<vmem>>)
      %mul3A_263 = arith.constant 75 : i32
      %mul3A_264 = arith.muli %add3A, %mul3A_263 : i32
      %mul3A_265 = arith.constant 5 : i32
      %mul3A_266 = arith.muli %sub3A_88, %mul3A_265 : i32
      %add3A_267 = arith.addi %mul3A_264, %mul3A_266 : i32
      %mul3A_268 = arith.constant 128 : i32
      %mul3A_269 = arith.muli %add3A_267, %mul3A_268 : i32
      %dma_start3A_270 = arith.constant 0 : i32
      %dma_start3A_271 = arith.constant 0 : i32
      %dma_start3A_272 = tpu.memref_slice %arg6[%select_n3A_62, %dma_start3A_270, %dma_start3A_271] : memref<2x640x32xf32, #tpu.memory_space<vmem>> -> memref<1x640x32xf32, #tpu.memory_space<vmem>>
      %dma_start3A_273 = tpu.memref_squeeze %dma_start3A_272 : memref<1x640x32xf32, #tpu.memory_space<vmem>> -> memref<640x32xf32, #tpu.memory_space<vmem>>
      %dma_start3A_274 = arith.constant 0 : i32
      %dma_start3A_275 = arith.constant 0 : i32
      %dma_start3A_276 = tpu.memref_slice %arg4[%select_n3A_85, %dma_start3A_274, %dma_start3A_275] : memref<2x307200x32xf32, #tpu.memory_space<hbm>> -> memref<1x307200x32xf32, #tpu.memory_space<hbm>>
      %dma_start3A_277 = tpu.memref_squeeze %dma_start3A_276 : memref<1x307200x32xf32, #tpu.memory_space<hbm>> -> memref<307200x32xf32, #tpu.memory_space<hbm>>
      %dma_start3A_278 = arith.constant 0 : i32
      %dma_start3A_279 = tpu.memref_slice %dma_start3A_277[%mul3A_269, %dma_start3A_278] : memref<307200x32xf32, #tpu.memory_space<hbm>> -> memref<640x32xf32, #tpu.memory_space<hbm>>
      %dma_start3A_280 = arith.constant 0 : i32
      %dma_start3A_281 = arith.constant 0 : i32
      %dma_start3A_282 = tpu.memref_slice %arg4[%select_n3A_85, %dma_start3A_280, %dma_start3A_281] : memref<2x307200x32xf32, #tpu.memory_space<hbm>> -> memref<1x307200x32xf32, #tpu.memory_space<hbm>>
      %dma_start3A_283 = tpu.memref_squeeze %dma_start3A_282 : memref<1x307200x32xf32, #tpu.memory_space<hbm>> -> memref<307200x32xf32, #tpu.memory_space<hbm>>
      %dma_start3A_284 = arith.constant 0 : i32
      %dma_start3A_285 = tpu.memref_slice %dma_start3A_283[%mul3A_269, %dma_start3A_284] : memref<307200x32xf32, #tpu.memory_space<hbm>> -> memref<640x32xf32, #tpu.memory_space<hbm>>
      %dma_start3A_286 = arith.constant 0 : i32
      %dma_start3A_287 = arith.constant 0 : i32
      %dma_start3A_288 = tpu.memref_slice %arg6[%select_n3A_62, %dma_start3A_286, %dma_start3A_287] : memref<2x640x32xf32, #tpu.memory_space<vmem>> -> memref<1x640x32xf32, #tpu.memory_space<vmem>>
      %dma_start3A_289 = tpu.memref_squeeze %dma_start3A_288 : memref<1x640x32xf32, #tpu.memory_space<vmem>> -> memref<640x32xf32, #tpu.memory_space<vmem>>
      tpu.enqueue_dma source(%dma_start3A_289 : memref<640x32xf32, #tpu.memory_space<vmem>>) target(%dma_start3A_285 : memref<640x32xf32, #tpu.memory_space<hbm>>) target_semaphore(%arg8 : memref<!tpu.dma_semaphore, #tpu.memory_space<semaphore_mem>>)
    }
    %scan3A_5 = arith.constant 30 : i32
    %dma_wait3A = arith.constant 0 : i32
    %dma_wait3A_6 = arith.constant 0 : i32
    %dma_wait3A_7 = arith.constant 0 : i32
    %dma_wait3A_8 = arith.constant 0 : i32
    %dma_wait3A_9 = tpu.memref_slice %arg6[%dma_wait3A, %dma_wait3A_7, %dma_wait3A_8] : memref<2x640x32xf32, #tpu.memory_space<vmem>> -> memref<1x640x32xf32, #tpu.memory_space<vmem>>
    %dma_wait3A_10 = tpu.memref_squeeze %dma_wait3A_9 : memref<1x640x32xf32, #tpu.memory_space<vmem>> -> memref<640x32xf32, #tpu.memory_space<vmem>>
    %dma_wait3A_11 = arith.constant 0 : i32
    %dma_wait3A_12 = arith.constant 0 : i32
    %dma_wait3A_13 = tpu.memref_slice %arg4[%dma_wait3A_6, %dma_wait3A_11, %dma_wait3A_12] : memref<2x307200x32xf32, #tpu.memory_space<hbm>> -> memref<1x307200x32xf32, #tpu.memory_space<hbm>>
    %dma_wait3A_14 = tpu.memref_squeeze %dma_wait3A_13 : memref<1x307200x32xf32, #tpu.memory_space<hbm>> -> memref<307200x32xf32, #tpu.memory_space<hbm>>
    %dma_wait3A_15 = arith.constant 0 : i32
    %dma_wait3A_16 = arith.constant 0 : i32
    %dma_wait3A_17 = tpu.memref_slice %dma_wait3A_14[%dma_wait3A_15, %dma_wait3A_16] : memref<307200x32xf32, #tpu.memory_space<hbm>> -> memref<640x32xf32, #tpu.memory_space<hbm>>
    %dma_wait3A_18 = arith.constant 0 : i32
    %dma_wait3A_19 = arith.constant 0 : i32
    %dma_wait3A_20 = tpu.memref_slice %arg4[%dma_wait3A_6, %dma_wait3A_18, %dma_wait3A_19] : memref<2x307200x32xf32, #tpu.memory_space<hbm>> -> memref<1x307200x32xf32, #tpu.memory_space<hbm>>
    %dma_wait3A_21 = tpu.memref_squeeze %dma_wait3A_20 : memref<1x307200x32xf32, #tpu.memory_space<hbm>> -> memref<307200x32xf32, #tpu.memory_space<hbm>>
    %dma_wait3A_22 = arith.constant 0 : i32
    %dma_wait3A_23 = arith.constant 0 : i32
    %dma_wait3A_24 = tpu.memref_slice %dma_wait3A_21[%dma_wait3A_22, %dma_wait3A_23] : memref<307200x32xf32, #tpu.memory_space<hbm>> -> memref<640x32xf32, #tpu.memory_space<hbm>>
    %dma_wait3A_25 = arith.constant 0 : i32
    %dma_wait3A_26 = arith.constant 0 : i32
    %dma_wait3A_27 = tpu.memref_slice %arg6[%dma_wait3A, %dma_wait3A_25, %dma_wait3A_26] : memref<2x640x32xf32, #tpu.memory_space<vmem>> -> memref<1x640x32xf32, #tpu.memory_space<vmem>>
    %dma_wait3A_28 = tpu.memref_squeeze %dma_wait3A_27 : memref<1x640x32xf32, #tpu.memory_space<vmem>> -> memref<640x32xf32, #tpu.memory_space<vmem>>
    tpu.wait_dma2 semaphore(%arg8 : memref<!tpu.dma_semaphore, #tpu.memory_space<semaphore_mem>>) src(%dma_wait3A_28 : memref<640x32xf32, #tpu.memory_space<vmem>>) dst(%dma_wait3A_24 : memref<640x32xf32, #tpu.memory_space<hbm>>)
    %dma_wait3A_29 = arith.constant 0 : i32
    %dma_wait3A_30 = arith.constant 0 : i32
    %dma_wait3A_31 = arith.constant 0 : i32
    %dma_wait3A_32 = arith.constant 0 : i32
    %dma_wait3A_33 = tpu.memref_slice %arg6[%dma_wait3A_29, %dma_wait3A_31, %dma_wait3A_32] : memref<2x640x32xf32, #tpu.memory_space<vmem>> -> memref<1x640x32xf32, #tpu.memory_space<vmem>>
    %dma_wait3A_34 = tpu.memref_squeeze %dma_wait3A_33 : memref<1x640x32xf32, #tpu.memory_space<vmem>> -> memref<640x32xf32, #tpu.memory_space<vmem>>
    %dma_wait3A_35 = arith.constant 0 : i32
    %dma_wait3A_36 = arith.constant 0 : i32
    %dma_wait3A_37 = tpu.memref_slice %arg4[%dma_wait3A_30, %dma_wait3A_35, %dma_wait3A_36] : memref<2x307200x32xf32, #tpu.memory_space<hbm>> -> memref<1x307200x32xf32, #tpu.memory_space<hbm>>
    %dma_wait3A_38 = tpu.memref_squeeze %dma_wait3A_37 : memref<1x307200x32xf32, #tpu.memory_space<hbm>> -> memref<307200x32xf32, #tpu.memory_space<hbm>>
    %dma_wait3A_39 = arith.constant 0 : i32
    %dma_wait3A_40 = arith.constant 0 : i32
    %dma_wait3A_41 = tpu.memref_slice %dma_wait3A_38[%dma_wait3A_39, %dma_wait3A_40] : memref<307200x32xf32, #tpu.memory_space<hbm>> -> memref<640x32xf32, #tpu.memory_space<hbm>>
    %dma_wait3A_42 = arith.constant 0 : i32
    %dma_wait3A_43 = arith.constant 0 : i32
    %dma_wait3A_44 = tpu.memref_slice %arg4[%dma_wait3A_30, %dma_wait3A_42, %dma_wait3A_43] : memref<2x307200x32xf32, #tpu.memory_space<hbm>> -> memref<1x307200x32xf32, #tpu.memory_space<hbm>>
    %dma_wait3A_45 = tpu.memref_squeeze %dma_wait3A_44 : memref<1x307200x32xf32, #tpu.memory_space<hbm>> -> memref<307200x32xf32, #tpu.memory_space<hbm>>
    %dma_wait3A_46 = arith.constant 0 : i32
    %dma_wait3A_47 = arith.constant 0 : i32
    %dma_wait3A_48 = tpu.memref_slice %dma_wait3A_45[%dma_wait3A_46, %dma_wait3A_47] : memref<307200x32xf32, #tpu.memory_space<hbm>> -> memref<640x32xf32, #tpu.memory_space<hbm>>
    %dma_wait3A_49 = arith.constant 0 : i32
    %dma_wait3A_50 = arith.constant 0 : i32
    %dma_wait3A_51 = tpu.memref_slice %arg6[%dma_wait3A_29, %dma_wait3A_49, %dma_wait3A_50] : memref<2x640x32xf32, #tpu.memory_space<vmem>> -> memref<1x640x32xf32, #tpu.memory_space<vmem>>
    %dma_wait3A_52 = tpu.memref_squeeze %dma_wait3A_51 : memref<1x640x32xf32, #tpu.memory_space<vmem>> -> memref<640x32xf32, #tpu.memory_space<vmem>>
    tpu.wait_dma2 semaphore(%arg8 : memref<!tpu.dma_semaphore, #tpu.memory_space<semaphore_mem>>) src(%dma_wait3A_52 : memref<640x32xf32, #tpu.memory_space<vmem>>) dst(%dma_wait3A_48 : memref<640x32xf32, #tpu.memory_space<hbm>>)
    return
  }
}

#map = affine_map<(d0, d1) -> (0, 0, 0)>
#map1 = affine_map<(d0, d1) -> (0, 0, 0, 0)>
#map2 = affine_map<(d0, d1) -> (0, 0)>
module attributes {stable_mosaic.version = 14 : i64} {
  func.func @sc_segsum(%arg0: i32, %arg1: i32, %arg2: memref<2x307200x32xf32, #tpu.memory_space<hbm>>, %arg3: memref<2x16x300x128xi32, #tpu.memory_space<hbm>>, %arg4: memref<25024x32xf32, #tpu.memory_space<hbm>>, %arg5: memref<2x25024x32xf32, #tpu.memory_space<hbm>>, %arg6: memref<300x128xi32, #tpu.memory_space<vmem>>, %arg7: memref<2x640x32xf32, #tpu.memory_space<vmem>>, %arg8: memref<25024x32xf32, #tpu.memory_space<vmem_shared>>, %arg9: memref<!tpu.dma_semaphore, #tpu.memory_space<semaphore_mem>>, %arg10: memref<!tpu.dma_semaphore, #tpu.memory_space<semaphore_mem>>, %arg11: memref<!tpu.dma_semaphore, #tpu.memory_space<semaphore_mem>>) attributes {dimension_semantics = [#tpu.dimension_semantics<core_parallel>, #tpu.dimension_semantics<subcore_parallel>], iteration_bounds = array<i64: 2, 16>, scalar_prefetch = 0 : i64, scratch_operands = 6 : i64, tpu.core_type = #tpu.core_type<sc_vector_subcore>, window_params = [{transform_indices = #map}, {transform_indices = #map1}, {transform_indices = #map2}, {transform_indices = #map}]} {
    "tpu.region"() ({
      %run_scoped3A = tpu.sem_alloc : memref<!tpu.dma_semaphore, #tpu.memory_space<semaphore_mem>>
      %dma_start3A_184 = arith.constant 0 : i32
      %dma_start3A_185 = arith.constant 0 : i32
      %dma_start3A_186 = arith.constant 0 : i32
      %dma_start3A_187 = tpu.memref_slice %arg3[%arg0, %dma_start3A_184, %dma_start3A_185, %dma_start3A_186] : memref<2x16x300x128xi32, #tpu.memory_space<hbm>> -> memref<1x16x300x128xi32, #tpu.memory_space<hbm>>
      %dma_start3A_188 = tpu.memref_squeeze %dma_start3A_187 : memref<1x16x300x128xi32, #tpu.memory_space<hbm>> -> memref<16x300x128xi32, #tpu.memory_space<hbm>>
      %dma_start3A_189 = arith.constant 0 : i32
      %dma_start3A_190 = arith.constant 0 : i32
      %dma_start3A_191 = tpu.memref_slice %dma_start3A_188[%arg1, %dma_start3A_189, %dma_start3A_190] : memref<16x300x128xi32, #tpu.memory_space<hbm>> -> memref<1x300x128xi32, #tpu.memory_space<hbm>>
      %dma_start3A_192 = tpu.memref_squeeze %dma_start3A_191 : memref<1x300x128xi32, #tpu.memory_space<hbm>> -> memref<300x128xi32, #tpu.memory_space<hbm>>
      %dma_start3A_193 = arith.constant 0 : i32
      %dma_start3A_194 = arith.constant 0 : i32
      %dma_start3A_195 = arith.constant 0 : i32
      %dma_start3A_196 = tpu.memref_slice %arg3[%arg0, %dma_start3A_193, %dma_start3A_194, %dma_start3A_195] : memref<2x16x300x128xi32, #tpu.memory_space<hbm>> -> memref<1x16x300x128xi32, #tpu.memory_space<hbm>>
      %dma_start3A_197 = tpu.memref_squeeze %dma_start3A_196 : memref<1x16x300x128xi32, #tpu.memory_space<hbm>> -> memref<16x300x128xi32, #tpu.memory_space<hbm>>
      %dma_start3A_198 = arith.constant 0 : i32
      %dma_start3A_199 = arith.constant 0 : i32
      %dma_start3A_200 = tpu.memref_slice %dma_start3A_197[%arg1, %dma_start3A_198, %dma_start3A_199] : memref<16x300x128xi32, #tpu.memory_space<hbm>> -> memref<1x300x128xi32, #tpu.memory_space<hbm>>
      %dma_start3A_201 = tpu.memref_squeeze %dma_start3A_200 : memref<1x300x128xi32, #tpu.memory_space<hbm>> -> memref<300x128xi32, #tpu.memory_space<hbm>>
      tpu.enqueue_dma source(%dma_start3A_201 : memref<300x128xi32, #tpu.memory_space<hbm>>) target(%arg6 : memref<300x128xi32, #tpu.memory_space<vmem>>) target_semaphore(%run_scoped3A : memref<!tpu.dma_semaphore, #tpu.memory_space<semaphore_mem>>)
      %dma_wait3A_202 = arith.constant 0 : i32
      %dma_wait3A_203 = arith.constant 0 : i32
      %dma_wait3A_204 = arith.constant 0 : i32
      %dma_wait3A_205 = tpu.memref_slice %arg3[%arg0, %dma_wait3A_202, %dma_wait3A_203, %dma_wait3A_204] : memref<2x16x300x128xi32, #tpu.memory_space<hbm>> -> memref<1x16x300x128xi32, #tpu.memory_space<hbm>>
      %dma_wait3A_206 = tpu.memref_squeeze %dma_wait3A_205 : memref<1x16x300x128xi32, #tpu.memory_space<hbm>> -> memref<16x300x128xi32, #tpu.memory_space<hbm>>
      %dma_wait3A_207 = arith.constant 0 : i32
      %dma_wait3A_208 = arith.constant 0 : i32
      %dma_wait3A_209 = tpu.memref_slice %dma_wait3A_206[%arg1, %dma_wait3A_207, %dma_wait3A_208] : memref<16x300x128xi32, #tpu.memory_space<hbm>> -> memref<1x300x128xi32, #tpu.memory_space<hbm>>
      %dma_wait3A_210 = tpu.memref_squeeze %dma_wait3A_209 : memref<1x300x128xi32, #tpu.memory_space<hbm>> -> memref<300x128xi32, #tpu.memory_space<hbm>>
      %dma_wait3A_211 = arith.constant 0 : i32
      %dma_wait3A_212 = arith.constant 0 : i32
      %dma_wait3A_213 = arith.constant 0 : i32
      %dma_wait3A_214 = tpu.memref_slice %arg3[%arg0, %dma_wait3A_211, %dma_wait3A_212, %dma_wait3A_213] : memref<2x16x300x128xi32, #tpu.memory_space<hbm>> -> memref<1x16x300x128xi32, #tpu.memory_space<hbm>>
      %dma_wait3A_215 = tpu.memref_squeeze %dma_wait3A_214 : memref<1x16x300x128xi32, #tpu.memory_space<hbm>> -> memref<16x300x128xi32, #tpu.memory_space<hbm>>
      %dma_wait3A_216 = arith.constant 0 : i32
      %dma_wait3A_217 = arith.constant 0 : i32
      %dma_wait3A_218 = tpu.memref_slice %dma_wait3A_215[%arg1, %dma_wait3A_216, %dma_wait3A_217] : memref<16x300x128xi32, #tpu.memory_space<hbm>> -> memref<1x300x128xi32, #tpu.memory_space<hbm>>
      %dma_wait3A_219 = tpu.memref_squeeze %dma_wait3A_218 : memref<1x300x128xi32, #tpu.memory_space<hbm>> -> memref<300x128xi32, #tpu.memory_space<hbm>>
      tpu.wait_dma2 semaphore(%run_scoped3A : memref<!tpu.dma_semaphore, #tpu.memory_space<semaphore_mem>>) src(%dma_wait3A_219 : memref<300x128xi32, #tpu.memory_space<hbm>>) dst(%arg6 : memref<300x128xi32, #tpu.memory_space<vmem>>)
      tpu.yield
    }) : () -> ()
    %mul3A = arith.constant 1564 : i32
    %mul3A_0 = arith.muli %arg1, %mul3A : i32
    %mul3A_1 = arith.constant 1564 : i32
    %mul3A_2 = arith.muli %arg1, %mul3A_1 : i32
    "tpu.region"() ({
      %run_scoped3A = tpu.sem_alloc : memref<!tpu.dma_semaphore, #tpu.memory_space<semaphore_mem>>
      %dma_start3A_184 = arith.constant 0 : i32
      %dma_start3A_185 = tpu.memref_slice %arg8[%mul3A_2, %dma_start3A_184] : memref<25024x32xf32, #tpu.memory_space<vmem_shared>> -> memref<1564x32xf32, #tpu.memory_space<vmem_shared>>
      %dma_start3A_186 = arith.constant 0 : i32
      %dma_start3A_187 = tpu.memref_slice %arg4[%mul3A_0, %dma_start3A_186] : memref<25024x32xf32, #tpu.memory_space<hbm>> -> memref<1564x32xf32, #tpu.memory_space<hbm>>
      tpu.enqueue_dma source(%dma_start3A_187 : memref<1564x32xf32, #tpu.memory_space<hbm>>) target(%dma_start3A_185 : memref<1564x32xf32, #tpu.memory_space<vmem_shared>>) target_semaphore(%run_scoped3A : memref<!tpu.dma_semaphore, #tpu.memory_space<semaphore_mem>>)
      %dma_wait3A_188 = arith.constant 0 : i32
      %dma_wait3A_189 = tpu.memref_slice %arg8[%mul3A_2, %dma_wait3A_188] : memref<25024x32xf32, #tpu.memory_space<vmem_shared>> -> memref<1564x32xf32, #tpu.memory_space<vmem_shared>>
      %dma_wait3A_190 = arith.constant 0 : i32
      %dma_wait3A_191 = tpu.memref_slice %arg4[%mul3A_0, %dma_wait3A_190] : memref<25024x32xf32, #tpu.memory_space<hbm>> -> memref<1564x32xf32, #tpu.memory_space<hbm>>
      tpu.wait_dma2 semaphore(%run_scoped3A : memref<!tpu.dma_semaphore, #tpu.memory_space<semaphore_mem>>) src(%dma_wait3A_191 : memref<1564x32xf32, #tpu.memory_space<hbm>>) dst(%dma_wait3A_189 : memref<1564x32xf32, #tpu.memory_space<vmem_shared>>)
      tpu.yield
    }) : () -> ()
    %barrier3A = arith.constant 0 : index
    tpu.barrier barrier_id(%barrier3A)
    %jit3A = arith.constant 8 : i32
    %div3A = arith.divsi %arg1, %jit3A : i32
    %sign3A = arith.constant 0 : i32
    %sign3A_3 = arith.cmpi sgt, %arg1, %sign3A : i32
    %sign3A_4 = arith.extui %sign3A_3 : i1 to i32
    %sign3A_5 = arith.constant 0 : i32
    %sign3A_6 = arith.cmpi slt, %arg1, %sign3A_5 : i32
    %sign3A_7 = arith.extui %sign3A_6 : i1 to i32
    %sign3A_8 = arith.subi %sign3A_4, %sign3A_7 : i32
    %sign3A_9 = arith.constant 0 : i32
    %sign3A_10 = arith.cmpi sgt, %jit3A, %sign3A_9 : i32
    %sign3A_11 = arith.extui %sign3A_10 : i1 to i32
    %sign3A_12 = arith.constant 0 : i32
    %sign3A_13 = arith.cmpi slt, %jit3A, %sign3A_12 : i32
    %sign3A_14 = arith.extui %sign3A_13 : i1 to i32
    %sign3A_15 = arith.subi %sign3A_11, %sign3A_14 : i32
    %ne3A = arith.cmpi ne, %sign3A_8, %sign3A_15 : i32
    %rem3A = arith.remsi %arg1, %jit3A : i32
    %ne3A_16 = arith.constant 0 : i32
    %ne3A_17 = arith.cmpi ne, %rem3A, %ne3A_16 : i32
    %and3A = arith.andi %ne3A, %ne3A_17 : i1
    %sub3A = arith.constant 1 : i32
    %sub3A_18 = arith.subi %div3A, %sub3A : i32
    %select_n3A = arith.select %and3A, %sub3A_18, %div3A : i32
    %mul3A_19 = arith.constant 8 : i32
    %mul3A_20 = arith.muli %select_n3A, %mul3A_19 : i32
    %sub3A_21 = arith.subi %arg1, %mul3A_20 : i32
    %mul3A_22 = arith.constant 38400 : i32
    %mul3A_23 = arith.muli %sub3A_21, %mul3A_22 : i32
    %add3A = arith.constant 0 : i32
    %add3A_24 = arith.addi %mul3A_23, %add3A : i32
    %min3A = arith.constant 306560 : i32
    %min3A_25 = arith.minsi %add3A_24, %min3A : i32
    %dma_start3A = arith.constant 0 : i32
    %dma_start3A_26 = arith.constant 0 : i32
    %dma_start3A_27 = arith.constant 0 : i32
    %dma_start3A_28 = tpu.memref_slice %arg7[%dma_start3A, %dma_start3A_26, %dma_start3A_27] : memref<2x640x32xf32, #tpu.memory_space<vmem>> -> memref<1x640x32xf32, #tpu.memory_space<vmem>>
    %dma_start3A_29 = tpu.memref_squeeze %dma_start3A_28 : memref<1x640x32xf32, #tpu.memory_space<vmem>> -> memref<640x32xf32, #tpu.memory_space<vmem>>
    %dma_start3A_30 = arith.constant 0 : i32
    %dma_start3A_31 = arith.constant 0 : i32
    %dma_start3A_32 = tpu.memref_slice %arg2[%select_n3A, %dma_start3A_30, %dma_start3A_31] : memref<2x307200x32xf32, #tpu.memory_space<hbm>> -> memref<1x307200x32xf32, #tpu.memory_space<hbm>>
    %dma_start3A_33 = tpu.memref_squeeze %dma_start3A_32 : memref<1x307200x32xf32, #tpu.memory_space<hbm>> -> memref<307200x32xf32, #tpu.memory_space<hbm>>
    %dma_start3A_34 = arith.constant 0 : i32
    %dma_start3A_35 = tpu.memref_slice %dma_start3A_33[%min3A_25, %dma_start3A_34] : memref<307200x32xf32, #tpu.memory_space<hbm>> -> memref<640x32xf32, #tpu.memory_space<hbm>>
    %dma_start3A_36 = arith.constant 0 : i32
    %dma_start3A_37 = arith.constant 0 : i32
    %dma_start3A_38 = tpu.memref_slice %arg7[%dma_start3A, %dma_start3A_36, %dma_start3A_37] : memref<2x640x32xf32, #tpu.memory_space<vmem>> -> memref<1x640x32xf32, #tpu.memory_space<vmem>>
    %dma_start3A_39 = tpu.memref_squeeze %dma_start3A_38 : memref<1x640x32xf32, #tpu.memory_space<vmem>> -> memref<640x32xf32, #tpu.memory_space<vmem>>
    %dma_start3A_40 = arith.constant 0 : i32
    %dma_start3A_41 = arith.constant 0 : i32
    %dma_start3A_42 = tpu.memref_slice %arg2[%select_n3A, %dma_start3A_40, %dma_start3A_41] : memref<2x307200x32xf32, #tpu.memory_space<hbm>> -> memref<1x307200x32xf32, #tpu.memory_space<hbm>>
    %dma_start3A_43 = tpu.memref_squeeze %dma_start3A_42 : memref<1x307200x32xf32, #tpu.memory_space<hbm>> -> memref<307200x32xf32, #tpu.memory_space<hbm>>
    %dma_start3A_44 = arith.constant 0 : i32
    %dma_start3A_45 = tpu.memref_slice %dma_start3A_43[%min3A_25, %dma_start3A_44] : memref<307200x32xf32, #tpu.memory_space<hbm>> -> memref<640x32xf32, #tpu.memory_space<hbm>>
    tpu.enqueue_dma source(%dma_start3A_45 : memref<640x32xf32, #tpu.memory_space<hbm>>) target(%dma_start3A_39 : memref<640x32xf32, #tpu.memory_space<vmem>>) target_semaphore(%arg9 : memref<!tpu.dma_semaphore, #tpu.memory_space<semaphore_mem>>)
    %scan3A = arith.constant 0 : i32
    %scan3A_46 = arith.constant 0 : i32
    %scan3A_47 = arith.constant 30 : i32
    %scan3A_48 = arith.addi %scan3A_46, %scan3A_47 : i32
    %scan3A_49 = arith.constant 1 : i32
    scf.for %scan3A_184 = %scan3A_46 to %scan3A_48 step %scan3A_49  : i32 {
      %dma_wait3A_185 = arith.constant 0 : i32
      %dma_wait3A_186 = arith.constant 0 : i32
      %dma_wait3A_187 = arith.constant 0 : i32
      %dma_wait3A_188 = arith.constant 0 : i32
      %dma_wait3A_189 = tpu.memref_slice %arg7[%dma_wait3A_186, %dma_wait3A_187, %dma_wait3A_188] : memref<2x640x32xf32, #tpu.memory_space<vmem>> -> memref<1x640x32xf32, #tpu.memory_space<vmem>>
      %dma_wait3A_190 = tpu.memref_squeeze %dma_wait3A_189 : memref<1x640x32xf32, #tpu.memory_space<vmem>> -> memref<640x32xf32, #tpu.memory_space<vmem>>
      %dma_wait3A_191 = arith.constant 0 : i32
      %dma_wait3A_192 = arith.constant 0 : i32
      %dma_wait3A_193 = tpu.memref_slice %arg2[%dma_wait3A_185, %dma_wait3A_191, %dma_wait3A_192] : memref<2x307200x32xf32, #tpu.memory_space<hbm>> -> memref<1x307200x32xf32, #tpu.memory_space<hbm>>
      %dma_wait3A_194 = tpu.memref_squeeze %dma_wait3A_193 : memref<1x307200x32xf32, #tpu.memory_space<hbm>> -> memref<307200x32xf32, #tpu.memory_space<hbm>>
      %dma_wait3A_195 = arith.constant 0 : i32
      %dma_wait3A_196 = arith.constant 0 : i32
      %dma_wait3A_197 = tpu.memref_slice %dma_wait3A_194[%dma_wait3A_195, %dma_wait3A_196] : memref<307200x32xf32, #tpu.memory_space<hbm>> -> memref<640x32xf32, #tpu.memory_space<hbm>>
      %dma_wait3A_198 = arith.constant 0 : i32
      %dma_wait3A_199 = arith.constant 0 : i32
      %dma_wait3A_200 = tpu.memref_slice %arg7[%dma_wait3A_186, %dma_wait3A_198, %dma_wait3A_199] : memref<2x640x32xf32, #tpu.memory_space<vmem>> -> memref<1x640x32xf32, #tpu.memory_space<vmem>>
      %dma_wait3A_201 = tpu.memref_squeeze %dma_wait3A_200 : memref<1x640x32xf32, #tpu.memory_space<vmem>> -> memref<640x32xf32, #tpu.memory_space<vmem>>
      %dma_wait3A_202 = arith.constant 0 : i32
      %dma_wait3A_203 = arith.constant 0 : i32
      %dma_wait3A_204 = tpu.memref_slice %arg2[%dma_wait3A_185, %dma_wait3A_202, %dma_wait3A_203] : memref<2x307200x32xf32, #tpu.memory_space<hbm>> -> memref<1x307200x32xf32, #tpu.memory_space<hbm>>
      %dma_wait3A_205 = tpu.memref_squeeze %dma_wait3A_204 : memref<1x307200x32xf32, #tpu.memory_space<hbm>> -> memref<307200x32xf32, #tpu.memory_space<hbm>>
      %dma_wait3A_206 = arith.constant 0 : i32
      %dma_wait3A_207 = arith.constant 0 : i32
      %dma_wait3A_208 = tpu.memref_slice %dma_wait3A_205[%dma_wait3A_206, %dma_wait3A_207] : memref<307200x32xf32, #tpu.memory_space<hbm>> -> memref<640x32xf32, #tpu.memory_space<hbm>>
      tpu.wait_dma2 semaphore(%arg9 : memref<!tpu.dma_semaphore, #tpu.memory_space<semaphore_mem>>) src(%dma_wait3A_208 : memref<640x32xf32, #tpu.memory_space<hbm>>) dst(%dma_wait3A_201 : memref<640x32xf32, #tpu.memory_space<vmem>>)
      %ge3A = arith.constant 1 : i32
      %ge3A_209 = arith.cmpi sge, %scan3A_184, %ge3A : i32
      %convert_element_type3A = arith.extui %ge3A_209 : i1 to i32
      %cond3A = arith.constant 0 : i32
      %cond3A_210 = arith.cmpi ne, %convert_element_type3A, %cond3A : i32
      scf.if %cond3A_210 {
        %dma_wait3A_590 = arith.constant 1 : i32
        %dma_wait3A_591 = arith.constant 0 : i32
        %dma_wait3A_592 = arith.constant 0 : i32
        %dma_wait3A_593 = tpu.memref_slice %arg7[%dma_wait3A_590, %dma_wait3A_591, %dma_wait3A_592] : memref<2x640x32xf32, #tpu.memory_space<vmem>> -> memref<1x640x32xf32, #tpu.memory_space<vmem>>
        %dma_wait3A_594 = tpu.memref_squeeze %dma_wait3A_593 : memref<1x640x32xf32, #tpu.memory_space<vmem>> -> memref<640x32xf32, #tpu.memory_space<vmem>>
        %dma_wait3A_595 = arith.constant 0 : i32
        %dma_wait3A_596 = arith.constant 0 : i32
        %dma_wait3A_597 = tpu.memref_slice %dma_wait3A_594[%dma_wait3A_595, %dma_wait3A_596] : memref<640x32xf32, #tpu.memory_space<vmem>> -> memref<128x32xf32, #tpu.memory_space<vmem>>
        %dma_wait3A_598 = arith.constant 0 : i32
        %dma_wait3A_599 = arith.constant 0 : i32
        %dma_wait3A_600 = tpu.memref_slice %arg8[%dma_wait3A_598, %dma_wait3A_599] : memref<25024x32xf32, #tpu.memory_space<vmem_shared>> -> memref<128x32xf32, #tpu.memory_space<vmem_shared>>
        %dma_wait3A_601 = arith.constant 0 : i32
        %dma_wait3A_602 = arith.constant 0 : i32
        %dma_wait3A_603 = tpu.memref_slice %arg8[%dma_wait3A_601, %dma_wait3A_602] : memref<25024x32xf32, #tpu.memory_space<vmem_shared>> -> memref<128x32xf32, #tpu.memory_space<vmem_shared>>
        %dma_wait3A_604 = arith.constant 0 : i32
        %dma_wait3A_605 = arith.constant 0 : i32
        %dma_wait3A_606 = tpu.memref_slice %arg7[%dma_wait3A_590, %dma_wait3A_604, %dma_wait3A_605] : memref<2x640x32xf32, #tpu.memory_space<vmem>> -> memref<1x640x32xf32, #tpu.memory_space<vmem>>
        %dma_wait3A_607 = tpu.memref_squeeze %dma_wait3A_606 : memref<1x640x32xf32, #tpu.memory_space<vmem>> -> memref<640x32xf32, #tpu.memory_space<vmem>>
        %dma_wait3A_608 = arith.constant 0 : i32
        %dma_wait3A_609 = arith.constant 0 : i32
        %dma_wait3A_610 = tpu.memref_slice %dma_wait3A_607[%dma_wait3A_608, %dma_wait3A_609] : memref<640x32xf32, #tpu.memory_space<vmem>> -> memref<128x32xf32, #tpu.memory_space<vmem>>
        tpu.wait_dma2 semaphore(%arg11 : memref<!tpu.dma_semaphore, #tpu.memory_space<semaphore_mem>>) src(%dma_wait3A_610 : memref<128x32xf32, #tpu.memory_space<vmem>>) dst(%dma_wait3A_603 : memref<128x32xf32, #tpu.memory_space<vmem_shared>>)
        %dma_wait3A_611 = arith.constant 1 : i32
        %dma_wait3A_612 = arith.constant 0 : i32
        %dma_wait3A_613 = arith.constant 0 : i32
        %dma_wait3A_614 = tpu.memref_slice %arg7[%dma_wait3A_611, %dma_wait3A_612, %dma_wait3A_613] : memref<2x640x32xf32, #tpu.memory_space<vmem>> -> memref<1x640x32xf32, #tpu.memory_space<vmem>>
        %dma_wait3A_615 = tpu.memref_squeeze %dma_wait3A_614 : memref<1x640x32xf32, #tpu.memory_space<vmem>> -> memref<640x32xf32, #tpu.memory_space<vmem>>
        %dma_wait3A_616 = arith.constant 128 : i32
        %dma_wait3A_617 = arith.constant 0 : i32
        %dma_wait3A_618 = tpu.memref_slice %dma_wait3A_615[%dma_wait3A_616, %dma_wait3A_617] : memref<640x32xf32, #tpu.memory_space<vmem>> -> memref<128x32xf32, #tpu.memory_space<vmem>>
        %dma_wait3A_619 = arith.constant 0 : i32
        %dma_wait3A_620 = arith.constant 0 : i32
        %dma_wait3A_621 = tpu.memref_slice %arg8[%dma_wait3A_619, %dma_wait3A_620] : memref<25024x32xf32, #tpu.memory_space<vmem_shared>> -> memref<128x32xf32, #tpu.memory_space<vmem_shared>>
        %dma_wait3A_622 = arith.constant 0 : i32
        %dma_wait3A_623 = arith.constant 0 : i32
        %dma_wait3A_624 = tpu.memref_slice %arg8[%dma_wait3A_622, %dma_wait3A_623] : memref<25024x32xf32, #tpu.memory_space<vmem_shared>> -> memref<128x32xf32, #tpu.memory_space<vmem_shared>>
        %dma_wait3A_625 = arith.constant 0 : i32
        %dma_wait3A_626 = arith.constant 0 : i32
        %dma_wait3A_627 = tpu.memref_slice %arg7[%dma_wait3A_611, %dma_wait3A_625, %dma_wait3A_626] : memref<2x640x32xf32, #tpu.memory_space<vmem>> -> memref<1x640x32xf32, #tpu.memory_space<vmem>>
        %dma_wait3A_628 = tpu.memref_squeeze %dma_wait3A_627 : memref<1x640x32xf32, #tpu.memory_space<vmem>> -> memref<640x32xf32, #tpu.memory_space<vmem>>
        %dma_wait3A_629 = arith.constant 128 : i32
        %dma_wait3A_630 = arith.constant 0 : i32
        %dma_wait3A_631 = tpu.memref_slice %dma_wait3A_628[%dma_wait3A_629, %dma_wait3A_630] : memref<640x32xf32, #tpu.memory_space<vmem>> -> memref<128x32xf32, #tpu.memory_space<vmem>>
        tpu.wait_dma2 semaphore(%arg11 : memref<!tpu.dma_semaphore, #tpu.memory_space<semaphore_mem>>) src(%dma_wait3A_631 : memref<128x32xf32, #tpu.memory_space<vmem>>) dst(%dma_wait3A_624 : memref<128x32xf32, #tpu.memory_space<vmem_shared>>)
        %dma_wait3A_632 = arith.constant 1 : i32
        %dma_wait3A_633 = arith.constant 0 : i32
        %dma_wait3A_634 = arith.constant 0 : i32
        %dma_wait3A_635 = tpu.memref_slice %arg7[%dma_wait3A_632, %dma_wait3A_633, %dma_wait3A_634] : memref<2x640x32xf32, #tpu.memory_space<vmem>> -> memref<1x640x32xf32, #tpu.memory_space<vmem>>
        %dma_wait3A_636 = tpu.memref_squeeze %dma_wait3A_635 : memref<1x640x32xf32, #tpu.memory_space<vmem>> -> memref<640x32xf32, #tpu.memory_space<vmem>>
        %dma_wait3A_637 = arith.constant 256 : i32
        %dma_wait3A_638 = arith.constant 0 : i32
        %dma_wait3A_639 = tpu.memref_slice %dma_wait3A_636[%dma_wait3A_637, %dma_wait3A_638] : memref<640x32xf32, #tpu.memory_space<vmem>> -> memref<128x32xf32, #tpu.memory_space<vmem>>
        %dma_wait3A_640 = arith.constant 0 : i32
        %dma_wait3A_641 = arith.constant 0 : i32
        %dma_wait3A_642 = tpu.memref_slice %arg8[%dma_wait3A_640, %dma_wait3A_641] : memref<25024x32xf32, #tpu.memory_space<vmem_shared>> -> memref<128x32xf32, #tpu.memory_space<vmem_shared>>
        %dma_wait3A_643 = arith.constant 0 : i32
        %dma_wait3A_644 = arith.constant 0 : i32
        %dma_wait3A_645 = tpu.memref_slice %arg8[%dma_wait3A_643, %dma_wait3A_644] : memref<25024x32xf32, #tpu.memory_space<vmem_shared>> -> memref<128x32xf32, #tpu.memory_space<vmem_shared>>
        %dma_wait3A_646 = arith.constant 0 : i32
        %dma_wait3A_647 = arith.constant 0 : i32
        %dma_wait3A_648 = tpu.memref_slice %arg7[%dma_wait3A_632, %dma_wait3A_646, %dma_wait3A_647] : memref<2x640x32xf32, #tpu.memory_space<vmem>> -> memref<1x640x32xf32, #tpu.memory_space<vmem>>
        %dma_wait3A_649 = tpu.memref_squeeze %dma_wait3A_648 : memref<1x640x32xf32, #tpu.memory_space<vmem>> -> memref<640x32xf32, #tpu.memory_space<vmem>>
        %dma_wait3A_650 = arith.constant 256 : i32
        %dma_wait3A_651 = arith.constant 0 : i32
        %dma_wait3A_652 = tpu.memref_slice %dma_wait3A_649[%dma_wait3A_650, %dma_wait3A_651] : memref<640x32xf32, #tpu.memory_space<vmem>> -> memref<128x32xf32, #tpu.memory_space<vmem>>
        tpu.wait_dma2 semaphore(%arg11 : memref<!tpu.dma_semaphore, #tpu.memory_space<semaphore_mem>>) src(%dma_wait3A_652 : memref<128x32xf32, #tpu.memory_space<vmem>>) dst(%dma_wait3A_645 : memref<128x32xf32, #tpu.memory_space<vmem_shared>>)
        %dma_wait3A_653 = arith.constant 1 : i32
        %dma_wait3A_654 = arith.constant 0 : i32
        %dma_wait3A_655 = arith.constant 0 : i32
        %dma_wait3A_656 = tpu.memref_slice %arg7[%dma_wait3A_653, %dma_wait3A_654, %dma_wait3A_655] : memref<2x640x32xf32, #tpu.memory_space<vmem>> -> memref<1x640x32xf32, #tpu.memory_space<vmem>>
        %dma_wait3A_657 = tpu.memref_squeeze %dma_wait3A_656 : memref<1x640x32xf32, #tpu.memory_space<vmem>> -> memref<640x32xf32, #tpu.memory_space<vmem>>
        %dma_wait3A_658 = arith.constant 384 : i32
        %dma_wait3A_659 = arith.constant 0 : i32
        %dma_wait3A_660 = tpu.memref_slice %dma_wait3A_657[%dma_wait3A_658, %dma_wait3A_659] : memref<640x32xf32, #tpu.memory_space<vmem>> -> memref<128x32xf32, #tpu.memory_space<vmem>>
        %dma_wait3A_661 = arith.constant 0 : i32
        %dma_wait3A_662 = arith.constant 0 : i32
        %dma_wait3A_663 = tpu.memref_slice %arg8[%dma_wait3A_661, %dma_wait3A_662] : memref<25024x32xf32, #tpu.memory_space<vmem_shared>> -> memref<128x32xf32, #tpu.memory_space<vmem_shared>>
        %dma_wait3A_664 = arith.constant 0 : i32
        %dma_wait3A_665 = arith.constant 0 : i32
        %dma_wait3A_666 = tpu.memref_slice %arg8[%dma_wait3A_664, %dma_wait3A_665] : memref<25024x32xf32, #tpu.memory_space<vmem_shared>> -> memref<128x32xf32, #tpu.memory_space<vmem_shared>>
        %dma_wait3A_667 = arith.constant 0 : i32
        %dma_wait3A_668 = arith.constant 0 : i32
        %dma_wait3A_669 = tpu.memref_slice %arg7[%dma_wait3A_653, %dma_wait3A_667, %dma_wait3A_668] : memref<2x640x32xf32, #tpu.memory_space<vmem>> -> memref<1x640x32xf32, #tpu.memory_space<vmem>>
        %dma_wait3A_670 = tpu.memref_squeeze %dma_wait3A_669 : memref<1x640x32xf32, #tpu.memory_space<vmem>> -> memref<640x32xf32, #tpu.memory_space<vmem>>
        %dma_wait3A_671 = arith.constant 384 : i32
        %dma_wait3A_672 = arith.constant 0 : i32
        %dma_wait3A_673 = tpu.memref_slice %dma_wait3A_670[%dma_wait3A_671, %dma_wait3A_672] : memref<640x32xf32, #tpu.memory_space<vmem>> -> memref<128x32xf32, #tpu.memory_space<vmem>>
        tpu.wait_dma2 semaphore(%arg11 : memref<!tpu.dma_semaphore, #tpu.memory_space<semaphore_mem>>) src(%dma_wait3A_673 : memref<128x32xf32, #tpu.memory_space<vmem>>) dst(%dma_wait3A_666 : memref<128x32xf32, #tpu.memory_space<vmem_shared>>)
        %dma_wait3A_674 = arith.constant 1 : i32
        %dma_wait3A_675 = arith.constant 0 : i32
        %dma_wait3A_676 = arith.constant 0 : i32
        %dma_wait3A_677 = tpu.memref_slice %arg7[%dma_wait3A_674, %dma_wait3A_675, %dma_wait3A_676] : memref<2x640x32xf32, #tpu.memory_space<vmem>> -> memref<1x640x32xf32, #tpu.memory_space<vmem>>
        %dma_wait3A_678 = tpu.memref_squeeze %dma_wait3A_677 : memref<1x640x32xf32, #tpu.memory_space<vmem>> -> memref<640x32xf32, #tpu.memory_space<vmem>>
        %dma_wait3A_679 = arith.constant 512 : i32
        %dma_wait3A_680 = arith.constant 0 : i32
        %dma_wait3A_681 = tpu.memref_slice %dma_wait3A_678[%dma_wait3A_679, %dma_wait3A_680] : memref<640x32xf32, #tpu.memory_space<vmem>> -> memref<128x32xf32, #tpu.memory_space<vmem>>
        %dma_wait3A_682 = arith.constant 0 : i32
        %dma_wait3A_683 = arith.constant 0 : i32
        %dma_wait3A_684 = tpu.memref_slice %arg8[%dma_wait3A_682, %dma_wait3A_683] : memref<25024x32xf32, #tpu.memory_space<vmem_shared>> -> memref<128x32xf32, #tpu.memory_space<vmem_shared>>
        %dma_wait3A_685 = arith.constant 0 : i32
        %dma_wait3A_686 = arith.constant 0 : i32
        %dma_wait3A_687 = tpu.memref_slice %arg8[%dma_wait3A_685, %dma_wait3A_686] : memref<25024x32xf32, #tpu.memory_space<vmem_shared>> -> memref<128x32xf32, #tpu.memory_space<vmem_shared>>
        %dma_wait3A_688 = arith.constant 0 : i32
        %dma_wait3A_689 = arith.constant 0 : i32
        %dma_wait3A_690 = tpu.memref_slice %arg7[%dma_wait3A_674, %dma_wait3A_688, %dma_wait3A_689] : memref<2x640x32xf32, #tpu.memory_space<vmem>> -> memref<1x640x32xf32, #tpu.memory_space<vmem>>
        %dma_wait3A_691 = tpu.memref_squeeze %dma_wait3A_690 : memref<1x640x32xf32, #tpu.memory_space<vmem>> -> memref<640x32xf32, #tpu.memory_space<vmem>>
        %dma_wait3A_692 = arith.constant 512 : i32
        %dma_wait3A_693 = arith.constant 0 : i32
        %dma_wait3A_694 = tpu.memref_slice %dma_wait3A_691[%dma_wait3A_692, %dma_wait3A_693] : memref<640x32xf32, #tpu.memory_space<vmem>> -> memref<128x32xf32, #tpu.memory_space<vmem>>
        tpu.wait_dma2 semaphore(%arg11 : memref<!tpu.dma_semaphore, #tpu.memory_space<semaphore_mem>>) src(%dma_wait3A_694 : memref<128x32xf32, #tpu.memory_space<vmem>>) dst(%dma_wait3A_687 : memref<128x32xf32, #tpu.memory_space<vmem_shared>>)
      } else {
      }
      %mul3A_211 = arith.constant 2 : i32
      %mul3A_212 = arith.muli %mul3A_211, %scan3A_184 : i32
      %add3A_213 = arith.constant 1 : i32
      %add3A_214 = arith.addi %mul3A_212, %add3A_213 : i32
      %mul3A_215 = arith.constant 5 : i32
      %mul3A_216 = arith.muli %add3A_214, %mul3A_215 : i32
      %mul3A_217 = arith.constant 128 : i32
      %mul3A_218 = arith.muli %mul3A_216, %mul3A_217 : i32
      %add3A_219 = arith.addi %mul3A_23, %mul3A_218 : i32
      %min3A_220 = arith.constant 306560 : i32
      %min3A_221 = arith.minsi %add3A_219, %min3A_220 : i32
      %dma_start3A_222 = arith.constant 1 : i32
      %dma_start3A_223 = arith.constant 0 : i32
      %dma_start3A_224 = arith.constant 0 : i32
      %dma_start3A_225 = tpu.memref_slice %arg7[%dma_start3A_222, %dma_start3A_223, %dma_start3A_224] : memref<2x640x32xf32, #tpu.memory_space<vmem>> -> memref<1x640x32xf32, #tpu.memory_space<vmem>>
      %dma_start3A_226 = tpu.memref_squeeze %dma_start3A_225 : memref<1x640x32xf32, #tpu.memory_space<vmem>> -> memref<640x32xf32, #tpu.memory_space<vmem>>
      %dma_start3A_227 = arith.constant 0 : i32
      %dma_start3A_228 = arith.constant 0 : i32
      %dma_start3A_229 = tpu.memref_slice %arg2[%select_n3A, %dma_start3A_227, %dma_start3A_228] : memref<2x307200x32xf32, #tpu.memory_space<hbm>> -> memref<1x307200x32xf32, #tpu.memory_space<hbm>>
      %dma_start3A_230 = tpu.memref_squeeze %dma_start3A_229 : memref<1x307200x32xf32, #tpu.memory_space<hbm>> -> memref<307200x32xf32, #tpu.memory_space<hbm>>
      %dma_start3A_231 = arith.constant 0 : i32
      %dma_start3A_232 = tpu.memref_slice %dma_start3A_230[%min3A_221, %dma_start3A_231] : memref<307200x32xf32, #tpu.memory_space<hbm>> -> memref<640x32xf32, #tpu.memory_space<hbm>>
      %dma_start3A_233 = arith.constant 0 : i32
      %dma_start3A_234 = arith.constant 0 : i32
      %dma_start3A_235 = tpu.memref_slice %arg7[%dma_start3A_222, %dma_start3A_233, %dma_start3A_234] : memref<2x640x32xf32, #tpu.memory_space<vmem>> -> memref<1x640x32xf32, #tpu.memory_space<vmem>>
      %dma_start3A_236 = tpu.memref_squeeze %dma_start3A_235 : memref<1x640x32xf32, #tpu.memory_space<vmem>> -> memref<640x32xf32, #tpu.memory_space<vmem>>
      %dma_start3A_237 = arith.constant 0 : i32
      %dma_start3A_238 = arith.constant 0 : i32
      %dma_start3A_239 = tpu.memref_slice %arg2[%select_n3A, %dma_start3A_237, %dma_start3A_238] : memref<2x307200x32xf32, #tpu.memory_space<hbm>> -> memref<1x307200x32xf32, #tpu.memory_space<hbm>>
      %dma_start3A_240 = tpu.memref_squeeze %dma_start3A_239 : memref<1x307200x32xf32, #tpu.memory_space<hbm>> -> memref<307200x32xf32, #tpu.memory_space<hbm>>
      %dma_start3A_241 = arith.constant 0 : i32
      %dma_start3A_242 = tpu.memref_slice %dma_start3A_240[%min3A_221, %dma_start3A_241] : memref<307200x32xf32, #tpu.memory_space<hbm>> -> memref<640x32xf32, #tpu.memory_space<hbm>>
      tpu.enqueue_dma source(%dma_start3A_242 : memref<640x32xf32, #tpu.memory_space<hbm>>) target(%dma_start3A_236 : memref<640x32xf32, #tpu.memory_space<vmem>>) target_semaphore(%arg9 : memref<!tpu.dma_semaphore, #tpu.memory_space<semaphore_mem>>)
      %mul3A_243 = arith.constant 2 : i32
      %mul3A_244 = arith.muli %mul3A_243, %scan3A_184 : i32
      %mul3A_245 = arith.constant 5 : i32
      %mul3A_246 = arith.muli %mul3A_244, %mul3A_245 : i32
      %add3A_247 = arith.constant 0 : i32
      %add3A_248 = arith.addi %mul3A_246, %add3A_247 : i32
      %dma_start3A_249 = arith.constant 0 : i32
      %dma_start3A_250 = arith.constant 0 : i32
      %dma_start3A_251 = arith.constant 0 : i32
      %dma_start3A_252 = tpu.memref_slice %arg7[%dma_start3A_249, %dma_start3A_250, %dma_start3A_251] : memref<2x640x32xf32, #tpu.memory_space<vmem>> -> memref<1x640x32xf32, #tpu.memory_space<vmem>>
      %dma_start3A_253 = tpu.memref_squeeze %dma_start3A_252 : memref<1x640x32xf32, #tpu.memory_space<vmem>> -> memref<640x32xf32, #tpu.memory_space<vmem>>
      %dma_start3A_254 = arith.constant 0 : i32
      %dma_start3A_255 = arith.constant 0 : i32
      %dma_start3A_256 = tpu.memref_slice %dma_start3A_253[%dma_start3A_254, %dma_start3A_255] : memref<640x32xf32, #tpu.memory_space<vmem>> -> memref<128x32xf32, #tpu.memory_space<vmem>>
      %dma_start3A_257 = arith.constant 0 : i32
      %dma_start3A_258 = tpu.memref_slice %arg6[%add3A_248, %dma_start3A_257] : memref<300x128xi32, #tpu.memory_space<vmem>> -> memref<1x128xi32, #tpu.memory_space<vmem>>
      %dma_start3A_259 = tpu.memref_squeeze %dma_start3A_258 : memref<1x128xi32, #tpu.memory_space<vmem>> -> memref<128xi32, #tpu.memory_space<vmem>>
      %dma_start3A_260 = arith.constant 0 : i32
      %dma_start3A_261 = arith.constant 0 : i32
      %dma_start3A_262 = tpu.memref_slice %arg8[%dma_start3A_260, %dma_start3A_261] : memref<25024x32xf32, #tpu.memory_space<vmem_shared>> -> memref<25024x32xf32, #tpu.memory_space<vmem_shared>>
      tpu.enqueue_indirect_dma source(%dma_start3A_256 : memref<128x32xf32, #tpu.memory_space<vmem>>) target(%dma_start3A_262 : memref<25024x32xf32, #tpu.memory_space<vmem_shared>>) offsets(%dma_start3A_259 : memref<128xi32, #tpu.memory_space<vmem>>) semaphore(%arg10 : memref<!tpu.dma_semaphore, #tpu.memory_space<semaphore_mem>>) {add = true}
      %mul3A_263 = arith.constant 5 : i32
      %mul3A_264 = arith.muli %mul3A_244, %mul3A_263 : i32
      %add3A_265 = arith.constant 1 : i32
      %add3A_266 = arith.addi %mul3A_264, %add3A_265 : i32
      %dma_start3A_267 = arith.constant 0 : i32
      %dma_start3A_268 = arith.constant 0 : i32
      %dma_start3A_269 = arith.constant 0 : i32
      %dma_start3A_270 = tpu.memref_slice %arg7[%dma_start3A_267, %dma_start3A_268, %dma_start3A_269] : memref<2x640x32xf32, #tpu.memory_space<vmem>> -> memref<1x640x32xf32, #tpu.memory_space<vmem>>
      %dma_start3A_271 = tpu.memref_squeeze %dma_start3A_270 : memref<1x640x32xf32, #tpu.memory_space<vmem>> -> memref<640x32xf32, #tpu.memory_space<vmem>>
      %dma_start3A_272 = arith.constant 128 : i32
      %dma_start3A_273 = arith.constant 0 : i32
      %dma_start3A_274 = tpu.memref_slice %dma_start3A_271[%dma_start3A_272, %dma_start3A_273] : memref<640x32xf32, #tpu.memory_space<vmem>> -> memref<128x32xf32, #tpu.memory_space<vmem>>
      %dma_start3A_275 = arith.constant 0 : i32
      %dma_start3A_276 = tpu.memref_slice %arg6[%add3A_266, %dma_start3A_275] : memref<300x128xi32, #tpu.memory_space<vmem>> -> memref<1x128xi32, #tpu.memory_space<vmem>>
      %dma_start3A_277 = tpu.memref_squeeze %dma_start3A_276 : memref<1x128xi32, #tpu.memory_space<vmem>> -> memref<128xi32, #tpu.memory_space<vmem>>
      %dma_start3A_278 = arith.constant 0 : i32
      %dma_start3A_279 = arith.constant 0 : i32
      %dma_start3A_280 = tpu.memref_slice %arg8[%dma_start3A_278, %dma_start3A_279] : memref<25024x32xf32, #tpu.memory_space<vmem_shared>> -> memref<25024x32xf32, #tpu.memory_space<vmem_shared>>
      tpu.enqueue_indirect_dma source(%dma_start3A_274 : memref<128x32xf32, #tpu.memory_space<vmem>>) target(%dma_start3A_280 : memref<25024x32xf32, #tpu.memory_space<vmem_shared>>) offsets(%dma_start3A_277 : memref<128xi32, #tpu.memory_space<vmem>>) semaphore(%arg10 : memref<!tpu.dma_semaphore, #tpu.memory_space<semaphore_mem>>) {add = true}
      %mul3A_281 = arith.constant 5 : i32
      %mul3A_282 = arith.muli %mul3A_244, %mul3A_281 : i32
      %add3A_283 = arith.constant 2 : i32
      %add3A_284 = arith.addi %mul3A_282, %add3A_283 : i32
      %dma_start3A_285 = arith.constant 0 : i32
      %dma_start3A_286 = arith.constant 0 : i32
      %dma_start3A_287 = arith.constant 0 : i32
      %dma_start3A_288 = tpu.memref_slice %arg7[%dma_start3A_285, %dma_start3A_286, %dma_start3A_287] : memref<2x640x32xf32, #tpu.memory_space<vmem>> -> memref<1x640x32xf32, #tpu.memory_space<vmem>>
      %dma_start3A_289 = tpu.memref_squeeze %dma_start3A_288 : memref<1x640x32xf32, #tpu.memory_space<vmem>> -> memref<640x32xf32, #tpu.memory_space<vmem>>
      %dma_start3A_290 = arith.constant 256 : i32
      %dma_start3A_291 = arith.constant 0 : i32
      %dma_start3A_292 = tpu.memref_slice %dma_start3A_289[%dma_start3A_290, %dma_start3A_291] : memref<640x32xf32, #tpu.memory_space<vmem>> -> memref<128x32xf32, #tpu.memory_space<vmem>>
      %dma_start3A_293 = arith.constant 0 : i32
      %dma_start3A_294 = tpu.memref_slice %arg6[%add3A_284, %dma_start3A_293] : memref<300x128xi32, #tpu.memory_space<vmem>> -> memref<1x128xi32, #tpu.memory_space<vmem>>
      %dma_start3A_295 = tpu.memref_squeeze %dma_start3A_294 : memref<1x128xi32, #tpu.memory_space<vmem>> -> memref<128xi32, #tpu.memory_space<vmem>>
      %dma_start3A_296 = arith.constant 0 : i32
      %dma_start3A_297 = arith.constant 0 : i32
      %dma_start3A_298 = tpu.memref_slice %arg8[%dma_start3A_296, %dma_start3A_297] : memref<25024x32xf32, #tpu.memory_space<vmem_shared>> -> memref<25024x32xf32, #tpu.memory_space<vmem_shared>>
      tpu.enqueue_indirect_dma source(%dma_start3A_292 : memref<128x32xf32, #tpu.memory_space<vmem>>) target(%dma_start3A_298 : memref<25024x32xf32, #tpu.memory_space<vmem_shared>>) offsets(%dma_start3A_295 : memref<128xi32, #tpu.memory_space<vmem>>) semaphore(%arg10 : memref<!tpu.dma_semaphore, #tpu.memory_space<semaphore_mem>>) {add = true}
      %mul3A_299 = arith.constant 5 : i32
      %mul3A_300 = arith.muli %mul3A_244, %mul3A_299 : i32
      %add3A_301 = arith.constant 3 : i32
      %add3A_302 = arith.addi %mul3A_300, %add3A_301 : i32
      %dma_start3A_303 = arith.constant 0 : i32
      %dma_start3A_304 = arith.constant 0 : i32
      %dma_start3A_305 = arith.constant 0 : i32
      %dma_start3A_306 = tpu.memref_slice %arg7[%dma_start3A_303, %dma_start3A_304, %dma_start3A_305] : memref<2x640x32xf32, #tpu.memory_space<vmem>> -> memref<1x640x32xf32, #tpu.memory_space<vmem>>
      %dma_start3A_307 = tpu.memref_squeeze %dma_start3A_306 : memref<1x640x32xf32, #tpu.memory_space<vmem>> -> memref<640x32xf32, #tpu.memory_space<vmem>>
      %dma_start3A_308 = arith.constant 384 : i32
      %dma_start3A_309 = arith.constant 0 : i32
      %dma_start3A_310 = tpu.memref_slice %dma_start3A_307[%dma_start3A_308, %dma_start3A_309] : memref<640x32xf32, #tpu.memory_space<vmem>> -> memref<128x32xf32, #tpu.memory_space<vmem>>
      %dma_start3A_311 = arith.constant 0 : i32
      %dma_start3A_312 = tpu.memref_slice %arg6[%add3A_302, %dma_start3A_311] : memref<300x128xi32, #tpu.memory_space<vmem>> -> memref<1x128xi32, #tpu.memory_space<vmem>>
      %dma_start3A_313 = tpu.memref_squeeze %dma_start3A_312 : memref<1x128xi32, #tpu.memory_space<vmem>> -> memref<128xi32, #tpu.memory_space<vmem>>
      %dma_start3A_314 = arith.constant 0 : i32
      %dma_start3A_315 = arith.constant 0 : i32
      %dma_start3A_316 = tpu.memref_slice %arg8[%dma_start3A_314, %dma_start3A_315] : memref<25024x32xf32, #tpu.memory_space<vmem_shared>> -> memref<25024x32xf32, #tpu.memory_space<vmem_shared>>
      tpu.enqueue_indirect_dma source(%dma_start3A_310 : memref<128x32xf32, #tpu.memory_space<vmem>>) target(%dma_start3A_316 : memref<25024x32xf32, #tpu.memory_space<vmem_shared>>) offsets(%dma_start3A_313 : memref<128xi32, #tpu.memory_space<vmem>>) semaphore(%arg10 : memref<!tpu.dma_semaphore, #tpu.memory_space<semaphore_mem>>) {add = true}
      %mul3A_317 = arith.constant 5 : i32
      %mul3A_318 = arith.muli %mul3A_244, %mul3A_317 : i32
      %add3A_319 = arith.constant 4 : i32
      %add3A_320 = arith.addi %mul3A_318, %add3A_319 : i32
      %dma_start3A_321 = arith.constant 0 : i32
      %dma_start3A_322 = arith.constant 0 : i32
      %dma_start3A_323 = arith.constant 0 : i32
      %dma_start3A_324 = tpu.memref_slice %arg7[%dma_start3A_321, %dma_start3A_322, %dma_start3A_323] : memref<2x640x32xf32, #tpu.memory_space<vmem>> -> memref<1x640x32xf32, #tpu.memory_space<vmem>>
      %dma_start3A_325 = tpu.memref_squeeze %dma_start3A_324 : memref<1x640x32xf32, #tpu.memory_space<vmem>> -> memref<640x32xf32, #tpu.memory_space<vmem>>
      %dma_start3A_326 = arith.constant 512 : i32
      %dma_start3A_327 = arith.constant 0 : i32
      %dma_start3A_328 = tpu.memref_slice %dma_start3A_325[%dma_start3A_326, %dma_start3A_327] : memref<640x32xf32, #tpu.memory_space<vmem>> -> memref<128x32xf32, #tpu.memory_space<vmem>>
      %dma_start3A_329 = arith.constant 0 : i32
      %dma_start3A_330 = tpu.memref_slice %arg6[%add3A_320, %dma_start3A_329] : memref<300x128xi32, #tpu.memory_space<vmem>> -> memref<1x128xi32, #tpu.memory_space<vmem>>
      %dma_start3A_331 = tpu.memref_squeeze %dma_start3A_330 : memref<1x128xi32, #tpu.memory_space<vmem>> -> memref<128xi32, #tpu.memory_space<vmem>>
      %dma_start3A_332 = arith.constant 0 : i32
      %dma_start3A_333 = arith.constant 0 : i32
      %dma_start3A_334 = tpu.memref_slice %arg8[%dma_start3A_332, %dma_start3A_333] : memref<25024x32xf32, #tpu.memory_space<vmem_shared>> -> memref<25024x32xf32, #tpu.memory_space<vmem_shared>>
      tpu.enqueue_indirect_dma source(%dma_start3A_328 : memref<128x32xf32, #tpu.memory_space<vmem>>) target(%dma_start3A_334 : memref<25024x32xf32, #tpu.memory_space<vmem_shared>>) offsets(%dma_start3A_331 : memref<128xi32, #tpu.memory_space<vmem>>) semaphore(%arg10 : memref<!tpu.dma_semaphore, #tpu.memory_space<semaphore_mem>>) {add = true}
      %dma_wait3A_335 = arith.constant 0 : i32
      %dma_wait3A_336 = arith.constant 0 : i32
      %dma_wait3A_337 = arith.constant 0 : i32
      %dma_wait3A_338 = arith.constant 0 : i32
      %dma_wait3A_339 = tpu.memref_slice %arg7[%dma_wait3A_336, %dma_wait3A_337, %dma_wait3A_338] : memref<2x640x32xf32, #tpu.memory_space<vmem>> -> memref<1x640x32xf32, #tpu.memory_space<vmem>>
      %dma_wait3A_340 = tpu.memref_squeeze %dma_wait3A_339 : memref<1x640x32xf32, #tpu.memory_space<vmem>> -> memref<640x32xf32, #tpu.memory_space<vmem>>
      %dma_wait3A_341 = arith.constant 0 : i32
      %dma_wait3A_342 = arith.constant 0 : i32
      %dma_wait3A_343 = tpu.memref_slice %arg2[%dma_wait3A_335, %dma_wait3A_341, %dma_wait3A_342] : memref<2x307200x32xf32, #tpu.memory_space<hbm>> -> memref<1x307200x32xf32, #tpu.memory_space<hbm>>
      %dma_wait3A_344 = tpu.memref_squeeze %dma_wait3A_343 : memref<1x307200x32xf32, #tpu.memory_space<hbm>> -> memref<307200x32xf32, #tpu.memory_space<hbm>>
      %dma_wait3A_345 = arith.constant 0 : i32
      %dma_wait3A_346 = arith.constant 0 : i32
      %dma_wait3A_347 = tpu.memref_slice %dma_wait3A_344[%dma_wait3A_345, %dma_wait3A_346] : memref<307200x32xf32, #tpu.memory_space<hbm>> -> memref<640x32xf32, #tpu.memory_space<hbm>>
      %dma_wait3A_348 = arith.constant 0 : i32
      %dma_wait3A_349 = arith.constant 0 : i32
      %dma_wait3A_350 = tpu.memref_slice %arg7[%dma_wait3A_336, %dma_wait3A_348, %dma_wait3A_349] : memref<2x640x32xf32, #tpu.memory_space<vmem>> -> memref<1x640x32xf32, #tpu.memory_space<vmem>>
      %dma_wait3A_351 = tpu.memref_squeeze %dma_wait3A_350 : memref<1x640x32xf32, #tpu.memory_space<vmem>> -> memref<640x32xf32, #tpu.memory_space<vmem>>
      %dma_wait3A_352 = arith.constant 0 : i32
      %dma_wait3A_353 = arith.constant 0 : i32
      %dma_wait3A_354 = tpu.memref_slice %arg2[%dma_wait3A_335, %dma_wait3A_352, %dma_wait3A_353] : memref<2x307200x32xf32, #tpu.memory_space<hbm>> -> memref<1x307200x32xf32, #tpu.memory_space<hbm>>
      %dma_wait3A_355 = tpu.memref_squeeze %dma_wait3A_354 : memref<1x307200x32xf32, #tpu.memory_space<hbm>> -> memref<307200x32xf32, #tpu.memory_space<hbm>>
      %dma_wait3A_356 = arith.constant 0 : i32
      %dma_wait3A_357 = arith.constant 0 : i32
      %dma_wait3A_358 = tpu.memref_slice %dma_wait3A_355[%dma_wait3A_356, %dma_wait3A_357] : memref<307200x32xf32, #tpu.memory_space<hbm>> -> memref<640x32xf32, #tpu.memory_space<hbm>>
      tpu.wait_dma2 semaphore(%arg9 : memref<!tpu.dma_semaphore, #tpu.memory_space<semaphore_mem>>) src(%dma_wait3A_358 : memref<640x32xf32, #tpu.memory_space<hbm>>) dst(%dma_wait3A_351 : memref<640x32xf32, #tpu.memory_space<vmem>>)
      %dma_wait3A_359 = arith.constant 0 : i32
      %dma_wait3A_360 = arith.constant 0 : i32
      %dma_wait3A_361 = arith.constant 0 : i32
      %dma_wait3A_362 = tpu.memref_slice %arg7[%dma_wait3A_359, %dma_wait3A_360, %dma_wait3A_361] : memref<2x640x32xf32, #tpu.memory_space<vmem>> -> memref<1x640x32xf32, #tpu.memory_space<vmem>>
      %dma_wait3A_363 = tpu.memref_squeeze %dma_wait3A_362 : memref<1x640x32xf32, #tpu.memory_space<vmem>> -> memref<640x32xf32, #tpu.memory_space<vmem>>
      %dma_wait3A_364 = arith.constant 0 : i32
      %dma_wait3A_365 = arith.constant 0 : i32
      %dma_wait3A_366 = tpu.memref_slice %dma_wait3A_363[%dma_wait3A_364, %dma_wait3A_365] : memref<640x32xf32, #tpu.memory_space<vmem>> -> memref<128x32xf32, #tpu.memory_space<vmem>>
      %dma_wait3A_367 = arith.constant 0 : i32
      %dma_wait3A_368 = arith.constant 0 : i32
      %dma_wait3A_369 = tpu.memref_slice %arg8[%dma_wait3A_367, %dma_wait3A_368] : memref<25024x32xf32, #tpu.memory_space<vmem_shared>> -> memref<128x32xf32, #tpu.memory_space<vmem_shared>>
      %dma_wait3A_370 = arith.constant 0 : i32
      %dma_wait3A_371 = arith.constant 0 : i32
      %dma_wait3A_372 = tpu.memref_slice %arg8[%dma_wait3A_370, %dma_wait3A_371] : memref<25024x32xf32, #tpu.memory_space<vmem_shared>> -> memref<128x32xf32, #tpu.memory_space<vmem_shared>>
      %dma_wait3A_373 = arith.constant 0 : i32
      %dma_wait3A_374 = arith.constant 0 : i32
      %dma_wait3A_375 = tpu.memref_slice %arg7[%dma_wait3A_359, %dma_wait3A_373, %dma_wait3A_374] : memref<2x640x32xf32, #tpu.memory_space<vmem>> -> memref<1x640x32xf32, #tpu.memory_space<vmem>>
      %dma_wait3A_376 = tpu.memref_squeeze %dma_wait3A_375 : memref<1x640x32xf32, #tpu.memory_space<vmem>> -> memref<640x32xf32, #tpu.memory_space<vmem>>
      %dma_wait3A_377 = arith.constant 0 : i32
      %dma_wait3A_378 = arith.constant 0 : i32
      %dma_wait3A_379 = tpu.memref_slice %dma_wait3A_376[%dma_wait3A_377, %dma_wait3A_378] : memref<640x32xf32, #tpu.memory_space<vmem>> -> memref<128x32xf32, #tpu.memory_space<vmem>>
      tpu.wait_dma2 semaphore(%arg10 : memref<!tpu.dma_semaphore, #tpu.memory_space<semaphore_mem>>) src(%dma_wait3A_379 : memref<128x32xf32, #tpu.memory_space<vmem>>) dst(%dma_wait3A_372 : memref<128x32xf32, #tpu.memory_space<vmem_shared>>)
      %dma_wait3A_380 = arith.constant 0 : i32
      %dma_wait3A_381 = arith.constant 0 : i32
      %dma_wait3A_382 = arith.constant 0 : i32
      %dma_wait3A_383 = tpu.memref_slice %arg7[%dma_wait3A_380, %dma_wait3A_381, %dma_wait3A_382] : memref<2x640x32xf32, #tpu.memory_space<vmem>> -> memref<1x640x32xf32, #tpu.memory_space<vmem>>
      %dma_wait3A_384 = tpu.memref_squeeze %dma_wait3A_383 : memref<1x640x32xf32, #tpu.memory_space<vmem>> -> memref<640x32xf32, #tpu.memory_space<vmem>>
      %dma_wait3A_385 = arith.constant 128 : i32
      %dma_wait3A_386 = arith.constant 0 : i32
      %dma_wait3A_387 = tpu.memref_slice %dma_wait3A_384[%dma_wait3A_385, %dma_wait3A_386] : memref<640x32xf32, #tpu.memory_space<vmem>> -> memref<128x32xf32, #tpu.memory_space<vmem>>
      %dma_wait3A_388 = arith.constant 0 : i32
      %dma_wait3A_389 = arith.constant 0 : i32
      %dma_wait3A_390 = tpu.memref_slice %arg8[%dma_wait3A_388, %dma_wait3A_389] : memref<25024x32xf32, #tpu.memory_space<vmem_shared>> -> memref<128x32xf32, #tpu.memory_space<vmem_shared>>
      %dma_wait3A_391 = arith.constant 0 : i32
      %dma_wait3A_392 = arith.constant 0 : i32
      %dma_wait3A_393 = tpu.memref_slice %arg8[%dma_wait3A_391, %dma_wait3A_392] : memref<25024x32xf32, #tpu.memory_space<vmem_shared>> -> memref<128x32xf32, #tpu.memory_space<vmem_shared>>
      %dma_wait3A_394 = arith.constant 0 : i32
      %dma_wait3A_395 = arith.constant 0 : i32
      %dma_wait3A_396 = tpu.memref_slice %arg7[%dma_wait3A_380, %dma_wait3A_394, %dma_wait3A_395] : memref<2x640x32xf32, #tpu.memory_space<vmem>> -> memref<1x640x32xf32, #tpu.memory_space<vmem>>
      %dma_wait3A_397 = tpu.memref_squeeze %dma_wait3A_396 : memref<1x640x32xf32, #tpu.memory_space<vmem>> -> memref<640x32xf32, #tpu.memory_space<vmem>>
      %dma_wait3A_398 = arith.constant 128 : i32
      %dma_wait3A_399 = arith.constant 0 : i32
      %dma_wait3A_400 = tpu.memref_slice %dma_wait3A_397[%dma_wait3A_398, %dma_wait3A_399] : memref<640x32xf32, #tpu.memory_space<vmem>> -> memref<128x32xf32, #tpu.memory_space<vmem>>
      tpu.wait_dma2 semaphore(%arg10 : memref<!tpu.dma_semaphore, #tpu.memory_space<semaphore_mem>>) src(%dma_wait3A_400 : memref<128x32xf32, #tpu.memory_space<vmem>>) dst(%dma_wait3A_393 : memref<128x32xf32, #tpu.memory_space<vmem_shared>>)
      %dma_wait3A_401 = arith.constant 0 : i32
      %dma_wait3A_402 = arith.constant 0 : i32
      %dma_wait3A_403 = arith.constant 0 : i32
      %dma_wait3A_404 = tpu.memref_slice %arg7[%dma_wait3A_401, %dma_wait3A_402, %dma_wait3A_403] : memref<2x640x32xf32, #tpu.memory_space<vmem>> -> memref<1x640x32xf32, #tpu.memory_space<vmem>>
      %dma_wait3A_405 = tpu.memref_squeeze %dma_wait3A_404 : memref<1x640x32xf32, #tpu.memory_space<vmem>> -> memref<640x32xf32, #tpu.memory_space<vmem>>
      %dma_wait3A_406 = arith.constant 256 : i32
      %dma_wait3A_407 = arith.constant 0 : i32
      %dma_wait3A_408 = tpu.memref_slice %dma_wait3A_405[%dma_wait3A_406, %dma_wait3A_407] : memref<640x32xf32, #tpu.memory_space<vmem>> -> memref<128x32xf32, #tpu.memory_space<vmem>>
      %dma_wait3A_409 = arith.constant 0 : i32
      %dma_wait3A_410 = arith.constant 0 : i32
      %dma_wait3A_411 = tpu.memref_slice %arg8[%dma_wait3A_409, %dma_wait3A_410] : memref<25024x32xf32, #tpu.memory_space<vmem_shared>> -> memref<128x32xf32, #tpu.memory_space<vmem_shared>>
      %dma_wait3A_412 = arith.constant 0 : i32
      %dma_wait3A_413 = arith.constant 0 : i32
      %dma_wait3A_414 = tpu.memref_slice %arg8[%dma_wait3A_412, %dma_wait3A_413] : memref<25024x32xf32, #tpu.memory_space<vmem_shared>> -> memref<128x32xf32, #tpu.memory_space<vmem_shared>>
      %dma_wait3A_415 = arith.constant 0 : i32
      %dma_wait3A_416 = arith.constant 0 : i32
      %dma_wait3A_417 = tpu.memref_slice %arg7[%dma_wait3A_401, %dma_wait3A_415, %dma_wait3A_416] : memref<2x640x32xf32, #tpu.memory_space<vmem>> -> memref<1x640x32xf32, #tpu.memory_space<vmem>>
      %dma_wait3A_418 = tpu.memref_squeeze %dma_wait3A_417 : memref<1x640x32xf32, #tpu.memory_space<vmem>> -> memref<640x32xf32, #tpu.memory_space<vmem>>
      %dma_wait3A_419 = arith.constant 256 : i32
      %dma_wait3A_420 = arith.constant 0 : i32
      %dma_wait3A_421 = tpu.memref_slice %dma_wait3A_418[%dma_wait3A_419, %dma_wait3A_420] : memref<640x32xf32, #tpu.memory_space<vmem>> -> memref<128x32xf32, #tpu.memory_space<vmem>>
      tpu.wait_dma2 semaphore(%arg10 : memref<!tpu.dma_semaphore, #tpu.memory_space<semaphore_mem>>) src(%dma_wait3A_421 : memref<128x32xf32, #tpu.memory_space<vmem>>) dst(%dma_wait3A_414 : memref<128x32xf32, #tpu.memory_space<vmem_shared>>)
      %dma_wait3A_422 = arith.constant 0 : i32
      %dma_wait3A_423 = arith.constant 0 : i32
      %dma_wait3A_424 = arith.constant 0 : i32
      %dma_wait3A_425 = tpu.memref_slice %arg7[%dma_wait3A_422, %dma_wait3A_423, %dma_wait3A_424] : memref<2x640x32xf32, #tpu.memory_space<vmem>> -> memref<1x640x32xf32, #tpu.memory_space<vmem>>
      %dma_wait3A_426 = tpu.memref_squeeze %dma_wait3A_425 : memref<1x640x32xf32, #tpu.memory_space<vmem>> -> memref<640x32xf32, #tpu.memory_space<vmem>>
      %dma_wait3A_427 = arith.constant 384 : i32
      %dma_wait3A_428 = arith.constant 0 : i32
      %dma_wait3A_429 = tpu.memref_slice %dma_wait3A_426[%dma_wait3A_427, %dma_wait3A_428] : memref<640x32xf32, #tpu.memory_space<vmem>> -> memref<128x32xf32, #tpu.memory_space<vmem>>
      %dma_wait3A_430 = arith.constant 0 : i32
      %dma_wait3A_431 = arith.constant 0 : i32
      %dma_wait3A_432 = tpu.memref_slice %arg8[%dma_wait3A_430, %dma_wait3A_431] : memref<25024x32xf32, #tpu.memory_space<vmem_shared>> -> memref<128x32xf32, #tpu.memory_space<vmem_shared>>
      %dma_wait3A_433 = arith.constant 0 : i32
      %dma_wait3A_434 = arith.constant 0 : i32
      %dma_wait3A_435 = tpu.memref_slice %arg8[%dma_wait3A_433, %dma_wait3A_434] : memref<25024x32xf32, #tpu.memory_space<vmem_shared>> -> memref<128x32xf32, #tpu.memory_space<vmem_shared>>
      %dma_wait3A_436 = arith.constant 0 : i32
      %dma_wait3A_437 = arith.constant 0 : i32
      %dma_wait3A_438 = tpu.memref_slice %arg7[%dma_wait3A_422, %dma_wait3A_436, %dma_wait3A_437] : memref<2x640x32xf32, #tpu.memory_space<vmem>> -> memref<1x640x32xf32, #tpu.memory_space<vmem>>
      %dma_wait3A_439 = tpu.memref_squeeze %dma_wait3A_438 : memref<1x640x32xf32, #tpu.memory_space<vmem>> -> memref<640x32xf32, #tpu.memory_space<vmem>>
      %dma_wait3A_440 = arith.constant 384 : i32
      %dma_wait3A_441 = arith.constant 0 : i32
      %dma_wait3A_442 = tpu.memref_slice %dma_wait3A_439[%dma_wait3A_440, %dma_wait3A_441] : memref<640x32xf32, #tpu.memory_space<vmem>> -> memref<128x32xf32, #tpu.memory_space<vmem>>
      tpu.wait_dma2 semaphore(%arg10 : memref<!tpu.dma_semaphore, #tpu.memory_space<semaphore_mem>>) src(%dma_wait3A_442 : memref<128x32xf32, #tpu.memory_space<vmem>>) dst(%dma_wait3A_435 : memref<128x32xf32, #tpu.memory_space<vmem_shared>>)
      %dma_wait3A_443 = arith.constant 0 : i32
      %dma_wait3A_444 = arith.constant 0 : i32
      %dma_wait3A_445 = arith.constant 0 : i32
      %dma_wait3A_446 = tpu.memref_slice %arg7[%dma_wait3A_443, %dma_wait3A_444, %dma_wait3A_445] : memref<2x640x32xf32, #tpu.memory_space<vmem>> -> memref<1x640x32xf32, #tpu.memory_space<vmem>>
      %dma_wait3A_447 = tpu.memref_squeeze %dma_wait3A_446 : memref<1x640x32xf32, #tpu.memory_space<vmem>> -> memref<640x32xf32, #tpu.memory_space<vmem>>
      %dma_wait3A_448 = arith.constant 512 : i32
      %dma_wait3A_449 = arith.constant 0 : i32
      %dma_wait3A_450 = tpu.memref_slice %dma_wait3A_447[%dma_wait3A_448, %dma_wait3A_449] : memref<640x32xf32, #tpu.memory_space<vmem>> -> memref<128x32xf32, #tpu.memory_space<vmem>>
      %dma_wait3A_451 = arith.constant 0 : i32
      %dma_wait3A_452 = arith.constant 0 : i32
      %dma_wait3A_453 = tpu.memref_slice %arg8[%dma_wait3A_451, %dma_wait3A_452] : memref<25024x32xf32, #tpu.memory_space<vmem_shared>> -> memref<128x32xf32, #tpu.memory_space<vmem_shared>>
      %dma_wait3A_454 = arith.constant 0 : i32
      %dma_wait3A_455 = arith.constant 0 : i32
      %dma_wait3A_456 = tpu.memref_slice %arg8[%dma_wait3A_454, %dma_wait3A_455] : memref<25024x32xf32, #tpu.memory_space<vmem_shared>> -> memref<128x32xf32, #tpu.memory_space<vmem_shared>>
      %dma_wait3A_457 = arith.constant 0 : i32
      %dma_wait3A_458 = arith.constant 0 : i32
      %dma_wait3A_459 = tpu.memref_slice %arg7[%dma_wait3A_443, %dma_wait3A_457, %dma_wait3A_458] : memref<2x640x32xf32, #tpu.memory_space<vmem>> -> memref<1x640x32xf32, #tpu.memory_space<vmem>>
      %dma_wait3A_460 = tpu.memref_squeeze %dma_wait3A_459 : memref<1x640x32xf32, #tpu.memory_space<vmem>> -> memref<640x32xf32, #tpu.memory_space<vmem>>
      %dma_wait3A_461 = arith.constant 512 : i32
      %dma_wait3A_462 = arith.constant 0 : i32
      %dma_wait3A_463 = tpu.memref_slice %dma_wait3A_460[%dma_wait3A_461, %dma_wait3A_462] : memref<640x32xf32, #tpu.memory_space<vmem>> -> memref<128x32xf32, #tpu.memory_space<vmem>>
      tpu.wait_dma2 semaphore(%arg10 : memref<!tpu.dma_semaphore, #tpu.memory_space<semaphore_mem>>) src(%dma_wait3A_463 : memref<128x32xf32, #tpu.memory_space<vmem>>) dst(%dma_wait3A_456 : memref<128x32xf32, #tpu.memory_space<vmem_shared>>)
      %mul3A_464 = arith.constant 2 : i32
      %mul3A_465 = arith.muli %mul3A_464, %scan3A_184 : i32
      %add3A_466 = arith.constant 2 : i32
      %add3A_467 = arith.addi %mul3A_465, %add3A_466 : i32
      %mul3A_468 = arith.constant 5 : i32
      %mul3A_469 = arith.muli %add3A_467, %mul3A_468 : i32
      %mul3A_470 = arith.constant 128 : i32
      %mul3A_471 = arith.muli %mul3A_469, %mul3A_470 : i32
      %add3A_472 = arith.addi %mul3A_23, %mul3A_471 : i32
      %min3A_473 = arith.constant 306560 : i32
      %min3A_474 = arith.minsi %add3A_472, %min3A_473 : i32
      %dma_start3A_475 = arith.constant 0 : i32
      %dma_start3A_476 = arith.constant 0 : i32
      %dma_start3A_477 = arith.constant 0 : i32
      %dma_start3A_478 = tpu.memref_slice %arg7[%dma_start3A_475, %dma_start3A_476, %dma_start3A_477] : memref<2x640x32xf32, #tpu.memory_space<vmem>> -> memref<1x640x32xf32, #tpu.memory_space<vmem>>
      %dma_start3A_479 = tpu.memref_squeeze %dma_start3A_478 : memref<1x640x32xf32, #tpu.memory_space<vmem>> -> memref<640x32xf32, #tpu.memory_space<vmem>>
      %dma_start3A_480 = arith.constant 0 : i32
      %dma_start3A_481 = arith.constant 0 : i32
      %dma_start3A_482 = tpu.memref_slice %arg2[%select_n3A, %dma_start3A_480, %dma_start3A_481] : memref<2x307200x32xf32, #tpu.memory_space<hbm>> -> memref<1x307200x32xf32, #tpu.memory_space<hbm>>
      %dma_start3A_483 = tpu.memref_squeeze %dma_start3A_482 : memref<1x307200x32xf32, #tpu.memory_space<hbm>> -> memref<307200x32xf32, #tpu.memory_space<hbm>>
      %dma_start3A_484 = arith.constant 0 : i32
      %dma_start3A_485 = tpu.memref_slice %dma_start3A_483[%min3A_474, %dma_start3A_484] : memref<307200x32xf32, #tpu.memory_space<hbm>> -> memref<640x32xf32, #tpu.memory_space<hbm>>
      %dma_start3A_486 = arith.constant 0 : i32
      %dma_start3A_487 = arith.constant 0 : i32
      %dma_start3A_488 = tpu.memref_slice %arg7[%dma_start3A_475, %dma_start3A_486, %dma_start3A_487] : memref<2x640x32xf32, #tpu.memory_space<vmem>> -> memref<1x640x32xf32, #tpu.memory_space<vmem>>
      %dma_start3A_489 = tpu.memref_squeeze %dma_start3A_488 : memref<1x640x32xf32, #tpu.memory_space<vmem>> -> memref<640x32xf32, #tpu.memory_space<vmem>>
      %dma_start3A_490 = arith.constant 0 : i32
      %dma_start3A_491 = arith.constant 0 : i32
      %dma_start3A_492 = tpu.memref_slice %arg2[%select_n3A, %dma_start3A_490, %dma_start3A_491] : memref<2x307200x32xf32, #tpu.memory_space<hbm>> -> memref<1x307200x32xf32, #tpu.memory_space<hbm>>
      %dma_start3A_493 = tpu.memref_squeeze %dma_start3A_492 : memref<1x307200x32xf32, #tpu.memory_space<hbm>> -> memref<307200x32xf32, #tpu.memory_space<hbm>>
      %dma_start3A_494 = arith.constant 0 : i32
      %dma_start3A_495 = tpu.memref_slice %dma_start3A_493[%min3A_474, %dma_start3A_494] : memref<307200x32xf32, #tpu.memory_space<hbm>> -> memref<640x32xf32, #tpu.memory_space<hbm>>
      tpu.enqueue_dma source(%dma_start3A_495 : memref<640x32xf32, #tpu.memory_space<hbm>>) target(%dma_start3A_489 : memref<640x32xf32, #tpu.memory_space<vmem>>) target_semaphore(%arg9 : memref<!tpu.dma_semaphore, #tpu.memory_space<semaphore_mem>>)
      %mul3A_496 = arith.constant 2 : i32
      %mul3A_497 = arith.muli %mul3A_496, %scan3A_184 : i32
      %add3A_498 = arith.constant 1 : i32
      %add3A_499 = arith.addi %mul3A_497, %add3A_498 : i32
      %mul3A_500 = arith.constant 5 : i32
      %mul3A_501 = arith.muli %add3A_499, %mul3A_500 : i32
      %add3A_502 = arith.constant 0 : i32
      %add3A_503 = arith.addi %mul3A_501, %add3A_502 : i32
      %dma_start3A_504 = arith.constant 1 : i32
      %dma_start3A_505 = arith.constant 0 : i32
      %dma_start3A_506 = arith.constant 0 : i32
      %dma_start3A_507 = tpu.memref_slice %arg7[%dma_start3A_504, %dma_start3A_505, %dma_start3A_506] : memref<2x640x32xf32, #tpu.memory_space<vmem>> -> memref<1x640x32xf32, #tpu.memory_space<vmem>>
      %dma_start3A_508 = tpu.memref_squeeze %dma_start3A_507 : memref<1x640x32xf32, #tpu.memory_space<vmem>> -> memref<640x32xf32, #tpu.memory_space<vmem>>
      %dma_start3A_509 = arith.constant 0 : i32
      %dma_start3A_510 = arith.constant 0 : i32
      %dma_start3A_511 = tpu.memref_slice %dma_start3A_508[%dma_start3A_509, %dma_start3A_510] : memref<640x32xf32, #tpu.memory_space<vmem>> -> memref<128x32xf32, #tpu.memory_space<vmem>>
      %dma_start3A_512 = arith.constant 0 : i32
      %dma_start3A_513 = tpu.memref_slice %arg6[%add3A_503, %dma_start3A_512] : memref<300x128xi32, #tpu.memory_space<vmem>> -> memref<1x128xi32, #tpu.memory_space<vmem>>
      %dma_start3A_514 = tpu.memref_squeeze %dma_start3A_513 : memref<1x128xi32, #tpu.memory_space<vmem>> -> memref<128xi32, #tpu.memory_space<vmem>>
      %dma_start3A_515 = arith.constant 0 : i32
      %dma_start3A_516 = arith.constant 0 : i32
      %dma_start3A_517 = tpu.memref_slice %arg8[%dma_start3A_515, %dma_start3A_516] : memref<25024x32xf32, #tpu.memory_space<vmem_shared>> -> memref<25024x32xf32, #tpu.memory_space<vmem_shared>>
      tpu.enqueue_indirect_dma source(%dma_start3A_511 : memref<128x32xf32, #tpu.memory_space<vmem>>) target(%dma_start3A_517 : memref<25024x32xf32, #tpu.memory_space<vmem_shared>>) offsets(%dma_start3A_514 : memref<128xi32, #tpu.memory_space<vmem>>) semaphore(%arg11 : memref<!tpu.dma_semaphore, #tpu.memory_space<semaphore_mem>>) {add = true}
      %mul3A_518 = arith.constant 5 : i32
      %mul3A_519 = arith.muli %add3A_499, %mul3A_518 : i32
      %add3A_520 = arith.constant 1 : i32
      %add3A_521 = arith.addi %mul3A_519, %add3A_520 : i32
      %dma_start3A_522 = arith.constant 1 : i32
      %dma_start3A_523 = arith.constant 0 : i32
      %dma_start3A_524 = arith.constant 0 : i32
      %dma_start3A_525 = tpu.memref_slice %arg7[%dma_start3A_522, %dma_start3A_523, %dma_start3A_524] : memref<2x640x32xf32, #tpu.memory_space<vmem>> -> memref<1x640x32xf32, #tpu.memory_space<vmem>>
      %dma_start3A_526 = tpu.memref_squeeze %dma_start3A_525 : memref<1x640x32xf32, #tpu.memory_space<vmem>> -> memref<640x32xf32, #tpu.memory_space<vmem>>
      %dma_start3A_527 = arith.constant 128 : i32
      %dma_start3A_528 = arith.constant 0 : i32
      %dma_start3A_529 = tpu.memref_slice %dma_start3A_526[%dma_start3A_527, %dma_start3A_528] : memref<640x32xf32, #tpu.memory_space<vmem>> -> memref<128x32xf32, #tpu.memory_space<vmem>>
      %dma_start3A_530 = arith.constant 0 : i32
      %dma_start3A_531 = tpu.memref_slice %arg6[%add3A_521, %dma_start3A_530] : memref<300x128xi32, #tpu.memory_space<vmem>> -> memref<1x128xi32, #tpu.memory_space<vmem>>
      %dma_start3A_532 = tpu.memref_squeeze %dma_start3A_531 : memref<1x128xi32, #tpu.memory_space<vmem>> -> memref<128xi32, #tpu.memory_space<vmem>>
      %dma_start3A_533 = arith.constant 0 : i32
      %dma_start3A_534 = arith.constant 0 : i32
      %dma_start3A_535 = tpu.memref_slice %arg8[%dma_start3A_533, %dma_start3A_534] : memref<25024x32xf32, #tpu.memory_space<vmem_shared>> -> memref<25024x32xf32, #tpu.memory_space<vmem_shared>>
      tpu.enqueue_indirect_dma source(%dma_start3A_529 : memref<128x32xf32, #tpu.memory_space<vmem>>) target(%dma_start3A_535 : memref<25024x32xf32, #tpu.memory_space<vmem_shared>>) offsets(%dma_start3A_532 : memref<128xi32, #tpu.memory_space<vmem>>) semaphore(%arg11 : memref<!tpu.dma_semaphore, #tpu.memory_space<semaphore_mem>>) {add = true}
      %mul3A_536 = arith.constant 5 : i32
      %mul3A_537 = arith.muli %add3A_499, %mul3A_536 : i32
      %add3A_538 = arith.constant 2 : i32
      %add3A_539 = arith.addi %mul3A_537, %add3A_538 : i32
      %dma_start3A_540 = arith.constant 1 : i32
      %dma_start3A_541 = arith.constant 0 : i32
      %dma_start3A_542 = arith.constant 0 : i32
      %dma_start3A_543 = tpu.memref_slice %arg7[%dma_start3A_540, %dma_start3A_541, %dma_start3A_542] : memref<2x640x32xf32, #tpu.memory_space<vmem>> -> memref<1x640x32xf32, #tpu.memory_space<vmem>>
      %dma_start3A_544 = tpu.memref_squeeze %dma_start3A_543 : memref<1x640x32xf32, #tpu.memory_space<vmem>> -> memref<640x32xf32, #tpu.memory_space<vmem>>
      %dma_start3A_545 = arith.constant 256 : i32
      %dma_start3A_546 = arith.constant 0 : i32
      %dma_start3A_547 = tpu.memref_slice %dma_start3A_544[%dma_start3A_545, %dma_start3A_546] : memref<640x32xf32, #tpu.memory_space<vmem>> -> memref<128x32xf32, #tpu.memory_space<vmem>>
      %dma_start3A_548 = arith.constant 0 : i32
      %dma_start3A_549 = tpu.memref_slice %arg6[%add3A_539, %dma_start3A_548] : memref<300x128xi32, #tpu.memory_space<vmem>> -> memref<1x128xi32, #tpu.memory_space<vmem>>
      %dma_start3A_550 = tpu.memref_squeeze %dma_start3A_549 : memref<1x128xi32, #tpu.memory_space<vmem>> -> memref<128xi32, #tpu.memory_space<vmem>>
      %dma_start3A_551 = arith.constant 0 : i32
      %dma_start3A_552 = arith.constant 0 : i32
      %dma_start3A_553 = tpu.memref_slice %arg8[%dma_start3A_551, %dma_start3A_552] : memref<25024x32xf32, #tpu.memory_space<vmem_shared>> -> memref<25024x32xf32, #tpu.memory_space<vmem_shared>>
      tpu.enqueue_indirect_dma source(%dma_start3A_547 : memref<128x32xf32, #tpu.memory_space<vmem>>) target(%dma_start3A_553 : memref<25024x32xf32, #tpu.memory_space<vmem_shared>>) offsets(%dma_start3A_550 : memref<128xi32, #tpu.memory_space<vmem>>) semaphore(%arg11 : memref<!tpu.dma_semaphore, #tpu.memory_space<semaphore_mem>>) {add = true}
      %mul3A_554 = arith.constant 5 : i32
      %mul3A_555 = arith.muli %add3A_499, %mul3A_554 : i32
      %add3A_556 = arith.constant 3 : i32
      %add3A_557 = arith.addi %mul3A_555, %add3A_556 : i32
      %dma_start3A_558 = arith.constant 1 : i32
      %dma_start3A_559 = arith.constant 0 : i32
      %dma_start3A_560 = arith.constant 0 : i32
      %dma_start3A_561 = tpu.memref_slice %arg7[%dma_start3A_558, %dma_start3A_559, %dma_start3A_560] : memref<2x640x32xf32, #tpu.memory_space<vmem>> -> memref<1x640x32xf32, #tpu.memory_space<vmem>>
      %dma_start3A_562 = tpu.memref_squeeze %dma_start3A_561 : memref<1x640x32xf32, #tpu.memory_space<vmem>> -> memref<640x32xf32, #tpu.memory_space<vmem>>
      %dma_start3A_563 = arith.constant 384 : i32
      %dma_start3A_564 = arith.constant 0 : i32
      %dma_start3A_565 = tpu.memref_slice %dma_start3A_562[%dma_start3A_563, %dma_start3A_564] : memref<640x32xf32, #tpu.memory_space<vmem>> -> memref<128x32xf32, #tpu.memory_space<vmem>>
      %dma_start3A_566 = arith.constant 0 : i32
      %dma_start3A_567 = tpu.memref_slice %arg6[%add3A_557, %dma_start3A_566] : memref<300x128xi32, #tpu.memory_space<vmem>> -> memref<1x128xi32, #tpu.memory_space<vmem>>
      %dma_start3A_568 = tpu.memref_squeeze %dma_start3A_567 : memref<1x128xi32, #tpu.memory_space<vmem>> -> memref<128xi32, #tpu.memory_space<vmem>>
      %dma_start3A_569 = arith.constant 0 : i32
      %dma_start3A_570 = arith.constant 0 : i32
      %dma_start3A_571 = tpu.memref_slice %arg8[%dma_start3A_569, %dma_start3A_570] : memref<25024x32xf32, #tpu.memory_space<vmem_shared>> -> memref<25024x32xf32, #tpu.memory_space<vmem_shared>>
      tpu.enqueue_indirect_dma source(%dma_start3A_565 : memref<128x32xf32, #tpu.memory_space<vmem>>) target(%dma_start3A_571 : memref<25024x32xf32, #tpu.memory_space<vmem_shared>>) offsets(%dma_start3A_568 : memref<128xi32, #tpu.memory_space<vmem>>) semaphore(%arg11 : memref<!tpu.dma_semaphore, #tpu.memory_space<semaphore_mem>>) {add = true}
      %mul3A_572 = arith.constant 5 : i32
      %mul3A_573 = arith.muli %add3A_499, %mul3A_572 : i32
      %add3A_574 = arith.constant 4 : i32
      %add3A_575 = arith.addi %mul3A_573, %add3A_574 : i32
      %dma_start3A_576 = arith.constant 1 : i32
      %dma_start3A_577 = arith.constant 0 : i32
      %dma_start3A_578 = arith.constant 0 : i32
      %dma_start3A_579 = tpu.memref_slice %arg7[%dma_start3A_576, %dma_start3A_577, %dma_start3A_578] : memref<2x640x32xf32, #tpu.memory_space<vmem>> -> memref<1x640x32xf32, #tpu.memory_space<vmem>>
      %dma_start3A_580 = tpu.memref_squeeze %dma_start3A_579 : memref<1x640x32xf32, #tpu.memory_space<vmem>> -> memref<640x32xf32, #tpu.memory_space<vmem>>
      %dma_start3A_581 = arith.constant 512 : i32
      %dma_start3A_582 = arith.constant 0 : i32
      %dma_start3A_583 = tpu.memref_slice %dma_start3A_580[%dma_start3A_581, %dma_start3A_582] : memref<640x32xf32, #tpu.memory_space<vmem>> -> memref<128x32xf32, #tpu.memory_space<vmem>>
      %dma_start3A_584 = arith.constant 0 : i32
      %dma_start3A_585 = tpu.memref_slice %arg6[%add3A_575, %dma_start3A_584] : memref<300x128xi32, #tpu.memory_space<vmem>> -> memref<1x128xi32, #tpu.memory_space<vmem>>
      %dma_start3A_586 = tpu.memref_squeeze %dma_start3A_585 : memref<1x128xi32, #tpu.memory_space<vmem>> -> memref<128xi32, #tpu.memory_space<vmem>>
      %dma_start3A_587 = arith.constant 0 : i32
      %dma_start3A_588 = arith.constant 0 : i32
      %dma_start3A_589 = tpu.memref_slice %arg8[%dma_start3A_587, %dma_start3A_588] : memref<25024x32xf32, #tpu.memory_space<vmem_shared>> -> memref<25024x32xf32, #tpu.memory_space<vmem_shared>>
      tpu.enqueue_indirect_dma source(%dma_start3A_583 : memref<128x32xf32, #tpu.memory_space<vmem>>) target(%dma_start3A_589 : memref<25024x32xf32, #tpu.memory_space<vmem_shared>>) offsets(%dma_start3A_586 : memref<128xi32, #tpu.memory_space<vmem>>) semaphore(%arg11 : memref<!tpu.dma_semaphore, #tpu.memory_space<semaphore_mem>>) {add = true}
    }
    %scan3A_50 = arith.constant 30 : i32
    %dma_wait3A = arith.constant 0 : i32
    %dma_wait3A_51 = arith.constant 0 : i32
    %dma_wait3A_52 = arith.constant 0 : i32
    %dma_wait3A_53 = arith.constant 0 : i32
    %dma_wait3A_54 = tpu.memref_slice %arg7[%dma_wait3A_51, %dma_wait3A_52, %dma_wait3A_53] : memref<2x640x32xf32, #tpu.memory_space<vmem>> -> memref<1x640x32xf32, #tpu.memory_space<vmem>>
    %dma_wait3A_55 = tpu.memref_squeeze %dma_wait3A_54 : memref<1x640x32xf32, #tpu.memory_space<vmem>> -> memref<640x32xf32, #tpu.memory_space<vmem>>
    %dma_wait3A_56 = arith.constant 0 : i32
    %dma_wait3A_57 = arith.constant 0 : i32
    %dma_wait3A_58 = tpu.memref_slice %arg2[%dma_wait3A, %dma_wait3A_56, %dma_wait3A_57] : memref<2x307200x32xf32, #tpu.memory_space<hbm>> -> memref<1x307200x32xf32, #tpu.memory_space<hbm>>
    %dma_wait3A_59 = tpu.memref_squeeze %dma_wait3A_58 : memref<1x307200x32xf32, #tpu.memory_space<hbm>> -> memref<307200x32xf32, #tpu.memory_space<hbm>>
    %dma_wait3A_60 = arith.constant 0 : i32
    %dma_wait3A_61 = arith.constant 0 : i32
    %dma_wait3A_62 = tpu.memref_slice %dma_wait3A_59[%dma_wait3A_60, %dma_wait3A_61] : memref<307200x32xf32, #tpu.memory_space<hbm>> -> memref<640x32xf32, #tpu.memory_space<hbm>>
    %dma_wait3A_63 = arith.constant 0 : i32
    %dma_wait3A_64 = arith.constant 0 : i32
    %dma_wait3A_65 = tpu.memref_slice %arg7[%dma_wait3A_51, %dma_wait3A_63, %dma_wait3A_64] : memref<2x640x32xf32, #tpu.memory_space<vmem>> -> memref<1x640x32xf32, #tpu.memory_space<vmem>>
    %dma_wait3A_66 = tpu.memref_squeeze %dma_wait3A_65 : memref<1x640x32xf32, #tpu.memory_space<vmem>> -> memref<640x32xf32, #tpu.memory_space<vmem>>
    %dma_wait3A_67 = arith.constant 0 : i32
    %dma_wait3A_68 = arith.constant 0 : i32
    %dma_wait3A_69 = tpu.memref_slice %arg2[%dma_wait3A, %dma_wait3A_67, %dma_wait3A_68] : memref<2x307200x32xf32, #tpu.memory_space<hbm>> -> memref<1x307200x32xf32, #tpu.memory_space<hbm>>
    %dma_wait3A_70 = tpu.memref_squeeze %dma_wait3A_69 : memref<1x307200x32xf32, #tpu.memory_space<hbm>> -> memref<307200x32xf32, #tpu.memory_space<hbm>>
    %dma_wait3A_71 = arith.constant 0 : i32
    %dma_wait3A_72 = arith.constant 0 : i32
    %dma_wait3A_73 = tpu.memref_slice %dma_wait3A_70[%dma_wait3A_71, %dma_wait3A_72] : memref<307200x32xf32, #tpu.memory_space<hbm>> -> memref<640x32xf32, #tpu.memory_space<hbm>>
    tpu.wait_dma2 semaphore(%arg9 : memref<!tpu.dma_semaphore, #tpu.memory_space<semaphore_mem>>) src(%dma_wait3A_73 : memref<640x32xf32, #tpu.memory_space<hbm>>) dst(%dma_wait3A_66 : memref<640x32xf32, #tpu.memory_space<vmem>>)
    %dma_wait3A_74 = arith.constant 1 : i32
    %dma_wait3A_75 = arith.constant 0 : i32
    %dma_wait3A_76 = arith.constant 0 : i32
    %dma_wait3A_77 = tpu.memref_slice %arg7[%dma_wait3A_74, %dma_wait3A_75, %dma_wait3A_76] : memref<2x640x32xf32, #tpu.memory_space<vmem>> -> memref<1x640x32xf32, #tpu.memory_space<vmem>>
    %dma_wait3A_78 = tpu.memref_squeeze %dma_wait3A_77 : memref<1x640x32xf32, #tpu.memory_space<vmem>> -> memref<640x32xf32, #tpu.memory_space<vmem>>
    %dma_wait3A_79 = arith.constant 0 : i32
    %dma_wait3A_80 = arith.constant 0 : i32
    %dma_wait3A_81 = tpu.memref_slice %dma_wait3A_78[%dma_wait3A_79, %dma_wait3A_80] : memref<640x32xf32, #tpu.memory_space<vmem>> -> memref<128x32xf32, #tpu.memory_space<vmem>>
    %dma_wait3A_82 = arith.constant 0 : i32
    %dma_wait3A_83 = arith.constant 0 : i32
    %dma_wait3A_84 = tpu.memref_slice %arg8[%dma_wait3A_82, %dma_wait3A_83] : memref<25024x32xf32, #tpu.memory_space<vmem_shared>> -> memref<128x32xf32, #tpu.memory_space<vmem_shared>>
    %dma_wait3A_85 = arith.constant 0 : i32
    %dma_wait3A_86 = arith.constant 0 : i32
    %dma_wait3A_87 = tpu.memref_slice %arg8[%dma_wait3A_85, %dma_wait3A_86] : memref<25024x32xf32, #tpu.memory_space<vmem_shared>> -> memref<128x32xf32, #tpu.memory_space<vmem_shared>>
    %dma_wait3A_88 = arith.constant 0 : i32
    %dma_wait3A_89 = arith.constant 0 : i32
    %dma_wait3A_90 = tpu.memref_slice %arg7[%dma_wait3A_74, %dma_wait3A_88, %dma_wait3A_89] : memref<2x640x32xf32, #tpu.memory_space<vmem>> -> memref<1x640x32xf32, #tpu.memory_space<vmem>>
    %dma_wait3A_91 = tpu.memref_squeeze %dma_wait3A_90 : memref<1x640x32xf32, #tpu.memory_space<vmem>> -> memref<640x32xf32, #tpu.memory_space<vmem>>
    %dma_wait3A_92 = arith.constant 0 : i32
    %dma_wait3A_93 = arith.constant 0 : i32
    %dma_wait3A_94 = tpu.memref_slice %dma_wait3A_91[%dma_wait3A_92, %dma_wait3A_93] : memref<640x32xf32, #tpu.memory_space<vmem>> -> memref<128x32xf32, #tpu.memory_space<vmem>>
    tpu.wait_dma2 semaphore(%arg11 : memref<!tpu.dma_semaphore, #tpu.memory_space<semaphore_mem>>) src(%dma_wait3A_94 : memref<128x32xf32, #tpu.memory_space<vmem>>) dst(%dma_wait3A_87 : memref<128x32xf32, #tpu.memory_space<vmem_shared>>)
    %dma_wait3A_95 = arith.constant 1 : i32
    %dma_wait3A_96 = arith.constant 0 : i32
    %dma_wait3A_97 = arith.constant 0 : i32
    %dma_wait3A_98 = tpu.memref_slice %arg7[%dma_wait3A_95, %dma_wait3A_96, %dma_wait3A_97] : memref<2x640x32xf32, #tpu.memory_space<vmem>> -> memref<1x640x32xf32, #tpu.memory_space<vmem>>
    %dma_wait3A_99 = tpu.memref_squeeze %dma_wait3A_98 : memref<1x640x32xf32, #tpu.memory_space<vmem>> -> memref<640x32xf32, #tpu.memory_space<vmem>>
    %dma_wait3A_100 = arith.constant 128 : i32
    %dma_wait3A_101 = arith.constant 0 : i32
    %dma_wait3A_102 = tpu.memref_slice %dma_wait3A_99[%dma_wait3A_100, %dma_wait3A_101] : memref<640x32xf32, #tpu.memory_space<vmem>> -> memref<128x32xf32, #tpu.memory_space<vmem>>
    %dma_wait3A_103 = arith.constant 0 : i32
    %dma_wait3A_104 = arith.constant 0 : i32
    %dma_wait3A_105 = tpu.memref_slice %arg8[%dma_wait3A_103, %dma_wait3A_104] : memref<25024x32xf32, #tpu.memory_space<vmem_shared>> -> memref<128x32xf32, #tpu.memory_space<vmem_shared>>
    %dma_wait3A_106 = arith.constant 0 : i32
    %dma_wait3A_107 = arith.constant 0 : i32
    %dma_wait3A_108 = tpu.memref_slice %arg8[%dma_wait3A_106, %dma_wait3A_107] : memref<25024x32xf32, #tpu.memory_space<vmem_shared>> -> memref<128x32xf32, #tpu.memory_space<vmem_shared>>
    %dma_wait3A_109 = arith.constant 0 : i32
    %dma_wait3A_110 = arith.constant 0 : i32
    %dma_wait3A_111 = tpu.memref_slice %arg7[%dma_wait3A_95, %dma_wait3A_109, %dma_wait3A_110] : memref<2x640x32xf32, #tpu.memory_space<vmem>> -> memref<1x640x32xf32, #tpu.memory_space<vmem>>
    %dma_wait3A_112 = tpu.memref_squeeze %dma_wait3A_111 : memref<1x640x32xf32, #tpu.memory_space<vmem>> -> memref<640x32xf32, #tpu.memory_space<vmem>>
    %dma_wait3A_113 = arith.constant 128 : i32
    %dma_wait3A_114 = arith.constant 0 : i32
    %dma_wait3A_115 = tpu.memref_slice %dma_wait3A_112[%dma_wait3A_113, %dma_wait3A_114] : memref<640x32xf32, #tpu.memory_space<vmem>> -> memref<128x32xf32, #tpu.memory_space<vmem>>
    tpu.wait_dma2 semaphore(%arg11 : memref<!tpu.dma_semaphore, #tpu.memory_space<semaphore_mem>>) src(%dma_wait3A_115 : memref<128x32xf32, #tpu.memory_space<vmem>>) dst(%dma_wait3A_108 : memref<128x32xf32, #tpu.memory_space<vmem_shared>>)
    %dma_wait3A_116 = arith.constant 1 : i32
    %dma_wait3A_117 = arith.constant 0 : i32
    %dma_wait3A_118 = arith.constant 0 : i32
    %dma_wait3A_119 = tpu.memref_slice %arg7[%dma_wait3A_116, %dma_wait3A_117, %dma_wait3A_118] : memref<2x640x32xf32, #tpu.memory_space<vmem>> -> memref<1x640x32xf32, #tpu.memory_space<vmem>>
    %dma_wait3A_120 = tpu.memref_squeeze %dma_wait3A_119 : memref<1x640x32xf32, #tpu.memory_space<vmem>> -> memref<640x32xf32, #tpu.memory_space<vmem>>
    %dma_wait3A_121 = arith.constant 256 : i32
    %dma_wait3A_122 = arith.constant 0 : i32
    %dma_wait3A_123 = tpu.memref_slice %dma_wait3A_120[%dma_wait3A_121, %dma_wait3A_122] : memref<640x32xf32, #tpu.memory_space<vmem>> -> memref<128x32xf32, #tpu.memory_space<vmem>>
    %dma_wait3A_124 = arith.constant 0 : i32
    %dma_wait3A_125 = arith.constant 0 : i32
    %dma_wait3A_126 = tpu.memref_slice %arg8[%dma_wait3A_124, %dma_wait3A_125] : memref<25024x32xf32, #tpu.memory_space<vmem_shared>> -> memref<128x32xf32, #tpu.memory_space<vmem_shared>>
    %dma_wait3A_127 = arith.constant 0 : i32
    %dma_wait3A_128 = arith.constant 0 : i32
    %dma_wait3A_129 = tpu.memref_slice %arg8[%dma_wait3A_127, %dma_wait3A_128] : memref<25024x32xf32, #tpu.memory_space<vmem_shared>> -> memref<128x32xf32, #tpu.memory_space<vmem_shared>>
    %dma_wait3A_130 = arith.constant 0 : i32
    %dma_wait3A_131 = arith.constant 0 : i32
    %dma_wait3A_132 = tpu.memref_slice %arg7[%dma_wait3A_116, %dma_wait3A_130, %dma_wait3A_131] : memref<2x640x32xf32, #tpu.memory_space<vmem>> -> memref<1x640x32xf32, #tpu.memory_space<vmem>>
    %dma_wait3A_133 = tpu.memref_squeeze %dma_wait3A_132 : memref<1x640x32xf32, #tpu.memory_space<vmem>> -> memref<640x32xf32, #tpu.memory_space<vmem>>
    %dma_wait3A_134 = arith.constant 256 : i32
    %dma_wait3A_135 = arith.constant 0 : i32
    %dma_wait3A_136 = tpu.memref_slice %dma_wait3A_133[%dma_wait3A_134, %dma_wait3A_135] : memref<640x32xf32, #tpu.memory_space<vmem>> -> memref<128x32xf32, #tpu.memory_space<vmem>>
    tpu.wait_dma2 semaphore(%arg11 : memref<!tpu.dma_semaphore, #tpu.memory_space<semaphore_mem>>) src(%dma_wait3A_136 : memref<128x32xf32, #tpu.memory_space<vmem>>) dst(%dma_wait3A_129 : memref<128x32xf32, #tpu.memory_space<vmem_shared>>)
    %dma_wait3A_137 = arith.constant 1 : i32
    %dma_wait3A_138 = arith.constant 0 : i32
    %dma_wait3A_139 = arith.constant 0 : i32
    %dma_wait3A_140 = tpu.memref_slice %arg7[%dma_wait3A_137, %dma_wait3A_138, %dma_wait3A_139] : memref<2x640x32xf32, #tpu.memory_space<vmem>> -> memref<1x640x32xf32, #tpu.memory_space<vmem>>
    %dma_wait3A_141 = tpu.memref_squeeze %dma_wait3A_140 : memref<1x640x32xf32, #tpu.memory_space<vmem>> -> memref<640x32xf32, #tpu.memory_space<vmem>>
    %dma_wait3A_142 = arith.constant 384 : i32
    %dma_wait3A_143 = arith.constant 0 : i32
    %dma_wait3A_144 = tpu.memref_slice %dma_wait3A_141[%dma_wait3A_142, %dma_wait3A_143] : memref<640x32xf32, #tpu.memory_space<vmem>> -> memref<128x32xf32, #tpu.memory_space<vmem>>
    %dma_wait3A_145 = arith.constant 0 : i32
    %dma_wait3A_146 = arith.constant 0 : i32
    %dma_wait3A_147 = tpu.memref_slice %arg8[%dma_wait3A_145, %dma_wait3A_146] : memref<25024x32xf32, #tpu.memory_space<vmem_shared>> -> memref<128x32xf32, #tpu.memory_space<vmem_shared>>
    %dma_wait3A_148 = arith.constant 0 : i32
    %dma_wait3A_149 = arith.constant 0 : i32
    %dma_wait3A_150 = tpu.memref_slice %arg8[%dma_wait3A_148, %dma_wait3A_149] : memref<25024x32xf32, #tpu.memory_space<vmem_shared>> -> memref<128x32xf32, #tpu.memory_space<vmem_shared>>
    %dma_wait3A_151 = arith.constant 0 : i32
    %dma_wait3A_152 = arith.constant 0 : i32
    %dma_wait3A_153 = tpu.memref_slice %arg7[%dma_wait3A_137, %dma_wait3A_151, %dma_wait3A_152] : memref<2x640x32xf32, #tpu.memory_space<vmem>> -> memref<1x640x32xf32, #tpu.memory_space<vmem>>
    %dma_wait3A_154 = tpu.memref_squeeze %dma_wait3A_153 : memref<1x640x32xf32, #tpu.memory_space<vmem>> -> memref<640x32xf32, #tpu.memory_space<vmem>>
    %dma_wait3A_155 = arith.constant 384 : i32
    %dma_wait3A_156 = arith.constant 0 : i32
    %dma_wait3A_157 = tpu.memref_slice %dma_wait3A_154[%dma_wait3A_155, %dma_wait3A_156] : memref<640x32xf32, #tpu.memory_space<vmem>> -> memref<128x32xf32, #tpu.memory_space<vmem>>
    tpu.wait_dma2 semaphore(%arg11 : memref<!tpu.dma_semaphore, #tpu.memory_space<semaphore_mem>>) src(%dma_wait3A_157 : memref<128x32xf32, #tpu.memory_space<vmem>>) dst(%dma_wait3A_150 : memref<128x32xf32, #tpu.memory_space<vmem_shared>>)
    %dma_wait3A_158 = arith.constant 1 : i32
    %dma_wait3A_159 = arith.constant 0 : i32
    %dma_wait3A_160 = arith.constant 0 : i32
    %dma_wait3A_161 = tpu.memref_slice %arg7[%dma_wait3A_158, %dma_wait3A_159, %dma_wait3A_160] : memref<2x640x32xf32, #tpu.memory_space<vmem>> -> memref<1x640x32xf32, #tpu.memory_space<vmem>>
    %dma_wait3A_162 = tpu.memref_squeeze %dma_wait3A_161 : memref<1x640x32xf32, #tpu.memory_space<vmem>> -> memref<640x32xf32, #tpu.memory_space<vmem>>
    %dma_wait3A_163 = arith.constant 512 : i32
    %dma_wait3A_164 = arith.constant 0 : i32
    %dma_wait3A_165 = tpu.memref_slice %dma_wait3A_162[%dma_wait3A_163, %dma_wait3A_164] : memref<640x32xf32, #tpu.memory_space<vmem>> -> memref<128x32xf32, #tpu.memory_space<vmem>>
    %dma_wait3A_166 = arith.constant 0 : i32
    %dma_wait3A_167 = arith.constant 0 : i32
    %dma_wait3A_168 = tpu.memref_slice %arg8[%dma_wait3A_166, %dma_wait3A_167] : memref<25024x32xf32, #tpu.memory_space<vmem_shared>> -> memref<128x32xf32, #tpu.memory_space<vmem_shared>>
    %dma_wait3A_169 = arith.constant 0 : i32
    %dma_wait3A_170 = arith.constant 0 : i32
    %dma_wait3A_171 = tpu.memref_slice %arg8[%dma_wait3A_169, %dma_wait3A_170] : memref<25024x32xf32, #tpu.memory_space<vmem_shared>> -> memref<128x32xf32, #tpu.memory_space<vmem_shared>>
    %dma_wait3A_172 = arith.constant 0 : i32
    %dma_wait3A_173 = arith.constant 0 : i32
    %dma_wait3A_174 = tpu.memref_slice %arg7[%dma_wait3A_158, %dma_wait3A_172, %dma_wait3A_173] : memref<2x640x32xf32, #tpu.memory_space<vmem>> -> memref<1x640x32xf32, #tpu.memory_space<vmem>>
    %dma_wait3A_175 = tpu.memref_squeeze %dma_wait3A_174 : memref<1x640x32xf32, #tpu.memory_space<vmem>> -> memref<640x32xf32, #tpu.memory_space<vmem>>
    %dma_wait3A_176 = arith.constant 512 : i32
    %dma_wait3A_177 = arith.constant 0 : i32
    %dma_wait3A_178 = tpu.memref_slice %dma_wait3A_175[%dma_wait3A_176, %dma_wait3A_177] : memref<640x32xf32, #tpu.memory_space<vmem>> -> memref<128x32xf32, #tpu.memory_space<vmem>>
    tpu.wait_dma2 semaphore(%arg11 : memref<!tpu.dma_semaphore, #tpu.memory_space<semaphore_mem>>) src(%dma_wait3A_178 : memref<128x32xf32, #tpu.memory_space<vmem>>) dst(%dma_wait3A_171 : memref<128x32xf32, #tpu.memory_space<vmem_shared>>)
    %barrier3A_179 = arith.constant 0 : index
    tpu.barrier barrier_id(%barrier3A_179)
    %mul3A_180 = arith.constant 1564 : i32
    %mul3A_181 = arith.muli %arg1, %mul3A_180 : i32
    %mul3A_182 = arith.constant 1564 : i32
    %mul3A_183 = arith.muli %arg1, %mul3A_182 : i32
    "tpu.region"() ({
      %run_scoped3A = tpu.sem_alloc : memref<!tpu.dma_semaphore, #tpu.memory_space<semaphore_mem>>
      %dma_start3A_184 = arith.constant 0 : i32
      %dma_start3A_185 = arith.constant 0 : i32
      %dma_start3A_186 = tpu.memref_slice %arg5[%arg0, %dma_start3A_184, %dma_start3A_185] : memref<2x25024x32xf32, #tpu.memory_space<hbm>> -> memref<1x25024x32xf32, #tpu.memory_space<hbm>>
      %dma_start3A_187 = tpu.memref_squeeze %dma_start3A_186 : memref<1x25024x32xf32, #tpu.memory_space<hbm>> -> memref<25024x32xf32, #tpu.memory_space<hbm>>
      %dma_start3A_188 = arith.constant 0 : i32
      %dma_start3A_189 = tpu.memref_slice %dma_start3A_187[%mul3A_183, %dma_start3A_188] : memref<25024x32xf32, #tpu.memory_space<hbm>> -> memref<1564x32xf32, #tpu.memory_space<hbm>>
      %dma_start3A_190 = arith.constant 0 : i32
      %dma_start3A_191 = tpu.memref_slice %arg8[%mul3A_181, %dma_start3A_190] : memref<25024x32xf32, #tpu.memory_space<vmem_shared>> -> memref<1564x32xf32, #tpu.memory_space<vmem_shared>>
      tpu.enqueue_dma source(%dma_start3A_191 : memref<1564x32xf32, #tpu.memory_space<vmem_shared>>) target(%dma_start3A_189 : memref<1564x32xf32, #tpu.memory_space<hbm>>) target_semaphore(%run_scoped3A : memref<!tpu.dma_semaphore, #tpu.memory_space<semaphore_mem>>)
      %dma_wait3A_192 = arith.constant 0 : i32
      %dma_wait3A_193 = arith.constant 0 : i32
      %dma_wait3A_194 = tpu.memref_slice %arg5[%arg0, %dma_wait3A_192, %dma_wait3A_193] : memref<2x25024x32xf32, #tpu.memory_space<hbm>> -> memref<1x25024x32xf32, #tpu.memory_space<hbm>>
      %dma_wait3A_195 = tpu.memref_squeeze %dma_wait3A_194 : memref<1x25024x32xf32, #tpu.memory_space<hbm>> -> memref<25024x32xf32, #tpu.memory_space<hbm>>
      %dma_wait3A_196 = arith.constant 0 : i32
      %dma_wait3A_197 = tpu.memref_slice %dma_wait3A_195[%mul3A_183, %dma_wait3A_196] : memref<25024x32xf32, #tpu.memory_space<hbm>> -> memref<1564x32xf32, #tpu.memory_space<hbm>>
      %dma_wait3A_198 = arith.constant 0 : i32
      %dma_wait3A_199 = tpu.memref_slice %arg8[%mul3A_181, %dma_wait3A_198] : memref<25024x32xf32, #tpu.memory_space<vmem_shared>> -> memref<1564x32xf32, #tpu.memory_space<vmem_shared>>
      tpu.wait_dma2 semaphore(%run_scoped3A : memref<!tpu.dma_semaphore, #tpu.memory_space<semaphore_mem>>) src(%dma_wait3A_199 : memref<1564x32xf32, #tpu.memory_space<vmem_shared>>) dst(%dma_wait3A_197 : memref<1564x32xf32, #tpu.memory_space<hbm>>)
      tpu.yield
    }) : () -> ()
    return
  }
}

#map = affine_map<(d0, d1) -> (0, 0, 0)>
#map1 = affine_map<(d0, d1) -> (0, 0, 0, 0)>
#map2 = affine_map<(d0, d1) -> (0, 0)>
module attributes {stable_mosaic.version = 14 : i64} {
  func.func @sc_segsum(%arg0: i32, %arg1: i32, %arg2: memref<2x307200x32xf32, #tpu.memory_space<hbm>>, %arg3: memref<2x16x300x128xi32, #tpu.memory_space<hbm>>, %arg4: memref<25024x32xf32, #tpu.memory_space<hbm>>, %arg5: memref<2x25024x32xf32, #tpu.memory_space<hbm>>, %arg6: memref<300x128xi32, #tpu.memory_space<vmem>>, %arg7: memref<2x640x32xf32, #tpu.memory_space<vmem>>, %arg8: memref<25024x32xf32, #tpu.memory_space<vmem_shared>>, %arg9: memref<!tpu.dma_semaphore, #tpu.memory_space<semaphore_mem>>, %arg10: memref<!tpu.dma_semaphore, #tpu.memory_space<semaphore_mem>>, %arg11: memref<!tpu.dma_semaphore, #tpu.memory_space<semaphore_mem>>) attributes {dimension_semantics = [#tpu.dimension_semantics<core_parallel>, #tpu.dimension_semantics<subcore_parallel>], iteration_bounds = array<i64: 2, 16>, scalar_prefetch = 0 : i64, scratch_operands = 6 : i64, tpu.core_type = #tpu.core_type<sc_vector_subcore>, window_params = [{transform_indices = #map}, {transform_indices = #map1}, {transform_indices = #map2}, {transform_indices = #map}]} {
    "tpu.region"() ({
      %run_scoped3A = tpu.sem_alloc : memref<!tpu.dma_semaphore, #tpu.memory_space<semaphore_mem>>
      %dma_start3A_184 = arith.constant 0 : i32
      %dma_start3A_185 = arith.constant 0 : i32
      %dma_start3A_186 = arith.constant 0 : i32
      %dma_start3A_187 = tpu.memref_slice %arg3[%arg0, %dma_start3A_184, %dma_start3A_185, %dma_start3A_186] : memref<2x16x300x128xi32, #tpu.memory_space<hbm>> -> memref<1x16x300x128xi32, #tpu.memory_space<hbm>>
      %dma_start3A_188 = tpu.memref_squeeze %dma_start3A_187 : memref<1x16x300x128xi32, #tpu.memory_space<hbm>> -> memref<16x300x128xi32, #tpu.memory_space<hbm>>
      %dma_start3A_189 = arith.constant 0 : i32
      %dma_start3A_190 = arith.constant 0 : i32
      %dma_start3A_191 = tpu.memref_slice %dma_start3A_188[%arg1, %dma_start3A_189, %dma_start3A_190] : memref<16x300x128xi32, #tpu.memory_space<hbm>> -> memref<1x300x128xi32, #tpu.memory_space<hbm>>
      %dma_start3A_192 = tpu.memref_squeeze %dma_start3A_191 : memref<1x300x128xi32, #tpu.memory_space<hbm>> -> memref<300x128xi32, #tpu.memory_space<hbm>>
      %dma_start3A_193 = arith.constant 0 : i32
      %dma_start3A_194 = arith.constant 0 : i32
      %dma_start3A_195 = arith.constant 0 : i32
      %dma_start3A_196 = tpu.memref_slice %arg3[%arg0, %dma_start3A_193, %dma_start3A_194, %dma_start3A_195] : memref<2x16x300x128xi32, #tpu.memory_space<hbm>> -> memref<1x16x300x128xi32, #tpu.memory_space<hbm>>
      %dma_start3A_197 = tpu.memref_squeeze %dma_start3A_196 : memref<1x16x300x128xi32, #tpu.memory_space<hbm>> -> memref<16x300x128xi32, #tpu.memory_space<hbm>>
      %dma_start3A_198 = arith.constant 0 : i32
      %dma_start3A_199 = arith.constant 0 : i32
      %dma_start3A_200 = tpu.memref_slice %dma_start3A_197[%arg1, %dma_start3A_198, %dma_start3A_199] : memref<16x300x128xi32, #tpu.memory_space<hbm>> -> memref<1x300x128xi32, #tpu.memory_space<hbm>>
      %dma_start3A_201 = tpu.memref_squeeze %dma_start3A_200 : memref<1x300x128xi32, #tpu.memory_space<hbm>> -> memref<300x128xi32, #tpu.memory_space<hbm>>
      tpu.enqueue_dma source(%dma_start3A_201 : memref<300x128xi32, #tpu.memory_space<hbm>>) target(%arg6 : memref<300x128xi32, #tpu.memory_space<vmem>>) target_semaphore(%run_scoped3A : memref<!tpu.dma_semaphore, #tpu.memory_space<semaphore_mem>>)
      %dma_wait3A_202 = arith.constant 0 : i32
      %dma_wait3A_203 = arith.constant 0 : i32
      %dma_wait3A_204 = arith.constant 0 : i32
      %dma_wait3A_205 = tpu.memref_slice %arg3[%arg0, %dma_wait3A_202, %dma_wait3A_203, %dma_wait3A_204] : memref<2x16x300x128xi32, #tpu.memory_space<hbm>> -> memref<1x16x300x128xi32, #tpu.memory_space<hbm>>
      %dma_wait3A_206 = tpu.memref_squeeze %dma_wait3A_205 : memref<1x16x300x128xi32, #tpu.memory_space<hbm>> -> memref<16x300x128xi32, #tpu.memory_space<hbm>>
      %dma_wait3A_207 = arith.constant 0 : i32
      %dma_wait3A_208 = arith.constant 0 : i32
      %dma_wait3A_209 = tpu.memref_slice %dma_wait3A_206[%arg1, %dma_wait3A_207, %dma_wait3A_208] : memref<16x300x128xi32, #tpu.memory_space<hbm>> -> memref<1x300x128xi32, #tpu.memory_space<hbm>>
      %dma_wait3A_210 = tpu.memref_squeeze %dma_wait3A_209 : memref<1x300x128xi32, #tpu.memory_space<hbm>> -> memref<300x128xi32, #tpu.memory_space<hbm>>
      %dma_wait3A_211 = arith.constant 0 : i32
      %dma_wait3A_212 = arith.constant 0 : i32
      %dma_wait3A_213 = arith.constant 0 : i32
      %dma_wait3A_214 = tpu.memref_slice %arg3[%arg0, %dma_wait3A_211, %dma_wait3A_212, %dma_wait3A_213] : memref<2x16x300x128xi32, #tpu.memory_space<hbm>> -> memref<1x16x300x128xi32, #tpu.memory_space<hbm>>
      %dma_wait3A_215 = tpu.memref_squeeze %dma_wait3A_214 : memref<1x16x300x128xi32, #tpu.memory_space<hbm>> -> memref<16x300x128xi32, #tpu.memory_space<hbm>>
      %dma_wait3A_216 = arith.constant 0 : i32
      %dma_wait3A_217 = arith.constant 0 : i32
      %dma_wait3A_218 = tpu.memref_slice %dma_wait3A_215[%arg1, %dma_wait3A_216, %dma_wait3A_217] : memref<16x300x128xi32, #tpu.memory_space<hbm>> -> memref<1x300x128xi32, #tpu.memory_space<hbm>>
      %dma_wait3A_219 = tpu.memref_squeeze %dma_wait3A_218 : memref<1x300x128xi32, #tpu.memory_space<hbm>> -> memref<300x128xi32, #tpu.memory_space<hbm>>
      tpu.wait_dma2 semaphore(%run_scoped3A : memref<!tpu.dma_semaphore, #tpu.memory_space<semaphore_mem>>) src(%dma_wait3A_219 : memref<300x128xi32, #tpu.memory_space<hbm>>) dst(%arg6 : memref<300x128xi32, #tpu.memory_space<vmem>>)
      tpu.yield
    }) : () -> ()
    %mul3A = arith.constant 1564 : i32
    %mul3A_0 = arith.muli %arg1, %mul3A : i32
    %mul3A_1 = arith.constant 1564 : i32
    %mul3A_2 = arith.muli %arg1, %mul3A_1 : i32
    "tpu.region"() ({
      %run_scoped3A = tpu.sem_alloc : memref<!tpu.dma_semaphore, #tpu.memory_space<semaphore_mem>>
      %dma_start3A_184 = arith.constant 0 : i32
      %dma_start3A_185 = tpu.memref_slice %arg8[%mul3A_2, %dma_start3A_184] : memref<25024x32xf32, #tpu.memory_space<vmem_shared>> -> memref<1564x32xf32, #tpu.memory_space<vmem_shared>>
      %dma_start3A_186 = arith.constant 0 : i32
      %dma_start3A_187 = tpu.memref_slice %arg4[%mul3A_0, %dma_start3A_186] : memref<25024x32xf32, #tpu.memory_space<hbm>> -> memref<1564x32xf32, #tpu.memory_space<hbm>>
      tpu.enqueue_dma source(%dma_start3A_187 : memref<1564x32xf32, #tpu.memory_space<hbm>>) target(%dma_start3A_185 : memref<1564x32xf32, #tpu.memory_space<vmem_shared>>) target_semaphore(%run_scoped3A : memref<!tpu.dma_semaphore, #tpu.memory_space<semaphore_mem>>)
      %dma_wait3A_188 = arith.constant 0 : i32
      %dma_wait3A_189 = tpu.memref_slice %arg8[%mul3A_2, %dma_wait3A_188] : memref<25024x32xf32, #tpu.memory_space<vmem_shared>> -> memref<1564x32xf32, #tpu.memory_space<vmem_shared>>
      %dma_wait3A_190 = arith.constant 0 : i32
      %dma_wait3A_191 = tpu.memref_slice %arg4[%mul3A_0, %dma_wait3A_190] : memref<25024x32xf32, #tpu.memory_space<hbm>> -> memref<1564x32xf32, #tpu.memory_space<hbm>>
      tpu.wait_dma2 semaphore(%run_scoped3A : memref<!tpu.dma_semaphore, #tpu.memory_space<semaphore_mem>>) src(%dma_wait3A_191 : memref<1564x32xf32, #tpu.memory_space<hbm>>) dst(%dma_wait3A_189 : memref<1564x32xf32, #tpu.memory_space<vmem_shared>>)
      tpu.yield
    }) : () -> ()
    %barrier3A = arith.constant 0 : index
    tpu.barrier barrier_id(%barrier3A)
    %jit3A = arith.constant 8 : i32
    %div3A = arith.divsi %arg1, %jit3A : i32
    %sign3A = arith.constant 0 : i32
    %sign3A_3 = arith.cmpi sgt, %arg1, %sign3A : i32
    %sign3A_4 = arith.extui %sign3A_3 : i1 to i32
    %sign3A_5 = arith.constant 0 : i32
    %sign3A_6 = arith.cmpi slt, %arg1, %sign3A_5 : i32
    %sign3A_7 = arith.extui %sign3A_6 : i1 to i32
    %sign3A_8 = arith.subi %sign3A_4, %sign3A_7 : i32
    %sign3A_9 = arith.constant 0 : i32
    %sign3A_10 = arith.cmpi sgt, %jit3A, %sign3A_9 : i32
    %sign3A_11 = arith.extui %sign3A_10 : i1 to i32
    %sign3A_12 = arith.constant 0 : i32
    %sign3A_13 = arith.cmpi slt, %jit3A, %sign3A_12 : i32
    %sign3A_14 = arith.extui %sign3A_13 : i1 to i32
    %sign3A_15 = arith.subi %sign3A_11, %sign3A_14 : i32
    %ne3A = arith.cmpi ne, %sign3A_8, %sign3A_15 : i32
    %rem3A = arith.remsi %arg1, %jit3A : i32
    %ne3A_16 = arith.constant 0 : i32
    %ne3A_17 = arith.cmpi ne, %rem3A, %ne3A_16 : i32
    %and3A = arith.andi %ne3A, %ne3A_17 : i1
    %sub3A = arith.constant 1 : i32
    %sub3A_18 = arith.subi %div3A, %sub3A : i32
    %select_n3A = arith.select %and3A, %sub3A_18, %div3A : i32
    %mul3A_19 = arith.constant 8 : i32
    %mul3A_20 = arith.muli %select_n3A, %mul3A_19 : i32
    %sub3A_21 = arith.subi %arg1, %mul3A_20 : i32
    %mul3A_22 = arith.constant 38400 : i32
    %mul3A_23 = arith.muli %sub3A_21, %mul3A_22 : i32
    %add3A = arith.constant 0 : i32
    %add3A_24 = arith.addi %mul3A_23, %add3A : i32
    %min3A = arith.constant 306560 : i32
    %min3A_25 = arith.minsi %add3A_24, %min3A : i32
    %dma_start3A = arith.constant 0 : i32
    %dma_start3A_26 = arith.constant 0 : i32
    %dma_start3A_27 = arith.constant 0 : i32
    %dma_start3A_28 = tpu.memref_slice %arg7[%dma_start3A, %dma_start3A_26, %dma_start3A_27] : memref<2x640x32xf32, #tpu.memory_space<vmem>> -> memref<1x640x32xf32, #tpu.memory_space<vmem>>
    %dma_start3A_29 = tpu.memref_squeeze %dma_start3A_28 : memref<1x640x32xf32, #tpu.memory_space<vmem>> -> memref<640x32xf32, #tpu.memory_space<vmem>>
    %dma_start3A_30 = arith.constant 0 : i32
    %dma_start3A_31 = arith.constant 0 : i32
    %dma_start3A_32 = tpu.memref_slice %arg2[%select_n3A, %dma_start3A_30, %dma_start3A_31] : memref<2x307200x32xf32, #tpu.memory_space<hbm>> -> memref<1x307200x32xf32, #tpu.memory_space<hbm>>
    %dma_start3A_33 = tpu.memref_squeeze %dma_start3A_32 : memref<1x307200x32xf32, #tpu.memory_space<hbm>> -> memref<307200x32xf32, #tpu.memory_space<hbm>>
    %dma_start3A_34 = arith.constant 0 : i32
    %dma_start3A_35 = tpu.memref_slice %dma_start3A_33[%min3A_25, %dma_start3A_34] : memref<307200x32xf32, #tpu.memory_space<hbm>> -> memref<640x32xf32, #tpu.memory_space<hbm>>
    %dma_start3A_36 = arith.constant 0 : i32
    %dma_start3A_37 = arith.constant 0 : i32
    %dma_start3A_38 = tpu.memref_slice %arg7[%dma_start3A, %dma_start3A_36, %dma_start3A_37] : memref<2x640x32xf32, #tpu.memory_space<vmem>> -> memref<1x640x32xf32, #tpu.memory_space<vmem>>
    %dma_start3A_39 = tpu.memref_squeeze %dma_start3A_38 : memref<1x640x32xf32, #tpu.memory_space<vmem>> -> memref<640x32xf32, #tpu.memory_space<vmem>>
    %dma_start3A_40 = arith.constant 0 : i32
    %dma_start3A_41 = arith.constant 0 : i32
    %dma_start3A_42 = tpu.memref_slice %arg2[%select_n3A, %dma_start3A_40, %dma_start3A_41] : memref<2x307200x32xf32, #tpu.memory_space<hbm>> -> memref<1x307200x32xf32, #tpu.memory_space<hbm>>
    %dma_start3A_43 = tpu.memref_squeeze %dma_start3A_42 : memref<1x307200x32xf32, #tpu.memory_space<hbm>> -> memref<307200x32xf32, #tpu.memory_space<hbm>>
    %dma_start3A_44 = arith.constant 0 : i32
    %dma_start3A_45 = tpu.memref_slice %dma_start3A_43[%min3A_25, %dma_start3A_44] : memref<307200x32xf32, #tpu.memory_space<hbm>> -> memref<640x32xf32, #tpu.memory_space<hbm>>
    tpu.enqueue_dma source(%dma_start3A_45 : memref<640x32xf32, #tpu.memory_space<hbm>>) target(%dma_start3A_39 : memref<640x32xf32, #tpu.memory_space<vmem>>) target_semaphore(%arg9 : memref<!tpu.dma_semaphore, #tpu.memory_space<semaphore_mem>>)
    %scan3A = arith.constant 0 : i32
    %scan3A_46 = arith.constant 0 : i32
    %scan3A_47 = arith.constant 30 : i32
    %scan3A_48 = arith.addi %scan3A_46, %scan3A_47 : i32
    %scan3A_49 = arith.constant 1 : i32
    scf.for %scan3A_184 = %scan3A_46 to %scan3A_48 step %scan3A_49  : i32 {
      %dma_wait3A_185 = arith.constant 0 : i32
      %dma_wait3A_186 = arith.constant 0 : i32
      %dma_wait3A_187 = arith.constant 0 : i32
      %dma_wait3A_188 = arith.constant 0 : i32
      %dma_wait3A_189 = tpu.memref_slice %arg7[%dma_wait3A_186, %dma_wait3A_187, %dma_wait3A_188] : memref<2x640x32xf32, #tpu.memory_space<vmem>> -> memref<1x640x32xf32, #tpu.memory_space<vmem>>
      %dma_wait3A_190 = tpu.memref_squeeze %dma_wait3A_189 : memref<1x640x32xf32, #tpu.memory_space<vmem>> -> memref<640x32xf32, #tpu.memory_space<vmem>>
      %dma_wait3A_191 = arith.constant 0 : i32
      %dma_wait3A_192 = arith.constant 0 : i32
      %dma_wait3A_193 = tpu.memref_slice %arg2[%dma_wait3A_185, %dma_wait3A_191, %dma_wait3A_192] : memref<2x307200x32xf32, #tpu.memory_space<hbm>> -> memref<1x307200x32xf32, #tpu.memory_space<hbm>>
      %dma_wait3A_194 = tpu.memref_squeeze %dma_wait3A_193 : memref<1x307200x32xf32, #tpu.memory_space<hbm>> -> memref<307200x32xf32, #tpu.memory_space<hbm>>
      %dma_wait3A_195 = arith.constant 0 : i32
      %dma_wait3A_196 = arith.constant 0 : i32
      %dma_wait3A_197 = tpu.memref_slice %dma_wait3A_194[%dma_wait3A_195, %dma_wait3A_196] : memref<307200x32xf32, #tpu.memory_space<hbm>> -> memref<640x32xf32, #tpu.memory_space<hbm>>
      %dma_wait3A_198 = arith.constant 0 : i32
      %dma_wait3A_199 = arith.constant 0 : i32
      %dma_wait3A_200 = tpu.memref_slice %arg7[%dma_wait3A_186, %dma_wait3A_198, %dma_wait3A_199] : memref<2x640x32xf32, #tpu.memory_space<vmem>> -> memref<1x640x32xf32, #tpu.memory_space<vmem>>
      %dma_wait3A_201 = tpu.memref_squeeze %dma_wait3A_200 : memref<1x640x32xf32, #tpu.memory_space<vmem>> -> memref<640x32xf32, #tpu.memory_space<vmem>>
      %dma_wait3A_202 = arith.constant 0 : i32
      %dma_wait3A_203 = arith.constant 0 : i32
      %dma_wait3A_204 = tpu.memref_slice %arg2[%dma_wait3A_185, %dma_wait3A_202, %dma_wait3A_203] : memref<2x307200x32xf32, #tpu.memory_space<hbm>> -> memref<1x307200x32xf32, #tpu.memory_space<hbm>>
      %dma_wait3A_205 = tpu.memref_squeeze %dma_wait3A_204 : memref<1x307200x32xf32, #tpu.memory_space<hbm>> -> memref<307200x32xf32, #tpu.memory_space<hbm>>
      %dma_wait3A_206 = arith.constant 0 : i32
      %dma_wait3A_207 = arith.constant 0 : i32
      %dma_wait3A_208 = tpu.memref_slice %dma_wait3A_205[%dma_wait3A_206, %dma_wait3A_207] : memref<307200x32xf32, #tpu.memory_space<hbm>> -> memref<640x32xf32, #tpu.memory_space<hbm>>
      tpu.wait_dma2 semaphore(%arg9 : memref<!tpu.dma_semaphore, #tpu.memory_space<semaphore_mem>>) src(%dma_wait3A_208 : memref<640x32xf32, #tpu.memory_space<hbm>>) dst(%dma_wait3A_201 : memref<640x32xf32, #tpu.memory_space<vmem>>)
      %ge3A = arith.constant 1 : i32
      %ge3A_209 = arith.cmpi sge, %scan3A_184, %ge3A : i32
      %convert_element_type3A = arith.extui %ge3A_209 : i1 to i32
      %cond3A = arith.constant 0 : i32
      %cond3A_210 = arith.cmpi ne, %convert_element_type3A, %cond3A : i32
      scf.if %cond3A_210 {
        %dma_wait3A_590 = arith.constant 1 : i32
        %dma_wait3A_591 = arith.constant 0 : i32
        %dma_wait3A_592 = arith.constant 0 : i32
        %dma_wait3A_593 = tpu.memref_slice %arg7[%dma_wait3A_590, %dma_wait3A_591, %dma_wait3A_592] : memref<2x640x32xf32, #tpu.memory_space<vmem>> -> memref<1x640x32xf32, #tpu.memory_space<vmem>>
        %dma_wait3A_594 = tpu.memref_squeeze %dma_wait3A_593 : memref<1x640x32xf32, #tpu.memory_space<vmem>> -> memref<640x32xf32, #tpu.memory_space<vmem>>
        %dma_wait3A_595 = arith.constant 0 : i32
        %dma_wait3A_596 = arith.constant 0 : i32
        %dma_wait3A_597 = tpu.memref_slice %dma_wait3A_594[%dma_wait3A_595, %dma_wait3A_596] : memref<640x32xf32, #tpu.memory_space<vmem>> -> memref<128x32xf32, #tpu.memory_space<vmem>>
        %dma_wait3A_598 = arith.constant 0 : i32
        %dma_wait3A_599 = arith.constant 0 : i32
        %dma_wait3A_600 = tpu.memref_slice %arg8[%dma_wait3A_598, %dma_wait3A_599] : memref<25024x32xf32, #tpu.memory_space<vmem_shared>> -> memref<128x32xf32, #tpu.memory_space<vmem_shared>>
        %dma_wait3A_601 = arith.constant 0 : i32
        %dma_wait3A_602 = arith.constant 0 : i32
        %dma_wait3A_603 = tpu.memref_slice %arg8[%dma_wait3A_601, %dma_wait3A_602] : memref<25024x32xf32, #tpu.memory_space<vmem_shared>> -> memref<128x32xf32, #tpu.memory_space<vmem_shared>>
        %dma_wait3A_604 = arith.constant 0 : i32
        %dma_wait3A_605 = arith.constant 0 : i32
        %dma_wait3A_606 = tpu.memref_slice %arg7[%dma_wait3A_590, %dma_wait3A_604, %dma_wait3A_605] : memref<2x640x32xf32, #tpu.memory_space<vmem>> -> memref<1x640x32xf32, #tpu.memory_space<vmem>>
        %dma_wait3A_607 = tpu.memref_squeeze %dma_wait3A_606 : memref<1x640x32xf32, #tpu.memory_space<vmem>> -> memref<640x32xf32, #tpu.memory_space<vmem>>
        %dma_wait3A_608 = arith.constant 0 : i32
        %dma_wait3A_609 = arith.constant 0 : i32
        %dma_wait3A_610 = tpu.memref_slice %dma_wait3A_607[%dma_wait3A_608, %dma_wait3A_609] : memref<640x32xf32, #tpu.memory_space<vmem>> -> memref<128x32xf32, #tpu.memory_space<vmem>>
        tpu.wait_dma2 semaphore(%arg11 : memref<!tpu.dma_semaphore, #tpu.memory_space<semaphore_mem>>) src(%dma_wait3A_610 : memref<128x32xf32, #tpu.memory_space<vmem>>) dst(%dma_wait3A_603 : memref<128x32xf32, #tpu.memory_space<vmem_shared>>)
        %dma_wait3A_611 = arith.constant 1 : i32
        %dma_wait3A_612 = arith.constant 0 : i32
        %dma_wait3A_613 = arith.constant 0 : i32
        %dma_wait3A_614 = tpu.memref_slice %arg7[%dma_wait3A_611, %dma_wait3A_612, %dma_wait3A_613] : memref<2x640x32xf32, #tpu.memory_space<vmem>> -> memref<1x640x32xf32, #tpu.memory_space<vmem>>
        %dma_wait3A_615 = tpu.memref_squeeze %dma_wait3A_614 : memref<1x640x32xf32, #tpu.memory_space<vmem>> -> memref<640x32xf32, #tpu.memory_space<vmem>>
        %dma_wait3A_616 = arith.constant 128 : i32
        %dma_wait3A_617 = arith.constant 0 : i32
        %dma_wait3A_618 = tpu.memref_slice %dma_wait3A_615[%dma_wait3A_616, %dma_wait3A_617] : memref<640x32xf32, #tpu.memory_space<vmem>> -> memref<128x32xf32, #tpu.memory_space<vmem>>
        %dma_wait3A_619 = arith.constant 0 : i32
        %dma_wait3A_620 = arith.constant 0 : i32
        %dma_wait3A_621 = tpu.memref_slice %arg8[%dma_wait3A_619, %dma_wait3A_620] : memref<25024x32xf32, #tpu.memory_space<vmem_shared>> -> memref<128x32xf32, #tpu.memory_space<vmem_shared>>
        %dma_wait3A_622 = arith.constant 0 : i32
        %dma_wait3A_623 = arith.constant 0 : i32
        %dma_wait3A_624 = tpu.memref_slice %arg8[%dma_wait3A_622, %dma_wait3A_623] : memref<25024x32xf32, #tpu.memory_space<vmem_shared>> -> memref<128x32xf32, #tpu.memory_space<vmem_shared>>
        %dma_wait3A_625 = arith.constant 0 : i32
        %dma_wait3A_626 = arith.constant 0 : i32
        %dma_wait3A_627 = tpu.memref_slice %arg7[%dma_wait3A_611, %dma_wait3A_625, %dma_wait3A_626] : memref<2x640x32xf32, #tpu.memory_space<vmem>> -> memref<1x640x32xf32, #tpu.memory_space<vmem>>
        %dma_wait3A_628 = tpu.memref_squeeze %dma_wait3A_627 : memref<1x640x32xf32, #tpu.memory_space<vmem>> -> memref<640x32xf32, #tpu.memory_space<vmem>>
        %dma_wait3A_629 = arith.constant 128 : i32
        %dma_wait3A_630 = arith.constant 0 : i32
        %dma_wait3A_631 = tpu.memref_slice %dma_wait3A_628[%dma_wait3A_629, %dma_wait3A_630] : memref<640x32xf32, #tpu.memory_space<vmem>> -> memref<128x32xf32, #tpu.memory_space<vmem>>
        tpu.wait_dma2 semaphore(%arg11 : memref<!tpu.dma_semaphore, #tpu.memory_space<semaphore_mem>>) src(%dma_wait3A_631 : memref<128x32xf32, #tpu.memory_space<vmem>>) dst(%dma_wait3A_624 : memref<128x32xf32, #tpu.memory_space<vmem_shared>>)
        %dma_wait3A_632 = arith.constant 1 : i32
        %dma_wait3A_633 = arith.constant 0 : i32
        %dma_wait3A_634 = arith.constant 0 : i32
        %dma_wait3A_635 = tpu.memref_slice %arg7[%dma_wait3A_632, %dma_wait3A_633, %dma_wait3A_634] : memref<2x640x32xf32, #tpu.memory_space<vmem>> -> memref<1x640x32xf32, #tpu.memory_space<vmem>>
        %dma_wait3A_636 = tpu.memref_squeeze %dma_wait3A_635 : memref<1x640x32xf32, #tpu.memory_space<vmem>> -> memref<640x32xf32, #tpu.memory_space<vmem>>
        %dma_wait3A_637 = arith.constant 256 : i32
        %dma_wait3A_638 = arith.constant 0 : i32
        %dma_wait3A_639 = tpu.memref_slice %dma_wait3A_636[%dma_wait3A_637, %dma_wait3A_638] : memref<640x32xf32, #tpu.memory_space<vmem>> -> memref<128x32xf32, #tpu.memory_space<vmem>>
        %dma_wait3A_640 = arith.constant 0 : i32
        %dma_wait3A_641 = arith.constant 0 : i32
        %dma_wait3A_642 = tpu.memref_slice %arg8[%dma_wait3A_640, %dma_wait3A_641] : memref<25024x32xf32, #tpu.memory_space<vmem_shared>> -> memref<128x32xf32, #tpu.memory_space<vmem_shared>>
        %dma_wait3A_643 = arith.constant 0 : i32
        %dma_wait3A_644 = arith.constant 0 : i32
        %dma_wait3A_645 = tpu.memref_slice %arg8[%dma_wait3A_643, %dma_wait3A_644] : memref<25024x32xf32, #tpu.memory_space<vmem_shared>> -> memref<128x32xf32, #tpu.memory_space<vmem_shared>>
        %dma_wait3A_646 = arith.constant 0 : i32
        %dma_wait3A_647 = arith.constant 0 : i32
        %dma_wait3A_648 = tpu.memref_slice %arg7[%dma_wait3A_632, %dma_wait3A_646, %dma_wait3A_647] : memref<2x640x32xf32, #tpu.memory_space<vmem>> -> memref<1x640x32xf32, #tpu.memory_space<vmem>>
        %dma_wait3A_649 = tpu.memref_squeeze %dma_wait3A_648 : memref<1x640x32xf32, #tpu.memory_space<vmem>> -> memref<640x32xf32, #tpu.memory_space<vmem>>
        %dma_wait3A_650 = arith.constant 256 : i32
        %dma_wait3A_651 = arith.constant 0 : i32
        %dma_wait3A_652 = tpu.memref_slice %dma_wait3A_649[%dma_wait3A_650, %dma_wait3A_651] : memref<640x32xf32, #tpu.memory_space<vmem>> -> memref<128x32xf32, #tpu.memory_space<vmem>>
        tpu.wait_dma2 semaphore(%arg11 : memref<!tpu.dma_semaphore, #tpu.memory_space<semaphore_mem>>) src(%dma_wait3A_652 : memref<128x32xf32, #tpu.memory_space<vmem>>) dst(%dma_wait3A_645 : memref<128x32xf32, #tpu.memory_space<vmem_shared>>)
        %dma_wait3A_653 = arith.constant 1 : i32
        %dma_wait3A_654 = arith.constant 0 : i32
        %dma_wait3A_655 = arith.constant 0 : i32
        %dma_wait3A_656 = tpu.memref_slice %arg7[%dma_wait3A_653, %dma_wait3A_654, %dma_wait3A_655] : memref<2x640x32xf32, #tpu.memory_space<vmem>> -> memref<1x640x32xf32, #tpu.memory_space<vmem>>
        %dma_wait3A_657 = tpu.memref_squeeze %dma_wait3A_656 : memref<1x640x32xf32, #tpu.memory_space<vmem>> -> memref<640x32xf32, #tpu.memory_space<vmem>>
        %dma_wait3A_658 = arith.constant 384 : i32
        %dma_wait3A_659 = arith.constant 0 : i32
        %dma_wait3A_660 = tpu.memref_slice %dma_wait3A_657[%dma_wait3A_658, %dma_wait3A_659] : memref<640x32xf32, #tpu.memory_space<vmem>> -> memref<128x32xf32, #tpu.memory_space<vmem>>
        %dma_wait3A_661 = arith.constant 0 : i32
        %dma_wait3A_662 = arith.constant 0 : i32
        %dma_wait3A_663 = tpu.memref_slice %arg8[%dma_wait3A_661, %dma_wait3A_662] : memref<25024x32xf32, #tpu.memory_space<vmem_shared>> -> memref<128x32xf32, #tpu.memory_space<vmem_shared>>
        %dma_wait3A_664 = arith.constant 0 : i32
        %dma_wait3A_665 = arith.constant 0 : i32
        %dma_wait3A_666 = tpu.memref_slice %arg8[%dma_wait3A_664, %dma_wait3A_665] : memref<25024x32xf32, #tpu.memory_space<vmem_shared>> -> memref<128x32xf32, #tpu.memory_space<vmem_shared>>
        %dma_wait3A_667 = arith.constant 0 : i32
        %dma_wait3A_668 = arith.constant 0 : i32
        %dma_wait3A_669 = tpu.memref_slice %arg7[%dma_wait3A_653, %dma_wait3A_667, %dma_wait3A_668] : memref<2x640x32xf32, #tpu.memory_space<vmem>> -> memref<1x640x32xf32, #tpu.memory_space<vmem>>
        %dma_wait3A_670 = tpu.memref_squeeze %dma_wait3A_669 : memref<1x640x32xf32, #tpu.memory_space<vmem>> -> memref<640x32xf32, #tpu.memory_space<vmem>>
        %dma_wait3A_671 = arith.constant 384 : i32
        %dma_wait3A_672 = arith.constant 0 : i32
        %dma_wait3A_673 = tpu.memref_slice %dma_wait3A_670[%dma_wait3A_671, %dma_wait3A_672] : memref<640x32xf32, #tpu.memory_space<vmem>> -> memref<128x32xf32, #tpu.memory_space<vmem>>
        tpu.wait_dma2 semaphore(%arg11 : memref<!tpu.dma_semaphore, #tpu.memory_space<semaphore_mem>>) src(%dma_wait3A_673 : memref<128x32xf32, #tpu.memory_space<vmem>>) dst(%dma_wait3A_666 : memref<128x32xf32, #tpu.memory_space<vmem_shared>>)
        %dma_wait3A_674 = arith.constant 1 : i32
        %dma_wait3A_675 = arith.constant 0 : i32
        %dma_wait3A_676 = arith.constant 0 : i32
        %dma_wait3A_677 = tpu.memref_slice %arg7[%dma_wait3A_674, %dma_wait3A_675, %dma_wait3A_676] : memref<2x640x32xf32, #tpu.memory_space<vmem>> -> memref<1x640x32xf32, #tpu.memory_space<vmem>>
        %dma_wait3A_678 = tpu.memref_squeeze %dma_wait3A_677 : memref<1x640x32xf32, #tpu.memory_space<vmem>> -> memref<640x32xf32, #tpu.memory_space<vmem>>
        %dma_wait3A_679 = arith.constant 512 : i32
        %dma_wait3A_680 = arith.constant 0 : i32
        %dma_wait3A_681 = tpu.memref_slice %dma_wait3A_678[%dma_wait3A_679, %dma_wait3A_680] : memref<640x32xf32, #tpu.memory_space<vmem>> -> memref<128x32xf32, #tpu.memory_space<vmem>>
        %dma_wait3A_682 = arith.constant 0 : i32
        %dma_wait3A_683 = arith.constant 0 : i32
        %dma_wait3A_684 = tpu.memref_slice %arg8[%dma_wait3A_682, %dma_wait3A_683] : memref<25024x32xf32, #tpu.memory_space<vmem_shared>> -> memref<128x32xf32, #tpu.memory_space<vmem_shared>>
        %dma_wait3A_685 = arith.constant 0 : i32
        %dma_wait3A_686 = arith.constant 0 : i32
        %dma_wait3A_687 = tpu.memref_slice %arg8[%dma_wait3A_685, %dma_wait3A_686] : memref<25024x32xf32, #tpu.memory_space<vmem_shared>> -> memref<128x32xf32, #tpu.memory_space<vmem_shared>>
        %dma_wait3A_688 = arith.constant 0 : i32
        %dma_wait3A_689 = arith.constant 0 : i32
        %dma_wait3A_690 = tpu.memref_slice %arg7[%dma_wait3A_674, %dma_wait3A_688, %dma_wait3A_689] : memref<2x640x32xf32, #tpu.memory_space<vmem>> -> memref<1x640x32xf32, #tpu.memory_space<vmem>>
        %dma_wait3A_691 = tpu.memref_squeeze %dma_wait3A_690 : memref<1x640x32xf32, #tpu.memory_space<vmem>> -> memref<640x32xf32, #tpu.memory_space<vmem>>
        %dma_wait3A_692 = arith.constant 512 : i32
        %dma_wait3A_693 = arith.constant 0 : i32
        %dma_wait3A_694 = tpu.memref_slice %dma_wait3A_691[%dma_wait3A_692, %dma_wait3A_693] : memref<640x32xf32, #tpu.memory_space<vmem>> -> memref<128x32xf32, #tpu.memory_space<vmem>>
        tpu.wait_dma2 semaphore(%arg11 : memref<!tpu.dma_semaphore, #tpu.memory_space<semaphore_mem>>) src(%dma_wait3A_694 : memref<128x32xf32, #tpu.memory_space<vmem>>) dst(%dma_wait3A_687 : memref<128x32xf32, #tpu.memory_space<vmem_shared>>)
      } else {
      }
      %mul3A_211 = arith.constant 2 : i32
      %mul3A_212 = arith.muli %mul3A_211, %scan3A_184 : i32
      %add3A_213 = arith.constant 1 : i32
      %add3A_214 = arith.addi %mul3A_212, %add3A_213 : i32
      %mul3A_215 = arith.constant 5 : i32
      %mul3A_216 = arith.muli %add3A_214, %mul3A_215 : i32
      %mul3A_217 = arith.constant 128 : i32
      %mul3A_218 = arith.muli %mul3A_216, %mul3A_217 : i32
      %add3A_219 = arith.addi %mul3A_23, %mul3A_218 : i32
      %min3A_220 = arith.constant 306560 : i32
      %min3A_221 = arith.minsi %add3A_219, %min3A_220 : i32
      %dma_start3A_222 = arith.constant 1 : i32
      %dma_start3A_223 = arith.constant 0 : i32
      %dma_start3A_224 = arith.constant 0 : i32
      %dma_start3A_225 = tpu.memref_slice %arg7[%dma_start3A_222, %dma_start3A_223, %dma_start3A_224] : memref<2x640x32xf32, #tpu.memory_space<vmem>> -> memref<1x640x32xf32, #tpu.memory_space<vmem>>
      %dma_start3A_226 = tpu.memref_squeeze %dma_start3A_225 : memref<1x640x32xf32, #tpu.memory_space<vmem>> -> memref<640x32xf32, #tpu.memory_space<vmem>>
      %dma_start3A_227 = arith.constant 0 : i32
      %dma_start3A_228 = arith.constant 0 : i32
      %dma_start3A_229 = tpu.memref_slice %arg2[%select_n3A, %dma_start3A_227, %dma_start3A_228] : memref<2x307200x32xf32, #tpu.memory_space<hbm>> -> memref<1x307200x32xf32, #tpu.memory_space<hbm>>
      %dma_start3A_230 = tpu.memref_squeeze %dma_start3A_229 : memref<1x307200x32xf32, #tpu.memory_space<hbm>> -> memref<307200x32xf32, #tpu.memory_space<hbm>>
      %dma_start3A_231 = arith.constant 0 : i32
      %dma_start3A_232 = tpu.memref_slice %dma_start3A_230[%min3A_221, %dma_start3A_231] : memref<307200x32xf32, #tpu.memory_space<hbm>> -> memref<640x32xf32, #tpu.memory_space<hbm>>
      %dma_start3A_233 = arith.constant 0 : i32
      %dma_start3A_234 = arith.constant 0 : i32
      %dma_start3A_235 = tpu.memref_slice %arg7[%dma_start3A_222, %dma_start3A_233, %dma_start3A_234] : memref<2x640x32xf32, #tpu.memory_space<vmem>> -> memref<1x640x32xf32, #tpu.memory_space<vmem>>
      %dma_start3A_236 = tpu.memref_squeeze %dma_start3A_235 : memref<1x640x32xf32, #tpu.memory_space<vmem>> -> memref<640x32xf32, #tpu.memory_space<vmem>>
      %dma_start3A_237 = arith.constant 0 : i32
      %dma_start3A_238 = arith.constant 0 : i32
      %dma_start3A_239 = tpu.memref_slice %arg2[%select_n3A, %dma_start3A_237, %dma_start3A_238] : memref<2x307200x32xf32, #tpu.memory_space<hbm>> -> memref<1x307200x32xf32, #tpu.memory_space<hbm>>
      %dma_start3A_240 = tpu.memref_squeeze %dma_start3A_239 : memref<1x307200x32xf32, #tpu.memory_space<hbm>> -> memref<307200x32xf32, #tpu.memory_space<hbm>>
      %dma_start3A_241 = arith.constant 0 : i32
      %dma_start3A_242 = tpu.memref_slice %dma_start3A_240[%min3A_221, %dma_start3A_241] : memref<307200x32xf32, #tpu.memory_space<hbm>> -> memref<640x32xf32, #tpu.memory_space<hbm>>
      tpu.enqueue_dma source(%dma_start3A_242 : memref<640x32xf32, #tpu.memory_space<hbm>>) target(%dma_start3A_236 : memref<640x32xf32, #tpu.memory_space<vmem>>) target_semaphore(%arg9 : memref<!tpu.dma_semaphore, #tpu.memory_space<semaphore_mem>>)
      %mul3A_243 = arith.constant 2 : i32
      %mul3A_244 = arith.muli %mul3A_243, %scan3A_184 : i32
      %mul3A_245 = arith.constant 5 : i32
      %mul3A_246 = arith.muli %mul3A_244, %mul3A_245 : i32
      %add3A_247 = arith.constant 0 : i32
      %add3A_248 = arith.addi %mul3A_246, %add3A_247 : i32
      %dma_start3A_249 = arith.constant 0 : i32
      %dma_start3A_250 = arith.constant 0 : i32
      %dma_start3A_251 = arith.constant 0 : i32
      %dma_start3A_252 = tpu.memref_slice %arg7[%dma_start3A_249, %dma_start3A_250, %dma_start3A_251] : memref<2x640x32xf32, #tpu.memory_space<vmem>> -> memref<1x640x32xf32, #tpu.memory_space<vmem>>
      %dma_start3A_253 = tpu.memref_squeeze %dma_start3A_252 : memref<1x640x32xf32, #tpu.memory_space<vmem>> -> memref<640x32xf32, #tpu.memory_space<vmem>>
      %dma_start3A_254 = arith.constant 0 : i32
      %dma_start3A_255 = arith.constant 0 : i32
      %dma_start3A_256 = tpu.memref_slice %dma_start3A_253[%dma_start3A_254, %dma_start3A_255] : memref<640x32xf32, #tpu.memory_space<vmem>> -> memref<128x32xf32, #tpu.memory_space<vmem>>
      %dma_start3A_257 = arith.constant 0 : i32
      %dma_start3A_258 = tpu.memref_slice %arg6[%add3A_248, %dma_start3A_257] : memref<300x128xi32, #tpu.memory_space<vmem>> -> memref<1x128xi32, #tpu.memory_space<vmem>>
      %dma_start3A_259 = tpu.memref_squeeze %dma_start3A_258 : memref<1x128xi32, #tpu.memory_space<vmem>> -> memref<128xi32, #tpu.memory_space<vmem>>
      %dma_start3A_260 = arith.constant 0 : i32
      %dma_start3A_261 = arith.constant 0 : i32
      %dma_start3A_262 = tpu.memref_slice %arg8[%dma_start3A_260, %dma_start3A_261] : memref<25024x32xf32, #tpu.memory_space<vmem_shared>> -> memref<25024x32xf32, #tpu.memory_space<vmem_shared>>
      tpu.enqueue_indirect_dma source(%dma_start3A_256 : memref<128x32xf32, #tpu.memory_space<vmem>>) target(%dma_start3A_262 : memref<25024x32xf32, #tpu.memory_space<vmem_shared>>) offsets(%dma_start3A_259 : memref<128xi32, #tpu.memory_space<vmem>>) semaphore(%arg10 : memref<!tpu.dma_semaphore, #tpu.memory_space<semaphore_mem>>) {add = true}
      %mul3A_263 = arith.constant 5 : i32
      %mul3A_264 = arith.muli %mul3A_244, %mul3A_263 : i32
      %add3A_265 = arith.constant 1 : i32
      %add3A_266 = arith.addi %mul3A_264, %add3A_265 : i32
      %dma_start3A_267 = arith.constant 0 : i32
      %dma_start3A_268 = arith.constant 0 : i32
      %dma_start3A_269 = arith.constant 0 : i32
      %dma_start3A_270 = tpu.memref_slice %arg7[%dma_start3A_267, %dma_start3A_268, %dma_start3A_269] : memref<2x640x32xf32, #tpu.memory_space<vmem>> -> memref<1x640x32xf32, #tpu.memory_space<vmem>>
      %dma_start3A_271 = tpu.memref_squeeze %dma_start3A_270 : memref<1x640x32xf32, #tpu.memory_space<vmem>> -> memref<640x32xf32, #tpu.memory_space<vmem>>
      %dma_start3A_272 = arith.constant 128 : i32
      %dma_start3A_273 = arith.constant 0 : i32
      %dma_start3A_274 = tpu.memref_slice %dma_start3A_271[%dma_start3A_272, %dma_start3A_273] : memref<640x32xf32, #tpu.memory_space<vmem>> -> memref<128x32xf32, #tpu.memory_space<vmem>>
      %dma_start3A_275 = arith.constant 0 : i32
      %dma_start3A_276 = tpu.memref_slice %arg6[%add3A_266, %dma_start3A_275] : memref<300x128xi32, #tpu.memory_space<vmem>> -> memref<1x128xi32, #tpu.memory_space<vmem>>
      %dma_start3A_277 = tpu.memref_squeeze %dma_start3A_276 : memref<1x128xi32, #tpu.memory_space<vmem>> -> memref<128xi32, #tpu.memory_space<vmem>>
      %dma_start3A_278 = arith.constant 0 : i32
      %dma_start3A_279 = arith.constant 0 : i32
      %dma_start3A_280 = tpu.memref_slice %arg8[%dma_start3A_278, %dma_start3A_279] : memref<25024x32xf32, #tpu.memory_space<vmem_shared>> -> memref<25024x32xf32, #tpu.memory_space<vmem_shared>>
      tpu.enqueue_indirect_dma source(%dma_start3A_274 : memref<128x32xf32, #tpu.memory_space<vmem>>) target(%dma_start3A_280 : memref<25024x32xf32, #tpu.memory_space<vmem_shared>>) offsets(%dma_start3A_277 : memref<128xi32, #tpu.memory_space<vmem>>) semaphore(%arg10 : memref<!tpu.dma_semaphore, #tpu.memory_space<semaphore_mem>>) {add = true}
      %mul3A_281 = arith.constant 5 : i32
      %mul3A_282 = arith.muli %mul3A_244, %mul3A_281 : i32
      %add3A_283 = arith.constant 2 : i32
      %add3A_284 = arith.addi %mul3A_282, %add3A_283 : i32
      %dma_start3A_285 = arith.constant 0 : i32
      %dma_start3A_286 = arith.constant 0 : i32
      %dma_start3A_287 = arith.constant 0 : i32
      %dma_start3A_288 = tpu.memref_slice %arg7[%dma_start3A_285, %dma_start3A_286, %dma_start3A_287] : memref<2x640x32xf32, #tpu.memory_space<vmem>> -> memref<1x640x32xf32, #tpu.memory_space<vmem>>
      %dma_start3A_289 = tpu.memref_squeeze %dma_start3A_288 : memref<1x640x32xf32, #tpu.memory_space<vmem>> -> memref<640x32xf32, #tpu.memory_space<vmem>>
      %dma_start3A_290 = arith.constant 256 : i32
      %dma_start3A_291 = arith.constant 0 : i32
      %dma_start3A_292 = tpu.memref_slice %dma_start3A_289[%dma_start3A_290, %dma_start3A_291] : memref<640x32xf32, #tpu.memory_space<vmem>> -> memref<128x32xf32, #tpu.memory_space<vmem>>
      %dma_start3A_293 = arith.constant 0 : i32
      %dma_start3A_294 = tpu.memref_slice %arg6[%add3A_284, %dma_start3A_293] : memref<300x128xi32, #tpu.memory_space<vmem>> -> memref<1x128xi32, #tpu.memory_space<vmem>>
      %dma_start3A_295 = tpu.memref_squeeze %dma_start3A_294 : memref<1x128xi32, #tpu.memory_space<vmem>> -> memref<128xi32, #tpu.memory_space<vmem>>
      %dma_start3A_296 = arith.constant 0 : i32
      %dma_start3A_297 = arith.constant 0 : i32
      %dma_start3A_298 = tpu.memref_slice %arg8[%dma_start3A_296, %dma_start3A_297] : memref<25024x32xf32, #tpu.memory_space<vmem_shared>> -> memref<25024x32xf32, #tpu.memory_space<vmem_shared>>
      tpu.enqueue_indirect_dma source(%dma_start3A_292 : memref<128x32xf32, #tpu.memory_space<vmem>>) target(%dma_start3A_298 : memref<25024x32xf32, #tpu.memory_space<vmem_shared>>) offsets(%dma_start3A_295 : memref<128xi32, #tpu.memory_space<vmem>>) semaphore(%arg10 : memref<!tpu.dma_semaphore, #tpu.memory_space<semaphore_mem>>) {add = true}
      %mul3A_299 = arith.constant 5 : i32
      %mul3A_300 = arith.muli %mul3A_244, %mul3A_299 : i32
      %add3A_301 = arith.constant 3 : i32
      %add3A_302 = arith.addi %mul3A_300, %add3A_301 : i32
      %dma_start3A_303 = arith.constant 0 : i32
      %dma_start3A_304 = arith.constant 0 : i32
      %dma_start3A_305 = arith.constant 0 : i32
      %dma_start3A_306 = tpu.memref_slice %arg7[%dma_start3A_303, %dma_start3A_304, %dma_start3A_305] : memref<2x640x32xf32, #tpu.memory_space<vmem>> -> memref<1x640x32xf32, #tpu.memory_space<vmem>>
      %dma_start3A_307 = tpu.memref_squeeze %dma_start3A_306 : memref<1x640x32xf32, #tpu.memory_space<vmem>> -> memref<640x32xf32, #tpu.memory_space<vmem>>
      %dma_start3A_308 = arith.constant 384 : i32
      %dma_start3A_309 = arith.constant 0 : i32
      %dma_start3A_310 = tpu.memref_slice %dma_start3A_307[%dma_start3A_308, %dma_start3A_309] : memref<640x32xf32, #tpu.memory_space<vmem>> -> memref<128x32xf32, #tpu.memory_space<vmem>>
      %dma_start3A_311 = arith.constant 0 : i32
      %dma_start3A_312 = tpu.memref_slice %arg6[%add3A_302, %dma_start3A_311] : memref<300x128xi32, #tpu.memory_space<vmem>> -> memref<1x128xi32, #tpu.memory_space<vmem>>
      %dma_start3A_313 = tpu.memref_squeeze %dma_start3A_312 : memref<1x128xi32, #tpu.memory_space<vmem>> -> memref<128xi32, #tpu.memory_space<vmem>>
      %dma_start3A_314 = arith.constant 0 : i32
      %dma_start3A_315 = arith.constant 0 : i32
      %dma_start3A_316 = tpu.memref_slice %arg8[%dma_start3A_314, %dma_start3A_315] : memref<25024x32xf32, #tpu.memory_space<vmem_shared>> -> memref<25024x32xf32, #tpu.memory_space<vmem_shared>>
      tpu.enqueue_indirect_dma source(%dma_start3A_310 : memref<128x32xf32, #tpu.memory_space<vmem>>) target(%dma_start3A_316 : memref<25024x32xf32, #tpu.memory_space<vmem_shared>>) offsets(%dma_start3A_313 : memref<128xi32, #tpu.memory_space<vmem>>) semaphore(%arg10 : memref<!tpu.dma_semaphore, #tpu.memory_space<semaphore_mem>>) {add = true}
      %mul3A_317 = arith.constant 5 : i32
      %mul3A_318 = arith.muli %mul3A_244, %mul3A_317 : i32
      %add3A_319 = arith.constant 4 : i32
      %add3A_320 = arith.addi %mul3A_318, %add3A_319 : i32
      %dma_start3A_321 = arith.constant 0 : i32
      %dma_start3A_322 = arith.constant 0 : i32
      %dma_start3A_323 = arith.constant 0 : i32
      %dma_start3A_324 = tpu.memref_slice %arg7[%dma_start3A_321, %dma_start3A_322, %dma_start3A_323] : memref<2x640x32xf32, #tpu.memory_space<vmem>> -> memref<1x640x32xf32, #tpu.memory_space<vmem>>
      %dma_start3A_325 = tpu.memref_squeeze %dma_start3A_324 : memref<1x640x32xf32, #tpu.memory_space<vmem>> -> memref<640x32xf32, #tpu.memory_space<vmem>>
      %dma_start3A_326 = arith.constant 512 : i32
      %dma_start3A_327 = arith.constant 0 : i32
      %dma_start3A_328 = tpu.memref_slice %dma_start3A_325[%dma_start3A_326, %dma_start3A_327] : memref<640x32xf32, #tpu.memory_space<vmem>> -> memref<128x32xf32, #tpu.memory_space<vmem>>
      %dma_start3A_329 = arith.constant 0 : i32
      %dma_start3A_330 = tpu.memref_slice %arg6[%add3A_320, %dma_start3A_329] : memref<300x128xi32, #tpu.memory_space<vmem>> -> memref<1x128xi32, #tpu.memory_space<vmem>>
      %dma_start3A_331 = tpu.memref_squeeze %dma_start3A_330 : memref<1x128xi32, #tpu.memory_space<vmem>> -> memref<128xi32, #tpu.memory_space<vmem>>
      %dma_start3A_332 = arith.constant 0 : i32
      %dma_start3A_333 = arith.constant 0 : i32
      %dma_start3A_334 = tpu.memref_slice %arg8[%dma_start3A_332, %dma_start3A_333] : memref<25024x32xf32, #tpu.memory_space<vmem_shared>> -> memref<25024x32xf32, #tpu.memory_space<vmem_shared>>
      tpu.enqueue_indirect_dma source(%dma_start3A_328 : memref<128x32xf32, #tpu.memory_space<vmem>>) target(%dma_start3A_334 : memref<25024x32xf32, #tpu.memory_space<vmem_shared>>) offsets(%dma_start3A_331 : memref<128xi32, #tpu.memory_space<vmem>>) semaphore(%arg10 : memref<!tpu.dma_semaphore, #tpu.memory_space<semaphore_mem>>) {add = true}
      %dma_wait3A_335 = arith.constant 0 : i32
      %dma_wait3A_336 = arith.constant 0 : i32
      %dma_wait3A_337 = arith.constant 0 : i32
      %dma_wait3A_338 = arith.constant 0 : i32
      %dma_wait3A_339 = tpu.memref_slice %arg7[%dma_wait3A_336, %dma_wait3A_337, %dma_wait3A_338] : memref<2x640x32xf32, #tpu.memory_space<vmem>> -> memref<1x640x32xf32, #tpu.memory_space<vmem>>
      %dma_wait3A_340 = tpu.memref_squeeze %dma_wait3A_339 : memref<1x640x32xf32, #tpu.memory_space<vmem>> -> memref<640x32xf32, #tpu.memory_space<vmem>>
      %dma_wait3A_341 = arith.constant 0 : i32
      %dma_wait3A_342 = arith.constant 0 : i32
      %dma_wait3A_343 = tpu.memref_slice %arg2[%dma_wait3A_335, %dma_wait3A_341, %dma_wait3A_342] : memref<2x307200x32xf32, #tpu.memory_space<hbm>> -> memref<1x307200x32xf32, #tpu.memory_space<hbm>>
      %dma_wait3A_344 = tpu.memref_squeeze %dma_wait3A_343 : memref<1x307200x32xf32, #tpu.memory_space<hbm>> -> memref<307200x32xf32, #tpu.memory_space<hbm>>
      %dma_wait3A_345 = arith.constant 0 : i32
      %dma_wait3A_346 = arith.constant 0 : i32
      %dma_wait3A_347 = tpu.memref_slice %dma_wait3A_344[%dma_wait3A_345, %dma_wait3A_346] : memref<307200x32xf32, #tpu.memory_space<hbm>> -> memref<640x32xf32, #tpu.memory_space<hbm>>
      %dma_wait3A_348 = arith.constant 0 : i32
      %dma_wait3A_349 = arith.constant 0 : i32
      %dma_wait3A_350 = tpu.memref_slice %arg7[%dma_wait3A_336, %dma_wait3A_348, %dma_wait3A_349] : memref<2x640x32xf32, #tpu.memory_space<vmem>> -> memref<1x640x32xf32, #tpu.memory_space<vmem>>
      %dma_wait3A_351 = tpu.memref_squeeze %dma_wait3A_350 : memref<1x640x32xf32, #tpu.memory_space<vmem>> -> memref<640x32xf32, #tpu.memory_space<vmem>>
      %dma_wait3A_352 = arith.constant 0 : i32
      %dma_wait3A_353 = arith.constant 0 : i32
      %dma_wait3A_354 = tpu.memref_slice %arg2[%dma_wait3A_335, %dma_wait3A_352, %dma_wait3A_353] : memref<2x307200x32xf32, #tpu.memory_space<hbm>> -> memref<1x307200x32xf32, #tpu.memory_space<hbm>>
      %dma_wait3A_355 = tpu.memref_squeeze %dma_wait3A_354 : memref<1x307200x32xf32, #tpu.memory_space<hbm>> -> memref<307200x32xf32, #tpu.memory_space<hbm>>
      %dma_wait3A_356 = arith.constant 0 : i32
      %dma_wait3A_357 = arith.constant 0 : i32
      %dma_wait3A_358 = tpu.memref_slice %dma_wait3A_355[%dma_wait3A_356, %dma_wait3A_357] : memref<307200x32xf32, #tpu.memory_space<hbm>> -> memref<640x32xf32, #tpu.memory_space<hbm>>
      tpu.wait_dma2 semaphore(%arg9 : memref<!tpu.dma_semaphore, #tpu.memory_space<semaphore_mem>>) src(%dma_wait3A_358 : memref<640x32xf32, #tpu.memory_space<hbm>>) dst(%dma_wait3A_351 : memref<640x32xf32, #tpu.memory_space<vmem>>)
      %dma_wait3A_359 = arith.constant 0 : i32
      %dma_wait3A_360 = arith.constant 0 : i32
      %dma_wait3A_361 = arith.constant 0 : i32
      %dma_wait3A_362 = tpu.memref_slice %arg7[%dma_wait3A_359, %dma_wait3A_360, %dma_wait3A_361] : memref<2x640x32xf32, #tpu.memory_space<vmem>> -> memref<1x640x32xf32, #tpu.memory_space<vmem>>
      %dma_wait3A_363 = tpu.memref_squeeze %dma_wait3A_362 : memref<1x640x32xf32, #tpu.memory_space<vmem>> -> memref<640x32xf32, #tpu.memory_space<vmem>>
      %dma_wait3A_364 = arith.constant 0 : i32
      %dma_wait3A_365 = arith.constant 0 : i32
      %dma_wait3A_366 = tpu.memref_slice %dma_wait3A_363[%dma_wait3A_364, %dma_wait3A_365] : memref<640x32xf32, #tpu.memory_space<vmem>> -> memref<128x32xf32, #tpu.memory_space<vmem>>
      %dma_wait3A_367 = arith.constant 0 : i32
      %dma_wait3A_368 = arith.constant 0 : i32
      %dma_wait3A_369 = tpu.memref_slice %arg8[%dma_wait3A_367, %dma_wait3A_368] : memref<25024x32xf32, #tpu.memory_space<vmem_shared>> -> memref<128x32xf32, #tpu.memory_space<vmem_shared>>
      %dma_wait3A_370 = arith.constant 0 : i32
      %dma_wait3A_371 = arith.constant 0 : i32
      %dma_wait3A_372 = tpu.memref_slice %arg8[%dma_wait3A_370, %dma_wait3A_371] : memref<25024x32xf32, #tpu.memory_space<vmem_shared>> -> memref<128x32xf32, #tpu.memory_space<vmem_shared>>
      %dma_wait3A_373 = arith.constant 0 : i32
      %dma_wait3A_374 = arith.constant 0 : i32
      %dma_wait3A_375 = tpu.memref_slice %arg7[%dma_wait3A_359, %dma_wait3A_373, %dma_wait3A_374] : memref<2x640x32xf32, #tpu.memory_space<vmem>> -> memref<1x640x32xf32, #tpu.memory_space<vmem>>
      %dma_wait3A_376 = tpu.memref_squeeze %dma_wait3A_375 : memref<1x640x32xf32, #tpu.memory_space<vmem>> -> memref<640x32xf32, #tpu.memory_space<vmem>>
      %dma_wait3A_377 = arith.constant 0 : i32
      %dma_wait3A_378 = arith.constant 0 : i32
      %dma_wait3A_379 = tpu.memref_slice %dma_wait3A_376[%dma_wait3A_377, %dma_wait3A_378] : memref<640x32xf32, #tpu.memory_space<vmem>> -> memref<128x32xf32, #tpu.memory_space<vmem>>
      tpu.wait_dma2 semaphore(%arg10 : memref<!tpu.dma_semaphore, #tpu.memory_space<semaphore_mem>>) src(%dma_wait3A_379 : memref<128x32xf32, #tpu.memory_space<vmem>>) dst(%dma_wait3A_372 : memref<128x32xf32, #tpu.memory_space<vmem_shared>>)
      %dma_wait3A_380 = arith.constant 0 : i32
      %dma_wait3A_381 = arith.constant 0 : i32
      %dma_wait3A_382 = arith.constant 0 : i32
      %dma_wait3A_383 = tpu.memref_slice %arg7[%dma_wait3A_380, %dma_wait3A_381, %dma_wait3A_382] : memref<2x640x32xf32, #tpu.memory_space<vmem>> -> memref<1x640x32xf32, #tpu.memory_space<vmem>>
      %dma_wait3A_384 = tpu.memref_squeeze %dma_wait3A_383 : memref<1x640x32xf32, #tpu.memory_space<vmem>> -> memref<640x32xf32, #tpu.memory_space<vmem>>
      %dma_wait3A_385 = arith.constant 128 : i32
      %dma_wait3A_386 = arith.constant 0 : i32
      %dma_wait3A_387 = tpu.memref_slice %dma_wait3A_384[%dma_wait3A_385, %dma_wait3A_386] : memref<640x32xf32, #tpu.memory_space<vmem>> -> memref<128x32xf32, #tpu.memory_space<vmem>>
      %dma_wait3A_388 = arith.constant 0 : i32
      %dma_wait3A_389 = arith.constant 0 : i32
      %dma_wait3A_390 = tpu.memref_slice %arg8[%dma_wait3A_388, %dma_wait3A_389] : memref<25024x32xf32, #tpu.memory_space<vmem_shared>> -> memref<128x32xf32, #tpu.memory_space<vmem_shared>>
      %dma_wait3A_391 = arith.constant 0 : i32
      %dma_wait3A_392 = arith.constant 0 : i32
      %dma_wait3A_393 = tpu.memref_slice %arg8[%dma_wait3A_391, %dma_wait3A_392] : memref<25024x32xf32, #tpu.memory_space<vmem_shared>> -> memref<128x32xf32, #tpu.memory_space<vmem_shared>>
      %dma_wait3A_394 = arith.constant 0 : i32
      %dma_wait3A_395 = arith.constant 0 : i32
      %dma_wait3A_396 = tpu.memref_slice %arg7[%dma_wait3A_380, %dma_wait3A_394, %dma_wait3A_395] : memref<2x640x32xf32, #tpu.memory_space<vmem>> -> memref<1x640x32xf32, #tpu.memory_space<vmem>>
      %dma_wait3A_397 = tpu.memref_squeeze %dma_wait3A_396 : memref<1x640x32xf32, #tpu.memory_space<vmem>> -> memref<640x32xf32, #tpu.memory_space<vmem>>
      %dma_wait3A_398 = arith.constant 128 : i32
      %dma_wait3A_399 = arith.constant 0 : i32
      %dma_wait3A_400 = tpu.memref_slice %dma_wait3A_397[%dma_wait3A_398, %dma_wait3A_399] : memref<640x32xf32, #tpu.memory_space<vmem>> -> memref<128x32xf32, #tpu.memory_space<vmem>>
      tpu.wait_dma2 semaphore(%arg10 : memref<!tpu.dma_semaphore, #tpu.memory_space<semaphore_mem>>) src(%dma_wait3A_400 : memref<128x32xf32, #tpu.memory_space<vmem>>) dst(%dma_wait3A_393 : memref<128x32xf32, #tpu.memory_space<vmem_shared>>)
      %dma_wait3A_401 = arith.constant 0 : i32
      %dma_wait3A_402 = arith.constant 0 : i32
      %dma_wait3A_403 = arith.constant 0 : i32
      %dma_wait3A_404 = tpu.memref_slice %arg7[%dma_wait3A_401, %dma_wait3A_402, %dma_wait3A_403] : memref<2x640x32xf32, #tpu.memory_space<vmem>> -> memref<1x640x32xf32, #tpu.memory_space<vmem>>
      %dma_wait3A_405 = tpu.memref_squeeze %dma_wait3A_404 : memref<1x640x32xf32, #tpu.memory_space<vmem>> -> memref<640x32xf32, #tpu.memory_space<vmem>>
      %dma_wait3A_406 = arith.constant 256 : i32
      %dma_wait3A_407 = arith.constant 0 : i32
      %dma_wait3A_408 = tpu.memref_slice %dma_wait3A_405[%dma_wait3A_406, %dma_wait3A_407] : memref<640x32xf32, #tpu.memory_space<vmem>> -> memref<128x32xf32, #tpu.memory_space<vmem>>
      %dma_wait3A_409 = arith.constant 0 : i32
      %dma_wait3A_410 = arith.constant 0 : i32
      %dma_wait3A_411 = tpu.memref_slice %arg8[%dma_wait3A_409, %dma_wait3A_410] : memref<25024x32xf32, #tpu.memory_space<vmem_shared>> -> memref<128x32xf32, #tpu.memory_space<vmem_shared>>
      %dma_wait3A_412 = arith.constant 0 : i32
      %dma_wait3A_413 = arith.constant 0 : i32
      %dma_wait3A_414 = tpu.memref_slice %arg8[%dma_wait3A_412, %dma_wait3A_413] : memref<25024x32xf32, #tpu.memory_space<vmem_shared>> -> memref<128x32xf32, #tpu.memory_space<vmem_shared>>
      %dma_wait3A_415 = arith.constant 0 : i32
      %dma_wait3A_416 = arith.constant 0 : i32
      %dma_wait3A_417 = tpu.memref_slice %arg7[%dma_wait3A_401, %dma_wait3A_415, %dma_wait3A_416] : memref<2x640x32xf32, #tpu.memory_space<vmem>> -> memref<1x640x32xf32, #tpu.memory_space<vmem>>
      %dma_wait3A_418 = tpu.memref_squeeze %dma_wait3A_417 : memref<1x640x32xf32, #tpu.memory_space<vmem>> -> memref<640x32xf32, #tpu.memory_space<vmem>>
      %dma_wait3A_419 = arith.constant 256 : i32
      %dma_wait3A_420 = arith.constant 0 : i32
      %dma_wait3A_421 = tpu.memref_slice %dma_wait3A_418[%dma_wait3A_419, %dma_wait3A_420] : memref<640x32xf32, #tpu.memory_space<vmem>> -> memref<128x32xf32, #tpu.memory_space<vmem>>
      tpu.wait_dma2 semaphore(%arg10 : memref<!tpu.dma_semaphore, #tpu.memory_space<semaphore_mem>>) src(%dma_wait3A_421 : memref<128x32xf32, #tpu.memory_space<vmem>>) dst(%dma_wait3A_414 : memref<128x32xf32, #tpu.memory_space<vmem_shared>>)
      %dma_wait3A_422 = arith.constant 0 : i32
      %dma_wait3A_423 = arith.constant 0 : i32
      %dma_wait3A_424 = arith.constant 0 : i32
      %dma_wait3A_425 = tpu.memref_slice %arg7[%dma_wait3A_422, %dma_wait3A_423, %dma_wait3A_424] : memref<2x640x32xf32, #tpu.memory_space<vmem>> -> memref<1x640x32xf32, #tpu.memory_space<vmem>>
      %dma_wait3A_426 = tpu.memref_squeeze %dma_wait3A_425 : memref<1x640x32xf32, #tpu.memory_space<vmem>> -> memref<640x32xf32, #tpu.memory_space<vmem>>
      %dma_wait3A_427 = arith.constant 384 : i32
      %dma_wait3A_428 = arith.constant 0 : i32
      %dma_wait3A_429 = tpu.memref_slice %dma_wait3A_426[%dma_wait3A_427, %dma_wait3A_428] : memref<640x32xf32, #tpu.memory_space<vmem>> -> memref<128x32xf32, #tpu.memory_space<vmem>>
      %dma_wait3A_430 = arith.constant 0 : i32
      %dma_wait3A_431 = arith.constant 0 : i32
      %dma_wait3A_432 = tpu.memref_slice %arg8[%dma_wait3A_430, %dma_wait3A_431] : memref<25024x32xf32, #tpu.memory_space<vmem_shared>> -> memref<128x32xf32, #tpu.memory_space<vmem_shared>>
      %dma_wait3A_433 = arith.constant 0 : i32
      %dma_wait3A_434 = arith.constant 0 : i32
      %dma_wait3A_435 = tpu.memref_slice %arg8[%dma_wait3A_433, %dma_wait3A_434] : memref<25024x32xf32, #tpu.memory_space<vmem_shared>> -> memref<128x32xf32, #tpu.memory_space<vmem_shared>>
      %dma_wait3A_436 = arith.constant 0 : i32
      %dma_wait3A_437 = arith.constant 0 : i32
      %dma_wait3A_438 = tpu.memref_slice %arg7[%dma_wait3A_422, %dma_wait3A_436, %dma_wait3A_437] : memref<2x640x32xf32, #tpu.memory_space<vmem>> -> memref<1x640x32xf32, #tpu.memory_space<vmem>>
      %dma_wait3A_439 = tpu.memref_squeeze %dma_wait3A_438 : memref<1x640x32xf32, #tpu.memory_space<vmem>> -> memref<640x32xf32, #tpu.memory_space<vmem>>
      %dma_wait3A_440 = arith.constant 384 : i32
      %dma_wait3A_441 = arith.constant 0 : i32
      %dma_wait3A_442 = tpu.memref_slice %dma_wait3A_439[%dma_wait3A_440, %dma_wait3A_441] : memref<640x32xf32, #tpu.memory_space<vmem>> -> memref<128x32xf32, #tpu.memory_space<vmem>>
      tpu.wait_dma2 semaphore(%arg10 : memref<!tpu.dma_semaphore, #tpu.memory_space<semaphore_mem>>) src(%dma_wait3A_442 : memref<128x32xf32, #tpu.memory_space<vmem>>) dst(%dma_wait3A_435 : memref<128x32xf32, #tpu.memory_space<vmem_shared>>)
      %dma_wait3A_443 = arith.constant 0 : i32
      %dma_wait3A_444 = arith.constant 0 : i32
      %dma_wait3A_445 = arith.constant 0 : i32
      %dma_wait3A_446 = tpu.memref_slice %arg7[%dma_wait3A_443, %dma_wait3A_444, %dma_wait3A_445] : memref<2x640x32xf32, #tpu.memory_space<vmem>> -> memref<1x640x32xf32, #tpu.memory_space<vmem>>
      %dma_wait3A_447 = tpu.memref_squeeze %dma_wait3A_446 : memref<1x640x32xf32, #tpu.memory_space<vmem>> -> memref<640x32xf32, #tpu.memory_space<vmem>>
      %dma_wait3A_448 = arith.constant 512 : i32
      %dma_wait3A_449 = arith.constant 0 : i32
      %dma_wait3A_450 = tpu.memref_slice %dma_wait3A_447[%dma_wait3A_448, %dma_wait3A_449] : memref<640x32xf32, #tpu.memory_space<vmem>> -> memref<128x32xf32, #tpu.memory_space<vmem>>
      %dma_wait3A_451 = arith.constant 0 : i32
      %dma_wait3A_452 = arith.constant 0 : i32
      %dma_wait3A_453 = tpu.memref_slice %arg8[%dma_wait3A_451, %dma_wait3A_452] : memref<25024x32xf32, #tpu.memory_space<vmem_shared>> -> memref<128x32xf32, #tpu.memory_space<vmem_shared>>
      %dma_wait3A_454 = arith.constant 0 : i32
      %dma_wait3A_455 = arith.constant 0 : i32
      %dma_wait3A_456 = tpu.memref_slice %arg8[%dma_wait3A_454, %dma_wait3A_455] : memref<25024x32xf32, #tpu.memory_space<vmem_shared>> -> memref<128x32xf32, #tpu.memory_space<vmem_shared>>
      %dma_wait3A_457 = arith.constant 0 : i32
      %dma_wait3A_458 = arith.constant 0 : i32
      %dma_wait3A_459 = tpu.memref_slice %arg7[%dma_wait3A_443, %dma_wait3A_457, %dma_wait3A_458] : memref<2x640x32xf32, #tpu.memory_space<vmem>> -> memref<1x640x32xf32, #tpu.memory_space<vmem>>
      %dma_wait3A_460 = tpu.memref_squeeze %dma_wait3A_459 : memref<1x640x32xf32, #tpu.memory_space<vmem>> -> memref<640x32xf32, #tpu.memory_space<vmem>>
      %dma_wait3A_461 = arith.constant 512 : i32
      %dma_wait3A_462 = arith.constant 0 : i32
      %dma_wait3A_463 = tpu.memref_slice %dma_wait3A_460[%dma_wait3A_461, %dma_wait3A_462] : memref<640x32xf32, #tpu.memory_space<vmem>> -> memref<128x32xf32, #tpu.memory_space<vmem>>
      tpu.wait_dma2 semaphore(%arg10 : memref<!tpu.dma_semaphore, #tpu.memory_space<semaphore_mem>>) src(%dma_wait3A_463 : memref<128x32xf32, #tpu.memory_space<vmem>>) dst(%dma_wait3A_456 : memref<128x32xf32, #tpu.memory_space<vmem_shared>>)
      %mul3A_464 = arith.constant 2 : i32
      %mul3A_465 = arith.muli %mul3A_464, %scan3A_184 : i32
      %add3A_466 = arith.constant 2 : i32
      %add3A_467 = arith.addi %mul3A_465, %add3A_466 : i32
      %mul3A_468 = arith.constant 5 : i32
      %mul3A_469 = arith.muli %add3A_467, %mul3A_468 : i32
      %mul3A_470 = arith.constant 128 : i32
      %mul3A_471 = arith.muli %mul3A_469, %mul3A_470 : i32
      %add3A_472 = arith.addi %mul3A_23, %mul3A_471 : i32
      %min3A_473 = arith.constant 306560 : i32
      %min3A_474 = arith.minsi %add3A_472, %min3A_473 : i32
      %dma_start3A_475 = arith.constant 0 : i32
      %dma_start3A_476 = arith.constant 0 : i32
      %dma_start3A_477 = arith.constant 0 : i32
      %dma_start3A_478 = tpu.memref_slice %arg7[%dma_start3A_475, %dma_start3A_476, %dma_start3A_477] : memref<2x640x32xf32, #tpu.memory_space<vmem>> -> memref<1x640x32xf32, #tpu.memory_space<vmem>>
      %dma_start3A_479 = tpu.memref_squeeze %dma_start3A_478 : memref<1x640x32xf32, #tpu.memory_space<vmem>> -> memref<640x32xf32, #tpu.memory_space<vmem>>
      %dma_start3A_480 = arith.constant 0 : i32
      %dma_start3A_481 = arith.constant 0 : i32
      %dma_start3A_482 = tpu.memref_slice %arg2[%select_n3A, %dma_start3A_480, %dma_start3A_481] : memref<2x307200x32xf32, #tpu.memory_space<hbm>> -> memref<1x307200x32xf32, #tpu.memory_space<hbm>>
      %dma_start3A_483 = tpu.memref_squeeze %dma_start3A_482 : memref<1x307200x32xf32, #tpu.memory_space<hbm>> -> memref<307200x32xf32, #tpu.memory_space<hbm>>
      %dma_start3A_484 = arith.constant 0 : i32
      %dma_start3A_485 = tpu.memref_slice %dma_start3A_483[%min3A_474, %dma_start3A_484] : memref<307200x32xf32, #tpu.memory_space<hbm>> -> memref<640x32xf32, #tpu.memory_space<hbm>>
      %dma_start3A_486 = arith.constant 0 : i32
      %dma_start3A_487 = arith.constant 0 : i32
      %dma_start3A_488 = tpu.memref_slice %arg7[%dma_start3A_475, %dma_start3A_486, %dma_start3A_487] : memref<2x640x32xf32, #tpu.memory_space<vmem>> -> memref<1x640x32xf32, #tpu.memory_space<vmem>>
      %dma_start3A_489 = tpu.memref_squeeze %dma_start3A_488 : memref<1x640x32xf32, #tpu.memory_space<vmem>> -> memref<640x32xf32, #tpu.memory_space<vmem>>
      %dma_start3A_490 = arith.constant 0 : i32
      %dma_start3A_491 = arith.constant 0 : i32
      %dma_start3A_492 = tpu.memref_slice %arg2[%select_n3A, %dma_start3A_490, %dma_start3A_491] : memref<2x307200x32xf32, #tpu.memory_space<hbm>> -> memref<1x307200x32xf32, #tpu.memory_space<hbm>>
      %dma_start3A_493 = tpu.memref_squeeze %dma_start3A_492 : memref<1x307200x32xf32, #tpu.memory_space<hbm>> -> memref<307200x32xf32, #tpu.memory_space<hbm>>
      %dma_start3A_494 = arith.constant 0 : i32
      %dma_start3A_495 = tpu.memref_slice %dma_start3A_493[%min3A_474, %dma_start3A_494] : memref<307200x32xf32, #tpu.memory_space<hbm>> -> memref<640x32xf32, #tpu.memory_space<hbm>>
      tpu.enqueue_dma source(%dma_start3A_495 : memref<640x32xf32, #tpu.memory_space<hbm>>) target(%dma_start3A_489 : memref<640x32xf32, #tpu.memory_space<vmem>>) target_semaphore(%arg9 : memref<!tpu.dma_semaphore, #tpu.memory_space<semaphore_mem>>)
      %mul3A_496 = arith.constant 2 : i32
      %mul3A_497 = arith.muli %mul3A_496, %scan3A_184 : i32
      %add3A_498 = arith.constant 1 : i32
      %add3A_499 = arith.addi %mul3A_497, %add3A_498 : i32
      %mul3A_500 = arith.constant 5 : i32
      %mul3A_501 = arith.muli %add3A_499, %mul3A_500 : i32
      %add3A_502 = arith.constant 0 : i32
      %add3A_503 = arith.addi %mul3A_501, %add3A_502 : i32
      %dma_start3A_504 = arith.constant 1 : i32
      %dma_start3A_505 = arith.constant 0 : i32
      %dma_start3A_506 = arith.constant 0 : i32
      %dma_start3A_507 = tpu.memref_slice %arg7[%dma_start3A_504, %dma_start3A_505, %dma_start3A_506] : memref<2x640x32xf32, #tpu.memory_space<vmem>> -> memref<1x640x32xf32, #tpu.memory_space<vmem>>
      %dma_start3A_508 = tpu.memref_squeeze %dma_start3A_507 : memref<1x640x32xf32, #tpu.memory_space<vmem>> -> memref<640x32xf32, #tpu.memory_space<vmem>>
      %dma_start3A_509 = arith.constant 0 : i32
      %dma_start3A_510 = arith.constant 0 : i32
      %dma_start3A_511 = tpu.memref_slice %dma_start3A_508[%dma_start3A_509, %dma_start3A_510] : memref<640x32xf32, #tpu.memory_space<vmem>> -> memref<128x32xf32, #tpu.memory_space<vmem>>
      %dma_start3A_512 = arith.constant 0 : i32
      %dma_start3A_513 = tpu.memref_slice %arg6[%add3A_503, %dma_start3A_512] : memref<300x128xi32, #tpu.memory_space<vmem>> -> memref<1x128xi32, #tpu.memory_space<vmem>>
      %dma_start3A_514 = tpu.memref_squeeze %dma_start3A_513 : memref<1x128xi32, #tpu.memory_space<vmem>> -> memref<128xi32, #tpu.memory_space<vmem>>
      %dma_start3A_515 = arith.constant 0 : i32
      %dma_start3A_516 = arith.constant 0 : i32
      %dma_start3A_517 = tpu.memref_slice %arg8[%dma_start3A_515, %dma_start3A_516] : memref<25024x32xf32, #tpu.memory_space<vmem_shared>> -> memref<25024x32xf32, #tpu.memory_space<vmem_shared>>
      tpu.enqueue_indirect_dma source(%dma_start3A_511 : memref<128x32xf32, #tpu.memory_space<vmem>>) target(%dma_start3A_517 : memref<25024x32xf32, #tpu.memory_space<vmem_shared>>) offsets(%dma_start3A_514 : memref<128xi32, #tpu.memory_space<vmem>>) semaphore(%arg11 : memref<!tpu.dma_semaphore, #tpu.memory_space<semaphore_mem>>) {add = true}
      %mul3A_518 = arith.constant 5 : i32
      %mul3A_519 = arith.muli %add3A_499, %mul3A_518 : i32
      %add3A_520 = arith.constant 1 : i32
      %add3A_521 = arith.addi %mul3A_519, %add3A_520 : i32
      %dma_start3A_522 = arith.constant 1 : i32
      %dma_start3A_523 = arith.constant 0 : i32
      %dma_start3A_524 = arith.constant 0 : i32
      %dma_start3A_525 = tpu.memref_slice %arg7[%dma_start3A_522, %dma_start3A_523, %dma_start3A_524] : memref<2x640x32xf32, #tpu.memory_space<vmem>> -> memref<1x640x32xf32, #tpu.memory_space<vmem>>
      %dma_start3A_526 = tpu.memref_squeeze %dma_start3A_525 : memref<1x640x32xf32, #tpu.memory_space<vmem>> -> memref<640x32xf32, #tpu.memory_space<vmem>>
      %dma_start3A_527 = arith.constant 128 : i32
      %dma_start3A_528 = arith.constant 0 : i32
      %dma_start3A_529 = tpu.memref_slice %dma_start3A_526[%dma_start3A_527, %dma_start3A_528] : memref<640x32xf32, #tpu.memory_space<vmem>> -> memref<128x32xf32, #tpu.memory_space<vmem>>
      %dma_start3A_530 = arith.constant 0 : i32
      %dma_start3A_531 = tpu.memref_slice %arg6[%add3A_521, %dma_start3A_530] : memref<300x128xi32, #tpu.memory_space<vmem>> -> memref<1x128xi32, #tpu.memory_space<vmem>>
      %dma_start3A_532 = tpu.memref_squeeze %dma_start3A_531 : memref<1x128xi32, #tpu.memory_space<vmem>> -> memref<128xi32, #tpu.memory_space<vmem>>
      %dma_start3A_533 = arith.constant 0 : i32
      %dma_start3A_534 = arith.constant 0 : i32
      %dma_start3A_535 = tpu.memref_slice %arg8[%dma_start3A_533, %dma_start3A_534] : memref<25024x32xf32, #tpu.memory_space<vmem_shared>> -> memref<25024x32xf32, #tpu.memory_space<vmem_shared>>
      tpu.enqueue_indirect_dma source(%dma_start3A_529 : memref<128x32xf32, #tpu.memory_space<vmem>>) target(%dma_start3A_535 : memref<25024x32xf32, #tpu.memory_space<vmem_shared>>) offsets(%dma_start3A_532 : memref<128xi32, #tpu.memory_space<vmem>>) semaphore(%arg11 : memref<!tpu.dma_semaphore, #tpu.memory_space<semaphore_mem>>) {add = true}
      %mul3A_536 = arith.constant 5 : i32
      %mul3A_537 = arith.muli %add3A_499, %mul3A_536 : i32
      %add3A_538 = arith.constant 2 : i32
      %add3A_539 = arith.addi %mul3A_537, %add3A_538 : i32
      %dma_start3A_540 = arith.constant 1 : i32
      %dma_start3A_541 = arith.constant 0 : i32
      %dma_start3A_542 = arith.constant 0 : i32
      %dma_start3A_543 = tpu.memref_slice %arg7[%dma_start3A_540, %dma_start3A_541, %dma_start3A_542] : memref<2x640x32xf32, #tpu.memory_space<vmem>> -> memref<1x640x32xf32, #tpu.memory_space<vmem>>
      %dma_start3A_544 = tpu.memref_squeeze %dma_start3A_543 : memref<1x640x32xf32, #tpu.memory_space<vmem>> -> memref<640x32xf32, #tpu.memory_space<vmem>>
      %dma_start3A_545 = arith.constant 256 : i32
      %dma_start3A_546 = arith.constant 0 : i32
      %dma_start3A_547 = tpu.memref_slice %dma_start3A_544[%dma_start3A_545, %dma_start3A_546] : memref<640x32xf32, #tpu.memory_space<vmem>> -> memref<128x32xf32, #tpu.memory_space<vmem>>
      %dma_start3A_548 = arith.constant 0 : i32
      %dma_start3A_549 = tpu.memref_slice %arg6[%add3A_539, %dma_start3A_548] : memref<300x128xi32, #tpu.memory_space<vmem>> -> memref<1x128xi32, #tpu.memory_space<vmem>>
      %dma_start3A_550 = tpu.memref_squeeze %dma_start3A_549 : memref<1x128xi32, #tpu.memory_space<vmem>> -> memref<128xi32, #tpu.memory_space<vmem>>
      %dma_start3A_551 = arith.constant 0 : i32
      %dma_start3A_552 = arith.constant 0 : i32
      %dma_start3A_553 = tpu.memref_slice %arg8[%dma_start3A_551, %dma_start3A_552] : memref<25024x32xf32, #tpu.memory_space<vmem_shared>> -> memref<25024x32xf32, #tpu.memory_space<vmem_shared>>
      tpu.enqueue_indirect_dma source(%dma_start3A_547 : memref<128x32xf32, #tpu.memory_space<vmem>>) target(%dma_start3A_553 : memref<25024x32xf32, #tpu.memory_space<vmem_shared>>) offsets(%dma_start3A_550 : memref<128xi32, #tpu.memory_space<vmem>>) semaphore(%arg11 : memref<!tpu.dma_semaphore, #tpu.memory_space<semaphore_mem>>) {add = true}
      %mul3A_554 = arith.constant 5 : i32
      %mul3A_555 = arith.muli %add3A_499, %mul3A_554 : i32
      %add3A_556 = arith.constant 3 : i32
      %add3A_557 = arith.addi %mul3A_555, %add3A_556 : i32
      %dma_start3A_558 = arith.constant 1 : i32
      %dma_start3A_559 = arith.constant 0 : i32
      %dma_start3A_560 = arith.constant 0 : i32
      %dma_start3A_561 = tpu.memref_slice %arg7[%dma_start3A_558, %dma_start3A_559, %dma_start3A_560] : memref<2x640x32xf32, #tpu.memory_space<vmem>> -> memref<1x640x32xf32, #tpu.memory_space<vmem>>
      %dma_start3A_562 = tpu.memref_squeeze %dma_start3A_561 : memref<1x640x32xf32, #tpu.memory_space<vmem>> -> memref<640x32xf32, #tpu.memory_space<vmem>>
      %dma_start3A_563 = arith.constant 384 : i32
      %dma_start3A_564 = arith.constant 0 : i32
      %dma_start3A_565 = tpu.memref_slice %dma_start3A_562[%dma_start3A_563, %dma_start3A_564] : memref<640x32xf32, #tpu.memory_space<vmem>> -> memref<128x32xf32, #tpu.memory_space<vmem>>
      %dma_start3A_566 = arith.constant 0 : i32
      %dma_start3A_567 = tpu.memref_slice %arg6[%add3A_557, %dma_start3A_566] : memref<300x128xi32, #tpu.memory_space<vmem>> -> memref<1x128xi32, #tpu.memory_space<vmem>>
      %dma_start3A_568 = tpu.memref_squeeze %dma_start3A_567 : memref<1x128xi32, #tpu.memory_space<vmem>> -> memref<128xi32, #tpu.memory_space<vmem>>
      %dma_start3A_569 = arith.constant 0 : i32
      %dma_start3A_570 = arith.constant 0 : i32
      %dma_start3A_571 = tpu.memref_slice %arg8[%dma_start3A_569, %dma_start3A_570] : memref<25024x32xf32, #tpu.memory_space<vmem_shared>> -> memref<25024x32xf32, #tpu.memory_space<vmem_shared>>
      tpu.enqueue_indirect_dma source(%dma_start3A_565 : memref<128x32xf32, #tpu.memory_space<vmem>>) target(%dma_start3A_571 : memref<25024x32xf32, #tpu.memory_space<vmem_shared>>) offsets(%dma_start3A_568 : memref<128xi32, #tpu.memory_space<vmem>>) semaphore(%arg11 : memref<!tpu.dma_semaphore, #tpu.memory_space<semaphore_mem>>) {add = true}
      %mul3A_572 = arith.constant 5 : i32
      %mul3A_573 = arith.muli %add3A_499, %mul3A_572 : i32
      %add3A_574 = arith.constant 4 : i32
      %add3A_575 = arith.addi %mul3A_573, %add3A_574 : i32
      %dma_start3A_576 = arith.constant 1 : i32
      %dma_start3A_577 = arith.constant 0 : i32
      %dma_start3A_578 = arith.constant 0 : i32
      %dma_start3A_579 = tpu.memref_slice %arg7[%dma_start3A_576, %dma_start3A_577, %dma_start3A_578] : memref<2x640x32xf32, #tpu.memory_space<vmem>> -> memref<1x640x32xf32, #tpu.memory_space<vmem>>
      %dma_start3A_580 = tpu.memref_squeeze %dma_start3A_579 : memref<1x640x32xf32, #tpu.memory_space<vmem>> -> memref<640x32xf32, #tpu.memory_space<vmem>>
      %dma_start3A_581 = arith.constant 512 : i32
      %dma_start3A_582 = arith.constant 0 : i32
      %dma_start3A_583 = tpu.memref_slice %dma_start3A_580[%dma_start3A_581, %dma_start3A_582] : memref<640x32xf32, #tpu.memory_space<vmem>> -> memref<128x32xf32, #tpu.memory_space<vmem>>
      %dma_start3A_584 = arith.constant 0 : i32
      %dma_start3A_585 = tpu.memref_slice %arg6[%add3A_575, %dma_start3A_584] : memref<300x128xi32, #tpu.memory_space<vmem>> -> memref<1x128xi32, #tpu.memory_space<vmem>>
      %dma_start3A_586 = tpu.memref_squeeze %dma_start3A_585 : memref<1x128xi32, #tpu.memory_space<vmem>> -> memref<128xi32, #tpu.memory_space<vmem>>
      %dma_start3A_587 = arith.constant 0 : i32
      %dma_start3A_588 = arith.constant 0 : i32
      %dma_start3A_589 = tpu.memref_slice %arg8[%dma_start3A_587, %dma_start3A_588] : memref<25024x32xf32, #tpu.memory_space<vmem_shared>> -> memref<25024x32xf32, #tpu.memory_space<vmem_shared>>
      tpu.enqueue_indirect_dma source(%dma_start3A_583 : memref<128x32xf32, #tpu.memory_space<vmem>>) target(%dma_start3A_589 : memref<25024x32xf32, #tpu.memory_space<vmem_shared>>) offsets(%dma_start3A_586 : memref<128xi32, #tpu.memory_space<vmem>>) semaphore(%arg11 : memref<!tpu.dma_semaphore, #tpu.memory_space<semaphore_mem>>) {add = true}
    }
    %scan3A_50 = arith.constant 30 : i32
    %dma_wait3A = arith.constant 0 : i32
    %dma_wait3A_51 = arith.constant 0 : i32
    %dma_wait3A_52 = arith.constant 0 : i32
    %dma_wait3A_53 = arith.constant 0 : i32
    %dma_wait3A_54 = tpu.memref_slice %arg7[%dma_wait3A_51, %dma_wait3A_52, %dma_wait3A_53] : memref<2x640x32xf32, #tpu.memory_space<vmem>> -> memref<1x640x32xf32, #tpu.memory_space<vmem>>
    %dma_wait3A_55 = tpu.memref_squeeze %dma_wait3A_54 : memref<1x640x32xf32, #tpu.memory_space<vmem>> -> memref<640x32xf32, #tpu.memory_space<vmem>>
    %dma_wait3A_56 = arith.constant 0 : i32
    %dma_wait3A_57 = arith.constant 0 : i32
    %dma_wait3A_58 = tpu.memref_slice %arg2[%dma_wait3A, %dma_wait3A_56, %dma_wait3A_57] : memref<2x307200x32xf32, #tpu.memory_space<hbm>> -> memref<1x307200x32xf32, #tpu.memory_space<hbm>>
    %dma_wait3A_59 = tpu.memref_squeeze %dma_wait3A_58 : memref<1x307200x32xf32, #tpu.memory_space<hbm>> -> memref<307200x32xf32, #tpu.memory_space<hbm>>
    %dma_wait3A_60 = arith.constant 0 : i32
    %dma_wait3A_61 = arith.constant 0 : i32
    %dma_wait3A_62 = tpu.memref_slice %dma_wait3A_59[%dma_wait3A_60, %dma_wait3A_61] : memref<307200x32xf32, #tpu.memory_space<hbm>> -> memref<640x32xf32, #tpu.memory_space<hbm>>
    %dma_wait3A_63 = arith.constant 0 : i32
    %dma_wait3A_64 = arith.constant 0 : i32
    %dma_wait3A_65 = tpu.memref_slice %arg7[%dma_wait3A_51, %dma_wait3A_63, %dma_wait3A_64] : memref<2x640x32xf32, #tpu.memory_space<vmem>> -> memref<1x640x32xf32, #tpu.memory_space<vmem>>
    %dma_wait3A_66 = tpu.memref_squeeze %dma_wait3A_65 : memref<1x640x32xf32, #tpu.memory_space<vmem>> -> memref<640x32xf32, #tpu.memory_space<vmem>>
    %dma_wait3A_67 = arith.constant 0 : i32
    %dma_wait3A_68 = arith.constant 0 : i32
    %dma_wait3A_69 = tpu.memref_slice %arg2[%dma_wait3A, %dma_wait3A_67, %dma_wait3A_68] : memref<2x307200x32xf32, #tpu.memory_space<hbm>> -> memref<1x307200x32xf32, #tpu.memory_space<hbm>>
    %dma_wait3A_70 = tpu.memref_squeeze %dma_wait3A_69 : memref<1x307200x32xf32, #tpu.memory_space<hbm>> -> memref<307200x32xf32, #tpu.memory_space<hbm>>
    %dma_wait3A_71 = arith.constant 0 : i32
    %dma_wait3A_72 = arith.constant 0 : i32
    %dma_wait3A_73 = tpu.memref_slice %dma_wait3A_70[%dma_wait3A_71, %dma_wait3A_72] : memref<307200x32xf32, #tpu.memory_space<hbm>> -> memref<640x32xf32, #tpu.memory_space<hbm>>
    tpu.wait_dma2 semaphore(%arg9 : memref<!tpu.dma_semaphore, #tpu.memory_space<semaphore_mem>>) src(%dma_wait3A_73 : memref<640x32xf32, #tpu.memory_space<hbm>>) dst(%dma_wait3A_66 : memref<640x32xf32, #tpu.memory_space<vmem>>)
    %dma_wait3A_74 = arith.constant 1 : i32
    %dma_wait3A_75 = arith.constant 0 : i32
    %dma_wait3A_76 = arith.constant 0 : i32
    %dma_wait3A_77 = tpu.memref_slice %arg7[%dma_wait3A_74, %dma_wait3A_75, %dma_wait3A_76] : memref<2x640x32xf32, #tpu.memory_space<vmem>> -> memref<1x640x32xf32, #tpu.memory_space<vmem>>
    %dma_wait3A_78 = tpu.memref_squeeze %dma_wait3A_77 : memref<1x640x32xf32, #tpu.memory_space<vmem>> -> memref<640x32xf32, #tpu.memory_space<vmem>>
    %dma_wait3A_79 = arith.constant 0 : i32
    %dma_wait3A_80 = arith.constant 0 : i32
    %dma_wait3A_81 = tpu.memref_slice %dma_wait3A_78[%dma_wait3A_79, %dma_wait3A_80] : memref<640x32xf32, #tpu.memory_space<vmem>> -> memref<128x32xf32, #tpu.memory_space<vmem>>
    %dma_wait3A_82 = arith.constant 0 : i32
    %dma_wait3A_83 = arith.constant 0 : i32
    %dma_wait3A_84 = tpu.memref_slice %arg8[%dma_wait3A_82, %dma_wait3A_83] : memref<25024x32xf32, #tpu.memory_space<vmem_shared>> -> memref<128x32xf32, #tpu.memory_space<vmem_shared>>
    %dma_wait3A_85 = arith.constant 0 : i32
    %dma_wait3A_86 = arith.constant 0 : i32
    %dma_wait3A_87 = tpu.memref_slice %arg8[%dma_wait3A_85, %dma_wait3A_86] : memref<25024x32xf32, #tpu.memory_space<vmem_shared>> -> memref<128x32xf32, #tpu.memory_space<vmem_shared>>
    %dma_wait3A_88 = arith.constant 0 : i32
    %dma_wait3A_89 = arith.constant 0 : i32
    %dma_wait3A_90 = tpu.memref_slice %arg7[%dma_wait3A_74, %dma_wait3A_88, %dma_wait3A_89] : memref<2x640x32xf32, #tpu.memory_space<vmem>> -> memref<1x640x32xf32, #tpu.memory_space<vmem>>
    %dma_wait3A_91 = tpu.memref_squeeze %dma_wait3A_90 : memref<1x640x32xf32, #tpu.memory_space<vmem>> -> memref<640x32xf32, #tpu.memory_space<vmem>>
    %dma_wait3A_92 = arith.constant 0 : i32
    %dma_wait3A_93 = arith.constant 0 : i32
    %dma_wait3A_94 = tpu.memref_slice %dma_wait3A_91[%dma_wait3A_92, %dma_wait3A_93] : memref<640x32xf32, #tpu.memory_space<vmem>> -> memref<128x32xf32, #tpu.memory_space<vmem>>
    tpu.wait_dma2 semaphore(%arg11 : memref<!tpu.dma_semaphore, #tpu.memory_space<semaphore_mem>>) src(%dma_wait3A_94 : memref<128x32xf32, #tpu.memory_space<vmem>>) dst(%dma_wait3A_87 : memref<128x32xf32, #tpu.memory_space<vmem_shared>>)
    %dma_wait3A_95 = arith.constant 1 : i32
    %dma_wait3A_96 = arith.constant 0 : i32
    %dma_wait3A_97 = arith.constant 0 : i32
    %dma_wait3A_98 = tpu.memref_slice %arg7[%dma_wait3A_95, %dma_wait3A_96, %dma_wait3A_97] : memref<2x640x32xf32, #tpu.memory_space<vmem>> -> memref<1x640x32xf32, #tpu.memory_space<vmem>>
    %dma_wait3A_99 = tpu.memref_squeeze %dma_wait3A_98 : memref<1x640x32xf32, #tpu.memory_space<vmem>> -> memref<640x32xf32, #tpu.memory_space<vmem>>
    %dma_wait3A_100 = arith.constant 128 : i32
    %dma_wait3A_101 = arith.constant 0 : i32
    %dma_wait3A_102 = tpu.memref_slice %dma_wait3A_99[%dma_wait3A_100, %dma_wait3A_101] : memref<640x32xf32, #tpu.memory_space<vmem>> -> memref<128x32xf32, #tpu.memory_space<vmem>>
    %dma_wait3A_103 = arith.constant 0 : i32
    %dma_wait3A_104 = arith.constant 0 : i32
    %dma_wait3A_105 = tpu.memref_slice %arg8[%dma_wait3A_103, %dma_wait3A_104] : memref<25024x32xf32, #tpu.memory_space<vmem_shared>> -> memref<128x32xf32, #tpu.memory_space<vmem_shared>>
    %dma_wait3A_106 = arith.constant 0 : i32
    %dma_wait3A_107 = arith.constant 0 : i32
    %dma_wait3A_108 = tpu.memref_slice %arg8[%dma_wait3A_106, %dma_wait3A_107] : memref<25024x32xf32, #tpu.memory_space<vmem_shared>> -> memref<128x32xf32, #tpu.memory_space<vmem_shared>>
    %dma_wait3A_109 = arith.constant 0 : i32
    %dma_wait3A_110 = arith.constant 0 : i32
    %dma_wait3A_111 = tpu.memref_slice %arg7[%dma_wait3A_95, %dma_wait3A_109, %dma_wait3A_110] : memref<2x640x32xf32, #tpu.memory_space<vmem>> -> memref<1x640x32xf32, #tpu.memory_space<vmem>>
    %dma_wait3A_112 = tpu.memref_squeeze %dma_wait3A_111 : memref<1x640x32xf32, #tpu.memory_space<vmem>> -> memref<640x32xf32, #tpu.memory_space<vmem>>
    %dma_wait3A_113 = arith.constant 128 : i32
    %dma_wait3A_114 = arith.constant 0 : i32
    %dma_wait3A_115 = tpu.memref_slice %dma_wait3A_112[%dma_wait3A_113, %dma_wait3A_114] : memref<640x32xf32, #tpu.memory_space<vmem>> -> memref<128x32xf32, #tpu.memory_space<vmem>>
    tpu.wait_dma2 semaphore(%arg11 : memref<!tpu.dma_semaphore, #tpu.memory_space<semaphore_mem>>) src(%dma_wait3A_115 : memref<128x32xf32, #tpu.memory_space<vmem>>) dst(%dma_wait3A_108 : memref<128x32xf32, #tpu.memory_space<vmem_shared>>)
    %dma_wait3A_116 = arith.constant 1 : i32
    %dma_wait3A_117 = arith.constant 0 : i32
    %dma_wait3A_118 = arith.constant 0 : i32
    %dma_wait3A_119 = tpu.memref_slice %arg7[%dma_wait3A_116, %dma_wait3A_117, %dma_wait3A_118] : memref<2x640x32xf32, #tpu.memory_space<vmem>> -> memref<1x640x32xf32, #tpu.memory_space<vmem>>
    %dma_wait3A_120 = tpu.memref_squeeze %dma_wait3A_119 : memref<1x640x32xf32, #tpu.memory_space<vmem>> -> memref<640x32xf32, #tpu.memory_space<vmem>>
    %dma_wait3A_121 = arith.constant 256 : i32
    %dma_wait3A_122 = arith.constant 0 : i32
    %dma_wait3A_123 = tpu.memref_slice %dma_wait3A_120[%dma_wait3A_121, %dma_wait3A_122] : memref<640x32xf32, #tpu.memory_space<vmem>> -> memref<128x32xf32, #tpu.memory_space<vmem>>
    %dma_wait3A_124 = arith.constant 0 : i32
    %dma_wait3A_125 = arith.constant 0 : i32
    %dma_wait3A_126 = tpu.memref_slice %arg8[%dma_wait3A_124, %dma_wait3A_125] : memref<25024x32xf32, #tpu.memory_space<vmem_shared>> -> memref<128x32xf32, #tpu.memory_space<vmem_shared>>
    %dma_wait3A_127 = arith.constant 0 : i32
    %dma_wait3A_128 = arith.constant 0 : i32
    %dma_wait3A_129 = tpu.memref_slice %arg8[%dma_wait3A_127, %dma_wait3A_128] : memref<25024x32xf32, #tpu.memory_space<vmem_shared>> -> memref<128x32xf32, #tpu.memory_space<vmem_shared>>
    %dma_wait3A_130 = arith.constant 0 : i32
    %dma_wait3A_131 = arith.constant 0 : i32
    %dma_wait3A_132 = tpu.memref_slice %arg7[%dma_wait3A_116, %dma_wait3A_130, %dma_wait3A_131] : memref<2x640x32xf32, #tpu.memory_space<vmem>> -> memref<1x640x32xf32, #tpu.memory_space<vmem>>
    %dma_wait3A_133 = tpu.memref_squeeze %dma_wait3A_132 : memref<1x640x32xf32, #tpu.memory_space<vmem>> -> memref<640x32xf32, #tpu.memory_space<vmem>>
    %dma_wait3A_134 = arith.constant 256 : i32
    %dma_wait3A_135 = arith.constant 0 : i32
    %dma_wait3A_136 = tpu.memref_slice %dma_wait3A_133[%dma_wait3A_134, %dma_wait3A_135] : memref<640x32xf32, #tpu.memory_space<vmem>> -> memref<128x32xf32, #tpu.memory_space<vmem>>
    tpu.wait_dma2 semaphore(%arg11 : memref<!tpu.dma_semaphore, #tpu.memory_space<semaphore_mem>>) src(%dma_wait3A_136 : memref<128x32xf32, #tpu.memory_space<vmem>>) dst(%dma_wait3A_129 : memref<128x32xf32, #tpu.memory_space<vmem_shared>>)
    %dma_wait3A_137 = arith.constant 1 : i32
    %dma_wait3A_138 = arith.constant 0 : i32
    %dma_wait3A_139 = arith.constant 0 : i32
    %dma_wait3A_140 = tpu.memref_slice %arg7[%dma_wait3A_137, %dma_wait3A_138, %dma_wait3A_139] : memref<2x640x32xf32, #tpu.memory_space<vmem>> -> memref<1x640x32xf32, #tpu.memory_space<vmem>>
    %dma_wait3A_141 = tpu.memref_squeeze %dma_wait3A_140 : memref<1x640x32xf32, #tpu.memory_space<vmem>> -> memref<640x32xf32, #tpu.memory_space<vmem>>
    %dma_wait3A_142 = arith.constant 384 : i32
    %dma_wait3A_143 = arith.constant 0 : i32
    %dma_wait3A_144 = tpu.memref_slice %dma_wait3A_141[%dma_wait3A_142, %dma_wait3A_143] : memref<640x32xf32, #tpu.memory_space<vmem>> -> memref<128x32xf32, #tpu.memory_space<vmem>>
    %dma_wait3A_145 = arith.constant 0 : i32
    %dma_wait3A_146 = arith.constant 0 : i32
    %dma_wait3A_147 = tpu.memref_slice %arg8[%dma_wait3A_145, %dma_wait3A_146] : memref<25024x32xf32, #tpu.memory_space<vmem_shared>> -> memref<128x32xf32, #tpu.memory_space<vmem_shared>>
    %dma_wait3A_148 = arith.constant 0 : i32
    %dma_wait3A_149 = arith.constant 0 : i32
    %dma_wait3A_150 = tpu.memref_slice %arg8[%dma_wait3A_148, %dma_wait3A_149] : memref<25024x32xf32, #tpu.memory_space<vmem_shared>> -> memref<128x32xf32, #tpu.memory_space<vmem_shared>>
    %dma_wait3A_151 = arith.constant 0 : i32
    %dma_wait3A_152 = arith.constant 0 : i32
    %dma_wait3A_153 = tpu.memref_slice %arg7[%dma_wait3A_137, %dma_wait3A_151, %dma_wait3A_152] : memref<2x640x32xf32, #tpu.memory_space<vmem>> -> memref<1x640x32xf32, #tpu.memory_space<vmem>>
    %dma_wait3A_154 = tpu.memref_squeeze %dma_wait3A_153 : memref<1x640x32xf32, #tpu.memory_space<vmem>> -> memref<640x32xf32, #tpu.memory_space<vmem>>
    %dma_wait3A_155 = arith.constant 384 : i32
    %dma_wait3A_156 = arith.constant 0 : i32
    %dma_wait3A_157 = tpu.memref_slice %dma_wait3A_154[%dma_wait3A_155, %dma_wait3A_156] : memref<640x32xf32, #tpu.memory_space<vmem>> -> memref<128x32xf32, #tpu.memory_space<vmem>>
    tpu.wait_dma2 semaphore(%arg11 : memref<!tpu.dma_semaphore, #tpu.memory_space<semaphore_mem>>) src(%dma_wait3A_157 : memref<128x32xf32, #tpu.memory_space<vmem>>) dst(%dma_wait3A_150 : memref<128x32xf32, #tpu.memory_space<vmem_shared>>)
    %dma_wait3A_158 = arith.constant 1 : i32
    %dma_wait3A_159 = arith.constant 0 : i32
    %dma_wait3A_160 = arith.constant 0 : i32
    %dma_wait3A_161 = tpu.memref_slice %arg7[%dma_wait3A_158, %dma_wait3A_159, %dma_wait3A_160] : memref<2x640x32xf32, #tpu.memory_space<vmem>> -> memref<1x640x32xf32, #tpu.memory_space<vmem>>
    %dma_wait3A_162 = tpu.memref_squeeze %dma_wait3A_161 : memref<1x640x32xf32, #tpu.memory_space<vmem>> -> memref<640x32xf32, #tpu.memory_space<vmem>>
    %dma_wait3A_163 = arith.constant 512 : i32
    %dma_wait3A_164 = arith.constant 0 : i32
    %dma_wait3A_165 = tpu.memref_slice %dma_wait3A_162[%dma_wait3A_163, %dma_wait3A_164] : memref<640x32xf32, #tpu.memory_space<vmem>> -> memref<128x32xf32, #tpu.memory_space<vmem>>
    %dma_wait3A_166 = arith.constant 0 : i32
    %dma_wait3A_167 = arith.constant 0 : i32
    %dma_wait3A_168 = tpu.memref_slice %arg8[%dma_wait3A_166, %dma_wait3A_167] : memref<25024x32xf32, #tpu.memory_space<vmem_shared>> -> memref<128x32xf32, #tpu.memory_space<vmem_shared>>
    %dma_wait3A_169 = arith.constant 0 : i32
    %dma_wait3A_170 = arith.constant 0 : i32
    %dma_wait3A_171 = tpu.memref_slice %arg8[%dma_wait3A_169, %dma_wait3A_170] : memref<25024x32xf32, #tpu.memory_space<vmem_shared>> -> memref<128x32xf32, #tpu.memory_space<vmem_shared>>
    %dma_wait3A_172 = arith.constant 0 : i32
    %dma_wait3A_173 = arith.constant 0 : i32
    %dma_wait3A_174 = tpu.memref_slice %arg7[%dma_wait3A_158, %dma_wait3A_172, %dma_wait3A_173] : memref<2x640x32xf32, #tpu.memory_space<vmem>> -> memref<1x640x32xf32, #tpu.memory_space<vmem>>
    %dma_wait3A_175 = tpu.memref_squeeze %dma_wait3A_174 : memref<1x640x32xf32, #tpu.memory_space<vmem>> -> memref<640x32xf32, #tpu.memory_space<vmem>>
    %dma_wait3A_176 = arith.constant 512 : i32
    %dma_wait3A_177 = arith.constant 0 : i32
    %dma_wait3A_178 = tpu.memref_slice %dma_wait3A_175[%dma_wait3A_176, %dma_wait3A_177] : memref<640x32xf32, #tpu.memory_space<vmem>> -> memref<128x32xf32, #tpu.memory_space<vmem>>
    tpu.wait_dma2 semaphore(%arg11 : memref<!tpu.dma_semaphore, #tpu.memory_space<semaphore_mem>>) src(%dma_wait3A_178 : memref<128x32xf32, #tpu.memory_space<vmem>>) dst(%dma_wait3A_171 : memref<128x32xf32, #tpu.memory_space<vmem_shared>>)
    %barrier3A_179 = arith.constant 0 : index
    tpu.barrier barrier_id(%barrier3A_179)
    %mul3A_180 = arith.constant 1564 : i32
    %mul3A_181 = arith.muli %arg1, %mul3A_180 : i32
    %mul3A_182 = arith.constant 1564 : i32
    %mul3A_183 = arith.muli %arg1, %mul3A_182 : i32
    "tpu.region"() ({
      %run_scoped3A = tpu.sem_alloc : memref<!tpu.dma_semaphore, #tpu.memory_space<semaphore_mem>>
      %dma_start3A_184 = arith.constant 0 : i32
      %dma_start3A_185 = arith.constant 0 : i32
      %dma_start3A_186 = tpu.memref_slice %arg5[%arg0, %dma_start3A_184, %dma_start3A_185] : memref<2x25024x32xf32, #tpu.memory_space<hbm>> -> memref<1x25024x32xf32, #tpu.memory_space<hbm>>
      %dma_start3A_187 = tpu.memref_squeeze %dma_start3A_186 : memref<1x25024x32xf32, #tpu.memory_space<hbm>> -> memref<25024x32xf32, #tpu.memory_space<hbm>>
      %dma_start3A_188 = arith.constant 0 : i32
      %dma_start3A_189 = tpu.memref_slice %dma_start3A_187[%mul3A_183, %dma_start3A_188] : memref<25024x32xf32, #tpu.memory_space<hbm>> -> memref<1564x32xf32, #tpu.memory_space<hbm>>
      %dma_start3A_190 = arith.constant 0 : i32
      %dma_start3A_191 = tpu.memref_slice %arg8[%mul3A_181, %dma_start3A_190] : memref<25024x32xf32, #tpu.memory_space<vmem_shared>> -> memref<1564x32xf32, #tpu.memory_space<vmem_shared>>
      tpu.enqueue_dma source(%dma_start3A_191 : memref<1564x32xf32, #tpu.memory_space<vmem_shared>>) target(%dma_start3A_189 : memref<1564x32xf32, #tpu.memory_space<hbm>>) target_semaphore(%run_scoped3A : memref<!tpu.dma_semaphore, #tpu.memory_space<semaphore_mem>>)
      %dma_wait3A_192 = arith.constant 0 : i32
      %dma_wait3A_193 = arith.constant 0 : i32
      %dma_wait3A_194 = tpu.memref_slice %arg5[%arg0, %dma_wait3A_192, %dma_wait3A_193] : memref<2x25024x32xf32, #tpu.memory_space<hbm>> -> memref<1x25024x32xf32, #tpu.memory_space<hbm>>
      %dma_wait3A_195 = tpu.memref_squeeze %dma_wait3A_194 : memref<1x25024x32xf32, #tpu.memory_space<hbm>> -> memref<25024x32xf32, #tpu.memory_space<hbm>>
      %dma_wait3A_196 = arith.constant 0 : i32
      %dma_wait3A_197 = tpu.memref_slice %dma_wait3A_195[%mul3A_183, %dma_wait3A_196] : memref<25024x32xf32, #tpu.memory_space<hbm>> -> memref<1564x32xf32, #tpu.memory_space<hbm>>
      %dma_wait3A_198 = arith.constant 0 : i32
      %dma_wait3A_199 = tpu.memref_slice %arg8[%mul3A_181, %dma_wait3A_198] : memref<25024x32xf32, #tpu.memory_space<vmem_shared>> -> memref<1564x32xf32, #tpu.memory_space<vmem_shared>>
      tpu.wait_dma2 semaphore(%run_scoped3A : memref<!tpu.dma_semaphore, #tpu.memory_space<semaphore_mem>>) src(%dma_wait3A_199 : memref<1564x32xf32, #tpu.memory_space<vmem_shared>>) dst(%dma_wait3A_197 : memref<1564x32xf32, #tpu.memory_space<hbm>>)
      tpu.yield
    }) : () -> ()
    return
  }
}

module attributes {stable_mosaic.version = 14 : i64} {
  func.func @_tc1_body(%arg0: i32, %arg1: memref<1000x1xi32, #tpu.memory_space<vmem>>, %arg2: memref<1000x2xf32, #tpu.memory_space<vmem>>, %arg3: memref<1000x2xf32, #tpu.memory_space<vmem>>, %arg4: memref<11x32xf32, #tpu.memory_space<vmem>>, %arg5: memref<1x32xf32, #tpu.memory_space<vmem>>, %arg6: memref<32x32xf32, #tpu.memory_space<vmem>>, %arg7: memref<1x32xf32, #tpu.memory_space<vmem>>, %arg8: memref<1000x32xf32, #tpu.memory_space<vmem>>, %arg9: memref<1000x48xf32, #tpu.memory_space<vmem>>) attributes {dimension_semantics = [#tpu.dimension_semantics<arbitrary>], iteration_bounds = array<i64: 50>, scalar_prefetch = 0 : i64, scratch_operands = 0 : i64, tpu.core_type = #tpu.core_type<tc>, window_params = [{transform_indices = @transform_0, window_bounds = array<i64: 1000, 1>}, {transform_indices = @transform_1, window_bounds = array<i64: 1000, 2>}, {transform_indices = @transform_2, window_bounds = array<i64: 1000, 2>}, {pipeline_mode = #tpu.pipeline_mode<synchronous>, transform_indices = @transform_3, window_bounds = array<i64: 11, 32>}, {pipeline_mode = #tpu.pipeline_mode<synchronous>, transform_indices = @transform_4, window_bounds = array<i64: 1, 32>}, {pipeline_mode = #tpu.pipeline_mode<synchronous>, transform_indices = @transform_5, window_bounds = array<i64: 32, 32>}, {pipeline_mode = #tpu.pipeline_mode<synchronous>, transform_indices = @transform_6, window_bounds = array<i64: 1, 32>}, {transform_indices = @transform_7, window_bounds = array<i64: 1000, 32>}, {transform_indices = @transform_8, window_bounds = array<i64: 1000, 48>}]} {
    %get3A = arith.constant 0 : index
    %get3A_0 = arith.constant 0 : index
    %get3A_1 = vector.load %arg1[%get3A, %get3A_0] : memref<1000x1xi32, #tpu.memory_space<vmem>>, vector<1000x1xi32>
    %iota3A = tpu.iota {dimensions = array<i32: 1>} : vector<1000x9xi32>
    %eq3A = vector.broadcast %get3A_1 : vector<1000x1xi32> to vector<1000x9xi32>
    %eq3A_2 = arith.cmpi eq, %iota3A, %eq3A : vector<1000x9xi32>
    %convert_element_type3A = arith.extui %eq3A_2 : vector<1000x9xi1> to vector<1000x9xi32>
    %convert_element_type3A_3 = arith.sitofp %convert_element_type3A : vector<1000x9xi32> to vector<1000x9xf32>
    %get3A_4 = arith.constant 0 : index
    %get3A_5 = arith.constant 0 : index
    %get3A_6 = vector.load %arg2[%get3A_4, %get3A_5] : memref<1000x2xf32, #tpu.memory_space<vmem>>, vector<1000x2xf32>
    %concatenate3A = tpu.concatenate %get3A_6, %convert_element_type3A_3 in 1 : vector<1000x2xf32>, vector<1000x9xf32> -> vector<1000x11xf32>
    %get3A_7 = arith.constant 0 : index
    %get3A_8 = arith.constant 0 : index
    %get3A_9 = vector.load %arg4[%get3A_7, %get3A_8] : memref<11x32xf32, #tpu.memory_space<vmem>>, vector<11x32xf32>
    %dot_general3A = arith.constant dense<0.000000e+00> : vector<1000x32xf32>
    %dot_general3A_10 = tpu.matmul %concatenate3A, %get3A_9, %dot_general3A {dimension_numbers = #tpu.dot_dimension_numbers<[1], [0], [0], [1], [0, 0, 1, 1], [], []>, transpose_lhs_hint = false} : vector<1000x11xf32>, vector<11x32xf32>, vector<1000x32xf32> -> vector<1000x32xf32>
    %get3A_11 = arith.constant 0 : index
    %get3A_12 = arith.constant 0 : index
    %get3A_13 = vector.load %arg5[%get3A_11, %get3A_12] : memref<1x32xf32, #tpu.memory_space<vmem>>, vector<1x32xf32>
    %add3A = vector.broadcast %get3A_13 : vector<1x32xf32> to vector<1000x32xf32>
    %add3A_14 = arith.addf %dot_general3A_10, %add3A : vector<1000x32xf32>
    %max3A = arith.constant 0.000000e+00 : f32
    %max3A_15 = vector.broadcast %max3A : f32 to vector<1000x32xf32>
    %max3A_16 = arith.maximumf %add3A_14, %max3A_15 : vector<1000x32xf32>
    %get3A_17 = arith.constant 0 : index
    %get3A_18 = arith.constant 0 : index
    %get3A_19 = vector.load %arg6[%get3A_17, %get3A_18] : memref<32x32xf32, #tpu.memory_space<vmem>>, vector<32x32xf32>
    %dot_general3A_20 = arith.constant dense<0.000000e+00> : vector<1000x32xf32>
    %dot_general3A_21 = tpu.matmul %max3A_16, %get3A_19, %dot_general3A_20 {dimension_numbers = #tpu.dot_dimension_numbers<[1], [0], [0], [1], [0, 0, 1, 1], [], []>, transpose_lhs_hint = false} : vector<1000x32xf32>, vector<32x32xf32>, vector<1000x32xf32> -> vector<1000x32xf32>
    %get3A_22 = arith.constant 0 : index
    %get3A_23 = arith.constant 0 : index
    %get3A_24 = vector.load %arg7[%get3A_22, %get3A_23] : memref<1x32xf32, #tpu.memory_space<vmem>>, vector<1x32xf32>
    %add3A_25 = vector.broadcast %get3A_24 : vector<1x32xf32> to vector<1000x32xf32>
    %add3A_26 = arith.addf %dot_general3A_21, %add3A_25 : vector<1000x32xf32>
    %swap3A = arith.constant 0 : index
    %swap3A_27 = arith.constant 0 : index
    %swap3A_28 = vector.load %arg8[%swap3A, %swap3A_27] : memref<1000x32xf32, #tpu.memory_space<vmem>>, vector<1000x32xf32>
    tpu.vector_store %arg8[%swap3A, %swap3A_27], %add3A_26 {strides = array<i32>} : memref<1000x32xf32, #tpu.memory_space<vmem>>, vector<1000x32xf32>,
    %broadcast_in_dim3A = arith.constant 0.000000e+00 : f32
    %broadcast_in_dim3A_29 = vector.broadcast %broadcast_in_dim3A : f32 to vector<1000x14xf32>
    %get3A_30 = arith.constant 0 : index
    %get3A_31 = arith.constant 0 : index
    %get3A_32 = vector.load %arg3[%get3A_30, %get3A_31] : memref<1000x2xf32, #tpu.memory_space<vmem>>, vector<1000x2xf32>
    %concatenate3A_33 = tpu.concatenate %add3A_26, %get3A_32, %broadcast_in_dim3A_29 in 1 : vector<1000x32xf32>, vector<1000x2xf32>, vector<1000x14xf32> -> vector<1000x48xf32>
    %swap3A_34 = arith.constant 0 : index
    %swap3A_35 = arith.constant 0 : index
    %swap3A_36 = vector.load %arg9[%swap3A_34, %swap3A_35] : memref<1000x48xf32, #tpu.memory_space<vmem>>, vector<1000x48xf32>
    tpu.vector_store %arg9[%swap3A_34, %swap3A_35], %concatenate3A_33 {strides = array<i32>} : memref<1000x48xf32, #tpu.memory_space<vmem>>, vector<1000x48xf32>,
    return
  }
  func.func @transform_0(%arg0: i32) -> (i32, i32) {
    %c0_i32 = arith.constant 0 : i32
    %c0_i32_0 = arith.constant 0 : i32
    return %arg0, %c0_i32 : i32, i32
  }
  func.func @transform_1(%arg0: i32) -> (i32, i32) {
    %c0_i32 = arith.constant 0 : i32
    %c0_i32_0 = arith.constant 0 : i32
    return %arg0, %c0_i32 : i32, i32
  }
  func.func @transform_2(%arg0: i32) -> (i32, i32) {
    %c0_i32 = arith.constant 0 : i32
    %c0_i32_0 = arith.constant 0 : i32
    return %arg0, %c0_i32 : i32, i32
  }
  func.func @transform_3(%arg0: i32) -> (i32, i32) {
    %c0_i32 = arith.constant 0 : i32
    %c0_i32_0 = arith.constant 0 : i32
    %c0_i32_1 = arith.constant 0 : i32
    return %c0_i32, %c0_i32_0 : i32, i32
  }
  func.func @transform_4(%arg0: i32) -> (i32, i32) {
    %c0_i32 = arith.constant 0 : i32
    %c0_i32_0 = arith.constant 0 : i32
    %c0_i32_1 = arith.constant 0 : i32
    return %c0_i32, %c0_i32_0 : i32, i32
  }
  func.func @transform_5(%arg0: i32) -> (i32, i32) {
    %c0_i32 = arith.constant 0 : i32
    %c0_i32_0 = arith.constant 0 : i32
    %c0_i32_1 = arith.constant 0 : i32
    return %c0_i32, %c0_i32_0 : i32, i32
  }
  func.func @transform_6(%arg0: i32) -> (i32, i32) {
    %c0_i32 = arith.constant 0 : i32
    %c0_i32_0 = arith.constant 0 : i32
    %c0_i32_1 = arith.constant 0 : i32
    return %c0_i32, %c0_i32_0 : i32, i32
  }
  func.func @transform_7(%arg0: i32) -> (i32, i32) {
    %c0_i32 = arith.constant 0 : i32
    %c0_i32_0 = arith.constant 0 : i32
    return %arg0, %c0_i32 : i32, i32
  }
  func.func @transform_8(%arg0: i32) -> (i32, i32) {
    %c0_i32 = arith.constant 0 : i32
    %c0_i32_0 = arith.constant 0 : i32
    return %arg0, %c0_i32 : i32, i32
  }
}

module attributes {stable_mosaic.version = 14 : i64} {
  func.func @_tc2_body(%arg0: i32, %arg1: memref<2x4096x48xf32, #tpu.memory_space<vmem>>, %arg2: memref<2x32xf32, #tpu.memory_space<vmem>>, %arg3: memref<1x32xf32, #tpu.memory_space<vmem>>, %arg4: memref<1x32xf32, #tpu.memory_space<vmem>>, %arg5: memref<32x32xf32, #tpu.memory_space<vmem>>, %arg6: memref<1x32xf32, #tpu.memory_space<vmem>>, %arg7: memref<32x32xf32, #tpu.memory_space<vmem>>, %arg8: memref<32x32xf32, #tpu.memory_space<vmem>>, %arg9: memref<32x32xf32, #tpu.memory_space<vmem>>, %arg10: memref<1x32xf32, #tpu.memory_space<vmem>>, %arg11: memref<32x32xf32, #tpu.memory_space<vmem>>, %arg12: memref<1x32xf32, #tpu.memory_space<vmem>>, %arg13: memref<2x4096x32xf32, #tpu.memory_space<vmem>>) attributes {dimension_semantics = [#tpu.dimension_semantics<arbitrary>], iteration_bounds = array<i64: 75>, scalar_prefetch = 0 : i64, scratch_operands = 0 : i64, tpu.core_type = #tpu.core_type<tc>, window_params = [{transform_indices = @transform_0, window_bounds = array<i64: 2, 4096, 48>}, {pipeline_mode = #tpu.pipeline_mode<synchronous>, transform_indices = @transform_1, window_bounds = array<i64: 2, 32>}, {pipeline_mode = #tpu.pipeline_mode<synchronous>, transform_indices = @transform_2, window_bounds = array<i64: 1, 32>}, {pipeline_mode = #tpu.pipeline_mode<synchronous>, transform_indices = @transform_3, window_bounds = array<i64: 1, 32>}, {pipeline_mode = #tpu.pipeline_mode<synchronous>, transform_indices = @transform_4, window_bounds = array<i64: 32, 32>}, {pipeline_mode = #tpu.pipeline_mode<synchronous>, transform_indices = @transform_5, window_bounds = array<i64: 1, 32>}, {pipeline_mode = #tpu.pipeline_mode<synchronous>, transform_indices = @transform_6, window_bounds = array<i64: 32, 32>}, {pipeline_mode = #tpu.pipeline_mode<synchronous>, transform_indices = @transform_7, window_bounds = array<i64: 32, 32>}, {pipeline_mode = #tpu.pipeline_mode<synchronous>, transform_indices = @transform_8, window_bounds = array<i64: 32, 32>}, {pipeline_mode = #tpu.pipeline_mode<synchronous>, transform_indices = @transform_9, window_bounds = array<i64: 1, 32>}, {pipeline_mode = #tpu.pipeline_mode<synchronous>, transform_indices = @transform_10, window_bounds = array<i64: 32, 32>}, {pipeline_mode = #tpu.pipeline_mode<synchronous>, transform_indices = @transform_11, window_bounds = array<i64: 1, 32>}, {transform_indices = @transform_12, window_bounds = array<i64: 2, 4096, 32>}]} {
    %get3A = arith.constant 0 : index
    %get3A_0 = arith.constant 0 : index
    %get3A_1 = arith.constant 0 : index
    %get3A_2 = vector.load %arg1[%get3A, %get3A_0, %get3A_1] : memref<2x4096x48xf32, #tpu.memory_space<vmem>>, vector<1x4096x32xf32>
    %get3A_3 = vector.shape_cast %get3A_2 : vector<1x4096x32xf32> to vector<4096x32xf32>
    %get3A_4 = arith.constant 1 : index
    %get3A_5 = arith.constant 0 : index
    %get3A_6 = arith.constant 0 : index
    %get3A_7 = vector.load %arg1[%get3A_4, %get3A_5, %get3A_6] : memref<2x4096x48xf32, #tpu.memory_space<vmem>>, vector<1x4096x32xf32>
    %get3A_8 = vector.shape_cast %get3A_7 : vector<1x4096x32xf32> to vector<4096x32xf32>
    %get3A_9 = arith.constant 0 : index
    %get3A_10 = arith.constant 0 : index
    %get3A_11 = arith.constant 32 : index
    %get3A_12 = vector.load %arg1[%get3A_9, %get3A_10, %get3A_11] : memref<2x4096x48xf32, #tpu.memory_space<vmem>>, vector<1x4096x2xf32>
    %get3A_13 = vector.shape_cast %get3A_12 : vector<1x4096x2xf32> to vector<4096x2xf32>
    %get3A_14 = arith.constant 1 : index
    %get3A_15 = arith.constant 0 : index
    %get3A_16 = arith.constant 32 : index
    %get3A_17 = vector.load %arg1[%get3A_14, %get3A_15, %get3A_16] : memref<2x4096x48xf32, #tpu.memory_space<vmem>>, vector<1x4096x2xf32>
    %get3A_18 = vector.shape_cast %get3A_17 : vector<1x4096x2xf32> to vector<4096x2xf32>
    %sub3A = arith.subf %get3A_13, %get3A_18 : vector<4096x2xf32>
    %mul3A = arith.mulf %sub3A, %sub3A : vector<4096x2xf32>
    %reduce_sum3A = arith.constant dense<0.000000e+00> : vector<4096xf32>
    %reduce_sum3A_19 = vector.multi_reduction <add>, %mul3A, %reduce_sum3A [1] : vector<4096x2xf32> to vector<4096xf32>
    %broadcast_in_dim3A = vector.shape_cast %reduce_sum3A_19 : vector<4096xf32> to vector<4096x1xf32>
    %sqrt3A = math.sqrt %broadcast_in_dim3A : vector<4096x1xf32>
    %get3A_20 = arith.constant 0 : index
    %get3A_21 = arith.constant 0 : index
    %get3A_22 = vector.load %arg2[%get3A_20, %get3A_21] : memref<2x32xf32, #tpu.memory_space<vmem>>, vector<2x32xf32>
    %dot_general3A = arith.constant dense<0.000000e+00> : vector<4096x32xf32>
    %dot_general3A_23 = tpu.matmul %sub3A, %get3A_22, %dot_general3A {dimension_numbers = #tpu.dot_dimension_numbers<[1], [0], [0], [1], [0, 0, 1, 1], [], []>, transpose_lhs_hint = false} : vector<4096x2xf32>, vector<2x32xf32>, vector<4096x32xf32> -> vector<4096x32xf32>
    %get3A_24 = arith.constant 0 : index
    %get3A_25 = arith.constant 0 : index
    %get3A_26 = vector.load %arg3[%get3A_24, %get3A_25] : memref<1x32xf32, #tpu.memory_space<vmem>>, vector<1x32xf32>
    %dot_general3A_27 = arith.constant dense<0.000000e+00> : vector<4096x32xf32>
    %dot_general3A_28 = tpu.matmul %sqrt3A, %get3A_26, %dot_general3A_27 {dimension_numbers = #tpu.dot_dimension_numbers<[1], [0], [0], [1], [0, 0, 1, 1], [], []>, transpose_lhs_hint = false} : vector<4096x1xf32>, vector<1x32xf32>, vector<4096x32xf32> -> vector<4096x32xf32>
    %get3A_29 = arith.constant 0 : index
    %get3A_30 = arith.constant 0 : index
    %get3A_31 = vector.load %arg4[%get3A_29, %get3A_30] : memref<1x32xf32, #tpu.memory_space<vmem>>, vector<1x32xf32>
    %add3A = vector.broadcast %get3A_31 : vector<1x32xf32> to vector<4096x32xf32>
    %add3A_32 = arith.addf %dot_general3A_28, %add3A : vector<4096x32xf32>
    %get3A_33 = arith.constant 0 : index
    %get3A_34 = arith.constant 0 : index
    %get3A_35 = vector.load %arg7[%get3A_33, %get3A_34] : memref<32x32xf32, #tpu.memory_space<vmem>>, vector<32x32xf32>
    %dot_general3A_36 = arith.constant dense<0.000000e+00> : vector<4096x32xf32>
    %dot_general3A_37 = tpu.matmul %get3A_3, %get3A_35, %dot_general3A_36 {dimension_numbers = #tpu.dot_dimension_numbers<[1], [0], [0], [1], [0, 0, 1, 1], [], []>, transpose_lhs_hint = false} : vector<4096x32xf32>, vector<32x32xf32>, vector<4096x32xf32> -> vector<4096x32xf32>
    %get3A_38 = arith.constant 0 : index
    %get3A_39 = arith.constant 0 : index
    %get3A_40 = vector.load %arg7[%get3A_38, %get3A_39] : memref<32x32xf32, #tpu.memory_space<vmem>>, vector<32x32xf32>
    %dot_general3A_41 = arith.constant dense<0.000000e+00> : vector<4096x32xf32>
    %dot_general3A_42 = tpu.matmul %get3A_8, %get3A_40, %dot_general3A_41 {dimension_numbers = #tpu.dot_dimension_numbers<[1], [0], [0], [1], [0, 0, 1, 1], [], []>, transpose_lhs_hint = false} : vector<4096x32xf32>, vector<32x32xf32>, vector<4096x32xf32> -> vector<4096x32xf32>
    %get3A_43 = arith.constant 0 : index
    %get3A_44 = arith.constant 0 : index
    %get3A_45 = vector.load %arg8[%get3A_43, %get3A_44] : memref<32x32xf32, #tpu.memory_space<vmem>>, vector<32x32xf32>
    %dot_general3A_46 = arith.constant dense<0.000000e+00> : vector<4096x32xf32>
    %dot_general3A_47 = tpu.matmul %get3A_3, %get3A_45, %dot_general3A_46 {dimension_numbers = #tpu.dot_dimension_numbers<[1], [0], [0], [1], [0, 0, 1, 1], [], []>, transpose_lhs_hint = false} : vector<4096x32xf32>, vector<32x32xf32>, vector<4096x32xf32> -> vector<4096x32xf32>
    %get3A_48 = arith.constant 0 : index
    %get3A_49 = arith.constant 0 : index
    %get3A_50 = vector.load %arg8[%get3A_48, %get3A_49] : memref<32x32xf32, #tpu.memory_space<vmem>>, vector<32x32xf32>
    %dot_general3A_51 = arith.constant dense<0.000000e+00> : vector<4096x32xf32>
    %dot_general3A_52 = tpu.matmul %get3A_8, %get3A_50, %dot_general3A_51 {dimension_numbers = #tpu.dot_dimension_numbers<[1], [0], [0], [1], [0, 0, 1, 1], [], []>, transpose_lhs_hint = false} : vector<4096x32xf32>, vector<32x32xf32>, vector<4096x32xf32> -> vector<4096x32xf32>
    %add3A_53 = arith.addf %add3A_32, %dot_general3A_23 : vector<4096x32xf32>
    %max3A = arith.constant 0.000000e+00 : f32
    %max3A_54 = vector.broadcast %max3A : f32 to vector<4096x32xf32>
    %max3A_55 = arith.maximumf %add3A_53, %max3A_54 : vector<4096x32xf32>
    %get3A_56 = arith.constant 0 : index
    %get3A_57 = arith.constant 0 : index
    %get3A_58 = vector.load %arg5[%get3A_56, %get3A_57] : memref<32x32xf32, #tpu.memory_space<vmem>>, vector<32x32xf32>
    %dot_general3A_59 = arith.constant dense<0.000000e+00> : vector<4096x32xf32>
    %dot_general3A_60 = tpu.matmul %max3A_55, %get3A_58, %dot_general3A_59 {dimension_numbers = #tpu.dot_dimension_numbers<[1], [0], [0], [1], [0, 0, 1, 1], [], []>, transpose_lhs_hint = false} : vector<4096x32xf32>, vector<32x32xf32>, vector<4096x32xf32> -> vector<4096x32xf32>
    %get3A_61 = arith.constant 0 : index
    %get3A_62 = arith.constant 0 : index
    %get3A_63 = vector.load %arg6[%get3A_61, %get3A_62] : memref<1x32xf32, #tpu.memory_space<vmem>>, vector<1x32xf32>
    %add3A_64 = vector.broadcast %get3A_63 : vector<1x32xf32> to vector<4096x32xf32>
    %add3A_65 = arith.addf %dot_general3A_60, %add3A_64 : vector<4096x32xf32>
    %add3A_66 = arith.addf %dot_general3A_37, %dot_general3A_52 : vector<4096x32xf32>
    %get3A_67 = arith.constant 0 : index
    %get3A_68 = arith.constant 0 : index
    %get3A_69 = vector.load %arg9[%get3A_67, %get3A_68] : memref<32x32xf32, #tpu.memory_space<vmem>>, vector<32x32xf32>
    %dot_general3A_70 = arith.constant dense<0.000000e+00> : vector<4096x32xf32>
    %dot_general3A_71 = tpu.matmul %add3A_65, %get3A_69, %dot_general3A_70 {dimension_numbers = #tpu.dot_dimension_numbers<[1], [0], [0], [1], [0, 0, 1, 1], [], []>, transpose_lhs_hint = false} : vector<4096x32xf32>, vector<32x32xf32>, vector<4096x32xf32> -> vector<4096x32xf32>
    %add3A_72 = arith.addf %add3A_66, %dot_general3A_71 : vector<4096x32xf32>
    %get3A_73 = arith.constant 0 : index
    %get3A_74 = arith.constant 0 : index
    %get3A_75 = vector.load %arg10[%get3A_73, %get3A_74] : memref<1x32xf32, #tpu.memory_space<vmem>>, vector<1x32xf32>
    %add3A_76 = vector.broadcast %get3A_75 : vector<1x32xf32> to vector<4096x32xf32>
    %add3A_77 = arith.addf %add3A_72, %add3A_76 : vector<4096x32xf32>
    %max3A_78 = arith.constant 0.000000e+00 : f32
    %max3A_79 = vector.broadcast %max3A_78 : f32 to vector<4096x32xf32>
    %max3A_80 = arith.maximumf %add3A_77, %max3A_79 : vector<4096x32xf32>
    %get3A_81 = arith.constant 0 : index
    %get3A_82 = arith.constant 0 : index
    %get3A_83 = vector.load %arg11[%get3A_81, %get3A_82] : memref<32x32xf32, #tpu.memory_space<vmem>>, vector<32x32xf32>
    %dot_general3A_84 = arith.constant dense<0.000000e+00> : vector<4096x32xf32>
    %dot_general3A_85 = tpu.matmul %max3A_80, %get3A_83, %dot_general3A_84 {dimension_numbers = #tpu.dot_dimension_numbers<[1], [0], [0], [1], [0, 0, 1, 1], [], []>, transpose_lhs_hint = false} : vector<4096x32xf32>, vector<32x32xf32>, vector<4096x32xf32> -> vector<4096x32xf32>
    %add3A_86 = arith.addf %add3A_65, %dot_general3A_85 : vector<4096x32xf32>
    %get3A_87 = arith.constant 0 : index
    %get3A_88 = arith.constant 0 : index
    %get3A_89 = vector.load %arg12[%get3A_87, %get3A_88] : memref<1x32xf32, #tpu.memory_space<vmem>>, vector<1x32xf32>
    %add3A_90 = vector.broadcast %get3A_89 : vector<1x32xf32> to vector<4096x32xf32>
    %add3A_91 = arith.addf %add3A_86, %add3A_90 : vector<4096x32xf32>
    %swap3A = arith.constant 0 : index
    %swap3A_92 = arith.constant 0 : index
    %swap3A_93 = arith.constant 0 : index
    %swap3A_94 = vector.load %arg13[%swap3A, %swap3A_92, %swap3A_93] : memref<2x4096x32xf32, #tpu.memory_space<vmem>>, vector<1x4096x32xf32>
    %swap3A_95 = vector.shape_cast %swap3A_94 : vector<1x4096x32xf32> to vector<4096x32xf32>
    %swap3A_96 = vector.shape_cast %add3A_91 : vector<4096x32xf32> to vector<1x4096x32xf32>
    tpu.vector_store %arg13[%swap3A, %swap3A_92, %swap3A_93], %swap3A_96 {strides = array<i32>} : memref<2x4096x32xf32, #tpu.memory_space<vmem>>, vector<1x4096x32xf32>,
    %sub3A_97 = arith.subf %add3A_32, %dot_general3A_23 : vector<4096x32xf32>
    %max3A_98 = arith.constant 0.000000e+00 : f32
    %max3A_99 = vector.broadcast %max3A_98 : f32 to vector<4096x32xf32>
    %max3A_100 = arith.maximumf %sub3A_97, %max3A_99 : vector<4096x32xf32>
    %get3A_101 = arith.constant 0 : index
    %get3A_102 = arith.constant 0 : index
    %get3A_103 = vector.load %arg5[%get3A_101, %get3A_102] : memref<32x32xf32, #tpu.memory_space<vmem>>, vector<32x32xf32>
    %dot_general3A_104 = arith.constant dense<0.000000e+00> : vector<4096x32xf32>
    %dot_general3A_105 = tpu.matmul %max3A_100, %get3A_103, %dot_general3A_104 {dimension_numbers = #tpu.dot_dimension_numbers<[1], [0], [0], [1], [0, 0, 1, 1], [], []>, transpose_lhs_hint = false} : vector<4096x32xf32>, vector<32x32xf32>, vector<4096x32xf32> -> vector<4096x32xf32>
    %get3A_106 = arith.constant 0 : index
    %get3A_107 = arith.constant 0 : index
    %get3A_108 = vector.load %arg6[%get3A_106, %get3A_107] : memref<1x32xf32, #tpu.memory_space<vmem>>, vector<1x32xf32>
    %add3A_109 = vector.broadcast %get3A_108 : vector<1x32xf32> to vector<4096x32xf32>
    %add3A_110 = arith.addf %dot_general3A_105, %add3A_109 : vector<4096x32xf32>
    %add3A_111 = arith.addf %dot_general3A_42, %dot_general3A_47 : vector<4096x32xf32>
    %get3A_112 = arith.constant 0 : index
    %get3A_113 = arith.constant 0 : index
    %get3A_114 = vector.load %arg9[%get3A_112, %get3A_113] : memref<32x32xf32, #tpu.memory_space<vmem>>, vector<32x32xf32>
    %dot_general3A_115 = arith.constant dense<0.000000e+00> : vector<4096x32xf32>
    %dot_general3A_116 = tpu.matmul %add3A_110, %get3A_114, %dot_general3A_115 {dimension_numbers = #tpu.dot_dimension_numbers<[1], [0], [0], [1], [0, 0, 1, 1], [], []>, transpose_lhs_hint = false} : vector<4096x32xf32>, vector<32x32xf32>, vector<4096x32xf32> -> vector<4096x32xf32>
    %add3A_117 = arith.addf %add3A_111, %dot_general3A_116 : vector<4096x32xf32>
    %get3A_118 = arith.constant 0 : index
    %get3A_119 = arith.constant 0 : index
    %get3A_120 = vector.load %arg10[%get3A_118, %get3A_119] : memref<1x32xf32, #tpu.memory_space<vmem>>, vector<1x32xf32>
    %add3A_121 = vector.broadcast %get3A_120 : vector<1x32xf32> to vector<4096x32xf32>
    %add3A_122 = arith.addf %add3A_117, %add3A_121 : vector<4096x32xf32>
    %max3A_123 = arith.constant 0.000000e+00 : f32
    %max3A_124 = vector.broadcast %max3A_123 : f32 to vector<4096x32xf32>
    %max3A_125 = arith.maximumf %add3A_122, %max3A_124 : vector<4096x32xf32>
    %get3A_126 = arith.constant 0 : index
    %get3A_127 = arith.constant 0 : index
    %get3A_128 = vector.load %arg11[%get3A_126, %get3A_127] : memref<32x32xf32, #tpu.memory_space<vmem>>, vector<32x32xf32>
    %dot_general3A_129 = arith.constant dense<0.000000e+00> : vector<4096x32xf32>
    %dot_general3A_130 = tpu.matmul %max3A_125, %get3A_128, %dot_general3A_129 {dimension_numbers = #tpu.dot_dimension_numbers<[1], [0], [0], [1], [0, 0, 1, 1], [], []>, transpose_lhs_hint = false} : vector<4096x32xf32>, vector<32x32xf32>, vector<4096x32xf32> -> vector<4096x32xf32>
    %add3A_131 = arith.addf %add3A_110, %dot_general3A_130 : vector<4096x32xf32>
    %get3A_132 = arith.constant 0 : index
    %get3A_133 = arith.constant 0 : index
    %get3A_134 = vector.load %arg12[%get3A_132, %get3A_133] : memref<1x32xf32, #tpu.memory_space<vmem>>, vector<1x32xf32>
    %add3A_135 = vector.broadcast %get3A_134 : vector<1x32xf32> to vector<4096x32xf32>
    %add3A_136 = arith.addf %add3A_131, %add3A_135 : vector<4096x32xf32>
    %swap3A_137 = arith.constant 1 : index
    %swap3A_138 = arith.constant 0 : index
    %swap3A_139 = arith.constant 0 : index
    %swap3A_140 = vector.load %arg13[%swap3A_137, %swap3A_138, %swap3A_139] : memref<2x4096x32xf32, #tpu.memory_space<vmem>>, vector<1x4096x32xf32>
    %swap3A_141 = vector.shape_cast %swap3A_140 : vector<1x4096x32xf32> to vector<4096x32xf32>
    %swap3A_142 = vector.shape_cast %add3A_136 : vector<4096x32xf32> to vector<1x4096x32xf32>
    tpu.vector_store %arg13[%swap3A_137, %swap3A_138, %swap3A_139], %swap3A_142 {strides = array<i32>} : memref<2x4096x32xf32, #tpu.memory_space<vmem>>, vector<1x4096x32xf32>,
    return
  }
  func.func @transform_0(%arg0: i32) -> (i32, i32, i32) {
    %c0_i32 = arith.constant 0 : i32
    %c0_i32_0 = arith.constant 0 : i32
    %c0_i32_1 = arith.constant 0 : i32
    return %c0_i32, %arg0, %c0_i32_0 : i32, i32, i32
  }
  func.func @transform_1(%arg0: i32) -> (i32, i32) {
    %c0_i32 = arith.constant 0 : i32
    %c0_i32_0 = arith.constant 0 : i32
    %c0_i32_1 = arith.constant 0 : i32
    return %c0_i32, %c0_i32_0 : i32, i32
  }
  func.func @transform_2(%arg0: i32) -> (i32, i32) {
    %c0_i32 = arith.constant 0 : i32
    %c0_i32_0 = arith.constant 0 : i32
    %c0_i32_1 = arith.constant 0 : i32
    return %c0_i32, %c0_i32_0 : i32, i32
  }
  func.func @transform_3(%arg0: i32) -> (i32, i32) {
    %c0_i32 = arith.constant 0 : i32
    %c0_i32_0 = arith.constant 0 : i32
    %c0_i32_1 = arith.constant 0 : i32
    return %c0_i32, %c0_i32_0 : i32, i32
  }
  func.func @transform_4(%arg0: i32) -> (i32, i32) {
    %c0_i32 = arith.constant 0 : i32
    %c0_i32_0 = arith.constant 0 : i32
    %c0_i32_1 = arith.constant 0 : i32
    return %c0_i32, %c0_i32_0 : i32, i32
  }
  func.func @transform_5(%arg0: i32) -> (i32, i32) {
    %c0_i32 = arith.constant 0 : i32
    %c0_i32_0 = arith.constant 0 : i32
    %c0_i32_1 = arith.constant 0 : i32
    return %c0_i32, %c0_i32_0 : i32, i32
  }
  func.func @transform_6(%arg0: i32) -> (i32, i32) {
    %c0_i32 = arith.constant 0 : i32
    %c0_i32_0 = arith.constant 0 : i32
    %c0_i32_1 = arith.constant 0 : i32
    return %c0_i32, %c0_i32_0 : i32, i32
  }
  func.func @transform_7(%arg0: i32) -> (i32, i32) {
    %c0_i32 = arith.constant 0 : i32
    %c0_i32_0 = arith.constant 0 : i32
    %c0_i32_1 = arith.constant 0 : i32
    return %c0_i32, %c0_i32_0 : i32, i32
  }
  func.func @transform_8(%arg0: i32) -> (i32, i32) {
    %c0_i32 = arith.constant 0 : i32
    %c0_i32_0 = arith.constant 0 : i32
    %c0_i32_1 = arith.constant 0 : i32
    return %c0_i32, %c0_i32_0 : i32, i32
  }
  func.func @transform_9(%arg0: i32) -> (i32, i32) {
    %c0_i32 = arith.constant 0 : i32
    %c0_i32_0 = arith.constant 0 : i32
    %c0_i32_1 = arith.constant 0 : i32
    return %c0_i32, %c0_i32_0 : i32, i32
  }
  func.func @transform_10(%arg0: i32) -> (i32, i32) {
    %c0_i32 = arith.constant 0 : i32
    %c0_i32_0 = arith.constant 0 : i32
    %c0_i32_1 = arith.constant 0 : i32
    return %c0_i32, %c0_i32_0 : i32, i32
  }
  func.func @transform_11(%arg0: i32) -> (i32, i32) {
    %c0_i32 = arith.constant 0 : i32
    %c0_i32_0 = arith.constant 0 : i32
    %c0_i32_1 = arith.constant 0 : i32
    return %c0_i32, %c0_i32_0 : i32, i32
  }
  func.func @transform_12(%arg0: i32) -> (i32, i32, i32) {
    %c0_i32 = arith.constant 0 : i32
    %c0_i32_0 = arith.constant 0 : i32
    %c0_i32_1 = arith.constant 0 : i32
    return %c0_i32, %arg0, %c0_i32_0 : i32, i32, i32
  }
}

module attributes {stable_mosaic.version = 14 : i64} {
  func.func @_tc3_body(%arg0: i32, %arg1: memref<1000x32xf32, #tpu.memory_space<vmem>>, %arg2: memref<1x1000x32xf32, #tpu.memory_space<vmem>>, %arg3: memref<32x32xf32, #tpu.memory_space<vmem>>, %arg4: memref<32x32xf32, #tpu.memory_space<vmem>>, %arg5: memref<1x32xf32, #tpu.memory_space<vmem>>, %arg6: memref<32x32xf32, #tpu.memory_space<vmem>>, %arg7: memref<1x32xf32, #tpu.memory_space<vmem>>, %arg8: memref<1000x32xf32, #tpu.memory_space<vmem>>) attributes {dimension_semantics = [#tpu.dimension_semantics<arbitrary>], iteration_bounds = array<i64: 50>, scalar_prefetch = 0 : i64, scratch_operands = 0 : i64, tpu.core_type = #tpu.core_type<tc>, window_params = [{transform_indices = @transform_0, window_bounds = array<i64: 1000, 32>}, {transform_indices = @transform_1, window_bounds = array<i64: 1, 1000, 32>}, {pipeline_mode = #tpu.pipeline_mode<synchronous>, transform_indices = @transform_2, window_bounds = array<i64: 32, 32>}, {pipeline_mode = #tpu.pipeline_mode<synchronous>, transform_indices = @transform_3, window_bounds = array<i64: 32, 32>}, {pipeline_mode = #tpu.pipeline_mode<synchronous>, transform_indices = @transform_4, window_bounds = array<i64: 1, 32>}, {pipeline_mode = #tpu.pipeline_mode<synchronous>, transform_indices = @transform_5, window_bounds = array<i64: 32, 32>}, {pipeline_mode = #tpu.pipeline_mode<synchronous>, transform_indices = @transform_6, window_bounds = array<i64: 1, 32>}, {transform_indices = @transform_7, window_bounds = array<i64: 1000, 32>}]} {
    %get3A = arith.constant 0 : index
    %get3A_0 = arith.constant 0 : index
    %get3A_1 = vector.load %arg1[%get3A, %get3A_0] : memref<1000x32xf32, #tpu.memory_space<vmem>>, vector<1000x32xf32>
    %get3A_2 = arith.constant 0 : index
    %get3A_3 = arith.constant 0 : index
    %get3A_4 = arith.constant 0 : index
    %get3A_5 = vector.load %arg2[%get3A_2, %get3A_3, %get3A_4] : memref<1x1000x32xf32, #tpu.memory_space<vmem>>, vector<1x1000x32xf32>
    %get3A_6 = vector.shape_cast %get3A_5 : vector<1x1000x32xf32> to vector<1000x32xf32>
    %get3A_7 = arith.constant 0 : index
    %get3A_8 = arith.constant 0 : index
    %get3A_9 = vector.load %arg3[%get3A_7, %get3A_8] : memref<32x32xf32, #tpu.memory_space<vmem>>, vector<32x32xf32>
    %dot_general3A = arith.constant dense<0.000000e+00> : vector<1000x32xf32>
    %dot_general3A_10 = tpu.matmul %get3A_1, %get3A_9, %dot_general3A {dimension_numbers = #tpu.dot_dimension_numbers<[1], [0], [0], [1], [0, 0, 1, 1], [], []>, transpose_lhs_hint = false} : vector<1000x32xf32>, vector<32x32xf32>, vector<1000x32xf32> -> vector<1000x32xf32>
    %get3A_11 = arith.constant 0 : index
    %get3A_12 = arith.constant 0 : index
    %get3A_13 = vector.load %arg4[%get3A_11, %get3A_12] : memref<32x32xf32, #tpu.memory_space<vmem>>, vector<32x32xf32>
    %dot_general3A_14 = arith.constant dense<0.000000e+00> : vector<1000x32xf32>
    %dot_general3A_15 = tpu.matmul %get3A_6, %get3A_13, %dot_general3A_14 {dimension_numbers = #tpu.dot_dimension_numbers<[1], [0], [0], [1], [0, 0, 1, 1], [], []>, transpose_lhs_hint = false} : vector<1000x32xf32>, vector<32x32xf32>, vector<1000x32xf32> -> vector<1000x32xf32>
    %add3A = arith.addf %dot_general3A_10, %dot_general3A_15 : vector<1000x32xf32>
    %get3A_16 = arith.constant 0 : index
    %get3A_17 = arith.constant 0 : index
    %get3A_18 = vector.load %arg5[%get3A_16, %get3A_17] : memref<1x32xf32, #tpu.memory_space<vmem>>, vector<1x32xf32>
    %add3A_19 = vector.broadcast %get3A_18 : vector<1x32xf32> to vector<1000x32xf32>
    %add3A_20 = arith.addf %add3A, %add3A_19 : vector<1000x32xf32>
    %max3A = arith.constant 0.000000e+00 : f32
    %max3A_21 = vector.broadcast %max3A : f32 to vector<1000x32xf32>
    %max3A_22 = arith.maximumf %add3A_20, %max3A_21 : vector<1000x32xf32>
    %get3A_23 = arith.constant 0 : index
    %get3A_24 = arith.constant 0 : index
    %get3A_25 = vector.load %arg6[%get3A_23, %get3A_24] : memref<32x32xf32, #tpu.memory_space<vmem>>, vector<32x32xf32>
    %dot_general3A_26 = arith.constant dense<0.000000e+00> : vector<1000x32xf32>
    %dot_general3A_27 = tpu.matmul %max3A_22, %get3A_25, %dot_general3A_26 {dimension_numbers = #tpu.dot_dimension_numbers<[1], [0], [0], [1], [0, 0, 1, 1], [], []>, transpose_lhs_hint = false} : vector<1000x32xf32>, vector<32x32xf32>, vector<1000x32xf32> -> vector<1000x32xf32>
    %add3A_28 = arith.addf %get3A_1, %dot_general3A_27 : vector<1000x32xf32>
    %get3A_29 = arith.constant 0 : index
    %get3A_30 = arith.constant 0 : index
    %get3A_31 = vector.load %arg7[%get3A_29, %get3A_30] : memref<1x32xf32, #tpu.memory_space<vmem>>, vector<1x32xf32>
    %add3A_32 = vector.broadcast %get3A_31 : vector<1x32xf32> to vector<1000x32xf32>
    %add3A_33 = arith.addf %add3A_28, %add3A_32 : vector<1000x32xf32>
    %swap3A = arith.constant 0 : index
    %swap3A_34 = arith.constant 0 : index
    %swap3A_35 = vector.load %arg8[%swap3A, %swap3A_34] : memref<1000x32xf32, #tpu.memory_space<vmem>>, vector<1000x32xf32>
    tpu.vector_store %arg8[%swap3A, %swap3A_34], %add3A_33 {strides = array<i32>} : memref<1000x32xf32, #tpu.memory_space<vmem>>, vector<1000x32xf32>,
    return
  }
  func.func @transform_0(%arg0: i32) -> (i32, i32) {
    %c0_i32 = arith.constant 0 : i32
    %c0_i32_0 = arith.constant 0 : i32
    return %arg0, %c0_i32 : i32, i32
  }
  func.func @transform_1(%arg0: i32) -> (i32, i32, i32) {
    %jit3A = arith.constant 25 : i32
    %div3A = arith.divsi %arg0, %jit3A : i32
    %sign3A = arith.constant 0 : i32
    %sign3A_0 = arith.cmpi sgt, %arg0, %sign3A : i32
    %sign3A_1 = arith.extui %sign3A_0 : i1 to i32
    %sign3A_2 = arith.constant 0 : i32
    %sign3A_3 = arith.cmpi slt, %arg0, %sign3A_2 : i32
    %sign3A_4 = arith.extui %sign3A_3 : i1 to i32
    %sign3A_5 = arith.subi %sign3A_1, %sign3A_4 : i32
    %sign3A_6 = arith.constant 0 : i32
    %sign3A_7 = arith.cmpi sgt, %jit3A, %sign3A_6 : i32
    %sign3A_8 = arith.extui %sign3A_7 : i1 to i32
    %sign3A_9 = arith.constant 0 : i32
    %sign3A_10 = arith.cmpi slt, %jit3A, %sign3A_9 : i32
    %sign3A_11 = arith.extui %sign3A_10 : i1 to i32
    %sign3A_12 = arith.subi %sign3A_8, %sign3A_11 : i32
    %ne3A = arith.cmpi ne, %sign3A_5, %sign3A_12 : i32
    %rem3A = arith.remsi %arg0, %jit3A : i32
    %ne3A_13 = arith.constant 0 : i32
    %ne3A_14 = arith.cmpi ne, %rem3A, %ne3A_13 : i32
    %and3A = arith.andi %ne3A, %ne3A_14 : i1
    %sub3A = arith.constant 1 : i32
    %sub3A_15 = arith.subi %div3A, %sub3A : i32
    %select_n3A = arith.select %and3A, %sub3A_15, %div3A : i32
    %jit3A_16 = arith.constant 25 : i32
    %eq3A = arith.constant 0 : i32
    %eq3A_17 = arith.cmpi eq, %jit3A_16, %eq3A : i32
    %jit3A_18 = arith.constant 1 : i32
    %select_n3A_19 = arith.select %eq3A_17, %jit3A_18, %jit3A_16 : i32
    %rem3A_20 = arith.remsi %arg0, %select_n3A_19 : i32
    %ne3A_21 = arith.constant 0 : i32
    %ne3A_22 = arith.cmpi ne, %rem3A_20, %ne3A_21 : i32
    %lt3A = arith.constant 0 : i32
    %lt3A_23 = arith.cmpi slt, %rem3A_20, %lt3A : i32
    %lt3A_24 = arith.constant 0 : i32
    %lt3A_25 = arith.cmpi slt, %select_n3A_19, %lt3A_24 : i32
    %ne3A_26 = arith.xori %lt3A_23, %lt3A_25 : i1
    %and3A_27 = arith.andi %ne3A_26, %ne3A_22 : i1
    %add3A = arith.addi %rem3A_20, %select_n3A_19 : i32
    %select_n3A_28 = arith.select %and3A_27, %add3A, %rem3A_20 : i32
    %c0_i32 = arith.constant 0 : i32
    %c0_i32_29 = arith.constant 0 : i32
    return %select_n3A, %select_n3A_28, %c0_i32 : i32, i32, i32
  }
  func.func @transform_2(%arg0: i32) -> (i32, i32) {
    %c0_i32 = arith.constant 0 : i32
    %c0_i32_0 = arith.constant 0 : i32
    %c0_i32_1 = arith.constant 0 : i32
    return %c0_i32, %c0_i32_0 : i32, i32
  }
  func.func @transform_3(%arg0: i32) -> (i32, i32) {
    %c0_i32 = arith.constant 0 : i32
    %c0_i32_0 = arith.constant 0 : i32
    %c0_i32_1 = arith.constant 0 : i32
    return %c0_i32, %c0_i32_0 : i32, i32
  }
  func.func @transform_4(%arg0: i32) -> (i32, i32) {
    %c0_i32 = arith.constant 0 : i32
    %c0_i32_0 = arith.constant 0 : i32
    %c0_i32_1 = arith.constant 0 : i32
    return %c0_i32, %c0_i32_0 : i32, i32
  }
  func.func @transform_5(%arg0: i32) -> (i32, i32) {
    %c0_i32 = arith.constant 0 : i32
    %c0_i32_0 = arith.constant 0 : i32
    %c0_i32_1 = arith.constant 0 : i32
    return %c0_i32, %c0_i32_0 : i32, i32
  }
  func.func @transform_6(%arg0: i32) -> (i32, i32) {
    %c0_i32 = arith.constant 0 : i32
    %c0_i32_0 = arith.constant 0 : i32
    %c0_i32_1 = arith.constant 0 : i32
    return %c0_i32, %c0_i32_0 : i32, i32
  }
  func.func @transform_7(%arg0: i32) -> (i32, i32) {
    %c0_i32 = arith.constant 0 : i32
    %c0_i32_0 = arith.constant 0 : i32
    return %arg0, %c0_i32 : i32, i32
  }
}

module attributes {stable_mosaic.version = 14 : i64} {
  func.func @_tc4_body(%arg0: i32, %arg1: memref<2x4096x32xf32, #tpu.memory_space<vmem>>, %arg2: memref<2x4096x32xf32, #tpu.memory_space<vmem>>, %arg3: memref<32x32xf32, #tpu.memory_space<vmem>>, %arg4: memref<32x32xf32, #tpu.memory_space<vmem>>, %arg5: memref<32x32xf32, #tpu.memory_space<vmem>>, %arg6: memref<1x32xf32, #tpu.memory_space<vmem>>, %arg7: memref<32x32xf32, #tpu.memory_space<vmem>>, %arg8: memref<1x32xf32, #tpu.memory_space<vmem>>, %arg9: memref<2x4096x32xf32, #tpu.memory_space<vmem>>) attributes {dimension_semantics = [#tpu.dimension_semantics<arbitrary>], iteration_bounds = array<i64: 75>, scalar_prefetch = 0 : i64, scratch_operands = 0 : i64, tpu.core_type = #tpu.core_type<tc>, window_params = [{transform_indices = @transform_0, window_bounds = array<i64: 2, 4096, 32>}, {transform_indices = @transform_1, window_bounds = array<i64: 2, 4096, 32>}, {pipeline_mode = #tpu.pipeline_mode<synchronous>, transform_indices = @transform_2, window_bounds = array<i64: 32, 32>}, {pipeline_mode = #tpu.pipeline_mode<synchronous>, transform_indices = @transform_3, window_bounds = array<i64: 32, 32>}, {pipeline_mode = #tpu.pipeline_mode<synchronous>, transform_indices = @transform_4, window_bounds = array<i64: 32, 32>}, {pipeline_mode = #tpu.pipeline_mode<synchronous>, transform_indices = @transform_5, window_bounds = array<i64: 1, 32>}, {pipeline_mode = #tpu.pipeline_mode<synchronous>, transform_indices = @transform_6, window_bounds = array<i64: 32, 32>}, {pipeline_mode = #tpu.pipeline_mode<synchronous>, transform_indices = @transform_7, window_bounds = array<i64: 1, 32>}, {transform_indices = @transform_8, window_bounds = array<i64: 2, 4096, 32>}]} {
    %get3A = arith.constant 0 : index
    %get3A_0 = arith.constant 0 : index
    %get3A_1 = arith.constant 0 : index
    %get3A_2 = vector.load %arg1[%get3A, %get3A_0, %get3A_1] : memref<2x4096x32xf32, #tpu.memory_space<vmem>>, vector<1x4096x32xf32>
    %get3A_3 = vector.shape_cast %get3A_2 : vector<1x4096x32xf32> to vector<4096x32xf32>
    %get3A_4 = arith.constant 1 : index
    %get3A_5 = arith.constant 0 : index
    %get3A_6 = arith.constant 0 : index
    %get3A_7 = vector.load %arg1[%get3A_4, %get3A_5, %get3A_6] : memref<2x4096x32xf32, #tpu.memory_space<vmem>>, vector<1x4096x32xf32>
    %get3A_8 = vector.shape_cast %get3A_7 : vector<1x4096x32xf32> to vector<4096x32xf32>
    %get3A_9 = arith.constant 0 : index
    %get3A_10 = arith.constant 0 : index
    %get3A_11 = vector.load %arg3[%get3A_9, %get3A_10] : memref<32x32xf32, #tpu.memory_space<vmem>>, vector<32x32xf32>
    %dot_general3A = arith.constant dense<0.000000e+00> : vector<4096x32xf32>
    %dot_general3A_12 = tpu.matmul %get3A_3, %get3A_11, %dot_general3A {dimension_numbers = #tpu.dot_dimension_numbers<[1], [0], [0], [1], [0, 0, 1, 1], [], []>, transpose_lhs_hint = false} : vector<4096x32xf32>, vector<32x32xf32>, vector<4096x32xf32> -> vector<4096x32xf32>
    %get3A_13 = arith.constant 0 : index
    %get3A_14 = arith.constant 0 : index
    %get3A_15 = vector.load %arg3[%get3A_13, %get3A_14] : memref<32x32xf32, #tpu.memory_space<vmem>>, vector<32x32xf32>
    %dot_general3A_16 = arith.constant dense<0.000000e+00> : vector<4096x32xf32>
    %dot_general3A_17 = tpu.matmul %get3A_8, %get3A_15, %dot_general3A_16 {dimension_numbers = #tpu.dot_dimension_numbers<[1], [0], [0], [1], [0, 0, 1, 1], [], []>, transpose_lhs_hint = false} : vector<4096x32xf32>, vector<32x32xf32>, vector<4096x32xf32> -> vector<4096x32xf32>
    %get3A_18 = arith.constant 0 : index
    %get3A_19 = arith.constant 0 : index
    %get3A_20 = vector.load %arg4[%get3A_18, %get3A_19] : memref<32x32xf32, #tpu.memory_space<vmem>>, vector<32x32xf32>
    %dot_general3A_21 = arith.constant dense<0.000000e+00> : vector<4096x32xf32>
    %dot_general3A_22 = tpu.matmul %get3A_3, %get3A_20, %dot_general3A_21 {dimension_numbers = #tpu.dot_dimension_numbers<[1], [0], [0], [1], [0, 0, 1, 1], [], []>, transpose_lhs_hint = false} : vector<4096x32xf32>, vector<32x32xf32>, vector<4096x32xf32> -> vector<4096x32xf32>
    %get3A_23 = arith.constant 0 : index
    %get3A_24 = arith.constant 0 : index
    %get3A_25 = vector.load %arg4[%get3A_23, %get3A_24] : memref<32x32xf32, #tpu.memory_space<vmem>>, vector<32x32xf32>
    %dot_general3A_26 = arith.constant dense<0.000000e+00> : vector<4096x32xf32>
    %dot_general3A_27 = tpu.matmul %get3A_8, %get3A_25, %dot_general3A_26 {dimension_numbers = #tpu.dot_dimension_numbers<[1], [0], [0], [1], [0, 0, 1, 1], [], []>, transpose_lhs_hint = false} : vector<4096x32xf32>, vector<32x32xf32>, vector<4096x32xf32> -> vector<4096x32xf32>
    %get3A_28 = arith.constant 0 : index
    %get3A_29 = arith.constant 0 : index
    %get3A_30 = arith.constant 0 : index
    %get3A_31 = vector.load %arg2[%get3A_28, %get3A_29, %get3A_30] : memref<2x4096x32xf32, #tpu.memory_space<vmem>>, vector<1x4096x32xf32>
    %get3A_32 = vector.shape_cast %get3A_31 : vector<1x4096x32xf32> to vector<4096x32xf32>
    %add3A = arith.addf %dot_general3A_12, %dot_general3A_27 : vector<4096x32xf32>
    %get3A_33 = arith.constant 0 : index
    %get3A_34 = arith.constant 0 : index
    %get3A_35 = vector.load %arg5[%get3A_33, %get3A_34] : memref<32x32xf32, #tpu.memory_space<vmem>>, vector<32x32xf32>
    %dot_general3A_36 = arith.constant dense<0.000000e+00> : vector<4096x32xf32>
    %dot_general3A_37 = tpu.matmul %get3A_32, %get3A_35, %dot_general3A_36 {dimension_numbers = #tpu.dot_dimension_numbers<[1], [0], [0], [1], [0, 0, 1, 1], [], []>, transpose_lhs_hint = false} : vector<4096x32xf32>, vector<32x32xf32>, vector<4096x32xf32> -> vector<4096x32xf32>
    %add3A_38 = arith.addf %add3A, %dot_general3A_37 : vector<4096x32xf32>
    %get3A_39 = arith.constant 0 : index
    %get3A_40 = arith.constant 0 : index
    %get3A_41 = vector.load %arg6[%get3A_39, %get3A_40] : memref<1x32xf32, #tpu.memory_space<vmem>>, vector<1x32xf32>
    %add3A_42 = vector.broadcast %get3A_41 : vector<1x32xf32> to vector<4096x32xf32>
    %add3A_43 = arith.addf %add3A_38, %add3A_42 : vector<4096x32xf32>
    %max3A = arith.constant 0.000000e+00 : f32
    %max3A_44 = vector.broadcast %max3A : f32 to vector<4096x32xf32>
    %max3A_45 = arith.maximumf %add3A_43, %max3A_44 : vector<4096x32xf32>
    %get3A_46 = arith.constant 0 : index
    %get3A_47 = arith.constant 0 : index
    %get3A_48 = vector.load %arg7[%get3A_46, %get3A_47] : memref<32x32xf32, #tpu.memory_space<vmem>>, vector<32x32xf32>
    %dot_general3A_49 = arith.constant dense<0.000000e+00> : vector<4096x32xf32>
    %dot_general3A_50 = tpu.matmul %max3A_45, %get3A_48, %dot_general3A_49 {dimension_numbers = #tpu.dot_dimension_numbers<[1], [0], [0], [1], [0, 0, 1, 1], [], []>, transpose_lhs_hint = false} : vector<4096x32xf32>, vector<32x32xf32>, vector<4096x32xf32> -> vector<4096x32xf32>
    %add3A_51 = arith.addf %get3A_32, %dot_general3A_50 : vector<4096x32xf32>
    %get3A_52 = arith.constant 0 : index
    %get3A_53 = arith.constant 0 : index
    %get3A_54 = vector.load %arg8[%get3A_52, %get3A_53] : memref<1x32xf32, #tpu.memory_space<vmem>>, vector<1x32xf32>
    %add3A_55 = vector.broadcast %get3A_54 : vector<1x32xf32> to vector<4096x32xf32>
    %add3A_56 = arith.addf %add3A_51, %add3A_55 : vector<4096x32xf32>
    %swap3A = arith.constant 0 : index
    %swap3A_57 = arith.constant 0 : index
    %swap3A_58 = arith.constant 0 : index
    %swap3A_59 = vector.load %arg9[%swap3A, %swap3A_57, %swap3A_58] : memref<2x4096x32xf32, #tpu.memory_space<vmem>>, vector<1x4096x32xf32>
    %swap3A_60 = vector.shape_cast %swap3A_59 : vector<1x4096x32xf32> to vector<4096x32xf32>
    %swap3A_61 = vector.shape_cast %add3A_56 : vector<4096x32xf32> to vector<1x4096x32xf32>
    tpu.vector_store %arg9[%swap3A, %swap3A_57, %swap3A_58], %swap3A_61 {strides = array<i32>} : memref<2x4096x32xf32, #tpu.memory_space<vmem>>, vector<1x4096x32xf32>,
    %get3A_62 = arith.constant 1 : index
    %get3A_63 = arith.constant 0 : index
    %get3A_64 = arith.constant 0 : index
    %get3A_65 = vector.load %arg2[%get3A_62, %get3A_63, %get3A_64] : memref<2x4096x32xf32, #tpu.memory_space<vmem>>, vector<1x4096x32xf32>
    %get3A_66 = vector.shape_cast %get3A_65 : vector<1x4096x32xf32> to vector<4096x32xf32>
    %add3A_67 = arith.addf %dot_general3A_17, %dot_general3A_22 : vector<4096x32xf32>
    %get3A_68 = arith.constant 0 : index
    %get3A_69 = arith.constant 0 : index
    %get3A_70 = vector.load %arg5[%get3A_68, %get3A_69] : memref<32x32xf32, #tpu.memory_space<vmem>>, vector<32x32xf32>
    %dot_general3A_71 = arith.constant dense<0.000000e+00> : vector<4096x32xf32>
    %dot_general3A_72 = tpu.matmul %get3A_66, %get3A_70, %dot_general3A_71 {dimension_numbers = #tpu.dot_dimension_numbers<[1], [0], [0], [1], [0, 0, 1, 1], [], []>, transpose_lhs_hint = false} : vector<4096x32xf32>, vector<32x32xf32>, vector<4096x32xf32> -> vector<4096x32xf32>
    %add3A_73 = arith.addf %add3A_67, %dot_general3A_72 : vector<4096x32xf32>
    %get3A_74 = arith.constant 0 : index
    %get3A_75 = arith.constant 0 : index
    %get3A_76 = vector.load %arg6[%get3A_74, %get3A_75] : memref<1x32xf32, #tpu.memory_space<vmem>>, vector<1x32xf32>
    %add3A_77 = vector.broadcast %get3A_76 : vector<1x32xf32> to vector<4096x32xf32>
    %add3A_78 = arith.addf %add3A_73, %add3A_77 : vector<4096x32xf32>
    %max3A_79 = arith.constant 0.000000e+00 : f32
    %max3A_80 = vector.broadcast %max3A_79 : f32 to vector<4096x32xf32>
    %max3A_81 = arith.maximumf %add3A_78, %max3A_80 : vector<4096x32xf32>
    %get3A_82 = arith.constant 0 : index
    %get3A_83 = arith.constant 0 : index
    %get3A_84 = vector.load %arg7[%get3A_82, %get3A_83] : memref<32x32xf32, #tpu.memory_space<vmem>>, vector<32x32xf32>
    %dot_general3A_85 = arith.constant dense<0.000000e+00> : vector<4096x32xf32>
    %dot_general3A_86 = tpu.matmul %max3A_81, %get3A_84, %dot_general3A_85 {dimension_numbers = #tpu.dot_dimension_numbers<[1], [0], [0], [1], [0, 0, 1, 1], [], []>, transpose_lhs_hint = false} : vector<4096x32xf32>, vector<32x32xf32>, vector<4096x32xf32> -> vector<4096x32xf32>
    %add3A_87 = arith.addf %get3A_66, %dot_general3A_86 : vector<4096x32xf32>
    %get3A_88 = arith.constant 0 : index
    %get3A_89 = arith.constant 0 : index
    %get3A_90 = vector.load %arg8[%get3A_88, %get3A_89] : memref<1x32xf32, #tpu.memory_space<vmem>>, vector<1x32xf32>
    %add3A_91 = vector.broadcast %get3A_90 : vector<1x32xf32> to vector<4096x32xf32>
    %add3A_92 = arith.addf %add3A_87, %add3A_91 : vector<4096x32xf32>
    %swap3A_93 = arith.constant 1 : index
    %swap3A_94 = arith.constant 0 : index
    %swap3A_95 = arith.constant 0 : index
    %swap3A_96 = vector.load %arg9[%swap3A_93, %swap3A_94, %swap3A_95] : memref<2x4096x32xf32, #tpu.memory_space<vmem>>, vector<1x4096x32xf32>
    %swap3A_97 = vector.shape_cast %swap3A_96 : vector<1x4096x32xf32> to vector<4096x32xf32>
    %swap3A_98 = vector.shape_cast %add3A_92 : vector<4096x32xf32> to vector<1x4096x32xf32>
    tpu.vector_store %arg9[%swap3A_93, %swap3A_94, %swap3A_95], %swap3A_98 {strides = array<i32>} : memref<2x4096x32xf32, #tpu.memory_space<vmem>>, vector<1x4096x32xf32>,
    return
  }
  func.func @transform_0(%arg0: i32) -> (i32, i32, i32) {
    %c0_i32 = arith.constant 0 : i32
    %c0_i32_0 = arith.constant 0 : i32
    %c0_i32_1 = arith.constant 0 : i32
    return %c0_i32, %arg0, %c0_i32_0 : i32, i32, i32
  }
  func.func @transform_1(%arg0: i32) -> (i32, i32, i32) {
    %c0_i32 = arith.constant 0 : i32
    %c0_i32_0 = arith.constant 0 : i32
    %c0_i32_1 = arith.constant 0 : i32
    return %c0_i32, %arg0, %c0_i32_0 : i32, i32, i32
  }
  func.func @transform_2(%arg0: i32) -> (i32, i32) {
    %c0_i32 = arith.constant 0 : i32
    %c0_i32_0 = arith.constant 0 : i32
    %c0_i32_1 = arith.constant 0 : i32
    return %c0_i32, %c0_i32_0 : i32, i32
  }
  func.func @transform_3(%arg0: i32) -> (i32, i32) {
    %c0_i32 = arith.constant 0 : i32
    %c0_i32_0 = arith.constant 0 : i32
    %c0_i32_1 = arith.constant 0 : i32
    return %c0_i32, %c0_i32_0 : i32, i32
  }
  func.func @transform_4(%arg0: i32) -> (i32, i32) {
    %c0_i32 = arith.constant 0 : i32
    %c0_i32_0 = arith.constant 0 : i32
    %c0_i32_1 = arith.constant 0 : i32
    return %c0_i32, %c0_i32_0 : i32, i32
  }
  func.func @transform_5(%arg0: i32) -> (i32, i32) {
    %c0_i32 = arith.constant 0 : i32
    %c0_i32_0 = arith.constant 0 : i32
    %c0_i32_1 = arith.constant 0 : i32
    return %c0_i32, %c0_i32_0 : i32, i32
  }
  func.func @transform_6(%arg0: i32) -> (i32, i32) {
    %c0_i32 = arith.constant 0 : i32
    %c0_i32_0 = arith.constant 0 : i32
    %c0_i32_1 = arith.constant 0 : i32
    return %c0_i32, %c0_i32_0 : i32, i32
  }
  func.func @transform_7(%arg0: i32) -> (i32, i32) {
    %c0_i32 = arith.constant 0 : i32
    %c0_i32_0 = arith.constant 0 : i32
    %c0_i32_1 = arith.constant 0 : i32
    return %c0_i32, %c0_i32_0 : i32, i32
  }
  func.func @transform_8(%arg0: i32) -> (i32, i32, i32) {
    %c0_i32 = arith.constant 0 : i32
    %c0_i32_0 = arith.constant 0 : i32
    %c0_i32_1 = arith.constant 0 : i32
    return %c0_i32, %arg0, %c0_i32_0 : i32, i32, i32
  }
}

module attributes {stable_mosaic.version = 14 : i64} {
  func.func @_tc5_body(%arg0: i32, %arg1: memref<1000x32xf32, #tpu.memory_space<vmem>>, %arg2: memref<1x1000x32xf32, #tpu.memory_space<vmem>>, %arg3: memref<1000x2xf32, #tpu.memory_space<vmem>>, %arg4: memref<32x32xf32, #tpu.memory_space<vmem>>, %arg5: memref<32x32xf32, #tpu.memory_space<vmem>>, %arg6: memref<1x32xf32, #tpu.memory_space<vmem>>, %arg7: memref<32x32xf32, #tpu.memory_space<vmem>>, %arg8: memref<1x32xf32, #tpu.memory_space<vmem>>, %arg9: memref<32x32xf32, #tpu.memory_space<vmem>>, %arg10: memref<1x32xf32, #tpu.memory_space<vmem>>, %arg11: memref<32x2xf32, #tpu.memory_space<vmem>>, %arg12: memref<1x2xf32, #tpu.memory_space<vmem>>, %arg13: memref<1x2xf32, #tpu.memory_space<vmem>>, %arg14: memref<1x2xf32, #tpu.memory_space<vmem>>, %arg15: memref<1000x2xf32, #tpu.memory_space<vmem>>, %arg16: memref<1000x2xf32, #tpu.memory_space<vmem>>) attributes {dimension_semantics = [#tpu.dimension_semantics<arbitrary>], iteration_bounds = array<i64: 50>, scalar_prefetch = 0 : i64, scratch_operands = 0 : i64, tpu.core_type = #tpu.core_type<tc>, window_params = [{transform_indices = @transform_0, window_bounds = array<i64: 1000, 32>}, {transform_indices = @transform_1, window_bounds = array<i64: 1, 1000, 32>}, {transform_indices = @transform_2, window_bounds = array<i64: 1000, 2>}, {pipeline_mode = #tpu.pipeline_mode<synchronous>, transform_indices = @transform_3, window_bounds = array<i64: 32, 32>}, {pipeline_mode = #tpu.pipeline_mode<synchronous>, transform_indices = @transform_4, window_bounds = array<i64: 32, 32>}, {pipeline_mode = #tpu.pipeline_mode<synchronous>, transform_indices = @transform_5, window_bounds = array<i64: 1, 32>}, {pipeline_mode = #tpu.pipeline_mode<synchronous>, transform_indices = @transform_6, window_bounds = array<i64: 32, 32>}, {pipeline_mode = #tpu.pipeline_mode<synchronous>, transform_indices = @transform_7, window_bounds = array<i64: 1, 32>}, {pipeline_mode = #tpu.pipeline_mode<synchronous>, transform_indices = @transform_8, window_bounds = array<i64: 32, 32>}, {pipeline_mode = #tpu.pipeline_mode<synchronous>, transform_indices = @transform_9, window_bounds = array<i64: 1, 32>}, {pipeline_mode = #tpu.pipeline_mode<synchronous>, transform_indices = @transform_10, window_bounds = array<i64: 32, 2>}, {pipeline_mode = #tpu.pipeline_mode<synchronous>, transform_indices = @transform_11, window_bounds = array<i64: 1, 2>}, {pipeline_mode = #tpu.pipeline_mode<synchronous>, transform_indices = @transform_12, window_bounds = array<i64: 1, 2>}, {pipeline_mode = #tpu.pipeline_mode<synchronous>, transform_indices = @transform_13, window_bounds = array<i64: 1, 2>}, {transform_indices = @transform_14, window_bounds = array<i64: 1000, 2>}, {transform_indices = @transform_15, window_bounds = array<i64: 1000, 2>}]} {
    %get3A = arith.constant 0 : index
    %get3A_0 = arith.constant 0 : index
    %get3A_1 = vector.load %arg1[%get3A, %get3A_0] : memref<1000x32xf32, #tpu.memory_space<vmem>>, vector<1000x32xf32>
    %get3A_2 = arith.constant 0 : index
    %get3A_3 = arith.constant 0 : index
    %get3A_4 = arith.constant 0 : index
    %get3A_5 = vector.load %arg2[%get3A_2, %get3A_3, %get3A_4] : memref<1x1000x32xf32, #tpu.memory_space<vmem>>, vector<1x1000x32xf32>
    %get3A_6 = vector.shape_cast %get3A_5 : vector<1x1000x32xf32> to vector<1000x32xf32>
    %get3A_7 = arith.constant 0 : index
    %get3A_8 = arith.constant 0 : index
    %get3A_9 = vector.load %arg4[%get3A_7, %get3A_8] : memref<32x32xf32, #tpu.memory_space<vmem>>, vector<32x32xf32>
    %dot_general3A = arith.constant dense<0.000000e+00> : vector<1000x32xf32>
    %dot_general3A_10 = tpu.matmul %get3A_1, %get3A_9, %dot_general3A {dimension_numbers = #tpu.dot_dimension_numbers<[1], [0], [0], [1], [0, 0, 1, 1], [], []>, transpose_lhs_hint = false} : vector<1000x32xf32>, vector<32x32xf32>, vector<1000x32xf32> -> vector<1000x32xf32>
    %get3A_11 = arith.constant 0 : index
    %get3A_12 = arith.constant 0 : index
    %get3A_13 = vector.load %arg5[%get3A_11, %get3A_12] : memref<32x32xf32, #tpu.memory_space<vmem>>, vector<32x32xf32>
    %dot_general3A_14 = arith.constant dense<0.000000e+00> : vector<1000x32xf32>
    %dot_general3A_15 = tpu.matmul %get3A_6, %get3A_13, %dot_general3A_14 {dimension_numbers = #tpu.dot_dimension_numbers<[1], [0], [0], [1], [0, 0, 1, 1], [], []>, transpose_lhs_hint = false} : vector<1000x32xf32>, vector<32x32xf32>, vector<1000x32xf32> -> vector<1000x32xf32>
    %add3A = arith.addf %dot_general3A_10, %dot_general3A_15 : vector<1000x32xf32>
    %get3A_16 = arith.constant 0 : index
    %get3A_17 = arith.constant 0 : index
    %get3A_18 = vector.load %arg6[%get3A_16, %get3A_17] : memref<1x32xf32, #tpu.memory_space<vmem>>, vector<1x32xf32>
    %add3A_19 = vector.broadcast %get3A_18 : vector<1x32xf32> to vector<1000x32xf32>
    %add3A_20 = arith.addf %add3A, %add3A_19 : vector<1000x32xf32>
    %max3A = arith.constant 0.000000e+00 : f32
    %max3A_21 = vector.broadcast %max3A : f32 to vector<1000x32xf32>
    %max3A_22 = arith.maximumf %add3A_20, %max3A_21 : vector<1000x32xf32>
    %get3A_23 = arith.constant 0 : index
    %get3A_24 = arith.constant 0 : index
    %get3A_25 = vector.load %arg7[%get3A_23, %get3A_24] : memref<32x32xf32, #tpu.memory_space<vmem>>, vector<32x32xf32>
    %dot_general3A_26 = arith.constant dense<0.000000e+00> : vector<1000x32xf32>
    %dot_general3A_27 = tpu.matmul %max3A_22, %get3A_25, %dot_general3A_26 {dimension_numbers = #tpu.dot_dimension_numbers<[1], [0], [0], [1], [0, 0, 1, 1], [], []>, transpose_lhs_hint = false} : vector<1000x32xf32>, vector<32x32xf32>, vector<1000x32xf32> -> vector<1000x32xf32>
    %add3A_28 = arith.addf %get3A_1, %dot_general3A_27 : vector<1000x32xf32>
    %get3A_29 = arith.constant 0 : index
    %get3A_30 = arith.constant 0 : index
    %get3A_31 = vector.load %arg8[%get3A_29, %get3A_30] : memref<1x32xf32, #tpu.memory_space<vmem>>, vector<1x32xf32>
    %add3A_32 = vector.broadcast %get3A_31 : vector<1x32xf32> to vector<1000x32xf32>
    %add3A_33 = arith.addf %add3A_28, %add3A_32 : vector<1000x32xf32>
    %get3A_34 = arith.constant 0 : index
    %get3A_35 = arith.constant 0 : index
    %get3A_36 = vector.load %arg9[%get3A_34, %get3A_35] : memref<32x32xf32, #tpu.memory_space<vmem>>, vector<32x32xf32>
    %dot_general3A_37 = arith.constant dense<0.000000e+00> : vector<1000x32xf32>
    %dot_general3A_38 = tpu.matmul %add3A_33, %get3A_36, %dot_general3A_37 {dimension_numbers = #tpu.dot_dimension_numbers<[1], [0], [0], [1], [0, 0, 1, 1], [], []>, transpose_lhs_hint = false} : vector<1000x32xf32>, vector<32x32xf32>, vector<1000x32xf32> -> vector<1000x32xf32>
    %get3A_39 = arith.constant 0 : index
    %get3A_40 = arith.constant 0 : index
    %get3A_41 = vector.load %arg10[%get3A_39, %get3A_40] : memref<1x32xf32, #tpu.memory_space<vmem>>, vector<1x32xf32>
    %add3A_42 = vector.broadcast %get3A_41 : vector<1x32xf32> to vector<1000x32xf32>
    %add3A_43 = arith.addf %dot_general3A_38, %add3A_42 : vector<1000x32xf32>
    %max3A_44 = arith.constant 0.000000e+00 : f32
    %max3A_45 = vector.broadcast %max3A_44 : f32 to vector<1000x32xf32>
    %max3A_46 = arith.maximumf %add3A_43, %max3A_45 : vector<1000x32xf32>
    %get3A_47 = arith.constant 0 : index
    %get3A_48 = arith.constant 0 : index
    %get3A_49 = vector.load %arg11[%get3A_47, %get3A_48] : memref<32x2xf32, #tpu.memory_space<vmem>>, vector<32x2xf32>
    %dot_general3A_50 = arith.constant dense<0.000000e+00> : vector<1000x2xf32>
    %dot_general3A_51 = tpu.matmul %max3A_46, %get3A_49, %dot_general3A_50 {dimension_numbers = #tpu.dot_dimension_numbers<[1], [0], [0], [1], [0, 0, 1, 1], [], []>, transpose_lhs_hint = false} : vector<1000x32xf32>, vector<32x2xf32>, vector<1000x2xf32> -> vector<1000x2xf32>
    %get3A_52 = arith.constant 0 : index
    %get3A_53 = arith.constant 0 : index
    %get3A_54 = vector.load %arg12[%get3A_52, %get3A_53] : memref<1x2xf32, #tpu.memory_space<vmem>>, vector<1x2xf32>
    %add3A_55 = vector.broadcast %get3A_54 : vector<1x2xf32> to vector<1000x2xf32>
    %add3A_56 = arith.addf %dot_general3A_51, %add3A_55 : vector<1000x2xf32>
    %swap3A = arith.constant 0 : index
    %swap3A_57 = arith.constant 0 : index
    %swap3A_58 = vector.load %arg15[%swap3A, %swap3A_57] : memref<1000x2xf32, #tpu.memory_space<vmem>>, vector<1000x2xf32>
    tpu.vector_store %arg15[%swap3A, %swap3A_57], %add3A_56 {strides = array<i32>} : memref<1000x2xf32, #tpu.memory_space<vmem>>, vector<1000x2xf32>,
    %get3A_59 = arith.constant 0 : index
    %get3A_60 = arith.constant 0 : index
    %get3A_61 = vector.load %arg3[%get3A_59, %get3A_60] : memref<1000x2xf32, #tpu.memory_space<vmem>>, vector<1000x2xf32>
    %get3A_62 = arith.constant 0 : index
    %get3A_63 = arith.constant 0 : index
    %get3A_64 = vector.load %arg14[%get3A_62, %get3A_63] : memref<1x2xf32, #tpu.memory_space<vmem>>, vector<1x2xf32>
    %mul3A = vector.broadcast %get3A_64 : vector<1x2xf32> to vector<1000x2xf32>
    %mul3A_65 = arith.mulf %add3A_56, %mul3A : vector<1000x2xf32>
    %add3A_66 = arith.addf %get3A_61, %mul3A_65 : vector<1000x2xf32>
    %get3A_67 = arith.constant 0 : index
    %get3A_68 = arith.constant 0 : index
    %get3A_69 = vector.load %arg13[%get3A_67, %get3A_68] : memref<1x2xf32, #tpu.memory_space<vmem>>, vector<1x2xf32>
    %add3A_70 = vector.broadcast %get3A_69 : vector<1x2xf32> to vector<1000x2xf32>
    %add3A_71 = arith.addf %add3A_66, %add3A_70 : vector<1000x2xf32>
    %swap3A_72 = arith.constant 0 : index
    %swap3A_73 = arith.constant 0 : index
    %swap3A_74 = vector.load %arg16[%swap3A_72, %swap3A_73] : memref<1000x2xf32, #tpu.memory_space<vmem>>, vector<1000x2xf32>
    tpu.vector_store %arg16[%swap3A_72, %swap3A_73], %add3A_71 {strides = array<i32>} : memref<1000x2xf32, #tpu.memory_space<vmem>>, vector<1000x2xf32>,
    return
  }
  func.func @transform_0(%arg0: i32) -> (i32, i32) {
    %c0_i32 = arith.constant 0 : i32
    %c0_i32_0 = arith.constant 0 : i32
    return %arg0, %c0_i32 : i32, i32
  }
  func.func @transform_1(%arg0: i32) -> (i32, i32, i32) {
    %jit3A = arith.constant 25 : i32
    %div3A = arith.divsi %arg0, %jit3A : i32
    %sign3A = arith.constant 0 : i32
    %sign3A_0 = arith.cmpi sgt, %arg0, %sign3A : i32
    %sign3A_1 = arith.extui %sign3A_0 : i1 to i32
    %sign3A_2 = arith.constant 0 : i32
    %sign3A_3 = arith.cmpi slt, %arg0, %sign3A_2 : i32
    %sign3A_4 = arith.extui %sign3A_3 : i1 to i32
    %sign3A_5 = arith.subi %sign3A_1, %sign3A_4 : i32
    %sign3A_6 = arith.constant 0 : i32
    %sign3A_7 = arith.cmpi sgt, %jit3A, %sign3A_6 : i32
    %sign3A_8 = arith.extui %sign3A_7 : i1 to i32
    %sign3A_9 = arith.constant 0 : i32
    %sign3A_10 = arith.cmpi slt, %jit3A, %sign3A_9 : i32
    %sign3A_11 = arith.extui %sign3A_10 : i1 to i32
    %sign3A_12 = arith.subi %sign3A_8, %sign3A_11 : i32
    %ne3A = arith.cmpi ne, %sign3A_5, %sign3A_12 : i32
    %rem3A = arith.remsi %arg0, %jit3A : i32
    %ne3A_13 = arith.constant 0 : i32
    %ne3A_14 = arith.cmpi ne, %rem3A, %ne3A_13 : i32
    %and3A = arith.andi %ne3A, %ne3A_14 : i1
    %sub3A = arith.constant 1 : i32
    %sub3A_15 = arith.subi %div3A, %sub3A : i32
    %select_n3A = arith.select %and3A, %sub3A_15, %div3A : i32
    %jit3A_16 = arith.constant 25 : i32
    %eq3A = arith.constant 0 : i32
    %eq3A_17 = arith.cmpi eq, %jit3A_16, %eq3A : i32
    %jit3A_18 = arith.constant 1 : i32
    %select_n3A_19 = arith.select %eq3A_17, %jit3A_18, %jit3A_16 : i32
    %rem3A_20 = arith.remsi %arg0, %select_n3A_19 : i32
    %ne3A_21 = arith.constant 0 : i32
    %ne3A_22 = arith.cmpi ne, %rem3A_20, %ne3A_21 : i32
    %lt3A = arith.constant 0 : i32
    %lt3A_23 = arith.cmpi slt, %rem3A_20, %lt3A : i32
    %lt3A_24 = arith.constant 0 : i32
    %lt3A_25 = arith.cmpi slt, %select_n3A_19, %lt3A_24 : i32
    %ne3A_26 = arith.xori %lt3A_23, %lt3A_25 : i1
    %and3A_27 = arith.andi %ne3A_26, %ne3A_22 : i1
    %add3A = arith.addi %rem3A_20, %select_n3A_19 : i32
    %select_n3A_28 = arith.select %and3A_27, %add3A, %rem3A_20 : i32
    %c0_i32 = arith.constant 0 : i32
    %c0_i32_29 = arith.constant 0 : i32
    return %select_n3A, %select_n3A_28, %c0_i32 : i32, i32, i32
  }
  func.func @transform_2(%arg0: i32) -> (i32, i32) {
    %c0_i32 = arith.constant 0 : i32
    %c0_i32_0 = arith.constant 0 : i32
    return %arg0, %c0_i32 : i32, i32
  }
  func.func @transform_3(%arg0: i32) -> (i32, i32) {
    %c0_i32 = arith.constant 0 : i32
    %c0_i32_0 = arith.constant 0 : i32
    %c0_i32_1 = arith.constant 0 : i32
    return %c0_i32, %c0_i32_0 : i32, i32
  }
  func.func @transform_4(%arg0: i32) -> (i32, i32) {
    %c0_i32 = arith.constant 0 : i32
    %c0_i32_0 = arith.constant 0 : i32
    %c0_i32_1 = arith.constant 0 : i32
    return %c0_i32, %c0_i32_0 : i32, i32
  }
  func.func @transform_5(%arg0: i32) -> (i32, i32) {
    %c0_i32 = arith.constant 0 : i32
    %c0_i32_0 = arith.constant 0 : i32
    %c0_i32_1 = arith.constant 0 : i32
    return %c0_i32, %c0_i32_0 : i32, i32
  }
  func.func @transform_6(%arg0: i32) -> (i32, i32) {
    %c0_i32 = arith.constant 0 : i32
    %c0_i32_0 = arith.constant 0 : i32
    %c0_i32_1 = arith.constant 0 : i32
    return %c0_i32, %c0_i32_0 : i32, i32
  }
  func.func @transform_7(%arg0: i32) -> (i32, i32) {
    %c0_i32 = arith.constant 0 : i32
    %c0_i32_0 = arith.constant 0 : i32
    %c0_i32_1 = arith.constant 0 : i32
    return %c0_i32, %c0_i32_0 : i32, i32
  }
  func.func @transform_8(%arg0: i32) -> (i32, i32) {
    %c0_i32 = arith.constant 0 : i32
    %c0_i32_0 = arith.constant 0 : i32
    %c0_i32_1 = arith.constant 0 : i32
    return %c0_i32, %c0_i32_0 : i32, i32
  }
  func.func @transform_9(%arg0: i32) -> (i32, i32) {
    %c0_i32 = arith.constant 0 : i32
    %c0_i32_0 = arith.constant 0 : i32
    %c0_i32_1 = arith.constant 0 : i32
    return %c0_i32, %c0_i32_0 : i32, i32
  }
  func.func @transform_10(%arg0: i32) -> (i32, i32) {
    %c0_i32 = arith.constant 0 : i32
    %c0_i32_0 = arith.constant 0 : i32
    %c0_i32_1 = arith.constant 0 : i32
    return %c0_i32, %c0_i32_0 : i32, i32
  }
  func.func @transform_11(%arg0: i32) -> (i32, i32) {
    %c0_i32 = arith.constant 0 : i32
    %c0_i32_0 = arith.constant 0 : i32
    %c0_i32_1 = arith.constant 0 : i32
    return %c0_i32, %c0_i32_0 : i32, i32
  }
  func.func @transform_12(%arg0: i32) -> (i32, i32) {
    %c0_i32 = arith.constant 0 : i32
    %c0_i32_0 = arith.constant 0 : i32
    %c0_i32_1 = arith.constant 0 : i32
    return %c0_i32, %c0_i32_0 : i32, i32
  }
  func.func @transform_13(%arg0: i32) -> (i32, i32) {
    %c0_i32 = arith.constant 0 : i32
    %c0_i32_0 = arith.constant 0 : i32
    %c0_i32_1 = arith.constant 0 : i32
    return %c0_i32, %c0_i32_0 : i32, i32
  }
  func.func @transform_14(%arg0: i32) -> (i32, i32) {
    %c0_i32 = arith.constant 0 : i32
    %c0_i32_0 = arith.constant 0 : i32
    return %arg0, %c0_i32 : i32, i32
  }
  func.func @transform_15(%arg0: i32) -> (i32, i32) {
    %c0_i32 = arith.constant 0 : i32
    %c0_i32_0 = arith.constant 0 : i32
    return %arg0, %c0_i32 : i32, i32
  }
}

</mosaic_0001>

<sc_bundles>
// kernel: sc_dedup_mark.3.cloned.1.call-start
scs
__scs_entry_jumppad:
0x0: {  	(pc) =	sbr.rel $0x88, $3  }
0x1: {  	(tag) =	ssettag $0x0;
	lr =	simm.s32 $0x1  }
0x2: {  	[smem:$0x3F82] =	sst lr;
	_ =	strace $0xD0000000  }
0x3: {  	_ = 	snop  }
0x4: {  	_ = 	snop  }
0x5: {  	_ = 	snop  }
0x6: {  	_ = 	snop  }
0x7: {  	_ = 	snop  }
__scs_overlays_trampoline_lowered:
0x8: {  	[smem:$0x3F91] =	sst s0  }
0x9: {  	[smem:$0x3F92] =	sst s1  }
0xa: {  	[smem:$0x3F93] =	sst s2  }
0xb: {  	[smem:$0x3F94] =	sst s3  }
0xc: {  	[smem:$0x3F95] =	sst s4  }
0xd: {  	[smem:$0x3F96] =	sst s5  }
0xe: {  	[smem:$0x3F97] =	sst s6  }
0xf: {  	[smem:$0x3F98] =	sst s7  }
0x10: {  	[smem:$0x3F99] =	sst s8  }
0x11: {  	[smem:$0x3F9A] =	sst s9;
	s0 =	simm.s32 @!p0 $0x0  }
0x12: {  	s1 =	sld [smem:$0x3F80];
	s0 =	simm.s32 @p0 $0x1  }
0x13: {  	[smem:$0x3F9B] =	sst s0;
	s0 =	simm.s32 @!p1 $0x0  }
0x14: {  	s2 =	sld [smem:$0x3F7F];
	s0 =	simm.s32 @p1 $0x1  }
0x15: {  	[smem:$0x3F9C] =	sst s0;
	s0 =	simm.s32 @!p2 $0x0  }
0x16: {  	s3 =	sld [smem:$0x3FDB];
	s0 =	simm.s32 @p2 $0x1  }
0x17: {  	s4 =	simm.s32 $0x1BF5;
	[smem:$0x3F9E] =	sst s0  }
0x18: {  	s0 =	sld [smem:$0x3F81];
	_ =	swait.ge [sflag:s4], $0x0  }
0x19: {  	s7 =	sld [smem:$0x3F82]  }
0x1a: {  	s8 =	sadd.s32 $0xFFFFE003, lr  }
0x1b: {  	s9 =	sadd.s32 $0xFFFFFEF7, lr;
	s5 =	simm.s32 $0xFFFFFFFF;
	p2 =	slt.u32 s8, $0xFFFFF086  }
0x1c: {  	p1 =	slt.u32 s9, $0xF7A;
	s5 =	simm.s32 @!p2 $0x0  }
0x1d: {  	s5 =	simm.s32 @p1 $0x1;
	p0 =	seq.s32 s7, s2  }
0x1e: {  	s7 =	smul.u32 @!p0 $0xF7A, s2;
	p2 =	seq.s32 @!p0 s5, $0x0  }
0x1f: {  	s9 =	smul.u32 $0xF7A, s1;
	s8 =	simm.s32 @!p0 $0x1BF5;
	p2 =	por !p2, p0  }
0x20: {  	[sflag:s8] =	ssyncset.s32 @!p0 $0xFFFFF086;
	s6 =	sadd.s32 @!p0 s3, s7;
	s7 =	simm.s32 @!p0 $0x108  }
0x21: {  	s3 =	sadd.s32 s3, s9;
	s6 =	sadd.s32 @!p0 $0x88, s6;
	s7 =	simm.s32 @p2 $0x1082  }
0x22: {  	[simem:s7], [sflag:s8] =	dma.local @!p0 [hbm:s6], $0xF7A  }
0x23: {  	s9 =	sor.u32 $0xD0000000, s2;
	s6 =	simm.s32 $0x108;
	_ =	swait.ge @!p0 [sflag:s8], $0x0  }
0x24: {  	s3 =	sadd.s32 $0x88, s3;
	s6 =	simm.s32 @!p1 $0x1082;
	[sflag:s4] =	ssyncset.s32 $0xFFFFF086  }
0x25: {  	[simem:s6], [sflag:s4] =	dma.local [hbm:s3], $0xF7A  }
0x26: {  	[smem:$0x3F82] =	sst s1;
	(tag) =	ssettag s2;
	_ =	strace s9  }
0x27: {  	s1 =	sld [smem:$0x3F92]  }
0x28: {  	s2 =	sld [smem:$0x3F93]  }
0x29: {  	s4 =	sld [smem:$0x3F95]  }
0x2a: {  	p0 =	seq.s32 s5, $0x0;
	s5 =	sld [smem:$0x3F96]  }
0x2b: {  	s6 =	sld [smem:$0x3F97]  }
0x2c: {  	s7 =	sld [smem:$0x3F98]  }
0x2d: {  	s3 =	simm.s32 $0x108;
	s8 =	sld [smem:$0x3F99]  }
0x2e: {  	s3 =	simm.s32 @!p0 $0x1082;
	s9 =	sld [smem:$0x3F9A]  }
0x2f: {  	lr =	sadd.s32 s0, s3;
	s0 =	sld [smem:$0x3F91]  }
0x30: {  	s3 =	sld [smem:$0x3F94]  }
0x31: {  	[smem:$0x3F9D] =	sst s10  }
0x32: {  	s10 =	sld [smem:$0x3F9B];
	_ =	sdelay $0x3  }
0x33: {  	p0 =	seq.s32 s10, $0x1;
	s10 =	sld [smem:$0x3F9D];
	_ =	sdelay $0x3  }
0x34: {  	[smem:$0x3F9D] =	sst s10  }
0x35: {  	s10 =	sld [smem:$0x3F9C];
	_ =	sdelay $0x3  }
0x36: {  	p1 =	seq.s32 s10, $0x1;
	s10 =	sld [smem:$0x3F9D];
	_ =	sdelay $0x3  }
0x37: {  	[smem:$0x3F9D] =	sst s10  }
0x38: {  	s10 =	sld [smem:$0x3F9E]  }
0x39: {  	_ = 	snop;
	(pc) =	sbr.ind lr, $3  }
0x3a: {  	_ = 	snop  }
0x3b: {  	_ = 	snop  }
0x3c: {  	p2 =	seq.s32 s10, $0x1;
	s10 =	sld [smem:$0x3F9D]  }
0x3d: {  	_ =	shalt  }
0x3e: {  	_ =	shalt  }
0x3f: {  	_ =	shalt  }
0x40: {  	_ =	shalt  }
0x41: {  	_ =	shalt  }
0x42: {  	_ =	shalt  }
0x43: {  	_ =	shalt  }
0x44: {  	_ =	shalt  }
0x45: {  	_ =	shalt  }
0x46: {  	_ =	shalt  }
0x47: {  	_ =	shalt  }
0x48: {  	_ =	shalt  }
0x49: {  	_ =	shalt  }
0x4a: {  	_ =	shalt  }
0x4b: {  	_ =	shalt  }
0x4c: {  	_ =	shalt  }
0x4d: {  	_ =	shalt  }
0x4e: {  	_ =	shalt  }
0x4f: {  	_ =	shalt  }
0x50: {  	_ =	shalt  }
0x51: {  	_ =	shalt  }
0x52: {  	_ =	shalt  }
0x53: {  	_ =	shalt  }
0x54: {  	_ =	shalt  }
0x55: {  	_ =	shalt  }
0x56: {  	_ =	shalt  }
0x57: {  	_ =	shalt  }
0x58: {  	_ =	shalt  }
0x59: {  	_ =	shalt  }
0x5a: {  	_ =	shalt  }
0x5b: {  	_ =	shalt  }
0x5c: {  	_ =	shalt  }
0x5d: {  	_ =	shalt  }
0x5e: {  	_ =	shalt  }
0x5f: {  	_ =	shalt  }
0x60: {  	_ =	shalt  }
0x61: {  	_ =	shalt  }
0x62: {  	_ =	shalt  }
0x63: {  	_ =	shalt  }
0x64: {  	_ =	shalt  }
0x65: {  	_ =	shalt  }
0x66: {  	_ =	shalt  }
0x67: {  	_ =	shalt  }
0x68: {  	_ =	shalt  }
0x69: {  	_ =	shalt  }
0x6a: {  	_ =	shalt  }
0x6b: {  	_ =	shalt  }
0x6c: {  	_ =	shalt  }
0x6d: {  	_ =	shalt  }
0x6e: {  	_ =	shalt  }
0x6f: {  	_ =	shalt  }
0x70: {  	_ =	shalt  }
0x71: {  	_ =	shalt  }
0x72: {  	_ =	shalt  }
0x73: {  	_ =	shalt  }
0x74: {  	_ =	shalt  }
0x75: {  	_ =	shalt  }
0x76: {  	_ =	shalt  }
0x77: {  	_ =	shalt  }
0x78: {  	_ =	shalt  }
0x79: {  	_ =	shalt  }
0x7a: {  	_ =	shalt  }
0x7b: {  	_ =	shalt  }
0x7c: {  	_ =	shalt  }
0x7d: {  	_ =	shalt  }
0x7e: {  	_ =	shalt  }
0x7f: {  	_ =	shalt  }
0x80: {  	_ =	shalt  }
0x81: {  	_ =	shalt  }
0x82: {  	_ =	shalt  }
0x83: {  	_ =	shalt  }
0x84: {  	_ =	shalt  }
0x85: {  	_ =	shalt  }
0x86: {  	_ =	shalt  }
0x87: {  	_ =	shalt  }
.Lfunc_end0:
.L_simem_size_0:
called_computation.1_lowered:
.L_overlay_start_0:
0x88: {  	s2 =	sld [smem:$0x3FD9]  }
0x89: {  	s3 =	sld [smem:$0x3FFE];
	_ =	sdelay $0x1  }
0x8a: {  	s1 =	srdreg.scid  }
0x8b: {  	s0 =	sand.u32 $0x1, s1  }
0x8c: {  	s16 =	sshll.u32 s0, $0xA;
	s2 =	sadd.s32 s3, s2  }
0x8d: {  	s2 =	sadd.s32 s2, s16  }
0x8e: {  	[smem:$0x3FA9] =	sst s2  }
0x8f: {  	_ = 	snop  }
0x90: {  	(tm) =	ssettm $0x1  }
0x91: {  	s17 =	sld [smem:$0x3FFB];
	_ =	sdelay $0x3  }
0x92: {  	_ =	strace s17  }
0x93: {  	s2 =	sld [smem:$0x3FFC];
	_ =	sdelay $0x3  }
0x94: {  	_ =	strace s2  }
0x95: {  	s2 =	sld [smem:$0x3FFD];
	_ =	sdelay $0x3  }
0x96: {  	_ =	strace s2  }
0x97: {  	_ =	strace $0x8FFFFFFF  }
0x98: {  	s18 =	sld [smem:$0x3FDB];
	_ =	sdelay $0x1  }
0x99: {  	s19 =	simm.s32 $_scs_section_size  }
0x9a: {  	s4 =	simm.s32 $_size__tile_overlayer_lowered;
	s5 =	simm.s32 $_tile_overlayer_lowered  }
0x9b: {  	s22 =	simm.s32 $0x1BFF;
	s21 =	sshll.u32 s5, $0x1;
	s2 =	sadd.s32 s19, s18  }
0x9c: {  	s6 =	simm.s32 $0x0;
	s20 =	sshll.u32 s4, $0x1;
	s4 =	sadd.s32 s21, s2  }
0x9d: {  	[timem:s6], [sflag:s22] =	dma.local [hbm:s4], s20  }
0x9e: {  	_ =	swait.ge [sflag:s22], s20  }
0x9f: {  	s3 =	ssub.s32 $0x0, s20;
	[sflag:s22] =	ssyncset.done $0x0  }
0xa0: {  	[sflag:s22] =	ssyncadd.s32 s3;
	_ =	sdelay $0x1  }
0xa1: {  	s23 =	simm.s32 $0x1B8B  }
0xa2: {  	_ =	swait.ge [sflag:s23], $0x1  }
0xa3: {  	[sflag:s23] =	ssyncset.done $0x0  }
0xa4: {  	s25 =	simm.s32 $0x1B8E;
	s24 =	sld [smem:$0x3FFE];
	[sflag:s23] =	ssyncadd.s32 $0xFFFFFFFF  }
0xa5: {  	s26 =	simm.s32 $execute0_lowered;
	[smem:$0x3FD2] =	sst s25  }
0xa6: {  	s4 =	sshll.u32 s26, $0x1;
	_ =	strace $0x80000049;
	[dreg:$0x1] =	wrdreg $0xFFFFFFFF  }
0xa7: {  	s28 =	simm.s32 $_size_execute0_lowered;
	s2 =	sadd.s32 s2, s4;
	[dreg:$0x0] =	wrdreg $0x0  }
0xa8: {  	s4 =	sshll.u32 s28, $0x1;
	[dreg:$0x2] =	wrdreg s2  }
0xa9: {  	[dreg:$0x3] =	wrdreg s4  }
0xaa: {  	[dreg:$0x4] =	wrdreg $0xC0  }
0xab: {  	_ =	task [dreg:s6], $0x5FFFF  }
0xac: {  	[dreg:$0x1] =	wrdreg $0xFFFFFFFF  }
0xad: {  	[dreg:$0x0] =	wrdreg $0x60  }
0xae: {  	[dreg:$0x2] =	wrdreg s24  }
0xaf: {  	[dreg:$0x3] =	wrdreg $0x9  }
0xb0: {  	_ =	task.clear_ibuf [dreg:s6], $0x4FFFF;
	_ =	strace $0x90000049  }
0xb1: {  	s29 =	simm.s32 $0x9;
	_ =	strace $0x8000004B  }
0xb2: {  	_ =	swait.ge [sflag:s29], $0x1  }
0xb3: {  	[sflag:s29] =	ssyncadd.s32 $0xFFFFFFFF  }
0xb4: {  	_ =	strace $0x9000004B  }
0xb5: {  	_ =	sfence  }
0xb6: {  	s30 =	sld [smem:$0x0];
	_ =	sdelay $0x2  }
0xb7: {  	s31 =	sshll.u32 s1, $0xD;
	s1 =	sshrl.u32 s1, $0x2  }
0xb8: {  	s3 =	sand.u32 $0x4000, s31;
	s1 =	sadd.s32 s1, s30  }
0xb9: {  	s0 =	sor.u32 s3, s0;
	s1 =	sshll.u32 s1, $0x11  }
0xba: {  	s0 =	sor.u32 s1, s0  }
0xbb: {  	s0 =	sadd.s32 $0x8F2B, s0  }
0xbc: {  	[sflag:s0] =	ssyncadd.remote.s32 $0x1  }
0xbd: {  	_ =	sfence.sel $0xFFFF  }
0xbe: {  	[dreg:$0x0] =	wrdreg $0xFFFFFFFF;
	(pc) =	sbr.abs _section_cstart, $3  }
0xbf: {  	[dreg:$0x1] =	wrdreg $0xFFFFFFFF  }
0xc0: {  	_ =	task.clear_ibuf [dreg:s6], $0x2FFFF;
	_ =	strace $0x9FFFFFFF  }
0xc1: {  	(tm) =	ssettm $0x7FFFFFFF  }
tec
execute0_lowered:
.L_overlay_start_1:
0x0: {  	(tag) =	ssettag $0x1  }
0x1: {  	s0 =	srdreg.scid  }
0x2: {  	s6 =	stileid.u32;
	s1 =	rddreg [dreg:$0x0];
	s2 =	simm.s32 $0x0  }
0x3: {  	s11 =	simm.s32 $0x2;
	s14 =	simm.s32 $0x80;
	s23 =	simm.s32 $0x1  }
0x4: {  	s17 =	simm.s32 $0x2280;
	s18 =	simm.s32 $0x4800;
	s19 =	simm.s32 $0x2300  }
0x5: {  	s20 =	simm.s32 $0x4880;
	s21 =	simm.s32 $0x2380;
	s22 =	simm.s32 $0x4900  }
0x6: {  	s24 =	simm.s32 $0x2400;
	s25 =	simm.s32 $0x4980;
	s28 =	simm.s32 $0x4A00  }
0x7: {  	s29 =	simm.s32 $0x2500;
	s30 =	simm.s32 $0x4A80;
	s31 =	simm.s32 $0x9600  }
0x8: {  	s0 =	sand.u32 $0x1, s0;
	s3 =	sshll.u32 s6, $0x1;
	s10 =	smul.u32 $0x4B00, s6  }
0x9: {  	s3 =	sor.u32 s0, s3;
	s5 =	ssub.s32 $0x2, s0;
	s0 =	smul.u32 $0x2580, s0  }
0xa: {  	[smem:$0x7FF] =	sst s2;
	s4 =	smul.u32 $0x2580, s3;
	s26 =	sshrl.u32 s5, $0x1  }
0xb: {  	_ =	strace $0x8000004A;
	s3 =	sadd.s32 $0x7A5A00, s1;
	s9 =	ssub.s32 s5, s26  }
0xc: {  	s15 =	sadd.s32 s0, s10;
	s26 =	simm.s32 $0x2480;
	s4 =	sshrl.u32 s4, $0x3  }
0xd: {  	s0 =	simm.s32 $0x0;
	s9 =	smax.u32 s9, $0x1;
	s1 =	sadd.s32 s4, s1  }
0xe: {  	s4 =	sadd.s32 $0x25A00, s1;
	s5 =	sadd.s32 $0x12E00, s1;
	s6 =	sadd.s32 $0x1C400, s1  }
0xf: {  	v0 =	vlaneseq.u32;
	s7 =	sadd.s32 $0x2F000, s1;
	s8 =	sadd.s32 $0x114200, s1;
	s1 =	simm.s32 $0xBB80  }
.LBB2_1:
0x10: {  	[tilespmem:s2], [sflag:$0x2] =	stream.linear.gather [hbm4b:s4+s2], $0x2580, $0x38;
	[tilespmem:$0xE100] =	vst v63  }
0x11: {  	_ =	swait.ge [sflag:s11], $0x2580  }
0x12: {  	[sflag:s11] =	ssyncset.done $0x0  }
0x13: {  	s10 =	simm.s32 $0x4B00;
	[sflag:s11] =	ssyncadd.s32 $0xFFFFDA80  }
0x14: {  	[tilespmem:s10], [sflag:$0x2] =	stream.linear.gather [hbm4b:s5+s2], $0x2580, $0x38;
	[tilespmem:$0xE100] =	vst v63  }
0x15: {  	_ =	swait.ge [sflag:s11], $0x2580  }
0x16: {  	[sflag:s11] =	ssyncset.done $0x0  }
0x17: {  	s16 =	simm.s32 $0x7080;
	[sflag:s11] =	ssyncadd.s32 $0xFFFFDA80  }
0x18: {  	[tilespmem:s16], [sflag:$0x2] =	stream.linear.gather [hbm4b:s6+s2], $0x2580, $0x38;
	[tilespmem:$0xE100] =	vst v63  }
0x19: {  	_ =	swait.ge [sflag:s11], $0x2580  }
0x1a: {  	[sflag:s11] =	ssyncset.done $0x0  }
0x1b: {  	s12 =	simm.s32 $0x2580;
	[sflag:s11] =	ssyncadd.s32 $0xFFFFDA80  }
0x1c: {  	[tilespmem:s12], [sflag:$0x1] =	stream.indirect.gather [hbm4b:s3+s14], $0x1, s2, s14, $0xb8;
	[tilespmem:$0xE100] =	vst v63  }
0x1d: {  	s13 =	simm.s32 $0x2600  }
0x1e: {  	[tilespmem:s13], [sflag:$0x1] =	stream.indirect.gather [hbm4b:s3+s14], $0x1, s14, s14, $0xb8;
	[tilespmem:$0xE100] =	vst v63  }
0x1f: {  	s16 =	simm.s32 $0x100;
	s12 =	simm.s32 $0x2680  }
0x20: {  	[tilespmem:s12], [sflag:$0x1] =	stream.indirect.gather [hbm4b:s3+s14], $0x1, s16, s14, $0xb8;
	[tilespmem:$0xE100] =	vst v63  }
0x21: {  	s13 =	simm.s32 $0x180;
	s16 =	simm.s32 $0x2700  }
0x22: {  	[tilespmem:s16], [sflag:$0x1] =	stream.indirect.gather [hbm4b:s3+s14], $0x1, s13, s14, $0xb8;
	[tilespmem:$0xE100] =	vst v63  }
0x23: {  	s13 =	simm.s32 $0x200;
	s16 =	simm.s32 $0x2780  }
0x24: {  	[tilespmem:s16], [sflag:$0x1] =	stream.indirect.gather [hbm4b:s3+s14], $0x1, s13, s14, $0xb8;
	[tilespmem:$0xE100] =	vst v63  }
0x25: {  	s13 =	simm.s32 $0x280;
	s16 =	simm.s32 $0x2800  }
0x26: {  	[tilespmem:s16], [sflag:$0x1] =	stream.indirect.gather [hbm4b:s3+s14], $0x1, s13, s14, $0xb8;
	[tilespmem:$0xE100] =	vst v63  }
0x27: {  	s13 =	simm.s32 $0x300;
	s16 =	simm.s32 $0x2880  }
0x28: {  	[tilespmem:s16], [sflag:$0x1] =	stream.indirect.gather [hbm4b:s3+s14], $0x1, s13, s14, $0xb8;
	[tilespmem:$0xE100] =	vst v63  }
0x29: {  	s13 =	simm.s32 $0x380;
	s16 =	simm.s32 $0x2900  }
0x2a: {  	[tilespmem:s16], [sflag:$0x1] =	stream.indirect.gather [hbm4b:s3+s14], $0x1, s13, s14, $0xb8;
	[tilespmem:$0xE100] =	vst v63  }
0x2b: {  	s13 =	simm.s32 $0x400;
	s16 =	simm.s32 $0x2980  }
0x2c: {  	[tilespmem:s16], [sflag:$0x1] =	stream.indirect.gather [hbm4b:s3+s14], $0x1, s13, s14, $0xb8;
	[tilespmem:$0xE100] =	vst v63  }
0x2d: {  	s13 =	simm.s32 $0x480;
	s16 =	simm.s32 $0x2A00  }
0x2e: {  	[tilespmem:s16], [sflag:$0x1] =	stream.indirect.gather [hbm4b:s3+s14], $0x1, s13, s14, $0xb8;
	[tilespmem:$0xE100] =	vst v63  }
0x2f: {  	s13 =	simm.s32 $0x500;
	s16 =	simm.s32 $0x2A80  }
0x30: {  	[tilespmem:s16], [sflag:$0x1] =	stream.indirect.gather [hbm4b:s3+s14], $0x1, s13, s14, $0xb8;
	[tilespmem:$0xE100] =	vst v63  }
0x31: {  	s13 =	simm.s32 $0x580;
	s16 =	simm.s32 $0x2B00  }
0x32: {  	[tilespmem:s16], [sflag:$0x1] =	stream.indirect.gather [hbm4b:s3+s14], $0x1, s13, s14, $0xb8;
	[tilespmem:$0xE100] =	vst v63  }
0x33: {  	s13 =	simm.s32 $0x600;
	s16 =	simm.s32 $0x2B80  }
0x34: {  	[tilespmem:s16], [sflag:$0x1] =	stream.indirect.gather [hbm4b:s3+s14], $0x1, s13, s14, $0xb8;
	[tilespmem:$0xE100] =	vst v63  }
0x35: {  	s13 =	simm.s32 $0x680;
	s16 =	simm.s32 $0x2C00  }
0x36: {  	[tilespmem:s16], [sflag:$0x1] =	stream.indirect.gather [hbm4b:s3+s14], $0x1, s13, s14, $0xb8;
	[tilespmem:$0xE100] =	vst v63  }
0x37: {  	s13 =	simm.s32 $0x700;
	s16 =	simm.s32 $0x2C80  }
0x38: {  	[tilespmem:s16], [sflag:$0x1] =	stream.indirect.gather [hbm4b:s3+s14], $0x1, s13, s14, $0xb8;
	[tilespmem:$0xE100] =	vst v63  }
0x39: {  	_ =	swait.ge [sflag:s23], $0x80  }
0x3a: {  	[sflag:s23] =	ssyncset.done $0x0  }
0x3b: {  	[sflag:s23] =	ssyncadd.s32 $0xFFFFFF80  }
0x3c: {  	_ =	swait.ge [sflag:s23], $0x80  }
0x3d: {  	[sflag:s23] =	ssyncset.done $0x0  }
0x3e: {  	[sflag:s23] =	ssyncadd.s32 $0xFFFFFF80  }
0x3f: {  	_ =	swait.ge [sflag:s23], $0x80  }
0x40: {  	[sflag:s23] =	ssyncset.done $0x0  }
0x41: {  	[sflag:s23] =	ssyncadd.s32 $0xFFFFFF80  }
0x42: {  	_ =	swait.ge [sflag:s23], $0x80  }
0x43: {  	[sflag:s23] =	ssyncset.done $0x0  }
0x44: {  	[sflag:s23] =	ssyncadd.s32 $0xFFFFFF80  }
0x45: {  	_ =	swait.ge [sflag:s23], $0x80  }
0x46: {  	[sflag:s23] =	ssyncset.done $0x0  }
0x47: {  	[sflag:s23] =	ssyncadd.s32 $0xFFFFFF80  }
0x48: {  	_ =	swait.ge [sflag:s23], $0x80  }
0x49: {  	[sflag:s23] =	ssyncset.done $0x0  }
0x4a: {  	[sflag:s23] =	ssyncadd.s32 $0xFFFFFF80  }
0x4b: {  	_ =	swait.ge [sflag:s23], $0x80  }
0x4c: {  	[sflag:s23] =	ssyncset.done $0x0  }
0x4d: {  	[sflag:s23] =	ssyncadd.s32 $0xFFFFFF80  }
0x4e: {  	_ =	swait.ge [sflag:s23], $0x80  }
0x4f: {  	[sflag:s23] =	ssyncset.done $0x0  }
0x50: {  	[sflag:s23] =	ssyncadd.s32 $0xFFFFFF80  }
0x51: {  	_ =	swait.ge [sflag:s23], $0x80  }
0x52: {  	[sflag:s23] =	ssyncset.done $0x0  }
0x53: {  	[sflag:s23] =	ssyncadd.s32 $0xFFFFFF80  }
0x54: {  	_ =	swait.ge [sflag:s23], $0x80  }
0x55: {  	[sflag:s23] =	ssyncset.done $0x0  }
0x56: {  	[sflag:s23] =	ssyncadd.s32 $0xFFFFFF80  }
0x57: {  	_ =	swait.ge [sflag:s23], $0x80  }
0x58: {  	[sflag:s23] =	ssyncset.done $0x0  }
0x59: {  	[sflag:s23] =	ssyncadd.s32 $0xFFFFFF80  }
0x5a: {  	_ =	swait.ge [sflag:s23], $0x80  }
0x5b: {  	[sflag:s23] =	ssyncset.done $0x0  }
0x5c: {  	[sflag:s23] =	ssyncadd.s32 $0xFFFFFF80  }
0x5d: {  	_ =	swait.ge [sflag:s23], $0x80  }
0x5e: {  	[sflag:s23] =	ssyncset.done $0x0  }
0x5f: {  	[sflag:s23] =	ssyncadd.s32 $0xFFFFFF80  }
0x60: {  	_ =	swait.ge [sflag:s23], $0x80  }
0x61: {  	[sflag:s23] =	ssyncset.done $0x0  }
0x62: {  	[sflag:s23] =	ssyncadd.s32 $0xFFFFFF80  }
0x63: {  	_ =	swait.ge [sflag:s23], $0x80  }
0x64: {  	[sflag:s23] =	ssyncset.done $0x0  }
0x65: {  	s13 =	simm.s32 $0x780;
	s16 =	simm.s32 $0x2D00;
	[sflag:s23] =	ssyncadd.s32 $0xFFFFFF80  }
0x66: {  	[tilespmem:s16], [sflag:$0x1] =	stream.indirect.gather [hbm4b:s3+s14], $0x1, s13, s14, $0xb8;
	[tilespmem:$0xE100] =	vst v63  }
0x67: {  	s13 =	simm.s32 $0x800;
	s16 =	simm.s32 $0x2D80  }
0x68: {  	[tilespmem:s16], [sflag:$0x1] =	stream.indirect.gather [hbm4b:s3+s14], $0x1, s13, s14, $0xb8;
	[tilespmem:$0xE100] =	vst v63  }
0x69: {  	s13 =	simm.s32 $0x880;
	s16 =	simm.s32 $0x2E00  }
0x6a: {  	[tilespmem:s16], [sflag:$0x1] =	stream.indirect.gather [hbm4b:s3+s14], $0x1, s13, s14, $0xb8;
	[tilespmem:$0xE100] =	vst v63  }
0x6b: {  	s13 =	simm.s32 $0x900;
	s16 =	simm.s32 $0x2E80  }
0x6c: {  	[tilespmem:s16], [sflag:$0x1] =	stream.indirect.gather [hbm4b:s3+s14], $0x1, s13, s14, $0xb8;
	[tilespmem:$0xE100] =	vst v63  }
0x6d: {  	s13 =	simm.s32 $0x980;
	s16 =	simm.s32 $0x2F00  }
0x6e: {  	[tilespmem:s16], [sflag:$0x1] =	stream.indirect.gather [hbm4b:s3+s14], $0x1, s13, s14, $0xb8;
	[tilespmem:$0xE100] =	vst v63  }
0x6f: {  	s13 =	simm.s32 $0xA00;
	s16 =	simm.s32 $0x2F80  }
0x70: {  	[tilespmem:s16], [sflag:$0x1] =	stream.indirect.gather [hbm4b:s3+s14], $0x1, s13, s14, $0xb8;
	[tilespmem:$0xE100] =	vst v63  }
0x71: {  	s13 =	simm.s32 $0xA80;
	s16 =	simm.s32 $0x3000  }
0x72: {  	[tilespmem:s16], [sflag:$0x1] =	stream.indirect.gather [hbm4b:s3+s14], $0x1, s13, s14, $0xb8;
	[tilespmem:$0xE100] =	vst v63  }
0x73: {  	s13 =	simm.s32 $0xB00;
	s16 =	simm.s32 $0x3080  }
0x74: {  	[tilespmem:s16], [sflag:$0x1] =	stream.indirect.gather [hbm4b:s3+s14], $0x1, s13, s14, $0xb8;
	[tilespmem:$0xE100] =	vst v63  }
0x75: {  	s13 =	simm.s32 $0xB80;
	s16 =	simm.s32 $0x3100  }
0x76: {  	[tilespmem:s16], [sflag:$0x1] =	stream.indirect.gather [hbm4b:s3+s14], $0x1, s13, s14, $0xb8;
	[tilespmem:$0xE100] =	vst v63  }
0x77: {  	s13 =	simm.s32 $0xC00;
	s16 =	simm.s32 $0x3180  }
0x78: {  	[tilespmem:s16], [sflag:$0x1] =	stream.indirect.gather [hbm4b:s3+s14], $0x1, s13, s14, $0xb8;
	[tilespmem:$0xE100] =	vst v63  }
0x79: {  	s13 =	simm.s32 $0xC80;
	s16 =	simm.s32 $0x3200  }
0x7a: {  	[tilespmem:s16], [sflag:$0x1] =	stream.indirect.gather [hbm4b:s3+s14], $0x1, s13, s14, $0xb8;
	[tilespmem:$0xE100] =	vst v63  }
0x7b: {  	s13 =	simm.s32 $0xD00;
	s16 =	simm.s32 $0x3280  }
0x7c: {  	[tilespmem:s16], [sflag:$0x1] =	stream.indirect.gather [hbm4b:s3+s14], $0x1, s13, s14, $0xb8;
	[tilespmem:$0xE100] =	vst v63  }
0x7d: {  	s13 =	simm.s32 $0xD80;
	s16 =	simm.s32 $0x3300  }
0x7e: {  	[tilespmem:s16], [sflag:$0x1] =	stream.indirect.gather [hbm4b:s3+s14], $0x1, s13, s14, $0xb8;
	[tilespmem:$0xE100] =	vst v63  }
0x7f: {  	s13 =	simm.s32 $0xE00;
	s16 =	simm.s32 $0x3380  }
0x80: {  	[tilespmem:s16], [sflag:$0x1] =	stream.indirect.gather [hbm4b:s3+s14], $0x1, s13, s14, $0xb8;
	[tilespmem:$0xE100] =	vst v63  }
0x81: {  	s13 =	simm.s32 $0xE80;
	s16 =	simm.s32 $0x3400  }
0x82: {  	[tilespmem:s16], [sflag:$0x1] =	stream.indirect.gather [hbm4b:s3+s14], $0x1, s13, s14, $0xb8;
	[tilespmem:$0xE100] =	vst v63  }
0x83: {  	_ =	swait.ge [sflag:s23], $0x80  }
0x84: {  	[sflag:s23] =	ssyncset.done $0x0  }
0x85: {  	[sflag:s23] =	ssyncadd.s32 $0xFFFFFF80  }
0x86: {  	_ =	swait.ge [sflag:s23], $0x80  }
0x87: {  	[sflag:s23] =	ssyncset.done $0x0  }
0x88: {  	[sflag:s23] =	ssyncadd.s32 $0xFFFFFF80  }
0x89: {  	_ =	swait.ge [sflag:s23], $0x80  }
0x8a: {  	[sflag:s23] =	ssyncset.done $0x0  }
0x8b: {  	[sflag:s23] =	ssyncadd.s32 $0xFFFFFF80  }
0x8c: {  	_ =	swait.ge [sflag:s23], $0x80  }
0x8d: {  	[sflag:s23] =	ssyncset.done $0x0  }
0x8e: {  	[sflag:s23] =	ssyncadd.s32 $0xFFFFFF80  }
0x8f: {  	_ =	swait.ge [sflag:s23], $0x80  }
0x90: {  	[sflag:s23] =	ssyncset.done $0x0  }
0x91: {  	[sflag:s23] =	ssyncadd.s32 $0xFFFFFF80  }
0x92: {  	_ =	swait.ge [sflag:s23], $0x80  }
0x93: {  	[sflag:s23] =	ssyncset.done $0x0  }
0x94: {  	[sflag:s23] =	ssyncadd.s32 $0xFFFFFF80  }
0x95: {  	_ =	swait.ge [sflag:s23], $0x80  }
0x96: {  	[sflag:s23] =	ssyncset.done $0x0  }
0x97: {  	[sflag:s23] =	ssyncadd.s32 $0xFFFFFF80  }
0x98: {  	_ =	swait.ge [sflag:s23], $0x80  }
0x99: {  	[sflag:s23] =	ssyncset.done $0x0  }
0x9a: {  	[sflag:s23] =	ssyncadd.s32 $0xFFFFFF80  }
0x9b: {  	_ =	swait.ge [sflag:s23], $0x80  }
0x9c: {  	[sflag:s23] =	ssyncset.done $0x0  }
0x9d: {  	[sflag:s23] =	ssyncadd.s32 $0xFFFFFF80  }
0x9e: {  	_ =	swait.ge [sflag:s23], $0x80  }
0x9f: {  	[sflag:s23] =	ssyncset.done $0x0  }
0xa0: {  	[sflag:s23] =	ssyncadd.s32 $0xFFFFFF80  }
0xa1: {  	_ =	swait.ge [sflag:s23], $0x80  }
0xa2: {  	[sflag:s23] =	ssyncset.done $0x0  }
0xa3: {  	[sflag:s23] =	ssyncadd.s32 $0xFFFFFF80  }
0xa4: {  	_ =	swait.ge [sflag:s23], $0x80  }
0xa5: {  	[sflag:s23] =	ssyncset.done $0x0  }
0xa6: {  	[sflag:s23] =	ssyncadd.s32 $0xFFFFFF80  }
0xa7: {  	_ =	swait.ge [sflag:s23], $0x80  }
0xa8: {  	[sflag:s23] =	ssyncset.done $0x0  }
0xa9: {  	[sflag:s23] =	ssyncadd.s32 $0xFFFFFF80  }
0xaa: {  	_ =	swait.ge [sflag:s23], $0x80  }
0xab: {  	[sflag:s23] =	ssyncset.done $0x0  }
0xac: {  	[sflag:s23] =	ssyncadd.s32 $0xFFFFFF80  }
0xad: {  	_ =	swait.ge [sflag:s23], $0x80  }
0xae: {  	[sflag:s23] =	ssyncset.done $0x0  }
0xaf: {  	s13 =	simm.s32 $0xF00;
	s16 =	simm.s32 $0x3480;
	[sflag:s23] =	ssyncadd.s32 $0xFFFFFF80  }
0xb0: {  	[tilespmem:s16], [sflag:$0x1] =	stream.indirect.gather [hbm4b:s3+s14], $0x1, s13, s14, $0xb8;
	[tilespmem:$0xE100] =	vst v63  }
0xb1: {  	s13 =	simm.s32 $0xF80;
	s16 =	simm.s32 $0x3500  }
0xb2: {  	[tilespmem:s16], [sflag:$0x1] =	stream.indirect.gather [hbm4b:s3+s14], $0x1, s13, s14, $0xb8;
	[tilespmem:$0xE100] =	vst v63  }
0xb3: {  	s13 =	simm.s32 $0x1000;
	s16 =	simm.s32 $0x3580  }
0xb4: {  	[tilespmem:s16], [sflag:$0x1] =	stream.indirect.gather [hbm4b:s3+s14], $0x1, s13, s14, $0xb8;
	[tilespmem:$0xE100] =	vst v63  }
0xb5: {  	s13 =	simm.s32 $0x1080;
	s16 =	simm.s32 $0x3600  }
0xb6: {  	[tilespmem:s16], [sflag:$0x1] =	stream.indirect.gather [hbm4b:s3+s14], $0x1, s13, s14, $0xb8;
	[tilespmem:$0xE100] =	vst v63  }
0xb7: {  	s13 =	simm.s32 $0x1100;
	s16 =	simm.s32 $0x3680  }
0xb8: {  	[tilespmem:s16], [sflag:$0x1] =	stream.indirect.gather [hbm4b:s3+s14], $0x1, s13, s14, $0xb8;
	[tilespmem:$0xE100] =	vst v63  }
0xb9: {  	s13 =	simm.s32 $0x1180;
	s16 =	simm.s32 $0x3700  }
0xba: {  	[tilespmem:s16], [sflag:$0x1] =	stream.indirect.gather [hbm4b:s3+s14], $0x1, s13, s14, $0xb8;
	[tilespmem:$0xE100] =	vst v63  }
0xbb: {  	s13 =	simm.s32 $0x1200;
	s16 =	simm.s32 $0x3780  }
0xbc: {  	[tilespmem:s16], [sflag:$0x1] =	stream.indirect.gather [hbm4b:s3+s14], $0x1, s13, s14, $0xb8;
	[tilespmem:$0xE100] =	vst v63  }
0xbd: {  	s13 =	simm.s32 $0x1280;
	s16 =	simm.s32 $0x3800  }
0xbe: {  	[tilespmem:s16], [sflag:$0x1] =	stream.indirect.gather [hbm4b:s3+s14], $0x1, s13, s14, $0xb8;
	[tilespmem:$0xE100] =	vst v63  }
0xbf: {  	s13 =	simm.s32 $0x1300;
	s16 =	simm.s32 $0x3880  }
0xc0: {  	[tilespmem:s16], [sflag:$0x1] =	stream.indirect.gather [hbm4b:s3+s14], $0x1, s13, s14, $0xb8;
	[tilespmem:$0xE100] =	vst v63  }
0xc1: {  	s13 =	simm.s32 $0x1380;
	s16 =	simm.s32 $0x3900  }
0xc2: {  	[tilespmem:s16], [sflag:$0x1] =	stream.indirect.gather [hbm4b:s3+s14], $0x1, s13, s14, $0xb8;
	[tilespmem:$0xE100] =	vst v63  }
0xc3: {  	s13 =	simm.s32 $0x1400;
	s16 =	simm.s32 $0x3980  }
0xc4: {  	[tilespmem:s16], [sflag:$0x1] =	stream.indirect.gather [hbm4b:s3+s14], $0x1, s13, s14, $0xb8;
	[tilespmem:$0xE100] =	vst v63  }
0xc5: {  	s13 =	simm.s32 $0x1480;
	s16 =	simm.s32 $0x3A00  }
0xc6: {  	[tilespmem:s16], [sflag:$0x1] =	stream.indirect.gather [hbm4b:s3+s14], $0x1, s13, s14, $0xb8;
	[tilespmem:$0xE100] =	vst v63  }
0xc7: {  	s13 =	simm.s32 $0x1500;
	s16 =	simm.s32 $0x3A80  }
0xc8: {  	[tilespmem:s16], [sflag:$0x1] =	stream.indirect.gather [hbm4b:s3+s14], $0x1, s13, s14, $0xb8;
	[tilespmem:$0xE100] =	vst v63  }
0xc9: {  	s13 =	simm.s32 $0x1580;
	s16 =	simm.s32 $0x3B00  }
0xca: {  	[tilespmem:s16], [sflag:$0x1] =	stream.indirect.gather [hbm4b:s3+s14], $0x1, s13, s14, $0xb8;
	[tilespmem:$0xE100] =	vst v63  }
0xcb: {  	s13 =	simm.s32 $0x1600;
	s16 =	simm.s32 $0x3B80  }
0xcc: {  	[tilespmem:s16], [sflag:$0x1] =	stream.indirect.gather [hbm4b:s3+s14], $0x1, s13, s14, $0xb8;
	[tilespmem:$0xE100] =	vst v63  }
0xcd: {  	_ =	swait.ge [sflag:s23], $0x80  }
0xce: {  	[sflag:s23] =	ssyncset.done $0x0  }
0xcf: {  	[sflag:s23] =	ssyncadd.s32 $0xFFFFFF80  }
0xd0: {  	_ =	swait.ge [sflag:s23], $0x80  }
0xd1: {  	[sflag:s23] =	ssyncset.done $0x0  }
0xd2: {  	[sflag:s23] =	ssyncadd.s32 $0xFFFFFF80  }
0xd3: {  	_ =	swait.ge [sflag:s23], $0x80  }
0xd4: {  	[sflag:s23] =	ssyncset.done $0x0  }
0xd5: {  	[sflag:s23] =	ssyncadd.s32 $0xFFFFFF80  }
0xd6: {  	_ =	swait.ge [sflag:s23], $0x80  }
0xd7: {  	[sflag:s23] =	ssyncset.done $0x0  }
0xd8: {  	[sflag:s23] =	ssyncadd.s32 $0xFFFFFF80  }
0xd9: {  	_ =	swait.ge [sflag:s23], $0x80  }
0xda: {  	[sflag:s23] =	ssyncset.done $0x0  }
0xdb: {  	[sflag:s23] =	ssyncadd.s32 $0xFFFFFF80  }
0xdc: {  	_ =	swait.ge [sflag:s23], $0x80  }
0xdd: {  	[sflag:s23] =	ssyncset.done $0x0  }
0xde: {  	[sflag:s23] =	ssyncadd.s32 $0xFFFFFF80  }
0xdf: {  	_ =	swait.ge [sflag:s23], $0x80  }
0xe0: {  	[sflag:s23] =	ssyncset.done $0x0  }
0xe1: {  	[sflag:s23] =	ssyncadd.s32 $0xFFFFFF80  }
0xe2: {  	_ =	swait.ge [sflag:s23], $0x80  }
0xe3: {  	[sflag:s23] =	ssyncset.done $0x0  }
0xe4: {  	[sflag:s23] =	ssyncadd.s32 $0xFFFFFF80  }
0xe5: {  	_ =	swait.ge [sflag:s23], $0x80  }
0xe6: {  	[sflag:s23] =	ssyncset.done $0x0  }
0xe7: {  	[sflag:s23] =	ssyncadd.s32 $0xFFFFFF80  }
0xe8: {  	_ =	swait.ge [sflag:s23], $0x80  }
0xe9: {  	[sflag:s23] =	ssyncset.done $0x0  }
0xea: {  	[sflag:s23] =	ssyncadd.s32 $0xFFFFFF80  }
0xeb: {  	_ =	swait.ge [sflag:s23], $0x80  }
0xec: {  	[sflag:s23] =	ssyncset.done $0x0  }
0xed: {  	[sflag:s23] =	ssyncadd.s32 $0xFFFFFF80  }
0xee: {  	_ =	swait.ge [sflag:s23], $0x80  }
0xef: {  	[sflag:s23] =	ssyncset.done $0x0  }
0xf0: {  	[sflag:s23] =	ssyncadd.s32 $0xFFFFFF80  }
0xf1: {  	_ =	swait.ge [sflag:s23], $0x80  }
0xf2: {  	[sflag:s23] =	ssyncset.done $0x0  }
0xf3: {  	[sflag:s23] =	ssyncadd.s32 $0xFFFFFF80  }
0xf4: {  	_ =	swait.ge [sflag:s23], $0x80  }
0xf5: {  	[sflag:s23] =	ssyncset.done $0x0  }
0xf6: {  	[sflag:s23] =	ssyncadd.s32 $0xFFFFFF80  }
0xf7: {  	_ =	swait.ge [sflag:s23], $0x80  }
0xf8: {  	[sflag:s23] =	ssyncset.done $0x0  }
0xf9: {  	s13 =	simm.s32 $0x1680;
	s16 =	simm.s32 $0x3C00;
	[sflag:s23] =	ssyncadd.s32 $0xFFFFFF80  }
0xfa: {  	[tilespmem:s16], [sflag:$0x1] =	stream.indirect.gather [hbm4b:s3+s14], $0x1, s13, s14, $0xb8;
	[tilespmem:$0xE100] =	vst v63  }
0xfb: {  	s13 =	simm.s32 $0x1700;
	s16 =	simm.s32 $0x3C80  }
0xfc: {  	[tilespmem:s16], [sflag:$0x1] =	stream.indirect.gather [hbm4b:s3+s14], $0x1, s13, s14, $0xb8;
	[tilespmem:$0xE100] =	vst v63  }
0xfd: {  	s13 =	simm.s32 $0x1780;
	s16 =	simm.s32 $0x3D00  }
0xfe: {  	[tilespmem:s16], [sflag:$0x1] =	stream.indirect.gather [hbm4b:s3+s14], $0x1, s13, s14, $0xb8;
	[tilespmem:$0xE100] =	vst v63  }
0xff: {  	s13 =	simm.s32 $0x1800;
	s16 =	simm.s32 $0x3D80  }
0x100: {  	[tilespmem:s16], [sflag:$0x1] =	stream.indirect.gather [hbm4b:s3+s14], $0x1, s13, s14, $0xb8;
	[tilespmem:$0xE100] =	vst v63  }
0x101: {  	s13 =	simm.s32 $0x1880;
	s16 =	simm.s32 $0x3E00  }
0x102: {  	[tilespmem:s16], [sflag:$0x1] =	stream.indirect.gather [hbm4b:s3+s14], $0x1, s13, s14, $0xb8;
	[tilespmem:$0xE100] =	vst v63  }
0x103: {  	s13 =	simm.s32 $0x1900;
	s16 =	simm.s32 $0x3E80  }
0x104: {  	[tilespmem:s16], [sflag:$0x1] =	stream.indirect.gather [hbm4b:s3+s14], $0x1, s13, s14, $0xb8;
	[tilespmem:$0xE100] =	vst v63  }
0x105: {  	s13 =	simm.s32 $0x1980;
	s16 =	simm.s32 $0x3F00  }
0x106: {  	[tilespmem:s16], [sflag:$0x1] =	stream.indirect.gather [hbm4b:s3+s14], $0x1, s13, s14, $0xb8;
	[tilespmem:$0xE100] =	vst v63  }
0x107: {  	s13 =	simm.s32 $0x1A00;
	s16 =	simm.s32 $0x3F80  }
0x108: {  	[tilespmem:s16], [sflag:$0x1] =	stream.indirect.gather [hbm4b:s3+s14], $0x1, s13, s14, $0xb8;
	[tilespmem:$0xE100] =	vst v63  }
0x109: {  	s13 =	simm.s32 $0x1A80;
	s16 =	simm.s32 $0x4000  }
0x10a: {  	[tilespmem:s16], [sflag:$0x1] =	stream.indirect.gather [hbm4b:s3+s14], $0x1, s13, s14, $0xb8;
	[tilespmem:$0xE100] =	vst v63  }
0x10b: {  	s13 =	simm.s32 $0x1B00;
	s16 =	simm.s32 $0x4080  }
0x10c: {  	[tilespmem:s16], [sflag:$0x1] =	stream.indirect.gather [hbm4b:s3+s14], $0x1, s13, s14, $0xb8;
	[tilespmem:$0xE100] =	vst v63  }
0x10d: {  	s13 =	simm.s32 $0x1B80;
	s16 =	simm.s32 $0x4100  }
0x10e: {  	[tilespmem:s16], [sflag:$0x1] =	stream.indirect.gather [hbm4b:s3+s14], $0x1, s13, s14, $0xb8;
	[tilespmem:$0xE100] =	vst v63  }
0x10f: {  	s13 =	simm.s32 $0x1C00;
	s16 =	simm.s32 $0x4180  }
0x110: {  	[tilespmem:s16], [sflag:$0x1] =	stream.indirect.gather [hbm4b:s3+s14], $0x1, s13, s14, $0xb8;
	[tilespmem:$0xE100] =	vst v63  }
0x111: {  	s13 =	simm.s32 $0x1C80;
	s16 =	simm.s32 $0x4200  }
0x112: {  	[tilespmem:s16], [sflag:$0x1] =	stream.indirect.gather [hbm4b:s3+s14], $0x1, s13, s14, $0xb8;
	[tilespmem:$0xE100] =	vst v63  }
0x113: {  	s13 =	simm.s32 $0x1D00;
	s16 =	simm.s32 $0x4280  }
0x114: {  	[tilespmem:s16], [sflag:$0x1] =	stream.indirect.gather [hbm4b:s3+s14], $0x1, s13, s14, $0xb8;
	[tilespmem:$0xE100] =	vst v63  }
0x115: {  	s13 =	simm.s32 $0x1D80;
	s16 =	simm.s32 $0x4300  }
0x116: {  	[tilespmem:s16], [sflag:$0x1] =	stream.indirect.gather [hbm4b:s3+s14], $0x1, s13, s14, $0xb8;
	[tilespmem:$0xE100] =	vst v63  }
0x117: {  	_ =	swait.ge [sflag:s23], $0x80  }
0x118: {  	[sflag:s23] =	ssyncset.done $0x0  }
0x119: {  	[sflag:s23] =	ssyncadd.s32 $0xFFFFFF80  }
0x11a: {  	_ =	swait.ge [sflag:s23], $0x80  }
0x11b: {  	[sflag:s23] =	ssyncset.done $0x0  }
0x11c: {  	[sflag:s23] =	ssyncadd.s32 $0xFFFFFF80  }
0x11d: {  	_ =	swait.ge [sflag:s23], $0x80  }
0x11e: {  	[sflag:s23] =	ssyncset.done $0x0  }
0x11f: {  	[sflag:s23] =	ssyncadd.s32 $0xFFFFFF80  }
0x120: {  	_ =	swait.ge [sflag:s23], $0x80  }
0x121: {  	[sflag:s23] =	ssyncset.done $0x0  }
0x122: {  	[sflag:s23] =	ssyncadd.s32 $0xFFFFFF80  }
0x123: {  	_ =	swait.ge [sflag:s23], $0x80  }
0x124: {  	[sflag:s23] =	ssyncset.done $0x0  }
0x125: {  	[sflag:s23] =	ssyncadd.s32 $0xFFFFFF80  }
0x126: {  	_ =	swait.ge [sflag:s23], $0x80  }
0x127: {  	[sflag:s23] =	ssyncset.done $0x0  }
0x128: {  	[sflag:s23] =	ssyncadd.s32 $0xFFFFFF80  }
0x129: {  	_ =	swait.ge [sflag:s23], $0x80  }
0x12a: {  	[sflag:s23] =	ssyncset.done $0x0  }
0x12b: {  	[sflag:s23] =	ssyncadd.s32 $0xFFFFFF80  }
0x12c: {  	_ =	swait.ge [sflag:s23], $0x80  }
0x12d: {  	[sflag:s23] =	ssyncset.done $0x0  }
0x12e: {  	[sflag:s23] =	ssyncadd.s32 $0xFFFFFF80  }
0x12f: {  	_ =	swait.ge [sflag:s23], $0x80  }
0x130: {  	[sflag:s23] =	ssyncset.done $0x0  }
0x131: {  	[sflag:s23] =	ssyncadd.s32 $0xFFFFFF80  }
0x132: {  	_ =	swait.ge [sflag:s23], $0x80  }
0x133: {  	[sflag:s23] =	ssyncset.done $0x0  }
0x134: {  	[sflag:s23] =	ssyncadd.s32 $0xFFFFFF80  }
0x135: {  	_ =	swait.ge [sflag:s23], $0x80  }
0x136: {  	[sflag:s23] =	ssyncset.done $0x0  }
0x137: {  	[sflag:s23] =	ssyncadd.s32 $0xFFFFFF80  }
0x138: {  	_ =	swait.ge [sflag:s23], $0x80  }
0x139: {  	[sflag:s23] =	ssyncset.done $0x0  }
0x13a: {  	[sflag:s23] =	ssyncadd.s32 $0xFFFFFF80  }
0x13b: {  	_ =	swait.ge [sflag:s23], $0x80  }
0x13c: {  	[sflag:s23] =	ssyncset.done $0x0  }
0x13d: {  	[sflag:s23] =	ssyncadd.s32 $0xFFFFFF80  }
0x13e: {  	_ =	swait.ge [sflag:s23], $0x80  }
0x13f: {  	[sflag:s23] =	ssyncset.done $0x0  }
0x140: {  	[sflag:s23] =	ssyncadd.s32 $0xFFFFFF80  }
0x141: {  	_ =	swait.ge [sflag:s23], $0x80  }
0x142: {  	[sflag:s23] =	ssyncset.done $0x0  }
0x143: {  	s13 =	simm.s32 $0x1E00;
	s16 =	simm.s32 $0x4380;
	[sflag:s23] =	ssyncadd.s32 $0xFFFFFF80  }
0x144: {  	[tilespmem:s16], [sflag:$0x1] =	stream.indirect.gather [hbm4b:s3+s14], $0x1, s13, s14, $0xb8;
	[tilespmem:$0xE100] =	vst v63  }
0x145: {  	s13 =	simm.s32 $0x1E80;
	s16 =	simm.s32 $0x4400  }
0x146: {  	[tilespmem:s16], [sflag:$0x1] =	stream.indirect.gather [hbm4b:s3+s14], $0x1, s13, s14, $0xb8;
	[tilespmem:$0xE100] =	vst v63  }
0x147: {  	s13 =	simm.s32 $0x1F00;
	s16 =	simm.s32 $0x4480  }
0x148: {  	[tilespmem:s16], [sflag:$0x1] =	stream.indirect.gather [hbm4b:s3+s14], $0x1, s13, s14, $0xb8;
	[tilespmem:$0xE100] =	vst v63  }
0x149: {  	s13 =	simm.s32 $0x1F80;
	s16 =	simm.s32 $0x4500  }
0x14a: {  	[tilespmem:s16], [sflag:$0x1] =	stream.indirect.gather [hbm4b:s3+s14], $0x1, s13, s14, $0xb8;
	[tilespmem:$0xE100] =	vst v63  }
0x14b: {  	s13 =	simm.s32 $0x2000;
	s16 =	simm.s32 $0x4580  }
0x14c: {  	[tilespmem:s16], [sflag:$0x1] =	stream.indirect.gather [hbm4b:s3+s14], $0x1, s13, s14, $0xb8;
	[tilespmem:$0xE100] =	vst v63  }
0x14d: {  	s13 =	simm.s32 $0x2080;
	s16 =	simm.s32 $0x4600  }
0x14e: {  	[tilespmem:s16], [sflag:$0x1] =	stream.indirect.gather [hbm4b:s3+s14], $0x1, s13, s14, $0xb8;
	[tilespmem:$0xE100] =	vst v63  }
0x14f: {  	s13 =	simm.s32 $0x2100;
	s16 =	simm.s32 $0x4680  }
0x150: {  	[tilespmem:s16], [sflag:$0x1] =	stream.indirect.gather [hbm4b:s3+s14], $0x1, s13, s14, $0xb8;
	[tilespmem:$0xE100] =	vst v63  }
0x151: {  	s13 =	simm.s32 $0x2180;
	s16 =	simm.s32 $0x4700  }
0x152: {  	[tilespmem:s16], [sflag:$0x1] =	stream.indirect.gather [hbm4b:s3+s14], $0x1, s13, s14, $0xb8;
	[tilespmem:$0xE100] =	vst v63  }
0x153: {  	s13 =	simm.s32 $0x2200;
	s16 =	simm.s32 $0x4780  }
0x154: {  	[tilespmem:s16], [sflag:$0x1] =	stream.indirect.gather [hbm4b:s3+s14], $0x1, s13, s14, $0xb8;
	[tilespmem:$0xE100] =	vst v63  }
0x155: {  	_ = 	snop  }
0x156: {  	[tilespmem:s18], [sflag:$0x1] =	stream.indirect.gather [hbm4b:s3+s14], $0x1, s17, s14, $0xb8;
	[tilespmem:$0xE100] =	vst v63  }
0x157: {  	_ = 	snop  }
0x158: {  	[tilespmem:s20], [sflag:$0x1] =	stream.indirect.gather [hbm4b:s3+s14], $0x1, s19, s14, $0xb8;
	[tilespmem:$0xE100] =	vst v63  }
0x159: {  	_ = 	snop  }
0x15a: {  	[tilespmem:s22], [sflag:$0x1] =	stream.indirect.gather [hbm4b:s3+s14], $0x1, s21, s14, $0xb8;
	[tilespmem:$0xE100] =	vst v63  }
0x15b: {  	_ = 	snop  }
0x15c: {  	[tilespmem:s25], [sflag:$0x1] =	stream.indirect.gather [hbm4b:s3+s14], $0x1, s24, s14, $0xb8;
	[tilespmem:$0xE100] =	vst v63  }
0x15d: {  	_ = 	snop  }
0x15e: {  	[tilespmem:s28], [sflag:$0x1] =	stream.indirect.gather [hbm4b:s3+s14], $0x1, s26, s14, $0xb8;
	[tilespmem:$0xE100] =	vst v63  }
0x15f: {  	_ = 	snop  }
0x160: {  	[tilespmem:s30], [sflag:$0x1] =	stream.indirect.gather [hbm4b:s3+s14], $0x1, s29, s14, $0xb8;
	[tilespmem:$0xE100] =	vst v63  }
0x161: {  	_ =	swait.ge [sflag:s23], $0x80  }
0x162: {  	[sflag:s23] =	ssyncset.done $0x0  }
0x163: {  	[sflag:s23] =	ssyncadd.s32 $0xFFFFFF80  }
0x164: {  	_ =	swait.ge [sflag:s23], $0x80  }
0x165: {  	[sflag:s23] =	ssyncset.done $0x0  }
0x166: {  	[sflag:s23] =	ssyncadd.s32 $0xFFFFFF80  }
0x167: {  	_ =	swait.ge [sflag:s23], $0x80  }
0x168: {  	[sflag:s23] =	ssyncset.done $0x0  }
0x169: {  	[sflag:s23] =	ssyncadd.s32 $0xFFFFFF80  }
0x16a: {  	_ =	swait.ge [sflag:s23], $0x80  }
0x16b: {  	[sflag:s23] =	ssyncset.done $0x0  }
0x16c: {  	[sflag:s23] =	ssyncadd.s32 $0xFFFFFF80  }
0x16d: {  	_ =	swait.ge [sflag:s23], $0x80  }
0x16e: {  	[sflag:s23] =	ssyncset.done $0x0  }
0x16f: {  	[sflag:s23] =	ssyncadd.s32 $0xFFFFFF80  }
0x170: {  	_ =	swait.ge [sflag:s23], $0x80  }
0x171: {  	[sflag:s23] =	ssyncset.done $0x0  }
0x172: {  	[sflag:s23] =	ssyncadd.s32 $0xFFFFFF80  }
0x173: {  	_ =	swait.ge [sflag:s23], $0x80  }
0x174: {  	[sflag:s23] =	ssyncset.done $0x0  }
0x175: {  	[sflag:s23] =	ssyncadd.s32 $0xFFFFFF80  }
0x176: {  	_ =	swait.ge [sflag:s23], $0x80  }
0x177: {  	[sflag:s23] =	ssyncset.done $0x0  }
0x178: {  	[sflag:s23] =	ssyncadd.s32 $0xFFFFFF80  }
0x179: {  	_ =	swait.ge [sflag:s23], $0x80  }
0x17a: {  	[sflag:s23] =	ssyncset.done $0x0  }
0x17b: {  	[sflag:s23] =	ssyncadd.s32 $0xFFFFFF80  }
0x17c: {  	_ =	swait.ge [sflag:s23], $0x80  }
0x17d: {  	[sflag:s23] =	ssyncset.done $0x0  }
0x17e: {  	[sflag:s23] =	ssyncadd.s32 $0xFFFFFF80  }
0x17f: {  	_ =	swait.ge [sflag:s23], $0x80  }
0x180: {  	[sflag:s23] =	ssyncset.done $0x0  }
0x181: {  	[sflag:s23] =	ssyncadd.s32 $0xFFFFFF80  }
0x182: {  	_ =	swait.ge [sflag:s23], $0x80  }
0x183: {  	[sflag:s23] =	ssyncset.done $0x0  }
0x184: {  	[sflag:s23] =	ssyncadd.s32 $0xFFFFFF80  }
0x185: {  	_ =	swait.ge [sflag:s23], $0x80  }
0x186: {  	[sflag:s23] =	ssyncset.done $0x0  }
0x187: {  	[sflag:s23] =	ssyncadd.s32 $0xFFFFFF80  }
0x188: {  	_ =	swait.ge [sflag:s23], $0x80  }
0x189: {  	[sflag:s23] =	ssyncset.done $0x0  }
0x18a: {  	[sflag:s23] =	ssyncadd.s32 $0xFFFFFF80  }
0x18b: {  	_ =	swait.ge [sflag:s23], $0x80  }
0x18c: {  	[sflag:s23] =	ssyncset.done $0x0  }
0x18d: {  	s12 =	simm.s32 $0x0;
	[sflag:s23] =	ssyncadd.s32 $0xFFFFFF80  }
0x18e: {  	v3 =	vld [tilespmem:s12+$0x2580]  }
0x18f: {  	v1 =	vld [tilespmem:s12+$0x7080]  }
0x190: {  	v2 =	vld [tilespmem:s12+$0x4B00];
	_ =	sdelay $0x1  }
0x191: {  	v4 =	vmov s15;
	v5 =	vor.u32 s15, v0;
	s10 =	smov.u32 s15;
	s13 =	simm.s32 $0x40  }
.LBB2_2:
0x192: {  	s16 =	sshra.s32 s13, $0x2;
	p0 =	sne.s32 s13, $0x95C0;
	s13 =	sadd.s32 $0x40, s13;
	vm0 =	veq.s32 v3, v5;
	vm1 =	vlt.u32 v4, $0x493E0  }
.Ltmp0:
0x193: {  	v3 =	vld [tilespmem:s16+$0x2580];
	vm0 =	vmand vm1, vm0;
	(pc) =	sbr.rel @p0 .LBB2_2-.Ltmp0, $4  }
0x194: {  	v4 =	vnsel vm0, $0xC350, v1;
	v1 =	vld [tilespmem:s16+$0x7080];
	v5 =	vnsel vm0, $0xC350, v2  }
0x195: {  	v2 =	vld [tilespmem:s16+$0x4B00];
	[tilespmem:s12+$0xBB80] =	vst v5  }
0x196: {  	s10 =	sadd.s32 $0x10, s10;
	[tilespmem:s12+$0x9600] =	vst v4;
	s12 =	smov.u32 s16  }
0x197: {  	v5 =	vor.u32 s10, v0;
	v4 =	vmov s10  }
0x198: {  	vm0 =	veq.s32 v3, v5;
	vm1 =	vlt.u32 v4, $0x493E0  }
0x199: {  	vm0 =	vmand vm1, vm0  }
0x19a: {  	v2 =	vnsel vm0, $0xC350, v2  }
0x19b: {  	v1 =	vnsel vm0, $0xC350, v1;
	[tilespmem:s12+$0xBB80] =	vst v2  }
0x19c: {  	[tilespmem:s12+$0x9600] =	vst v1  }
0x19d: {  	[hbm4b:s7+s2] =	stream.linear.scatter [tilespmem:s31], [sflag:$0x2], $0x2580, $0x38;
	[tilespmem:$0xE100] =	vst v63  }
0x19e: {  	s0 =	sadd.s32 $0x1, s0;
	_ =	swait.ge [sflag:s11], $0x2580  }
0x19f: {  	p0 =	sne.s32 s0, s9;
	[sflag:s11] =	ssyncset.done $0x0  }
.Ltmp1:
0x1a0: {  	[sflag:s11] =	ssyncadd.s32 $0xFFFFDA80;
	(pc) =	sbr.rel @p0 .LBB2_1-.Ltmp1, $4  }
0x1a1: {  	[hbm4b:s8+s2] =	stream.linear.scatter [tilespmem:s1], [sflag:$0x2], $0x2580, $0x38;
	[tilespmem:$0xE100] =	vst v63  }
0x1a2: {  	_ =	swait.ge [sflag:s11], $0x2580  }
0x1a3: {  	[sflag:s11] =	ssyncset.done $0x0  }
0x1a4: {  	[sflag:s11] =	ssyncadd.s32 $0xFFFFDA80  }
0x1a5: {  	_ =	sfence.sel $0x180000  }
0x1a6: {  	[bflag:$0x0] =	sbarrier.arrive $0xFFFF  }
0x1a7: {  	_ =	strace $0x9000004A  }
0x1a8: {  	s0 =	stileid.u32;
	[bflag:$0x2] =	sbarrier.arrive $0xFFFF  }
0x1a9: {  	p0 =	sne.s32 s0, $0x0;
	s0 =	rddreg [dreg:$0x1]  }
0x1aa: {  	s0 =	sadd.s32 @!p0 $0x100000, s0  }
0x1ab: {  	[sflag:s0] =	ssyncadd.tile.s32 @!p0 $0x1;
	_ =	shalt  }
.Lfunc_end2:
_tile_overlayer_lowered:
.L_overlay_start_2:
0x1ac: {  	(tag) =	ssettag $0x2  }
0x1ad: {  	s0 =	rddreg [dreg:$0x0];
	s2 =	stileid.u32  }
0x1ae: {  	s1 =	rddreg [dreg:$0x1];
	p0 =	sne.s32 s2, $0x0  }
0x1af: {  	s3 =	rddreg [dreg:$0x2];
	[bflag:$0x3] =	sbarrier.arrive $0xFFFF;
	s2 =	simm.s32 @!p0 $0x1C02  }
0x1b0: {  	[timem:s3], [sflag:s2] =	dma.local @!p0 [hbm:s0], s1  }
0x1b1: {  	s0 =	simm.s32 @!p0 $0x2  }
0x1b2: {  	_ =	swait.ge @!p0 [sflag:s0], s1  }
0x1b3: {  	s1 =	ssub.s32 @!p0 $0x0, s1;
	[sflag:s0] =	ssyncset.done @!p0 $0x0  }
0x1b4: {  	[sflag:s0] =	ssyncadd.s32 @!p0 s1  }
0x1b5: {  	[bflag:$0x3] =	sbarrier.arrive $0xFFFF  }
0x1b6: {  	_ =	shalt  }

// kernel: sc_dedup_scatter_gather_j0.3.cloned.1.call-start
scs
__scs_entry_jumppad:
0x0: {  	(pc) =	sbr.rel $0x88, $3  }
0x1: {  	(tag) =	ssettag $0x0;
	lr =	simm.s32 $0x1  }
0x2: {  	[smem:$0x3F82] =	sst lr;
	_ =	strace $0xD0000000  }
0x3: {  	_ = 	snop  }
0x4: {  	_ = 	snop  }
0x5: {  	_ = 	snop  }
0x6: {  	_ = 	snop  }
0x7: {  	_ = 	snop  }
__scs_overlays_trampoline_lowered:
0x8: {  	[smem:$0x3F91] =	sst s0  }
0x9: {  	[smem:$0x3F92] =	sst s1  }
0xa: {  	[smem:$0x3F93] =	sst s2  }
0xb: {  	[smem:$0x3F94] =	sst s3  }
0xc: {  	[smem:$0x3F95] =	sst s4  }
0xd: {  	[smem:$0x3F96] =	sst s5  }
0xe: {  	[smem:$0x3F97] =	sst s6  }
0xf: {  	[smem:$0x3F98] =	sst s7  }
0x10: {  	[smem:$0x3F99] =	sst s8  }
0x11: {  	[smem:$0x3F9A] =	sst s9;
	s0 =	simm.s32 @!p0 $0x0  }
0x12: {  	s1 =	sld [smem:$0x3F80];
	s0 =	simm.s32 @p0 $0x1  }
0x13: {  	[smem:$0x3F9B] =	sst s0;
	s0 =	simm.s32 @!p1 $0x0  }
0x14: {  	s2 =	sld [smem:$0x3F7F];
	s0 =	simm.s32 @p1 $0x1  }
0x15: {  	[smem:$0x3F9C] =	sst s0;
	s0 =	simm.s32 @!p2 $0x0  }
0x16: {  	s3 =	sld [smem:$0x3FDB];
	s0 =	simm.s32 @p2 $0x1  }
0x17: {  	s4 =	simm.s32 $0x1BF5;
	[smem:$0x3F9E] =	sst s0  }
0x18: {  	s0 =	sld [smem:$0x3F81];
	_ =	swait.ge [sflag:s4], $0x0  }
0x19: {  	s7 =	sld [smem:$0x3F82]  }
0x1a: {  	s8 =	sadd.s32 $0xFFFFE003, lr  }
0x1b: {  	s9 =	sadd.s32 $0xFFFFFEF7, lr;
	s5 =	simm.s32 $0xFFFFFFFF;
	p2 =	slt.u32 s8, $0xFFFFF086  }
0x1c: {  	p1 =	slt.u32 s9, $0xF7A;
	s5 =	simm.s32 @!p2 $0x0  }
0x1d: {  	s5 =	simm.s32 @p1 $0x1;
	p0 =	seq.s32 s7, s2  }
0x1e: {  	s7 =	smul.u32 @!p0 $0xF7A, s2;
	p2 =	seq.s32 @!p0 s5, $0x0  }
0x1f: {  	s9 =	smul.u32 $0xF7A, s1;
	s8 =	simm.s32 @!p0 $0x1BF5;
	p2 =	por !p2, p0  }
0x20: {  	[sflag:s8] =	ssyncset.s32 @!p0 $0xFFFFF086;
	s6 =	sadd.s32 @!p0 s3, s7;
	s7 =	simm.s32 @!p0 $0x108  }
0x21: {  	s3 =	sadd.s32 s3, s9;
	s6 =	sadd.s32 @!p0 $0x88, s6;
	s7 =	simm.s32 @p2 $0x1082  }
0x22: {  	[simem:s7], [sflag:s8] =	dma.local @!p0 [hbm:s6], $0xF7A  }
0x23: {  	s9 =	sor.u32 $0xD0000000, s2;
	s6 =	simm.s32 $0x108;
	_ =	swait.ge @!p0 [sflag:s8], $0x0  }
0x24: {  	s3 =	sadd.s32 $0x88, s3;
	s6 =	simm.s32 @!p1 $0x1082;
	[sflag:s4] =	ssyncset.s32 $0xFFFFF086  }
0x25: {  	[simem:s6], [sflag:s4] =	dma.local [hbm:s3], $0xF7A  }
0x26: {  	[smem:$0x3F82] =	sst s1;
	(tag) =	ssettag s2;
	_ =	strace s9  }
0x27: {  	s1 =	sld [smem:$0x3F92]  }
0x28: {  	s2 =	sld [smem:$0x3F93]  }
0x29: {  	s4 =	sld [smem:$0x3F95]  }
0x2a: {  	p0 =	seq.s32 s5, $0x0;
	s5 =	sld [smem:$0x3F96]  }
0x2b: {  	s6 =	sld [smem:$0x3F97]  }
0x2c: {  	s7 =	sld [smem:$0x3F98]  }
0x2d: {  	s3 =	simm.s32 $0x108;
	s8 =	sld [smem:$0x3F99]  }
0x2e: {  	s3 =	simm.s32 @!p0 $0x1082;
	s9 =	sld [smem:$0x3F9A]  }
0x2f: {  	lr =	sadd.s32 s0, s3;
	s0 =	sld [smem:$0x3F91]  }
0x30: {  	s3 =	sld [smem:$0x3F94]  }
0x31: {  	[smem:$0x3F9D] =	sst s10  }
0x32: {  	s10 =	sld [smem:$0x3F9B];
	_ =	sdelay $0x3  }
0x33: {  	p0 =	seq.s32 s10, $0x1;
	s10 =	sld [smem:$0x3F9D];
	_ =	sdelay $0x3  }
0x34: {  	[smem:$0x3F9D] =	sst s10  }
0x35: {  	s10 =	sld [smem:$0x3F9C];
	_ =	sdelay $0x3  }
0x36: {  	p1 =	seq.s32 s10, $0x1;
	s10 =	sld [smem:$0x3F9D];
	_ =	sdelay $0x3  }
0x37: {  	[smem:$0x3F9D] =	sst s10  }
0x38: {  	s10 =	sld [smem:$0x3F9E]  }
0x39: {  	_ = 	snop;
	(pc) =	sbr.ind lr, $3  }
0x3a: {  	_ = 	snop  }
0x3b: {  	_ = 	snop  }
0x3c: {  	p2 =	seq.s32 s10, $0x1;
	s10 =	sld [smem:$0x3F9D]  }
0x3d: {  	_ =	shalt  }
0x3e: {  	_ =	shalt  }
0x3f: {  	_ =	shalt  }
0x40: {  	_ =	shalt  }
0x41: {  	_ =	shalt  }
0x42: {  	_ =	shalt  }
0x43: {  	_ =	shalt  }
0x44: {  	_ =	shalt  }
0x45: {  	_ =	shalt  }
0x46: {  	_ =	shalt  }
0x47: {  	_ =	shalt  }
0x48: {  	_ =	shalt  }
0x49: {  	_ =	shalt  }
0x4a: {  	_ =	shalt  }
0x4b: {  	_ =	shalt  }
0x4c: {  	_ =	shalt  }
0x4d: {  	_ =	shalt  }
0x4e: {  	_ =	shalt  }
0x4f: {  	_ =	shalt  }
0x50: {  	_ =	shalt  }
0x51: {  	_ =	shalt  }
0x52: {  	_ =	shalt  }
0x53: {  	_ =	shalt  }
0x54: {  	_ =	shalt  }
0x55: {  	_ =	shalt  }
0x56: {  	_ =	shalt  }
0x57: {  	_ =	shalt  }
0x58: {  	_ =	shalt  }
0x59: {  	_ =	shalt  }
0x5a: {  	_ =	shalt  }
0x5b: {  	_ =	shalt  }
0x5c: {  	_ =	shalt  }
0x5d: {  	_ =	shalt  }
0x5e: {  	_ =	shalt  }
0x5f: {  	_ =	shalt  }
0x60: {  	_ =	shalt  }
0x61: {  	_ =	shalt  }
0x62: {  	_ =	shalt  }
0x63: {  	_ =	shalt  }
0x64: {  	_ =	shalt  }
0x65: {  	_ =	shalt  }
0x66: {  	_ =	shalt  }
0x67: {  	_ =	shalt  }
0x68: {  	_ =	shalt  }
0x69: {  	_ =	shalt  }
0x6a: {  	_ =	shalt  }
0x6b: {  	_ =	shalt  }
0x6c: {  	_ =	shalt  }
0x6d: {  	_ =	shalt  }
0x6e: {  	_ =	shalt  }
0x6f: {  	_ =	shalt  }
0x70: {  	_ =	shalt  }
0x71: {  	_ =	shalt  }
0x72: {  	_ =	shalt  }
0x73: {  	_ =	shalt  }
0x74: {  	_ =	shalt  }
0x75: {  	_ =	shalt  }
0x76: {  	_ =	shalt  }
0x77: {  	_ =	shalt  }
0x78: {  	_ =	shalt  }
0x79: {  	_ =	shalt  }
0x7a: {  	_ =	shalt  }
0x7b: {  	_ =	shalt  }
0x7c: {  	_ =	shalt  }
0x7d: {  	_ =	shalt  }
0x7e: {  	_ =	shalt  }
0x7f: {  	_ =	shalt  }
0x80: {  	_ =	shalt  }
0x81: {  	_ =	shalt  }
0x82: {  	_ =	shalt  }
0x83: {  	_ =	shalt  }
0x84: {  	_ =	shalt  }
0x85: {  	_ =	shalt  }
0x86: {  	_ =	shalt  }
0x87: {  	_ =	shalt  }
.Lfunc_end0:
.L_simem_size_0:
called_computation_lowered:
.L_overlay_start_0:
0x88: {  	s2 =	sld [smem:$0x3FD9]  }
0x89: {  	s3 =	sld [smem:$0x3FFE];
	_ =	sdelay $0x1  }
0x8a: {  	s1 =	srdreg.scid  }
0x8b: {  	s0 =	sand.u32 $0x1, s1  }
0x8c: {  	s16 =	sshll.u32 s0, $0xA;
	s2 =	sadd.s32 s3, s2  }
0x8d: {  	s2 =	sadd.s32 s2, s16  }
0x8e: {  	[smem:$0x3FA9] =	sst s2  }
0x8f: {  	_ = 	snop  }
0x90: {  	(tm) =	ssettm $0x1  }
0x91: {  	s17 =	sld [smem:$0x3FFB];
	_ =	sdelay $0x3  }
0x92: {  	_ =	strace s17  }
0x93: {  	s2 =	sld [smem:$0x3FFC];
	_ =	sdelay $0x3  }
0x94: {  	_ =	strace s2  }
0x95: {  	s2 =	sld [smem:$0x3FFD];
	_ =	sdelay $0x3  }
0x96: {  	_ =	strace s2  }
0x97: {  	_ =	strace $0x8FFFFFFF  }
0x98: {  	s18 =	sld [smem:$0x3FDB];
	_ =	sdelay $0x1  }
0x99: {  	s19 =	simm.s32 $_scs_section_size  }
0x9a: {  	s4 =	simm.s32 $_size__tile_overlayer_lowered;
	s5 =	simm.s32 $_tile_overlayer_lowered  }
0x9b: {  	s22 =	simm.s32 $0x1BFF;
	s21 =	sshll.u32 s5, $0x1;
	s2 =	sadd.s32 s19, s18  }
0x9c: {  	s6 =	simm.s32 $0x0;
	s20 =	sshll.u32 s4, $0x1;
	s4 =	sadd.s32 s21, s2  }
0x9d: {  	[timem:s6], [sflag:s22] =	dma.local [hbm:s4], s20  }
0x9e: {  	_ =	swait.ge [sflag:s22], s20  }
0x9f: {  	s3 =	ssub.s32 $0x0, s20;
	[sflag:s22] =	ssyncset.done $0x0  }
0xa0: {  	[sflag:s22] =	ssyncadd.s32 s3;
	_ =	sdelay $0x1  }
0xa1: {  	s23 =	simm.s32 $0x1B8B  }
0xa2: {  	_ =	swait.ge [sflag:s23], $0x1  }
0xa3: {  	[sflag:s23] =	ssyncset.done $0x0  }
0xa4: {  	s25 =	simm.s32 $0x1B8E;
	s24 =	sld [smem:$0x3FFE];
	[sflag:s23] =	ssyncadd.s32 $0xFFFFFFFF  }
0xa5: {  	s26 =	simm.s32 $execute0_lowered;
	[smem:$0x3FD2] =	sst s25  }
0xa6: {  	s4 =	sshll.u32 s26, $0x1;
	_ =	strace $0x80000046;
	[dreg:$0x1] =	wrdreg $0xFFFFFFFF  }
0xa7: {  	s28 =	simm.s32 $_size_execute0_lowered;
	s2 =	sadd.s32 s2, s4;
	[dreg:$0x0] =	wrdreg $0x0  }
0xa8: {  	s4 =	sshll.u32 s28, $0x1;
	[dreg:$0x2] =	wrdreg s2  }
0xa9: {  	[dreg:$0x3] =	wrdreg s4  }
0xaa: {  	[dreg:$0x4] =	wrdreg $0xC0  }
0xab: {  	_ =	task [dreg:s6], $0x5FFFF  }
0xac: {  	[dreg:$0x1] =	wrdreg $0xFFFFFFFF  }
0xad: {  	[dreg:$0x0] =	wrdreg $0x60  }
0xae: {  	[dreg:$0x2] =	wrdreg s24  }
0xaf: {  	[dreg:$0x3] =	wrdreg $0x9  }
0xb0: {  	_ =	task.clear_ibuf [dreg:s6], $0x4FFFF;
	_ =	strace $0x90000046  }
0xb1: {  	s29 =	simm.s32 $0x9;
	_ =	strace $0x80000048  }
0xb2: {  	_ =	swait.ge [sflag:s29], $0x1  }
0xb3: {  	[sflag:s29] =	ssyncadd.s32 $0xFFFFFFFF  }
0xb4: {  	_ =	strace $0x90000048  }
0xb5: {  	_ =	sfence  }
0xb6: {  	s30 =	sld [smem:$0x0];
	_ =	sdelay $0x2  }
0xb7: {  	s31 =	sshll.u32 s1, $0xD;
	s1 =	sshrl.u32 s1, $0x2  }
0xb8: {  	s3 =	sand.u32 $0x4000, s31;
	s1 =	sadd.s32 s1, s30  }
0xb9: {  	s0 =	sor.u32 s3, s0;
	s1 =	sshll.u32 s1, $0x11  }
0xba: {  	s0 =	sor.u32 s1, s0  }
0xbb: {  	s0 =	sadd.s32 $0x8F2B, s0  }
0xbc: {  	[sflag:s0] =	ssyncadd.remote.s32 $0x1  }
0xbd: {  	_ =	sfence.sel $0xFFFF  }
0xbe: {  	[dreg:$0x0] =	wrdreg $0xFFFFFFFF;
	(pc) =	sbr.abs _section_cstart, $3  }
0xbf: {  	[dreg:$0x1] =	wrdreg $0xFFFFFFFF  }
0xc0: {  	_ =	task.clear_ibuf [dreg:s6], $0x2FFFF;
	_ =	strace $0x9FFFFFFF  }
0xc1: {  	(tm) =	ssettm $0x7FFFFFFF  }
tec
execute0_lowered:
.L_overlay_start_1:
0x0: {  	(tag) =	ssettag $0x1  }
0x1: {  	s0 =	srdreg.scid  }
0x2: {  	s10 =	stileid.u32;
	s1 =	rddreg [dreg:$0x0];
	s2 =	simm.s32 $0x0  }
0x3: {  	s11 =	simm.s32 $0x4;
	s14 =	simm.s32 $0x80;
	s15 =	simm.s32 $0x2  }
0x4: {  	s16 =	simm.s32 $0x3;
	s17 =	simm.s32 $0x1;
	s18 =	simm.s32 $0x0  }
0x5: {  	s0 =	sand.u32 $0x1, s0;
	s3 =	sshll.u32 s10, $0x1;
	[smem:$0x7FF] =	sst s2  }
0x6: {  	s28 =	sadd.s32 $0x421A00, s1;
	s10 =	smul.u32 $0xE1000, s10;
	s3 =	sor.u32 s0, s3  }
0x7: {  	_ =	strace $0x80000047;
	s7 =	ssub.s32 $0x2, s0;
	s4 =	smul.u32 $0x780, s3  }
0x8: {  	[dreg:$0x2] =	wrdreg s28;
	s5 =	smul.u32 $0x960, s3;
	s9 =	sshrl.u32 s7, $0x1  }
0x9: {  	s3 =	sadd.s32 $0x114200, s1;
	s29 =	ssub.s32 s7, s9;
	s6 =	sadd.s32 s4, s1  }
0xa: {  	s8 =	sadd.s32 s5, s1;
	s4 =	sadd.s32 $0x7A5A00, s1;
	s1 =	smax.u32 s29, $0x1  }
0xb: {  	p0 =	seq.s32 s0, $0x0;
	s30 =	sadd.s32 $0x2F000, s6;
	[dreg:$0x6] =	wrdreg s1  }
0xc: {  	s0 =	smul.u32 $0x70800, s0;
	s6 =	sadd.s32 $0x15D600, s6;
	[dreg:$0x3] =	wrdreg s30  }
0xd: {  	s5 =	simm.s32 $0x78;
	s31 =	sadd.s32 $0x3E000, s8;
	[dreg:$0x4] =	wrdreg s6  }
0xe: {  	s10 =	sadd.s32 s0, s10;
	s5 =	simm.s32 @!p0 $0x1E;
	[dreg:$0x5] =	wrdreg s31  }
.LBB2_1:
0xf: {  	s0 =	rddreg [dreg:$0x3]  }
0x10: {  	[tilespmem:s2], [sflag:$0x4] =	stream.linear.gather [hbm4b:s0+s2], $0x3C00, $0x38;
	[tilespmem:$0x1B300] =	vst v63  }
0x11: {  	_ =	swait.ge [sflag:s11], $0x3C00  }
0x12: {  	[sflag:s11] =	ssyncset.done $0x0  }
0x13: {  	s1 =	simm.s32 $0x3C00;
	s25 =	rddreg [dreg:$0x4];
	[sflag:s11] =	ssyncadd.s32 $0xFFFFC400  }
0x14: {  	[tilespmem:s1], [sflag:$0x4] =	stream.linear.gather [hbm4b:s25+s2], $0x3C00, $0x38;
	[tilespmem:$0x1B300] =	vst v63  }
0x15: {  	_ =	swait.ge [sflag:s11], $0x3C00  }
0x16: {  	s30 =	simm.s32 $0x7800;
	p0 =	por $0x1, $0x1;
	[sflag:s11] =	ssyncset.done $0x0  }
0x17: {  	p2 =	sle.u32 s5, $0x0;
	s26 =	rddreg [dreg:$0x5];
	[sflag:s11] =	ssyncadd.s32 $0xFFFFC400  }
0x18: {  	[tilespmem:s30], [sflag:$0x4] =	stream.linear.gather [hbm4b:s26+s2], $0x4B00, $0x38;
	[tilespmem:$0x1B300] =	vst v63  }
0x19: {  	p3 =	sle.u32 s5, $0x1;
	s31 =	sand.u32 $0x1, s2;
	_ =	swait.ge [sflag:s11], $0x4B00  }
0x1a: {  	p1 =	por p0, p0;
	s6 =	simm.s32 @!p2 $0x3C00;
	[sflag:s11] =	ssyncset.done $0x0  }
0x1b: {  	s12 =	simm.s32 @!p2 $0x80;
	s0 =	simm.s32 @!p1 $0x3;
	[sflag:s11] =	ssyncadd.s32 $0xFFFFB500  }
0x1c: {  	p0 =	sle.u32 s5, $0x2;
	s13 =	simm.s32 @!p3 $0x3C80;
	_ =	swait.ge @!p1 [sflag:s0], $0x7800  }
0x1d: {  	s19 =	simm.s32 @!p3 $0x80;
	s1 =	simm.s32 @!p2 $0x0;
	[sflag:s0] =	ssyncset.done @!p1 $0x0  }
0x1e: {  	[sflag:s0] =	ssyncadd.s32 @!p1 $0xFFFF8800;
	p1 =	seq.s32 s31, $0x1;
	s0 =	simm.s32 $0x7800  }
0x1f: {  	[hbm4b:s4+s12] =	stream.indirect.scatter @!p2 [tilespmem:s6], [sflag:$0x1], $0x1, s1, s12, $0xb8;
	[tilespmem:$0x1B300] =	vst v63  }
0x20: {  	s1 =	simm.s32 @!p0 $0x3D00;
	s6 =	simm.s32 @!p3 $0x80;
	s12 =	simm.s32 @!p0 $0x80  }
0x21: {  	[hbm4b:s4+s6] =	stream.indirect.scatter @!p3 [tilespmem:s13], [sflag:$0x1], $0x1, s19, s6, $0xb8;
	[tilespmem:$0x1B300] =	vst v63  }
0x22: {  	p2 =	sle.u32 s5, $0x3;
	s0 =	simm.s32 @!p1 $0x0;
	s6 =	simm.s32 @!p0 $0x100  }
0x23: {  	[hbm4b:s4+s12] =	stream.indirect.scatter @!p0 [tilespmem:s1], [sflag:$0x1], $0x1, s6, s12, $0xb8;
	[tilespmem:$0x1B300] =	vst v63  }
0x24: {  	s1 =	simm.s32 @!p2 $0x3D80;
	s6 =	simm.s32 @!p2 $0x180;
	s12 =	simm.s32 @!p2 $0x80  }
0x25: {  	[hbm4b:s4+s12] =	stream.indirect.scatter @!p2 [tilespmem:s1], [sflag:$0x1], $0x1, s6, s12, $0xb8;
	[tilespmem:$0x1B300] =	vst v63  }
0x26: {  	s24 =	sadd.s32 $0xC300, s0;
	s6 =	simm.s32 $0x7800  }
0x27: {  	[tilespmem:s24], [sflag:$0x2] =	stream.indirect.gather [hbm4b:s3+s14], $0x30, s6, s14, $0xb8;
	[tilespmem:$0x1B300] =	vst v63  }
0x28: {  	s8 =	simm.s32 $0x7880;
	s7 =	sadd.s32 $0xDB00, s0  }
0x29: {  	[tilespmem:s7], [sflag:$0x2] =	stream.indirect.gather [hbm4b:s3+s14], $0x30, s8, s14, $0xb8;
	[tilespmem:$0x1B300] =	vst v63  }
0x2a: {  	s9 =	sadd.s32 $0xF300, s0;
	s12 =	simm.s32 $0x7900  }
0x2b: {  	[tilespmem:s9], [sflag:$0x2] =	stream.indirect.gather [hbm4b:s3+s14], $0x30, s12, s14, $0xb8;
	[tilespmem:$0x1B300] =	vst v63  }
0x2c: {  	s13 =	sadd.s32 $0x10B00, s0;
	s19 =	simm.s32 $0x7980  }
0x2d: {  	[tilespmem:s13], [sflag:$0x2] =	stream.indirect.gather [hbm4b:s3+s14], $0x30, s19, s14, $0xb8;
	[tilespmem:$0x1B300] =	vst v63  }
0x2e: {  	s20 =	simm.s32 $0x7A00;
	s0 =	sadd.s32 $0x12300, s0  }
0x2f: {  	[tilespmem:s0], [sflag:$0x2] =	stream.indirect.gather [hbm4b:s3+s14], $0x30, s20, s14, $0xb8;
	[tilespmem:$0x1B300] =	vst v63  }
0x30: {  	_ =	swait.ge [sflag:s15], $0x1800  }
0x31: {  	s21 =	smulhi.u32 $0x88888889, s2;
	s28 =	sadd.s32 $0x7800, s10;
	[sflag:s15] =	ssyncset.done $0x0  }
0x32: {  	p6 =	por $0x1, $0x1;
	s29 =	simm.s32 $0x2;
	[sflag:s15] =	ssyncadd.s32 $0xFFFFE800  }
0x33: {  	s22 =	sshrl.u32 s21, $0x3;
	s21 =	simm.s32 $0x800;
	_ =	swait.ge [sflag:s15], $0x1800  }
0x34: {  	s26 =	simm.s32 $0x1;
	s6 =	smul.u32 $0x70800, s22;
	[sflag:s15] =	ssyncset.done $0x0  }
0x35: {  	s25 =	smulhi.u32 $0x88888889, s26;
	p0 =	por p6, p6;
	[sflag:s15] =	ssyncadd.s32 $0xFFFFE800  }
0x36: {  	s30 =	ssub.s32 s10, s6;
	s6 =	simm.s32 $0x4;
	_ =	swait.ge [sflag:s15], $0x1800  }
0x37: {  	s12 =	sshrl.u32 s30, $0x3;
	s19 =	sshrl.u32 s25, $0x3;
	[sflag:s15] =	ssyncset.done $0x0  }
0x38: {  	s25 =	simm.s32 $0x1000;
	s31 =	smul.u32 $0x70800, s19;
	[sflag:s15] =	ssyncadd.s32 $0xFFFFE800  }
0x39: {  	s13 =	simm.s32 $0x6;
	s0 =	smul.u32 $0x1C2000, s22;
	_ =	swait.ge [sflag:s15], $0x1800  }
0x3a: {  	s20 =	simm.s32 $0x7C80;
	s22 =	simm.s32 $0x7;
	[sflag:s15] =	ssyncset.done $0x0  }
0x3b: {  	s23 =	ssub.s32 s28, s31;
	s28 =	sadd.s32 $0x7800, s28;
	[sflag:s15] =	ssyncadd.s32 $0xFFFFE800  }
.LBB2_2:
0x3c: {  	s7 =	simm.s32 @!p0 $0x3;
	_ =	swait.ge [sflag:s15], $0x1800  }
0x3d: {  	s31 =	smov.u32 s19;
	s30 =	smov.u32 s23;
	s9 =	smulhi.u32 $0x88888889, s29  }
0x3e: {  	p3 =	sge.u32 s6, s5;
	s8 =	sadd.s32 $0xFFFFFFFE, s22;
	p2 =	sge.u32 s13, s5  }
0x3f: {  	s6 =	rddreg [dreg:$0x2];
	s23 =	sshra.s32 @!p3 s21, $0x2;
	[sflag:s15] =	ssyncset.done $0x0  }
0x40: {  	p4 =	sge.u32 s8, s5;
	s8 =	simm.s32 @!p3 $0x80;
	s0 =	sadd.s32 s6, s0  }
0x41: {  	s19 =	sshrl.u32 s9, $0x3;
	[sflag:s15] =	ssyncadd.s32 $0xFFFFE800;
	s0 =	sadd.s32 s12, s0  }
0x42: {  	[hbm4b:s0+s2] =	stream.linear.scatter [tilespmem:s24], [sflag:$0x3], $0x7800, $0x38;
	[tilespmem:$0x1B300] =	vst v63  }
0x43: {  	s9 =	sadd.s32 @!p3 $0x3C00, s23;
	s6 =	sshra.s32 @!p4 s21, $0x2;
	_ =	swait.ge @!p0 [sflag:s7], $0x7800  }
0x44: {  	s12 =	sshra.s32 @!p2 s21, $0x2;
	s0 =	sadd.s32 @!p4 $0x3C80, s6;
	[sflag:s7] =	ssyncset.done @!p0 $0x0  }
0x45: {  	s6 =	sadd.s32 @!p4 $0x80, s6;
	s24 =	sand.u32 $0x1, s26;
	[sflag:s7] =	ssyncadd.s32 @!p0 $0xFFFF8800  }
0x46: {  	[hbm4b:s4+s8] =	stream.indirect.scatter @!p3 [tilespmem:s9], [sflag:$0x1], $0x1, s23, s8, $0xb8;
	[tilespmem:$0x1B300] =	vst v63  }
0x47: {  	s7 =	sadd.s32 @!p2 $0x3D00, s12;
	s12 =	sadd.s32 @!p2 $0x100, s12;
	s9 =	simm.s32 @!p4 $0x80  }
0x48: {  	[hbm4b:s4+s9] =	stream.indirect.scatter @!p4 [tilespmem:s0], [sflag:$0x1], $0x1, s6, s9, $0xb8;
	[tilespmem:$0x1B300] =	vst v63  }
0x49: {  	p0 =	seq.s32 s24, $0x1;
	p3 =	sge.u32 s22, s5;
	s6 =	simm.s32 $0x7800  }
0x4a: {  	s8 =	sshra.s32 @!p3 s21, $0x2;
	s0 =	simm.s32 @!p2 $0x80;
	s6 =	simm.s32 @!p0 $0x0  }
0x4b: {  	[hbm4b:s4+s0] =	stream.indirect.scatter @!p2 [tilespmem:s7], [sflag:$0x1], $0x1, s12, s0, $0xb8;
	[tilespmem:$0x1B300] =	vst v63  }
0x4c: {  	s0 =	sadd.s32 @!p3 $0x3D80, s8;
	s7 =	sadd.s32 @!p3 $0x180, s8;
	s8 =	simm.s32 @!p3 $0x80  }
0x4d: {  	[hbm4b:s4+s8] =	stream.indirect.scatter @!p3 [tilespmem:s0], [sflag:$0x1], $0x1, s7, s8, $0xb8;
	[tilespmem:$0x1B300] =	vst v63  }
0x4e: {  	s26 =	smul.u32 $0x70800, s19;
	s24 =	sadd.s32 $0xC300, s6;
	s12 =	sadd.s32 $0xFFFFFE00, s20  }
0x4f: {  	[tilespmem:s24], [sflag:$0x2] =	stream.indirect.gather [hbm4b:s3+s14], $0x30, s12, s14, $0xb8;
	[tilespmem:$0x1B300] =	vst v63  }
0x50: {  	s23 =	ssub.s32 s28, s26;
	s26 =	sadd.s32 $0xFFFFFE80, s20;
	s13 =	sadd.s32 $0xDB00, s6  }
0x51: {  	[tilespmem:s13], [sflag:$0x2] =	stream.indirect.gather [hbm4b:s3+s14], $0x30, s26, s14, $0xb8;
	[tilespmem:$0x1B300] =	vst v63  }
0x52: {  	s7 =	sadd.s32 $0xF300, s6;
	s8 =	sadd.s32 $0xFFFFFF00, s20  }
0x53: {  	[tilespmem:s7], [sflag:$0x2] =	stream.indirect.gather [hbm4b:s3+s14], $0x30, s8, s14, $0xb8;
	[tilespmem:$0x1B300] =	vst v63  }
0x54: {  	s9 =	sadd.s32 $0x10B00, s6;
	s12 =	sadd.s32 $0xFFFFFF80, s20  }
0x55: {  	[tilespmem:s9], [sflag:$0x2] =	stream.indirect.gather [hbm4b:s3+s14], $0x30, s12, s14, $0xb8;
	[tilespmem:$0x1B300] =	vst v63  }
0x56: {  	s13 =	sadd.s32 $0x12300, s6  }
0x57: {  	[tilespmem:s13], [sflag:$0x2] =	stream.indirect.gather [hbm4b:s3+s14], $0x30, s20, s14, $0xb8;
	[tilespmem:$0x1B300] =	vst v63  }
0x58: {  	_ =	swait.ge [sflag:s15], $0x1800  }
0x59: {  	[sflag:s15] =	ssyncset.done $0x0  }
0x5a: {  	[sflag:s15] =	ssyncadd.s32 $0xFFFFE800  }
0x5b: {  	_ =	swait.ge [sflag:s15], $0x1800  }
0x5c: {  	p1 =	slt.u32 s29, $0x2;
	s1 =	smov.u32 s25;
	[sflag:s15] =	ssyncset.done $0x0  }
0x5d: {  	s25 =	sadd.s32 $0x800, s25;
	s22 =	sadd.s32 $0x4, s22;
	[sflag:s15] =	ssyncadd.s32 $0xFFFFE800  }
0x5e: {  	s28 =	sadd.s32 $0x7800, s28;
	p2 =	sne.s32 s25, $0xF000;
	_ =	swait.ge [sflag:s15], $0x1800  }
.Ltmp0:
0x5f: {  	s21 =	smov.u32 s1;
	[sflag:s15] =	ssyncset.done $0x0;
	(pc) =	sbr.rel @p2 .LBB2_2-.Ltmp0, $4  }
0x60: {  	p0 =	por p1, p1;
	s0 =	smul.u32 $0x1C2000, s31;
	[sflag:s15] =	ssyncadd.s32 $0xFFFFE800  }
0x61: {  	s26 =	smov.u32 s29;
	s6 =	sadd.s32 $0xFFFFFFFD, s22;
	_ =	swait.ge [sflag:s15], $0x1800  }
0x62: {  	s29 =	sadd.s32 $0x1, s29;
	s12 =	sshrl.u32 s30, $0x3;
	[sflag:s15] =	ssyncset.done $0x0  }
0x63: {  	s20 =	sadd.s32 $0x280, s20;
	s13 =	sadd.s32 $0xFFFFFFFF, s22;
	[sflag:s15] =	ssyncadd.s32 $0xFFFFE800  }
0x64: {  	_ =	swait.ge [sflag:s15], $0x1800  }
0x65: {  	s7 =	simm.s32 @!p0 $0x3;
	p1 =	sge.u32 s6, s5;
	s8 =	sadd.s32 $0xFFFFFFFE, s22  }
0x66: {  	p3 =	sge.u32 s13, s5;
	s31 =	sand.u32 $0x1, s26;
	s1 =	rddreg [dreg:$0x2]  }
0x67: {  	s6 =	sshra.s32 @!p1 s21, $0x2;
	[sflag:s15] =	ssyncset.done $0x0;
	s0 =	sadd.s32 s1, s0  }
0x68: {  	p2 =	sge.u32 s8, s5;
	[sflag:s15] =	ssyncadd.s32 $0xFFFFE800;
	s0 =	sadd.s32 s12, s0  }
0x69: {  	[hbm4b:s0+s2] =	stream.linear.scatter [tilespmem:s24], [sflag:$0x3], $0x7800, $0x38;
	[tilespmem:$0x1B300] =	vst v63  }
0x6a: {  	s9 =	sadd.s32 @!p1 $0x3C00, s6;
	s1 =	simm.s32 @!p1 $0x80;
	_ =	swait.ge @!p0 [sflag:s7], $0x7800  }
0x6b: {  	s12 =	sshra.s32 @!p3 s21, $0x2;
	s0 =	sshra.s32 @!p2 s21, $0x2;
	[sflag:s7] =	ssyncset.done @!p0 $0x0  }
0x6c: {  	s8 =	sadd.s32 @!p2 $0x3C80, s0;
	s0 =	sadd.s32 @!p2 $0x80, s0;
	[sflag:s7] =	ssyncadd.s32 @!p0 $0xFFFF8800  }
0x6d: {  	[hbm4b:s4+s1] =	stream.indirect.scatter @!p1 [tilespmem:s9], [sflag:$0x1], $0x1, s6, s1, $0xb8;
	[tilespmem:$0x1B300] =	vst v63  }
0x6e: {  	s7 =	simm.s32 @!p2 $0x80;
	p0 =	seq.s32 s31, $0x1;
	s1 =	sadd.s32 @!p3 $0x3D00, s12  }
0x6f: {  	[hbm4b:s4+s7] =	stream.indirect.scatter @!p2 [tilespmem:s8], [sflag:$0x1], $0x1, s0, s7, $0xb8;
	[tilespmem:$0x1B300] =	vst v63  }
0x70: {  	s6 =	sadd.s32 @!p3 $0x100, s12;
	p1 =	sge.u32 s22, s5;
	s0 =	simm.s32 $0x7800  }
0x71: {  	s7 =	simm.s32 @!p3 $0x80;
	s8 =	sshra.s32 @!p1 s21, $0x2;
	s0 =	simm.s32 @!p0 $0x0  }
0x72: {  	[hbm4b:s4+s7] =	stream.indirect.scatter @!p3 [tilespmem:s1], [sflag:$0x1], $0x1, s6, s7, $0xb8;
	[tilespmem:$0x1B300] =	vst v63  }
0x73: {  	s1 =	sadd.s32 @!p1 $0x3D80, s8;
	s6 =	sadd.s32 @!p1 $0x180, s8;
	s7 =	simm.s32 @!p1 $0x80  }
0x74: {  	[hbm4b:s4+s7] =	stream.indirect.scatter @!p1 [tilespmem:s1], [sflag:$0x1], $0x1, s6, s7, $0xb8;
	[tilespmem:$0x1B300] =	vst v63  }
0x75: {  	s13 =	sadd.s32 $0xFFFFFE00, s20;
	s12 =	sadd.s32 $0xC300, s0  }
0x76: {  	[tilespmem:s12], [sflag:$0x2] =	stream.indirect.gather [hbm4b:s3+s14], $0x30, s13, s14, $0xb8;
	[tilespmem:$0x1B300] =	vst v63  }
0x77: {  	s22 =	sadd.s32 $0xFFFFFE80, s20;
	s21 =	sadd.s32 $0xDB00, s0  }
0x78: {  	[tilespmem:s21], [sflag:$0x2] =	stream.indirect.gather [hbm4b:s3+s14], $0x30, s22, s14, $0xb8;
	[tilespmem:$0x1B300] =	vst v63  }
0x79: {  	s25 =	sadd.s32 $0xFFFFFF00, s20;
	s24 =	sadd.s32 $0xF300, s0  }
0x7a: {  	[tilespmem:s24], [sflag:$0x2] =	stream.indirect.gather [hbm4b:s3+s14], $0x30, s25, s14, $0xb8;
	[tilespmem:$0x1B300] =	vst v63  }
0x7b: {  	s28 =	sadd.s32 $0xFFFFFF80, s20;
	s26 =	sadd.s32 $0x10B00, s0  }
0x7c: {  	[tilespmem:s26], [sflag:$0x2] =	stream.indirect.gather [hbm4b:s3+s14], $0x30, s28, s14, $0xb8;
	[tilespmem:$0x1B300] =	vst v63  }
0x7d: {  	s0 =	sadd.s32 $0x12300, s0  }
0x7e: {  	[tilespmem:s0], [sflag:$0x2] =	stream.indirect.gather [hbm4b:s3+s14], $0x30, s20, s14, $0xb8;
	[tilespmem:$0x1B300] =	vst v63  }
0x7f: {  	_ =	swait.ge [sflag:s15], $0x1800  }
0x80: {  	[sflag:s15] =	ssyncset.done $0x0  }
0x81: {  	[sflag:s15] =	ssyncadd.s32 $0xFFFFE800  }
0x82: {  	_ =	swait.ge [sflag:s15], $0x1800  }
0x83: {  	[sflag:s15] =	ssyncset.done $0x0  }
0x84: {  	[sflag:s15] =	ssyncadd.s32 $0xFFFFE800  }
0x85: {  	_ =	swait.ge [sflag:s15], $0x1800  }
0x86: {  	[sflag:s15] =	ssyncset.done $0x0  }
0x87: {  	[sflag:s15] =	ssyncadd.s32 $0xFFFFE800  }
0x88: {  	_ =	swait.ge [sflag:s15], $0x1800  }
0x89: {  	[sflag:s15] =	ssyncset.done $0x0  }
0x8a: {  	[sflag:s15] =	ssyncadd.s32 $0xFFFFE800  }
0x8b: {  	s30 =	smul.u32 $0x1C2000, s19;
	_ =	swait.ge [sflag:s15], $0x1800  }
0x8c: {  	s29 =	rddreg [dreg:$0x2]  }
0x8d: {  	s31 =	sshrl.u32 s23, $0x3;
	[sflag:s15] =	ssyncset.done $0x0;
	s0 =	sadd.s32 s29, s30  }
0x8e: {  	[sflag:s15] =	ssyncadd.s32 $0xFFFFE800;
	s0 =	sadd.s32 s31, s0  }
0x8f: {  	[hbm4b:s0+s2] =	stream.linear.scatter [tilespmem:s12], [sflag:$0x3], $0x7800, $0x38;
	[tilespmem:$0x1B300] =	vst v63  }
0x90: {  	_ =	swait.ge [sflag:s16], $0x7800  }
0x91: {  	[sflag:s16] =	ssyncset.done $0x0  }
0x92: {  	p0 =	sne.s32 s5, $0x1;
	[sflag:s16] =	ssyncadd.s32 $0xFFFF8800  }
.Ltmp1:
0x93: {  	_ =	swait.ge [sflag:s16], $0x7800;
	(pc) =	sbr.rel @!p0 .LBB2_5-.Ltmp1, $4  }
0x94: {  	[sflag:s16] =	ssyncset.done $0x0  }
0x95: {  	[sflag:s16] =	ssyncadd.s32 $0xFFFF8800  }
0x96: {  	_ =	swait.ge [sflag:s17], $0x80  }
0x97: {  	s0 =	sadd.s32 $0xFFFFFFFF, s5;
	[sflag:s17] =	ssyncset.done $0x0  }
.LBB2_4:
0x98: {  	p0 =	sne.s32 s0, $0x1;
	s0 =	sadd.s32 $0xFFFFFFFF, s0;
	[sflag:s17] =	ssyncadd.s32 $0xFFFFFF80  }
.Ltmp2:
0x99: {  	(pc) =	sbr.rel @p0 .LBB2_4-.Ltmp2, $3  }
0x9a: {  	_ =	sdelay $0x1  }
0x9b: {  	_ =	swait.ge [sflag:s17], $0x80  }
0x9c: {  	[sflag:s17] =	ssyncset.done $0x0  }
.LBB2_5:
0x9d: {  	s18 =	sadd.s32 $0x1, s18;
	s0 =	rddreg [dreg:$0x6]  }
0x9e: {  	p0 =	sne.s32 s18, s0  }
.Ltmp3:
0x9f: {  	_ = 	snop;
	(pc) =	sbr.rel @p0 .LBB2_1-.Ltmp3, $2  }
0xa0: {  	_ =	sdelay $0x2  }
0xa1: {  	[sflag:s17] =	ssyncadd.s32 $0xFFFFFF80  }
0xa2: {  	_ =	sfence.sel $0x180000  }
0xa3: {  	[bflag:$0x0] =	sbarrier.arrive $0xFFFF  }
0xa4: {  	_ =	strace $0x90000047  }
0xa5: {  	s0 =	stileid.u32;
	[bflag:$0x2] =	sbarrier.arrive $0xFFFF  }
0xa6: {  	p0 =	sne.s32 s0, $0x0;
	s0 =	rddreg [dreg:$0x1]  }
0xa7: {  	s0 =	sadd.s32 @!p0 $0x100000, s0  }
0xa8: {  	[sflag:s0] =	ssyncadd.tile.s32 @!p0 $0x1;
	_ =	shalt  }
.Lfunc_end2:
_tile_overlayer_lowered:
.L_overlay_start_2:
0xa9: {  	(tag) =	ssettag $0x2  }
0xaa: {  	s0 =	rddreg [dreg:$0x0];
	s2 =	stileid.u32  }
0xab: {  	s1 =	rddreg [dreg:$0x1];
	p0 =	sne.s32 s2, $0x0  }
0xac: {  	s3 =	rddreg [dreg:$0x2];
	[bflag:$0x3] =	sbarrier.arrive $0xFFFF;
	s2 =	simm.s32 @!p0 $0x1C04  }
0xad: {  	[timem:s3], [sflag:s2] =	dma.local @!p0 [hbm:s0], s1  }
0xae: {  	s0 =	simm.s32 @!p0 $0x4  }
0xaf: {  	_ =	swait.ge @!p0 [sflag:s0], s1  }
0xb0: {  	s1 =	ssub.s32 @!p0 $0x0, s1;
	[sflag:s0] =	ssyncset.done @!p0 $0x0  }
0xb1: {  	[sflag:s0] =	ssyncadd.s32 @!p0 s1  }
0xb2: {  	[bflag:$0x3] =	sbarrier.arrive $0xFFFF  }
0xb3: {  	_ =	shalt  }

// kernel: sc_gather_j1.3.cloned.1.call-start
scs
__scs_entry_jumppad:
0x0: {  	(pc) =	sbr.rel $0x88, $3  }
0x1: {  	(tag) =	ssettag $0x0;
	lr =	simm.s32 $0x1  }
0x2: {  	[smem:$0x3F82] =	sst lr;
	_ =	strace $0xD0000000  }
0x3: {  	_ = 	snop  }
0x4: {  	_ = 	snop  }
0x5: {  	_ = 	snop  }
0x6: {  	_ = 	snop  }
0x7: {  	_ = 	snop  }
__scs_overlays_trampoline_lowered:
0x8: {  	[smem:$0x3F91] =	sst s0  }
0x9: {  	[smem:$0x3F92] =	sst s1  }
0xa: {  	[smem:$0x3F93] =	sst s2  }
0xb: {  	[smem:$0x3F94] =	sst s3  }
0xc: {  	[smem:$0x3F95] =	sst s4  }
0xd: {  	[smem:$0x3F96] =	sst s5  }
0xe: {  	[smem:$0x3F97] =	sst s6  }
0xf: {  	[smem:$0x3F98] =	sst s7  }
0x10: {  	[smem:$0x3F99] =	sst s8  }
0x11: {  	[smem:$0x3F9A] =	sst s9;
	s0 =	simm.s32 @!p0 $0x0  }
0x12: {  	s1 =	sld [smem:$0x3F80];
	s0 =	simm.s32 @p0 $0x1  }
0x13: {  	[smem:$0x3F9B] =	sst s0;
	s0 =	simm.s32 @!p1 $0x0  }
0x14: {  	s2 =	sld [smem:$0x3F7F];
	s0 =	simm.s32 @p1 $0x1  }
0x15: {  	[smem:$0x3F9C] =	sst s0;
	s0 =	simm.s32 @!p2 $0x0  }
0x16: {  	s3 =	sld [smem:$0x3FDB];
	s0 =	simm.s32 @p2 $0x1  }
0x17: {  	s4 =	simm.s32 $0x1BF5;
	[smem:$0x3F9E] =	sst s0  }
0x18: {  	s0 =	sld [smem:$0x3F81];
	_ =	swait.ge [sflag:s4], $0x0  }
0x19: {  	s7 =	sld [smem:$0x3F82]  }
0x1a: {  	s8 =	sadd.s32 $0xFFFFE003, lr  }
0x1b: {  	s9 =	sadd.s32 $0xFFFFFEF7, lr;
	s5 =	simm.s32 $0xFFFFFFFF;
	p2 =	slt.u32 s8, $0xFFFFF086  }
0x1c: {  	p1 =	slt.u32 s9, $0xF7A;
	s5 =	simm.s32 @!p2 $0x0  }
0x1d: {  	s5 =	simm.s32 @p1 $0x1;
	p0 =	seq.s32 s7, s2  }
0x1e: {  	s7 =	smul.u32 @!p0 $0xF7A, s2;
	p2 =	seq.s32 @!p0 s5, $0x0  }
0x1f: {  	s9 =	smul.u32 $0xF7A, s1;
	s8 =	simm.s32 @!p0 $0x1BF5;
	p2 =	por !p2, p0  }
0x20: {  	[sflag:s8] =	ssyncset.s32 @!p0 $0xFFFFF086;
	s6 =	sadd.s32 @!p0 s3, s7;
	s7 =	simm.s32 @!p0 $0x108  }
0x21: {  	s3 =	sadd.s32 s3, s9;
	s6 =	sadd.s32 @!p0 $0x88, s6;
	s7 =	simm.s32 @p2 $0x1082  }
0x22: {  	[simem:s7], [sflag:s8] =	dma.local @!p0 [hbm:s6], $0xF7A  }
0x23: {  	s9 =	sor.u32 $0xD0000000, s2;
	s6 =	simm.s32 $0x108;
	_ =	swait.ge @!p0 [sflag:s8], $0x0  }
0x24: {  	s3 =	sadd.s32 $0x88, s3;
	s6 =	simm.s32 @!p1 $0x1082;
	[sflag:s4] =	ssyncset.s32 $0xFFFFF086  }
0x25: {  	[simem:s6], [sflag:s4] =	dma.local [hbm:s3], $0xF7A  }
0x26: {  	[smem:$0x3F82] =	sst s1;
	(tag) =	ssettag s2;
	_ =	strace s9  }
0x27: {  	s1 =	sld [smem:$0x3F92]  }
0x28: {  	s2 =	sld [smem:$0x3F93]  }
0x29: {  	s4 =	sld [smem:$0x3F95]  }
0x2a: {  	p0 =	seq.s32 s5, $0x0;
	s5 =	sld [smem:$0x3F96]  }
0x2b: {  	s6 =	sld [smem:$0x3F97]  }
0x2c: {  	s7 =	sld [smem:$0x3F98]  }
0x2d: {  	s3 =	simm.s32 $0x108;
	s8 =	sld [smem:$0x3F99]  }
0x2e: {  	s3 =	simm.s32 @!p0 $0x1082;
	s9 =	sld [smem:$0x3F9A]  }
0x2f: {  	lr =	sadd.s32 s0, s3;
	s0 =	sld [smem:$0x3F91]  }
0x30: {  	s3 =	sld [smem:$0x3F94]  }
0x31: {  	[smem:$0x3F9D] =	sst s10  }
0x32: {  	s10 =	sld [smem:$0x3F9B];
	_ =	sdelay $0x3  }
0x33: {  	p0 =	seq.s32 s10, $0x1;
	s10 =	sld [smem:$0x3F9D];
	_ =	sdelay $0x3  }
0x34: {  	[smem:$0x3F9D] =	sst s10  }
0x35: {  	s10 =	sld [smem:$0x3F9C];
	_ =	sdelay $0x3  }
0x36: {  	p1 =	seq.s32 s10, $0x1;
	s10 =	sld [smem:$0x3F9D];
	_ =	sdelay $0x3  }
0x37: {  	[smem:$0x3F9D] =	sst s10  }
0x38: {  	s10 =	sld [smem:$0x3F9E]  }
0x39: {  	_ = 	snop;
	(pc) =	sbr.ind lr, $3  }
0x3a: {  	_ = 	snop  }
0x3b: {  	_ = 	snop  }
0x3c: {  	p2 =	seq.s32 s10, $0x1;
	s10 =	sld [smem:$0x3F9D]  }
0x3d: {  	_ =	shalt  }
0x3e: {  	_ =	shalt  }
0x3f: {  	_ =	shalt  }
0x40: {  	_ =	shalt  }
0x41: {  	_ =	shalt  }
0x42: {  	_ =	shalt  }
0x43: {  	_ =	shalt  }
0x44: {  	_ =	shalt  }
0x45: {  	_ =	shalt  }
0x46: {  	_ =	shalt  }
0x47: {  	_ =	shalt  }
0x48: {  	_ =	shalt  }
0x49: {  	_ =	shalt  }
0x4a: {  	_ =	shalt  }
0x4b: {  	_ =	shalt  }
0x4c: {  	_ =	shalt  }
0x4d: {  	_ =	shalt  }
0x4e: {  	_ =	shalt  }
0x4f: {  	_ =	shalt  }
0x50: {  	_ =	shalt  }
0x51: {  	_ =	shalt  }
0x52: {  	_ =	shalt  }
0x53: {  	_ =	shalt  }
0x54: {  	_ =	shalt  }
0x55: {  	_ =	shalt  }
0x56: {  	_ =	shalt  }
0x57: {  	_ =	shalt  }
0x58: {  	_ =	shalt  }
0x59: {  	_ =	shalt  }
0x5a: {  	_ =	shalt  }
0x5b: {  	_ =	shalt  }
0x5c: {  	_ =	shalt  }
0x5d: {  	_ =	shalt  }
0x5e: {  	_ =	shalt  }
0x5f: {  	_ =	shalt  }
0x60: {  	_ =	shalt  }
0x61: {  	_ =	shalt  }
0x62: {  	_ =	shalt  }
0x63: {  	_ =	shalt  }
0x64: {  	_ =	shalt  }
0x65: {  	_ =	shalt  }
0x66: {  	_ =	shalt  }
0x67: {  	_ =	shalt  }
0x68: {  	_ =	shalt  }
0x69: {  	_ =	shalt  }
0x6a: {  	_ =	shalt  }
0x6b: {  	_ =	shalt  }
0x6c: {  	_ =	shalt  }
0x6d: {  	_ =	shalt  }
0x6e: {  	_ =	shalt  }
0x6f: {  	_ =	shalt  }
0x70: {  	_ =	shalt  }
0x71: {  	_ =	shalt  }
0x72: {  	_ =	shalt  }
0x73: {  	_ =	shalt  }
0x74: {  	_ =	shalt  }
0x75: {  	_ =	shalt  }
0x76: {  	_ =	shalt  }
0x77: {  	_ =	shalt  }
0x78: {  	_ =	shalt  }
0x79: {  	_ =	shalt  }
0x7a: {  	_ =	shalt  }
0x7b: {  	_ =	shalt  }
0x7c: {  	_ =	shalt  }
0x7d: {  	_ =	shalt  }
0x7e: {  	_ =	shalt  }
0x7f: {  	_ =	shalt  }
0x80: {  	_ =	shalt  }
0x81: {  	_ =	shalt  }
0x82: {  	_ =	shalt  }
0x83: {  	_ =	shalt  }
0x84: {  	_ =	shalt  }
0x85: {  	_ =	shalt  }
0x86: {  	_ =	shalt  }
0x87: {  	_ =	shalt  }
.Lfunc_end0:
.L_simem_size_0:
called_computation.3_lowered:
.L_overlay_start_0:
0x88: {  	s2 =	sld [smem:$0x3FD9]  }
0x89: {  	s3 =	sld [smem:$0x3FFE];
	_ =	sdelay $0x1  }
0x8a: {  	s1 =	srdreg.scid  }
0x8b: {  	s0 =	sand.u32 $0x1, s1  }
0x8c: {  	s16 =	sshll.u32 s0, $0xA;
	s2 =	sadd.s32 s3, s2  }
0x8d: {  	s2 =	sadd.s32 s2, s16  }
0x8e: {  	[smem:$0x3FA9] =	sst s2  }
0x8f: {  	_ = 	snop  }
0x90: {  	(tm) =	ssettm $0x1  }
0x91: {  	s17 =	sld [smem:$0x3FFB];
	_ =	sdelay $0x3  }
0x92: {  	_ =	strace s17  }
0x93: {  	s2 =	sld [smem:$0x3FFC];
	_ =	sdelay $0x3  }
0x94: {  	_ =	strace s2  }
0x95: {  	s2 =	sld [smem:$0x3FFD];
	_ =	sdelay $0x3  }
0x96: {  	_ =	strace s2  }
0x97: {  	_ =	strace $0x8FFFFFFF  }
0x98: {  	s18 =	sld [smem:$0x3FDB];
	_ =	sdelay $0x1  }
0x99: {  	s19 =	simm.s32 $_scs_section_size  }
0x9a: {  	s4 =	simm.s32 $_size__tile_overlayer_lowered;
	s5 =	simm.s32 $_tile_overlayer_lowered  }
0x9b: {  	s22 =	simm.s32 $0x1BFF;
	s21 =	sshll.u32 s5, $0x1;
	s2 =	sadd.s32 s19, s18  }
0x9c: {  	s6 =	simm.s32 $0x0;
	s20 =	sshll.u32 s4, $0x1;
	s4 =	sadd.s32 s21, s2  }
0x9d: {  	[timem:s6], [sflag:s22] =	dma.local [hbm:s4], s20  }
0x9e: {  	_ =	swait.ge [sflag:s22], s20  }
0x9f: {  	s3 =	ssub.s32 $0x0, s20;
	[sflag:s22] =	ssyncset.done $0x0  }
0xa0: {  	[sflag:s22] =	ssyncadd.s32 s3;
	_ =	sdelay $0x1  }
0xa1: {  	s23 =	simm.s32 $0x1B8B  }
0xa2: {  	_ =	swait.ge [sflag:s23], $0x1  }
0xa3: {  	[sflag:s23] =	ssyncset.done $0x0  }
0xa4: {  	s25 =	simm.s32 $0x1B8E;
	s24 =	sld [smem:$0x3FFE];
	[sflag:s23] =	ssyncadd.s32 $0xFFFFFFFF  }
0xa5: {  	s26 =	simm.s32 $execute0_lowered;
	[smem:$0x3FD2] =	sst s25  }
0xa6: {  	s4 =	sshll.u32 s26, $0x1;
	_ =	strace $0x8000004F;
	[dreg:$0x1] =	wrdreg $0xFFFFFFFF  }
0xa7: {  	s28 =	simm.s32 $_size_execute0_lowered;
	s2 =	sadd.s32 s2, s4;
	[dreg:$0x0] =	wrdreg $0x0  }
0xa8: {  	s4 =	sshll.u32 s28, $0x1;
	[dreg:$0x2] =	wrdreg s2  }
0xa9: {  	[dreg:$0x3] =	wrdreg s4  }
0xaa: {  	[dreg:$0x4] =	wrdreg $0xC0  }
0xab: {  	_ =	task [dreg:s6], $0x5FFFF  }
0xac: {  	[dreg:$0x1] =	wrdreg $0xFFFFFFFF  }
0xad: {  	[dreg:$0x0] =	wrdreg $0x60  }
0xae: {  	[dreg:$0x2] =	wrdreg s24  }
0xaf: {  	[dreg:$0x3] =	wrdreg $0x9  }
0xb0: {  	_ =	task.clear_ibuf [dreg:s6], $0x4FFFF;
	_ =	strace $0x9000004F  }
0xb1: {  	s29 =	simm.s32 $0x9;
	_ =	strace $0x80000051  }
0xb2: {  	_ =	swait.ge [sflag:s29], $0x1  }
0xb3: {  	[sflag:s29] =	ssyncadd.s32 $0xFFFFFFFF  }
0xb4: {  	_ =	strace $0x90000051  }
0xb5: {  	_ =	sfence  }
0xb6: {  	s30 =	sld [smem:$0x0];
	_ =	sdelay $0x2  }
0xb7: {  	s31 =	sshll.u32 s1, $0xD;
	s1 =	sshrl.u32 s1, $0x2  }
0xb8: {  	s3 =	sand.u32 $0x4000, s31;
	s1 =	sadd.s32 s1, s30  }
0xb9: {  	s0 =	sor.u32 s3, s0;
	s1 =	sshll.u32 s1, $0x11  }
0xba: {  	s0 =	sor.u32 s1, s0  }
0xbb: {  	s0 =	sadd.s32 $0x8F2B, s0  }
0xbc: {  	[sflag:s0] =	ssyncadd.remote.s32 $0x1  }
0xbd: {  	_ =	sfence.sel $0xFFFF  }
0xbe: {  	[dreg:$0x0] =	wrdreg $0xFFFFFFFF;
	(pc) =	sbr.abs _section_cstart, $3  }
0xbf: {  	[dreg:$0x1] =	wrdreg $0xFFFFFFFF  }
0xc0: {  	_ =	task.clear_ibuf [dreg:s6], $0x2FFFF;
	_ =	strace $0x9FFFFFFF  }
0xc1: {  	(tm) =	ssettm $0x7FFFFFFF  }
tec
execute0_lowered:
.L_overlay_start_1:
0x0: {  	(tag) =	ssettag $0x1  }
0x1: {  	s1 =	srdreg.scid  }
0x2: {  	s0 =	stileid.u32;
	s4 =	rddreg [dreg:$0x0]  }
0x3: {  	s2 =	simm.s32 $0x0;
	s9 =	simm.s32 $0xFFFFFFF1;
	s10 =	simm.s32 $0x1  }
0x4: {  	s11 =	simm.s32 $0x2;
	s3 =	sand.u32 $0x1, s1;
	s1 =	rddreg [dreg:$0x1]  }
0x5: {  	s12 =	simm.s32 $0x0;
	s5 =	sshll.u32 s0, $0x1;
	[smem:$0x7FF] =	sst s2  }
0x6: {  	s6 =	sor.u32 s3, s5;
	_ =	strace $0x80000050;
	s7 =	ssub.s32 $0x2, s3  }
0x7: {  	s3 =	sadd.s32 $0x12CA00, s4;
	[dreg:$0x2] =	wrdreg s9;
	s5 =	smul.u32 $0x960, s6  }
0x8: {  	s9 =	simm.s32 $0x80;
	s8 =	sshrl.u32 s7, $0x1;
	s6 =	smul.u32 $0x4B, s6  }
0x9: {  	s7 =	ssub.s32 s7, s8;
	s8 =	simm.s32 $0x3;
	s5 =	sadd.s32 s5, s4  }
0xa: {  	s4 =	sadd.s32 $0x2E4600, s4;
	s7 =	smax.u32 s7, $0x1;
	s5 =	sadd.s32 $0x3E000, s5  }
.LBB2_1:
0xb: {  	[tilespmem:s2], [sflag:$0x3] =	stream.linear.gather [hbm4b:s5+s2], $0x4B00, $0x38;
	[tilespmem:$0xEB00] =	vst v63  }
0xc: {  	_ =	swait.ge [sflag:s8], $0x4B00  }
0xd: {  	p1 =	por $0x1, $0x1;
	[sflag:s8] =	ssyncset.done $0x0  }
0xe: {  	s13 =	simm.s32 @!p1 $0x2;
	[sflag:s8] =	ssyncadd.s32 $0xFFFFB500  }
0xf: {  	_ =	swait.ge @!p1 [sflag:s13], $0x5000  }
0x10: {  	p0 =	por $0x0, $0x0;
	s14 =	rddreg [dreg:$0x2]  }
0x11: {  	s14 =	simm.s32 @!p0 $0x0  }
0x12: {  	s14 =	sadd.s32 $0x0, s14  }
0x13: {  	s15 =	simm.s32 $0x4B;
	s16 =	smul.u32 $0x5, s14  }
0x14: {  	s22 =	sand.u32 $0x1, s2;
	s15 =	simm.s32 @!p0 $0x0  }
0x15: {  	s17 =	simm.s32 $0x5000;
	p2 =	seq.s32 s22, $0x1;
	s23 =	sadd.s32 s15, s16  }
0x16: {  	s17 =	simm.s32 @!p2 $0x0;
	[sflag:s13] =	ssyncset.done @!p1 $0x0;
	s14 =	sshll.u32 s23, $0x9  }
0x17: {  	[sflag:s13] =	ssyncadd.s32 @!p1 $0xFFFFB000;
	s15 =	sadd.s32 $0x4B00, s17;
	s24 =	sshra.s32 s14, $0x2  }
0x18: {  	[tilespmem:s15], [sflag:$0x1] =	stream.indirect.gather [hbm4b:s3+s9], $0x20, s24, s9, $0xb8;
	[tilespmem:$0xEB00] =	vst v63  }
0x19: {  	s25 =	sadd.s32 $0x5B00, s17;
	s18 =	sadd.s32 $0x80, s24  }
0x1a: {  	[tilespmem:s25], [sflag:$0x1] =	stream.indirect.gather [hbm4b:s3+s9], $0x20, s18, s9, $0xb8;
	[tilespmem:$0xEB00] =	vst v63  }
0x1b: {  	s26 =	sadd.s32 $0x6B00, s17;
	s28 =	sadd.s32 $0x100, s24  }
0x1c: {  	[tilespmem:s26], [sflag:$0x1] =	stream.indirect.gather [hbm4b:s3+s9], $0x20, s28, s9, $0xb8;
	[tilespmem:$0xEB00] =	vst v63  }
0x1d: {  	s29 =	sadd.s32 $0x7B00, s17;
	s30 =	sadd.s32 $0x180, s24  }
0x1e: {  	[tilespmem:s29], [sflag:$0x1] =	stream.indirect.gather [hbm4b:s3+s9], $0x20, s30, s9, $0xb8;
	[tilespmem:$0xEB00] =	vst v63  }
0x1f: {  	s31 =	sor.u32 $0x8B00, s17;
	s13 =	sadd.s32 $0x200, s24  }
0x20: {  	[tilespmem:s31], [sflag:$0x1] =	stream.indirect.gather [hbm4b:s3+s9], $0x20, s13, s9, $0xb8;
	[tilespmem:$0xEB00] =	vst v63  }
0x21: {  	_ =	swait.ge [sflag:s10], $0x1000  }
0x22: {  	[sflag:s10] =	ssyncset.done $0x0  }
0x23: {  	[sflag:s10] =	ssyncadd.s32 $0xFFFFF000  }
0x24: {  	_ =	swait.ge [sflag:s10], $0x1000  }
0x25: {  	[sflag:s10] =	ssyncset.done $0x0  }
0x26: {  	[sflag:s10] =	ssyncadd.s32 $0xFFFFF000  }
0x27: {  	_ =	swait.ge [sflag:s10], $0x1000  }
0x28: {  	[sflag:s10] =	ssyncset.done $0x0  }
0x29: {  	p1 =	por $0x1, $0x1;
	s17 =	simm.s32 $0x12C000;
	[sflag:s10] =	ssyncadd.s32 $0xFFFFF000  }
0x2a: {  	s16 =	sadd.s32 s6, s16;
	s17 =	simm.s32 @!p0 $0x0;
	_ =	swait.ge [sflag:s10], $0x1000  }
0x2b: {  	s16 =	sshll.u32 s16, $0x9;
	s14 =	simm.s32 $0x2;
	[sflag:s10] =	ssyncset.done $0x0  }
0x2c: {  	s17 =	sadd.s32 s4, s17;
	s16 =	sand.u32 $0x1FFFFE00, s16;
	[sflag:s10] =	ssyncadd.s32 $0xFFFFF000  }
0x2d: {  	s16 =	sadd.s32 s16, s17;
	s13 =	simm.s32 $0x1;
	_ =	swait.ge [sflag:s10], $0x1000  }
.LBB2_2:
0x2e: {  	[sflag:s10] =	ssyncset.done $0x0  }
0x2f: {  	s17 =	simm.s32 @!p1 $0x2;
	[sflag:s10] =	ssyncadd.s32 $0xFFFFF000  }
0x30: {  	[hbm4b:s16+s2] =	stream.linear.scatter [tilespmem:s15], [sflag:$0x2], $0x5000, $0x38;
	[tilespmem:$0xEB00] =	vst v63  }
0x31: {  	_ =	swait.ge @!p1 [sflag:s17], $0x5000  }
0x32: {  	p2 =	sgt.u32 s13, $0xE;
	s15 =	rddreg [dreg:$0x2]  }
0x33: {  	s18 =	smov.u32 s14;
	s15 =	simm.s32 @!p2 $0x0  }
0x34: {  	s19 =	simm.s32 $0x4B;
	s26 =	sand.u32 $0x1, s13;
	s15 =	sadd.s32 s13, s15  }
0x35: {  	s19 =	simm.s32 @!p2 $0x0;
	s16 =	simm.s32 $0x12C000;
	s15 =	smul.u32 $0x5, s15  }
0x36: {  	s16 =	simm.s32 @!p2 $0x0;
	[sflag:s17] =	ssyncset.done @!p1 $0x0;
	p2 =	seq.s32 s26, $0x1  }
0x37: {  	[sflag:s17] =	ssyncadd.s32 @!p1 $0xFFFFB000;
	s17 =	simm.s32 $0x5000;
	s28 =	sadd.s32 s19, s15  }
0x38: {  	s13 =	smov.u32 s18;
	s17 =	simm.s32 @!p2 $0x0;
	s18 =	sshll.u32 s28, $0x9  }
0x39: {  	s29 =	sadd.s32 s6, s15;
	s15 =	sadd.s32 $0x4B00, s17;
	s18 =	sshra.s32 s18, $0x2  }
0x3a: {  	[tilespmem:s15], [sflag:$0x1] =	stream.indirect.gather [hbm4b:s3+s9], $0x20, s18, s9, $0xb8;
	[tilespmem:$0xEB00] =	vst v63  }
0x3b: {  	s20 =	sadd.s32 $0x5B00, s17;
	s21 =	sadd.s32 $0x80, s18  }
0x3c: {  	[tilespmem:s20], [sflag:$0x1] =	stream.indirect.gather [hbm4b:s3+s9], $0x20, s21, s9, $0xb8;
	[tilespmem:$0xEB00] =	vst v63  }
0x3d: {  	s22 =	sadd.s32 $0x6B00, s17;
	s23 =	sadd.s32 $0x100, s18  }
0x3e: {  	[tilespmem:s22], [sflag:$0x1] =	stream.indirect.gather [hbm4b:s3+s9], $0x20, s23, s9, $0xb8;
	[tilespmem:$0xEB00] =	vst v63  }
0x3f: {  	s30 =	sadd.s32 $0x7B00, s17;
	s31 =	sadd.s32 $0x180, s18  }
0x40: {  	[tilespmem:s30], [sflag:$0x1] =	stream.indirect.gather [hbm4b:s3+s9], $0x20, s31, s9, $0xb8;
	[tilespmem:$0xEB00] =	vst v63  }
0x41: {  	s17 =	sor.u32 $0x8B00, s17;
	s18 =	sadd.s32 $0x200, s18  }
0x42: {  	[tilespmem:s17], [sflag:$0x1] =	stream.indirect.gather [hbm4b:s3+s9], $0x20, s18, s9, $0xb8;
	[tilespmem:$0xEB00] =	vst v63  }
0x43: {  	_ =	swait.ge [sflag:s10], $0x1000  }
0x44: {  	[sflag:s10] =	ssyncset.done $0x0  }
0x45: {  	[sflag:s10] =	ssyncadd.s32 $0xFFFFF000  }
0x46: {  	_ =	swait.ge [sflag:s10], $0x1000  }
0x47: {  	[sflag:s10] =	ssyncset.done $0x0  }
0x48: {  	[sflag:s10] =	ssyncadd.s32 $0xFFFFF000  }
0x49: {  	s14 =	sadd.s32 $0x1, s14;
	_ =	swait.ge [sflag:s10], $0x1000  }
0x4a: {  	p0 =	sne.s32 s14, $0x1E;
	[sflag:s10] =	ssyncset.done $0x0  }
.Ltmp0:
0x4b: {  	[sflag:s10] =	ssyncadd.s32 $0xFFFFF000;
	(pc) =	sbr.rel @p0 .LBB2_2-.Ltmp0, $4  }
0x4c: {  	_ =	swait.ge [sflag:s10], $0x1000  }
0x4d: {  	s19 =	sshll.u32 s29, $0x9;
	[sflag:s10] =	ssyncset.done $0x0  }
0x4e: {  	s16 =	sadd.s32 s4, s16;
	s19 =	sand.u32 $0x1FFFFE00, s19;
	[sflag:s10] =	ssyncadd.s32 $0xFFFFF000  }
0x4f: {  	p1 =	slt.u32 s13, $0x2;
	s16 =	sadd.s32 s19, s16;
	_ =	swait.ge [sflag:s10], $0x1000  }
0x50: {  	[sflag:s10] =	ssyncset.done $0x0  }
0x51: {  	s14 =	simm.s32 @!p1 $0x2;
	[sflag:s10] =	ssyncadd.s32 $0xFFFFF000  }
0x52: {  	[hbm4b:s16+s2] =	stream.linear.scatter [tilespmem:s15], [sflag:$0x2], $0x5000, $0x38;
	[tilespmem:$0xEB00] =	vst v63  }
0x53: {  	_ =	swait.ge @!p1 [sflag:s14], $0x5000  }
0x54: {  	p0 =	sgt.u32 s13, $0xE;
	s15 =	rddreg [dreg:$0x2]  }
0x55: {  	s15 =	simm.s32 @!p0 $0x0  }
0x56: {  	s15 =	sadd.s32 s13, s15  }
0x57: {  	s16 =	simm.s32 $0x4B;
	s15 =	smul.u32 $0x5, s15  }
0x58: {  	s24 =	sand.u32 $0x1, s13;
	s16 =	simm.s32 @!p0 $0x0  }
0x59: {  	p2 =	seq.s32 s24, $0x1;
	s25 =	sadd.s32 s16, s15;
	s16 =	simm.s32 $0x5000  }
0x5a: {  	[sflag:s14] =	ssyncset.done @!p1 $0x0;
	s16 =	simm.s32 @!p2 $0x0;
	s13 =	sshll.u32 s25, $0x9  }
0x5b: {  	[sflag:s14] =	ssyncadd.s32 @!p1 $0xFFFFB000;
	s26 =	sadd.s32 $0x4B00, s16;
	s13 =	sshra.s32 s13, $0x2  }
0x5c: {  	[tilespmem:s26], [sflag:$0x1] =	stream.indirect.gather [hbm4b:s3+s9], $0x20, s13, s9, $0xb8;
	[tilespmem:$0xEB00] =	vst v63  }
0x5d: {  	s17 =	sadd.s32 $0x5B00, s16;
	s18 =	sadd.s32 $0x80, s13  }
0x5e: {  	[tilespmem:s17], [sflag:$0x1] =	stream.indirect.gather [hbm4b:s3+s9], $0x20, s18, s9, $0xb8;
	[tilespmem:$0xEB00] =	vst v63  }
0x5f: {  	s28 =	sadd.s32 $0x6B00, s16;
	s29 =	sadd.s32 $0x100, s13  }
0x60: {  	[tilespmem:s28], [sflag:$0x1] =	stream.indirect.gather [hbm4b:s3+s9], $0x20, s29, s9, $0xb8;
	[tilespmem:$0xEB00] =	vst v63  }
0x61: {  	s30 =	sadd.s32 $0x7B00, s16;
	s31 =	sadd.s32 $0x180, s13  }
0x62: {  	[tilespmem:s30], [sflag:$0x1] =	stream.indirect.gather [hbm4b:s3+s9], $0x20, s31, s9, $0xb8;
	[tilespmem:$0xEB00] =	vst v63  }
0x63: {  	s16 =	sor.u32 $0x8B00, s16;
	s13 =	sadd.s32 $0x200, s13  }
0x64: {  	[tilespmem:s16], [sflag:$0x1] =	stream.indirect.gather [hbm4b:s3+s9], $0x20, s13, s9, $0xb8;
	[tilespmem:$0xEB00] =	vst v63  }
0x65: {  	_ =	swait.ge [sflag:s10], $0x1000  }
0x66: {  	[sflag:s10] =	ssyncset.done $0x0  }
0x67: {  	[sflag:s10] =	ssyncadd.s32 $0xFFFFF000  }
0x68: {  	_ =	swait.ge [sflag:s10], $0x1000  }
0x69: {  	[sflag:s10] =	ssyncset.done $0x0  }
0x6a: {  	[sflag:s10] =	ssyncadd.s32 $0xFFFFF000  }
0x6b: {  	_ =	swait.ge [sflag:s10], $0x1000  }
0x6c: {  	[sflag:s10] =	ssyncset.done $0x0  }
0x6d: {  	[sflag:s10] =	ssyncadd.s32 $0xFFFFF000  }
0x6e: {  	_ =	swait.ge [sflag:s10], $0x1000  }
0x6f: {  	[sflag:s10] =	ssyncset.done $0x0  }
0x70: {  	s15 =	sadd.s32 s6, s15;
	s13 =	simm.s32 $0x12C000;
	[sflag:s10] =	ssyncadd.s32 $0xFFFFF000  }
0x71: {  	s15 =	sshll.u32 s15, $0x9;
	s13 =	simm.s32 @!p0 $0x0;
	_ =	swait.ge [sflag:s10], $0x1000  }
0x72: {  	s15 =	sand.u32 $0x1FFFFE00, s15;
	s13 =	sadd.s32 s4, s13;
	[sflag:s10] =	ssyncset.done $0x0  }
0x73: {  	s12 =	sadd.s32 $0x1, s12;
	s13 =	sadd.s32 s15, s13;
	[sflag:s10] =	ssyncadd.s32 $0xFFFFF000  }
0x74: {  	[hbm4b:s13+s2] =	stream.linear.scatter [tilespmem:s26], [sflag:$0x2], $0x5000, $0x38;
	[tilespmem:$0xEB00] =	vst v63  }
0x75: {  	p0 =	sne.s32 s12, s7;
	_ =	swait.ge [sflag:s11], $0x5000  }
.Ltmp1:
0x76: {  	[sflag:s11] =	ssyncset.done $0x0;
	(pc) =	sbr.rel @p0 .LBB2_1-.Ltmp1, $4  }
0x77: {  	[sflag:s11] =	ssyncadd.s32 $0xFFFFB000  }
0x78: {  	_ =	swait.ge [sflag:s11], $0x5000  }
0x79: {  	[sflag:s11] =	ssyncset.done $0x0  }
0x7a: {  	[sflag:s11] =	ssyncadd.s32 $0xFFFFB000  }
0x7b: {  	_ =	sfence.sel $0x180000  }
0x7c: {  	[bflag:$0x0] =	sbarrier.arrive $0xFFFF  }
0x7d: {  	p0 =	sne.s32 s0, $0x0;
	_ =	strace $0x90000050  }
0x7e: {  	s0 =	sadd.s32 @!p0 $0x100000, s1;
	[bflag:$0x2] =	sbarrier.arrive $0xFFFF  }
0x7f: {  	[sflag:s0] =	ssyncadd.tile.s32 @!p0 $0x1;
	_ =	shalt  }
.Lfunc_end2:
_tile_overlayer_lowered:
.L_overlay_start_2:
0x80: {  	(tag) =	ssettag $0x2  }
0x81: {  	s0 =	rddreg [dreg:$0x0];
	s2 =	stileid.u32  }
0x82: {  	s1 =	rddreg [dreg:$0x1];
	p0 =	sne.s32 s2, $0x0  }
0x83: {  	s3 =	rddreg [dreg:$0x2];
	[bflag:$0x3] =	sbarrier.arrive $0xFFFF;
	s2 =	simm.s32 @!p0 $0x1C03  }
0x84: {  	[timem:s3], [sflag:s2] =	dma.local @!p0 [hbm:s0], s1  }
0x85: {  	s0 =	simm.s32 @!p0 $0x3  }
0x86: {  	_ =	swait.ge @!p0 [sflag:s0], s1  }
0x87: {  	s1 =	ssub.s32 @!p0 $0x0, s1;
	[sflag:s0] =	ssyncset.done @!p0 $0x0  }
0x88: {  	[sflag:s0] =	ssyncadd.s32 @!p0 s1  }
0x89: {  	[bflag:$0x3] =	sbarrier.arrive $0xFFFF  }
0x8a: {  	_ =	shalt  }

// kernel: sc_segsum.4.cloned.1.call-start
scs
__scs_entry_jumppad:
0x0: {  	(pc) =	sbr.rel $0x88, $3  }
0x1: {  	(tag) =	ssettag $0x0;
	lr =	simm.s32 $0x1  }
0x2: {  	[smem:$0x3F82] =	sst lr;
	_ =	strace $0xD0000000  }
0x3: {  	_ = 	snop  }
0x4: {  	_ = 	snop  }
0x5: {  	_ = 	snop  }
0x6: {  	_ = 	snop  }
0x7: {  	_ = 	snop  }
__scs_overlays_trampoline_lowered:
0x8: {  	[smem:$0x3F91] =	sst s0  }
0x9: {  	[smem:$0x3F92] =	sst s1  }
0xa: {  	[smem:$0x3F93] =	sst s2  }
0xb: {  	[smem:$0x3F94] =	sst s3  }
0xc: {  	[smem:$0x3F95] =	sst s4  }
0xd: {  	[smem:$0x3F96] =	sst s5  }
0xe: {  	[smem:$0x3F97] =	sst s6  }
0xf: {  	[smem:$0x3F98] =	sst s7  }
0x10: {  	[smem:$0x3F99] =	sst s8  }
0x11: {  	[smem:$0x3F9A] =	sst s9;
	s0 =	simm.s32 @!p0 $0x0  }
0x12: {  	s1 =	sld [smem:$0x3F80];
	s0 =	simm.s32 @p0 $0x1  }
0x13: {  	[smem:$0x3F9B] =	sst s0;
	s0 =	simm.s32 @!p1 $0x0  }
0x14: {  	s2 =	sld [smem:$0x3F7F];
	s0 =	simm.s32 @p1 $0x1  }
0x15: {  	[smem:$0x3F9C] =	sst s0;
	s0 =	simm.s32 @!p2 $0x0  }
0x16: {  	s3 =	sld [smem:$0x3FDB];
	s0 =	simm.s32 @p2 $0x1  }
0x17: {  	s4 =	simm.s32 $0x1BF5;
	[smem:$0x3F9E] =	sst s0  }
0x18: {  	s0 =	sld [smem:$0x3F81];
	_ =	swait.ge [sflag:s4], $0x0  }
0x19: {  	s7 =	sld [smem:$0x3F82]  }
0x1a: {  	s8 =	sadd.s32 $0xFFFFE003, lr  }
0x1b: {  	s9 =	sadd.s32 $0xFFFFFEF7, lr;
	s5 =	simm.s32 $0xFFFFFFFF;
	p2 =	slt.u32 s8, $0xFFFFF086  }
0x1c: {  	p1 =	slt.u32 s9, $0xF7A;
	s5 =	simm.s32 @!p2 $0x0  }
0x1d: {  	s5 =	simm.s32 @p1 $0x1;
	p0 =	seq.s32 s7, s2  }
0x1e: {  	s7 =	smul.u32 @!p0 $0xF7A, s2;
	p2 =	seq.s32 @!p0 s5, $0x0  }
0x1f: {  	s9 =	smul.u32 $0xF7A, s1;
	s8 =	simm.s32 @!p0 $0x1BF5;
	p2 =	por !p2, p0  }
0x20: {  	[sflag:s8] =	ssyncset.s32 @!p0 $0xFFFFF086;
	s6 =	sadd.s32 @!p0 s3, s7;
	s7 =	simm.s32 @!p0 $0x108  }
0x21: {  	s3 =	sadd.s32 s3, s9;
	s6 =	sadd.s32 @!p0 $0x88, s6;
	s7 =	simm.s32 @p2 $0x1082  }
0x22: {  	[simem:s7], [sflag:s8] =	dma.local @!p0 [hbm:s6], $0xF7A  }
0x23: {  	s9 =	sor.u32 $0xD0000000, s2;
	s6 =	simm.s32 $0x108;
	_ =	swait.ge @!p0 [sflag:s8], $0x0  }
0x24: {  	s3 =	sadd.s32 $0x88, s3;
	s6 =	simm.s32 @!p1 $0x1082;
	[sflag:s4] =	ssyncset.s32 $0xFFFFF086  }
0x25: {  	[simem:s6], [sflag:s4] =	dma.local [hbm:s3], $0xF7A  }
0x26: {  	[smem:$0x3F82] =	sst s1;
	(tag) =	ssettag s2;
	_ =	strace s9  }
0x27: {  	s1 =	sld [smem:$0x3F92]  }
0x28: {  	s2 =	sld [smem:$0x3F93]  }
0x29: {  	s4 =	sld [smem:$0x3F95]  }
0x2a: {  	p0 =	seq.s32 s5, $0x0;
	s5 =	sld [smem:$0x3F96]  }
0x2b: {  	s6 =	sld [smem:$0x3F97]  }
0x2c: {  	s7 =	sld [smem:$0x3F98]  }
0x2d: {  	s3 =	simm.s32 $0x108;
	s8 =	sld [smem:$0x3F99]  }
0x2e: {  	s3 =	simm.s32 @!p0 $0x1082;
	s9 =	sld [smem:$0x3F9A]  }
0x2f: {  	lr =	sadd.s32 s0, s3;
	s0 =	sld [smem:$0x3F91]  }
0x30: {  	s3 =	sld [smem:$0x3F94]  }
0x31: {  	[smem:$0x3F9D] =	sst s10  }
0x32: {  	s10 =	sld [smem:$0x3F9B];
	_ =	sdelay $0x3  }
0x33: {  	p0 =	seq.s32 s10, $0x1;
	s10 =	sld [smem:$0x3F9D];
	_ =	sdelay $0x3  }
0x34: {  	[smem:$0x3F9D] =	sst s10  }
0x35: {  	s10 =	sld [smem:$0x3F9C];
	_ =	sdelay $0x3  }
0x36: {  	p1 =	seq.s32 s10, $0x1;
	s10 =	sld [smem:$0x3F9D];
	_ =	sdelay $0x3  }
0x37: {  	[smem:$0x3F9D] =	sst s10  }
0x38: {  	s10 =	sld [smem:$0x3F9E]  }
0x39: {  	_ = 	snop;
	(pc) =	sbr.ind lr, $3  }
0x3a: {  	_ = 	snop  }
0x3b: {  	_ = 	snop  }
0x3c: {  	p2 =	seq.s32 s10, $0x1;
	s10 =	sld [smem:$0x3F9D]  }
0x3d: {  	_ =	shalt  }
0x3e: {  	_ =	shalt  }
0x3f: {  	_ =	shalt  }
0x40: {  	_ =	shalt  }
0x41: {  	_ =	shalt  }
0x42: {  	_ =	shalt  }
0x43: {  	_ =	shalt  }
0x44: {  	_ =	shalt  }
0x45: {  	_ =	shalt  }
0x46: {  	_ =	shalt  }
0x47: {  	_ =	shalt  }
0x48: {  	_ =	shalt  }
0x49: {  	_ =	shalt  }
0x4a: {  	_ =	shalt  }
0x4b: {  	_ =	shalt  }
0x4c: {  	_ =	shalt  }
0x4d: {  	_ =	shalt  }
0x4e: {  	_ =	shalt  }
0x4f: {  	_ =	shalt  }
0x50: {  	_ =	shalt  }
0x51: {  	_ =	shalt  }
0x52: {  	_ =	shalt  }
0x53: {  	_ =	shalt  }
0x54: {  	_ =	shalt  }
0x55: {  	_ =	shalt  }
0x56: {  	_ =	shalt  }
0x57: {  	_ =	shalt  }
0x58: {  	_ =	shalt  }
0x59: {  	_ =	shalt  }
0x5a: {  	_ =	shalt  }
0x5b: {  	_ =	shalt  }
0x5c: {  	_ =	shalt  }
0x5d: {  	_ =	shalt  }
0x5e: {  	_ =	shalt  }
0x5f: {  	_ =	shalt  }
0x60: {  	_ =	shalt  }
0x61: {  	_ =	shalt  }
0x62: {  	_ =	shalt  }
0x63: {  	_ =	shalt  }
0x64: {  	_ =	shalt  }
0x65: {  	_ =	shalt  }
0x66: {  	_ =	shalt  }
0x67: {  	_ =	shalt  }
0x68: {  	_ =	shalt  }
0x69: {  	_ =	shalt  }
0x6a: {  	_ =	shalt  }
0x6b: {  	_ =	shalt  }
0x6c: {  	_ =	shalt  }
0x6d: {  	_ =	shalt  }
0x6e: {  	_ =	shalt  }
0x6f: {  	_ =	shalt  }
0x70: {  	_ =	shalt  }
0x71: {  	_ =	shalt  }
0x72: {  	_ =	shalt  }
0x73: {  	_ =	shalt  }
0x74: {  	_ =	shalt  }
0x75: {  	_ =	shalt  }
0x76: {  	_ =	shalt  }
0x77: {  	_ =	shalt  }
0x78: {  	_ =	shalt  }
0x79: {  	_ =	shalt  }
0x7a: {  	_ =	shalt  }
0x7b: {  	_ =	shalt  }
0x7c: {  	_ =	shalt  }
0x7d: {  	_ =	shalt  }
0x7e: {  	_ =	shalt  }
0x7f: {  	_ =	shalt  }
0x80: {  	_ =	shalt  }
0x81: {  	_ =	shalt  }
0x82: {  	_ =	shalt  }
0x83: {  	_ =	shalt  }
0x84: {  	_ =	shalt  }
0x85: {  	_ =	shalt  }
0x86: {  	_ =	shalt  }
0x87: {  	_ =	shalt  }
.Lfunc_end0:
.L_simem_size_0:
called_computation.2_lowered:
.L_overlay_start_0:
0x88: {  	s2 =	sld [smem:$0x3FD9]  }
0x89: {  	s3 =	sld [smem:$0x3FFE];
	_ =	sdelay $0x1  }
0x8a: {  	s1 =	srdreg.scid  }
0x8b: {  	s0 =	sand.u32 $0x1, s1  }
0x8c: {  	s16 =	sshll.u32 s0, $0xA;
	s2 =	sadd.s32 s3, s2  }
0x8d: {  	s2 =	sadd.s32 s2, s16  }
0x8e: {  	[smem:$0x3FA9] =	sst s2  }
0x8f: {  	_ = 	snop  }
0x90: {  	(tm) =	ssettm $0x1  }
0x91: {  	s17 =	sld [smem:$0x3FFB];
	_ =	sdelay $0x3  }
0x92: {  	_ =	strace s17  }
0x93: {  	s2 =	sld [smem:$0x3FFC];
	_ =	sdelay $0x3  }
0x94: {  	_ =	strace s2  }
0x95: {  	s2 =	sld [smem:$0x3FFD];
	_ =	sdelay $0x3  }
0x96: {  	_ =	strace s2  }
0x97: {  	_ =	strace $0x8FFFFFFF  }
0x98: {  	s18 =	sld [smem:$0x3FDB];
	_ =	sdelay $0x1  }
0x99: {  	s19 =	simm.s32 $_scs_section_size  }
0x9a: {  	s4 =	simm.s32 $_size__tile_overlayer_lowered;
	s5 =	simm.s32 $_tile_overlayer_lowered  }
0x9b: {  	s22 =	simm.s32 $0x1BFF;
	s21 =	sshll.u32 s5, $0x1;
	s2 =	sadd.s32 s19, s18  }
0x9c: {  	s6 =	simm.s32 $0x0;
	s20 =	sshll.u32 s4, $0x1;
	s4 =	sadd.s32 s21, s2  }
0x9d: {  	[timem:s6], [sflag:s22] =	dma.local [hbm:s4], s20  }
0x9e: {  	_ =	swait.ge [sflag:s22], s20  }
0x9f: {  	s3 =	ssub.s32 $0x0, s20;
	[sflag:s22] =	ssyncset.done $0x0  }
0xa0: {  	[sflag:s22] =	ssyncadd.s32 s3;
	_ =	sdelay $0x1  }
0xa1: {  	s23 =	simm.s32 $0x1B8B  }
0xa2: {  	_ =	swait.ge [sflag:s23], $0x1  }
0xa3: {  	[sflag:s23] =	ssyncset.done $0x0  }
0xa4: {  	s25 =	simm.s32 $0x1B8E;
	s24 =	sld [smem:$0x3FFE];
	[sflag:s23] =	ssyncadd.s32 $0xFFFFFFFF  }
0xa5: {  	s26 =	simm.s32 $execute0_lowered;
	[smem:$0x3FD2] =	sst s25  }
0xa6: {  	s4 =	sshll.u32 s26, $0x1;
	_ =	strace $0x8000004C;
	[dreg:$0x1] =	wrdreg $0xFFFFFFFF  }
0xa7: {  	s28 =	simm.s32 $_size_execute0_lowered;
	s2 =	sadd.s32 s2, s4;
	[dreg:$0x0] =	wrdreg $0x0  }
0xa8: {  	s4 =	sshll.u32 s28, $0x1;
	[dreg:$0x2] =	wrdreg s2  }
0xa9: {  	[dreg:$0x3] =	wrdreg s4  }
0xaa: {  	[dreg:$0x4] =	wrdreg $0xC0  }
0xab: {  	_ =	task [dreg:s6], $0x5FFFF  }
0xac: {  	[dreg:$0x1] =	wrdreg $0xFFFFFFFF  }
0xad: {  	[dreg:$0x0] =	wrdreg $0x60  }
0xae: {  	[dreg:$0x2] =	wrdreg s24  }
0xaf: {  	[dreg:$0x3] =	wrdreg $0x136000  }
0xb0: {  	[dreg:$0x4] =	wrdreg $0x9  }
0xb1: {  	_ =	task.clear_ibuf [dreg:s6], $0x5FFFF;
	_ =	strace $0x9000004C  }
0xb2: {  	s29 =	simm.s32 $0x9;
	_ =	strace $0x8000004E  }
0xb3: {  	_ =	swait.ge [sflag:s29], $0x1  }
0xb4: {  	[sflag:s29] =	ssyncadd.s32 $0xFFFFFFFF  }
0xb5: {  	_ =	strace $0x9000004E  }
0xb6: {  	_ =	sfence  }
0xb7: {  	s30 =	sld [smem:$0x0];
	_ =	sdelay $0x2  }
0xb8: {  	s31 =	sshll.u32 s1, $0xD;
	s1 =	sshrl.u32 s1, $0x2  }
0xb9: {  	s3 =	sand.u32 $0x4000, s31;
	s1 =	sadd.s32 s1, s30  }
0xba: {  	s0 =	sor.u32 s3, s0;
	s1 =	sshll.u32 s1, $0x11  }
0xbb: {  	s0 =	sor.u32 s1, s0  }
0xbc: {  	s0 =	sadd.s32 $0x8F2B, s0  }
0xbd: {  	[sflag:s0] =	ssyncadd.remote.s32 $0x1  }
0xbe: {  	_ =	sfence.sel $0xFFFF  }
0xbf: {  	[dreg:$0x0] =	wrdreg $0xFFFFFFFF;
	(pc) =	sbr.abs _section_cstart, $3  }
0xc0: {  	[dreg:$0x1] =	wrdreg $0xFFFFFFFF  }
0xc1: {  	_ =	task.clear_ibuf [dreg:s6], $0x2FFFF;
	_ =	strace $0x9FFFFFFF  }
0xc2: {  	(tm) =	ssettm $0x7FFFFFFF  }
0xc3: {  	_ =	shalt  }
tec
execute0_lowered:
.L_overlay_start_1:
0x0: {  	(tag) =	ssettag $0x1  }
0x1: {  	s12 =	stileid.u32;
	s0 =	rddreg [dreg:$0x0]  }
0x2: {  	s3 =	srdreg.scid;
	s2 =	rddreg [dreg:$0x1];
	s13 =	simm.s32 $0x9600  }
0x3: {  	s14 =	simm.s32 $0x1;
	s28 =	simm.s32 $0x2;
	s7 =	smul.u32 $0xC380, s12  }
0x4: {  	s31 =	simm.s32 $0xF600;
	s1 =	sshrl.u32 s12, $0x3;
	s10 =	smul.u32 $0x12C0, s12  }
0x5: {  	s29 =	simm.s32 $0x12600;
	s4 =	sand.u32 $0x1, s3;
	s1 =	smul.u32 $0x12C000, s1  }
0x6: {  	s30 =	simm.s32 $0x3;
	s3 =	simm.s32 $0x0;
	s5 =	smul.u32 $0x12C00, s4  }
0x7: {  	s16 =	sand.u32 $0x7, s12;
	s25 =	sshll.u32 s12, $0x6;
	s6 =	smul.u32 $0x18700, s4  }
0x8: {  	[smem:$0x7FF] =	sst s3;
	s4 =	ssub.s32 $0x2, s4;
	s18 =	smul.u32 $0x9600, s16  }
0x9: {  	s20 =	smul.u32 $0x25800, s16;
	s16 =	simm.s32 $0xE600;
	_ =	strace $0x8000004D  }
0xa: {  	s19 =	sshrl.u32 s7, $0x3;
	s9 =	sshrl.u32 s4, $0x1;
	s11 =	sadd.s32 s7, s2  }
0xb: {  	s1 =	sadd.s32 s1, s0;
	s5 =	sadd.s32 s5, s0;
	s8 =	sadd.s32 s19, s0  }
0xc: {  	s0 =	sadd.s32 s6, s0;
	s4 =	ssub.s32 s4, s9;
	s23 =	sadd.s32 $0x500, s18  }
0xd: {  	s24 =	sadd.s32 $0xA00, s20;
	s22 =	sadd.s32 $0x1E00, s20;
	s11 =	sshrl.u32 s11, $0x3  }
0xe: {  	s5 =	sadd.s32 s10, s5;
	s17 =	sadd.s32 $0x114200, s8;
	s6 =	sadd.s32 $0x421A00, s1  }
0xf: {  	s0 =	sadd.s32 $0x12CA00, s0;
	s7 =	smax.u32 s4, $0x1;
	s9 =	smin.u32 s23, $0x4AD80  }
0x10: {  	s8 =	sadd.s32 $0xA00, s18;
	s10 =	sor.u32 $0x1C04, s25;
	s18 =	simm.s32 $0xA600  }
0x11: {  	s1 =	simm.s32 $0x0;
	[dreg:$0x4] =	wrdreg s17;
	s5 =	sadd.s32 $0x9A00, s5  }
0x12: {  	s21 =	sshll.u32 s9, $0x2;
	s9 =	simm.s32 $0x4;
	s12 =	sadd.s32 s20, s6  }
0x13: {  	s15 =	sadd.s32 s6, s24;
	s17 =	simm.s32 $0x80;
	s20 =	simm.s32 $0xB600  }
0x14: {  	s26 =	sadd.s32 s6, s22;
	s22 =	simm.s32 $0xC600;
	[dreg:$0x5] =	wrdreg s5  }
0x15: {  	s23 =	sadd.s32 s19, s0;
	s0 =	simm.s32 $0x10600;
	[dreg:$0x3] =	wrdreg s26  }
0x16: {  	s25 =	sadd.s32 s6, s21;
	s26 =	simm.s32 $0xD600;
	s21 =	simm.s32 $0x11600  }
.LBB2_1:
0x17: {  	s4 =	rddreg [dreg:$0x5]  }
0x18: {  	[tilespmem:s3], [sflag:$0x4] =	stream.linear.gather [hbm4b:s4+s3], $0x9600, $0x38;
	[tilespmem:$0x1F980] =	vst v63  }
0x19: {  	_ =	swait.ge [sflag:s9], $0x9600  }
0x1a: {  	[sflag:s9] =	ssyncset.done $0x0  }
0x1b: {  	s24 =	rddreg [dreg:$0x4];
	[sflag:s9] =	ssyncadd.s32 $0xFFFF6A00  }
0x1c: {  	[spmem:s11], [sflag:s10] =	dma.local [hbm:s24], $0x1870  }
0x1d: {  	_ =	swait.ge [sflag:s9], $0x1870  }
0x1e: {  	[sflag:s9] =	ssyncset.done $0x0  }
0x1f: {  	[sflag:s9] =	ssyncadd.s32 $0xFFFFE790  }
0x20: {  	[bflag:$0x0] =	sbarrier.arrive $0xFFFF  }
0x21: {  	[tilespmem:s13], [sflag:$0x1] =	stream.linear.gather [hbm4b:s12+s3], $0x5000, $0x38;
	[tilespmem:$0x1F980] =	vst v63  }
0x22: {  	_ =	swait.ge [sflag:s14], $0x5000  }
0x23: {  	[sflag:s14] =	ssyncset.done $0x0  }
0x24: {  	[sflag:s14] =	ssyncadd.s32 $0xFFFFB000  }
0x25: {  	[tilespmem:s16], [sflag:$0x1] =	stream.linear.gather [hbm4b:s15+s3], $0x5000, $0x38;
	[tilespmem:$0x1F980] =	vst v63  }
0x26: {  	_ = 	snop  }
0x27: {  	[spmem:s2] =	stream.indirect.scatter.add.f32 [tilespmem:s13], [sflag:$0x2], $0x20, s3, s17, $0xb8;
	[tilespmem:$0x1F980] =	vst v63  }
0x28: {  	_ = 	snop  }
0x29: {  	[spmem:s2] =	stream.indirect.scatter.add.f32 [tilespmem:s18], [sflag:$0x2], $0x20, s17, s17, $0xb8;
	[tilespmem:$0x1F980] =	vst v63  }
0x2a: {  	s5 =	simm.s32 $0x100  }
0x2b: {  	[spmem:s2] =	stream.indirect.scatter.add.f32 [tilespmem:s20], [sflag:$0x2], $0x20, s5, s17, $0xb8;
	[tilespmem:$0x1F980] =	vst v63  }
0x2c: {  	s19 =	simm.s32 $0x180  }
0x2d: {  	[spmem:s2] =	stream.indirect.scatter.add.f32 [tilespmem:s22], [sflag:$0x2], $0x20, s19, s17, $0xb8;
	[tilespmem:$0x1F980] =	vst v63  }
0x2e: {  	s24 =	simm.s32 $0x200  }
0x2f: {  	[spmem:s2] =	stream.indirect.scatter.add.f32 [tilespmem:s26], [sflag:$0x2], $0x20, s24, s17, $0xb8;
	[tilespmem:$0x1F980] =	vst v63  }
0x30: {  	_ =	swait.ge [sflag:s14], $0x5000  }
0x31: {  	[sflag:s14] =	ssyncset.done $0x0  }
0x32: {  	[sflag:s14] =	ssyncadd.s32 $0xFFFFB000  }
0x33: {  	_ =	swait.ge [sflag:s28], $0x1000  }
0x34: {  	[sflag:s28] =	ssyncset.done $0x0  }
0x35: {  	[sflag:s28] =	ssyncadd.s32 $0xFFFFF000  }
0x36: {  	_ =	swait.ge [sflag:s28], $0x1000  }
0x37: {  	[sflag:s28] =	ssyncset.done $0x0  }
0x38: {  	[sflag:s28] =	ssyncadd.s32 $0xFFFFF000  }
0x39: {  	_ =	swait.ge [sflag:s28], $0x1000  }
0x3a: {  	[sflag:s28] =	ssyncset.done $0x0  }
0x3b: {  	[sflag:s28] =	ssyncadd.s32 $0xFFFFF000  }
0x3c: {  	_ =	swait.ge [sflag:s28], $0x1000  }
0x3d: {  	[sflag:s28] =	ssyncset.done $0x0  }
0x3e: {  	[sflag:s28] =	ssyncadd.s32 $0xFFFFF000  }
0x3f: {  	_ =	swait.ge [sflag:s28], $0x1000  }
0x40: {  	[sflag:s28] =	ssyncset.done $0x0  }
0x41: {  	[sflag:s28] =	ssyncadd.s32 $0xFFFFF000  }
0x42: {  	[tilespmem:s13], [sflag:$0x1] =	stream.linear.gather [hbm4b:s25+s3], $0x5000, $0x38;
	[tilespmem:$0x1F980] =	vst v63  }
0x43: {  	s5 =	simm.s32 $0x280  }
0x44: {  	[spmem:s2] =	stream.indirect.scatter.add.f32 [tilespmem:s16], [sflag:$0x3], $0x20, s5, s17, $0xb8;
	[tilespmem:$0x1F980] =	vst v63  }
0x45: {  	s19 =	simm.s32 $0x300  }
0x46: {  	[spmem:s2] =	stream.indirect.scatter.add.f32 [tilespmem:s31], [sflag:$0x3], $0x20, s19, s17, $0xb8;
	[tilespmem:$0x1F980] =	vst v63  }
0x47: {  	s24 =	simm.s32 $0x380  }
0x48: {  	[spmem:s2] =	stream.indirect.scatter.add.f32 [tilespmem:s0], [sflag:$0x3], $0x20, s24, s17, $0xb8;
	[tilespmem:$0x1F980] =	vst v63  }
0x49: {  	s5 =	simm.s32 $0x400  }
0x4a: {  	[spmem:s2] =	stream.indirect.scatter.add.f32 [tilespmem:s21], [sflag:$0x3], $0x20, s5, s17, $0xb8;
	[tilespmem:$0x1F980] =	vst v63  }
0x4b: {  	s19 =	simm.s32 $0x480  }
0x4c: {  	[spmem:s2] =	stream.indirect.scatter.add.f32 [tilespmem:s29], [sflag:$0x3], $0x20, s19, s17, $0xb8;
	[tilespmem:$0x1F980] =	vst v63  }
0x4d: {  	_ =	swait.ge [sflag:s14], $0x5000  }
0x4e: {  	[sflag:s14] =	ssyncset.done $0x0  }
0x4f: {  	[sflag:s14] =	ssyncadd.s32 $0xFFFFB000  }
0x50: {  	_ =	swait.ge [sflag:s30], $0x1000  }
0x51: {  	[sflag:s30] =	ssyncset.done $0x0  }
0x52: {  	[sflag:s30] =	ssyncadd.s32 $0xFFFFF000  }
0x53: {  	_ =	swait.ge [sflag:s30], $0x1000  }
0x54: {  	[sflag:s30] =	ssyncset.done $0x0  }
0x55: {  	[sflag:s30] =	ssyncadd.s32 $0xFFFFF000  }
0x56: {  	_ =	swait.ge [sflag:s30], $0x1000  }
0x57: {  	[sflag:s30] =	ssyncset.done $0x0  }
0x58: {  	[sflag:s30] =	ssyncadd.s32 $0xFFFFF000  }
0x59: {  	_ =	swait.ge [sflag:s30], $0x1000  }
0x5a: {  	[sflag:s30] =	ssyncset.done $0x0  }
0x5b: {  	[sflag:s30] =	ssyncadd.s32 $0xFFFFF000  }
0x5c: {  	_ =	swait.ge [sflag:s30], $0x1000  }
0x5d: {  	s24 =	rddreg [dreg:$0x3];
	[sflag:s30] =	ssyncset.done $0x0  }
0x5e: {  	[sflag:s30] =	ssyncadd.s32 $0xFFFFF000;
	s4 =	sadd.s32 $0x0, s24  }
0x5f: {  	[tilespmem:s16], [sflag:$0x1] =	stream.linear.gather [hbm4b:s4+s3], $0x5000, $0x38;
	[tilespmem:$0x1F980] =	vst v63  }
0x60: {  	s5 =	simm.s32 $0x500  }
0x61: {  	[spmem:s2] =	stream.indirect.scatter.add.f32 [tilespmem:s13], [sflag:$0x2], $0x20, s5, s17, $0xb8;
	[tilespmem:$0x1F980] =	vst v63  }
0x62: {  	s19 =	simm.s32 $0x580  }
0x63: {  	[spmem:s2] =	stream.indirect.scatter.add.f32 [tilespmem:s18], [sflag:$0x2], $0x20, s19, s17, $0xb8;
	[tilespmem:$0x1F980] =	vst v63  }
0x64: {  	s24 =	simm.s32 $0x600  }
0x65: {  	[spmem:s2] =	stream.indirect.scatter.add.f32 [tilespmem:s20], [sflag:$0x2], $0x20, s24, s17, $0xb8;
	[tilespmem:$0x1F980] =	vst v63  }
0x66: {  	s5 =	simm.s32 $0x680  }
0x67: {  	[spmem:s2] =	stream.indirect.scatter.add.f32 [tilespmem:s22], [sflag:$0x2], $0x20, s5, s17, $0xb8;
	[tilespmem:$0x1F980] =	vst v63  }
0x68: {  	s19 =	simm.s32 $0x700  }
0x69: {  	[spmem:s2] =	stream.indirect.scatter.add.f32 [tilespmem:s26], [sflag:$0x2], $0x20, s19, s17, $0xb8;
	[tilespmem:$0x1F980] =	vst v63  }
0x6a: {  	_ =	swait.ge [sflag:s14], $0x5000  }
0x6b: {  	[sflag:s14] =	ssyncset.done $0x0  }
0x6c: {  	[sflag:s14] =	ssyncadd.s32 $0xFFFFB000  }
0x6d: {  	_ =	swait.ge [sflag:s28], $0x1000  }
0x6e: {  	[sflag:s28] =	ssyncset.done $0x0  }
0x6f: {  	[sflag:s28] =	ssyncadd.s32 $0xFFFFF000  }
0x70: {  	_ =	swait.ge [sflag:s28], $0x1000  }
0x71: {  	[sflag:s28] =	ssyncset.done $0x0  }
0x72: {  	[sflag:s28] =	ssyncadd.s32 $0xFFFFF000  }
0x73: {  	_ =	swait.ge [sflag:s28], $0x1000  }
0x74: {  	[sflag:s28] =	ssyncset.done $0x0  }
0x75: {  	[sflag:s28] =	ssyncadd.s32 $0xFFFFF000  }
0x76: {  	_ =	swait.ge [sflag:s28], $0x1000  }
0x77: {  	[sflag:s28] =	ssyncset.done $0x0  }
0x78: {  	p0 =	slt.s32 s8, $0x4AD80;
	s4 =	smov.u32 s8;
	[sflag:s28] =	ssyncadd.s32 $0xFFFFF000  }
0x79: {  	s4 =	simm.s32 @!p0 $0x4AD80;
	_ =	swait.ge [sflag:s28], $0x1000  }
0x7a: {  	s4 =	sshll.u32 s4, $0x2;
	[sflag:s28] =	ssyncset.done $0x0  }
0x7b: {  	s4 =	sadd.s32 s6, s4;
	[sflag:s28] =	ssyncadd.s32 $0xFFFFF000  }
0x7c: {  	[tilespmem:s13], [sflag:$0x1] =	stream.linear.gather [hbm4b:s4+s3], $0x5000, $0x38;
	[tilespmem:$0x1F980] =	vst v63  }
0x7d: {  	s24 =	simm.s32 $0x780  }
0x7e: {  	[spmem:s2] =	stream.indirect.scatter.add.f32 [tilespmem:s16], [sflag:$0x3], $0x20, s24, s17, $0xb8;
	[tilespmem:$0x1F980] =	vst v63  }
0x7f: {  	s5 =	simm.s32 $0x800  }
0x80: {  	[spmem:s2] =	stream.indirect.scatter.add.f32 [tilespmem:s31], [sflag:$0x3], $0x20, s5, s17, $0xb8;
	[tilespmem:$0x1F980] =	vst v63  }
0x81: {  	s19 =	simm.s32 $0x880  }
0x82: {  	[spmem:s2] =	stream.indirect.scatter.add.f32 [tilespmem:s0], [sflag:$0x3], $0x20, s19, s17, $0xb8;
	[tilespmem:$0x1F980] =	vst v63  }
0x83: {  	s24 =	simm.s32 $0x900  }
0x84: {  	[spmem:s2] =	stream.indirect.scatter.add.f32 [tilespmem:s21], [sflag:$0x3], $0x20, s24, s17, $0xb8;
	[tilespmem:$0x1F980] =	vst v63  }
0x85: {  	s4 =	simm.s32 $0x980;
	s19 =	simm.s32 $0x1400;
	s24 =	sadd.s32 $0x500, s8  }
.LBB2_2:
0x86: {  	[spmem:s2] =	stream.indirect.scatter.add.f32 [tilespmem:s29], [sflag:$0x3], $0x20, s4, s17, $0xb8;
	[tilespmem:$0x1F980] =	vst v63  }
0x87: {  	_ =	swait.ge [sflag:s14], $0x5000  }
0x88: {  	[sflag:s14] =	ssyncset.done $0x0  }
0x89: {  	[sflag:s14] =	ssyncadd.s32 $0xFFFFB000  }
0x8a: {  	_ =	swait.ge [sflag:s30], $0x1000  }
0x8b: {  	[sflag:s30] =	ssyncset.done $0x0  }
0x8c: {  	[sflag:s30] =	ssyncadd.s32 $0xFFFFF000  }
0x8d: {  	_ =	swait.ge [sflag:s30], $0x1000  }
0x8e: {  	[sflag:s30] =	ssyncset.done $0x0  }
0x8f: {  	[sflag:s30] =	ssyncadd.s32 $0xFFFFF000  }
0x90: {  	_ =	swait.ge [sflag:s30], $0x1000  }
0x91: {  	[sflag:s30] =	ssyncset.done $0x0  }
0x92: {  	[sflag:s30] =	ssyncadd.s32 $0xFFFFF000  }
0x93: {  	_ =	swait.ge [sflag:s30], $0x1000  }
0x94: {  	[sflag:s30] =	ssyncset.done $0x0  }
0x95: {  	[sflag:s30] =	ssyncadd.s32 $0xFFFFF000  }
0x96: {  	_ =	swait.ge [sflag:s30], $0x1000  }
0x97: {  	s4 =	smov.u32 s19;
	s5 =	rddreg [dreg:$0x3];
	[sflag:s30] =	ssyncset.done $0x0  }
0x98: {  	[sflag:s30] =	ssyncadd.s32 $0xFFFFF000;
	s5 =	sadd.s32 s4, s5;
	s4 =	sshra.s32 s4, $0x2  }
0x99: {  	[tilespmem:s16], [sflag:$0x1] =	stream.linear.gather [hbm4b:s5+s3], $0x5000, $0x38;
	[tilespmem:$0x1F980] =	vst v63  }
0x9a: {  	s5 =	sadd.s32 $0x500, s4  }
0x9b: {  	[spmem:s2] =	stream.indirect.scatter.add.f32 [tilespmem:s13], [sflag:$0x2], $0x20, s5, s17, $0xb8;
	[tilespmem:$0x1F980] =	vst v63  }
0x9c: {  	s5 =	sadd.s32 $0x580, s4  }
0x9d: {  	[spmem:s2] =	stream.indirect.scatter.add.f32 [tilespmem:s18], [sflag:$0x2], $0x20, s5, s17, $0xb8;
	[tilespmem:$0x1F980] =	vst v63  }
0x9e: {  	s5 =	sadd.s32 $0x600, s4  }
0x9f: {  	[spmem:s2] =	stream.indirect.scatter.add.f32 [tilespmem:s20], [sflag:$0x2], $0x20, s5, s17, $0xb8;
	[tilespmem:$0x1F980] =	vst v63  }
0xa0: {  	s5 =	sadd.s32 $0x680, s4  }
0xa1: {  	[spmem:s2] =	stream.indirect.scatter.add.f32 [tilespmem:s22], [sflag:$0x2], $0x20, s5, s17, $0xb8;
	[tilespmem:$0x1F980] =	vst v63  }
0xa2: {  	s5 =	sadd.s32 $0x700, s4  }
0xa3: {  	[spmem:s2] =	stream.indirect.scatter.add.f32 [tilespmem:s26], [sflag:$0x2], $0x20, s5, s17, $0xb8;
	[tilespmem:$0x1F980] =	vst v63  }
0xa4: {  	_ =	swait.ge [sflag:s14], $0x5000  }
0xa5: {  	[sflag:s14] =	ssyncset.done $0x0  }
0xa6: {  	[sflag:s14] =	ssyncadd.s32 $0xFFFFB000  }
0xa7: {  	_ =	swait.ge [sflag:s28], $0x1000  }
0xa8: {  	[sflag:s28] =	ssyncset.done $0x0  }
0xa9: {  	[sflag:s28] =	ssyncadd.s32 $0xFFFFF000  }
0xaa: {  	_ =	swait.ge [sflag:s28], $0x1000  }
0xab: {  	[sflag:s28] =	ssyncset.done $0x0  }
0xac: {  	[sflag:s28] =	ssyncadd.s32 $0xFFFFF000  }
0xad: {  	_ =	swait.ge [sflag:s28], $0x1000  }
0xae: {  	[sflag:s28] =	ssyncset.done $0x0  }
0xaf: {  	[sflag:s28] =	ssyncadd.s32 $0xFFFFF000  }
0xb0: {  	_ =	swait.ge [sflag:s28], $0x1000  }
0xb1: {  	[sflag:s28] =	ssyncset.done $0x0  }
0xb2: {  	p1 =	slt.s32 s24, $0x4AD80;
	s5 =	smov.u32 s24;
	[sflag:s28] =	ssyncadd.s32 $0xFFFFF000  }
0xb3: {  	s5 =	simm.s32 @!p1 $0x4AD80;
	_ =	swait.ge [sflag:s28], $0x1000  }
0xb4: {  	s5 =	sshll.u32 s5, $0x2;
	[sflag:s28] =	ssyncset.done $0x0  }
0xb5: {  	s5 =	sadd.s32 s6, s5;
	[sflag:s28] =	ssyncadd.s32 $0xFFFFF000  }
0xb6: {  	[tilespmem:s13], [sflag:$0x1] =	stream.linear.gather [hbm4b:s5+s3], $0x5000, $0x38;
	[tilespmem:$0x1F980] =	vst v63  }
0xb7: {  	s5 =	sadd.s32 $0x780, s4  }
0xb8: {  	[spmem:s2] =	stream.indirect.scatter.add.f32 [tilespmem:s16], [sflag:$0x3], $0x20, s5, s17, $0xb8;
	[tilespmem:$0x1F980] =	vst v63  }
0xb9: {  	p0 =	sne.s32 s19, $0x23000;
	s5 =	sadd.s32 $0x800, s4  }
0xba: {  	[spmem:s2] =	stream.indirect.scatter.add.f32 [tilespmem:s31], [sflag:$0x3], $0x20, s5, s17, $0xb8;
	[tilespmem:$0x1F980] =	vst v63  }
.Ltmp0:
0xbb: {  	_ = 	snop;
	(pc) =	sbr.rel @p0 .LBB2_2-.Ltmp0, $4  }
0xbc: {  	s19 =	sadd.s32 $0x1400, s19;
	s5 =	sadd.s32 $0x880, s4  }
0xbd: {  	[spmem:s2] =	stream.indirect.scatter.add.f32 [tilespmem:s0], [sflag:$0x3], $0x20, s5, s17, $0xb8;
	[tilespmem:$0x1F980] =	vst v63  }
0xbe: {  	s24 =	sadd.s32 $0x500, s24;
	s5 =	sadd.s32 $0x900, s4;
	s4 =	sadd.s32 $0x980, s4  }
0xbf: {  	[spmem:s2] =	stream.indirect.scatter.add.f32 [tilespmem:s21], [sflag:$0x3], $0x20, s5, s17, $0xb8;
	[tilespmem:$0x1F980] =	vst v63  }
0xc0: {  	[spmem:s2] =	stream.indirect.scatter.add.f32 [tilespmem:s29], [sflag:$0x3], $0x20, s4, s17, $0xb8;
	[tilespmem:$0x1F980] =	vst v63  }
0xc1: {  	_ =	swait.ge [sflag:s14], $0x5000  }
0xc2: {  	[sflag:s14] =	ssyncset.done $0x0  }
0xc3: {  	[sflag:s14] =	ssyncadd.s32 $0xFFFFB000  }
0xc4: {  	_ =	swait.ge [sflag:s30], $0x1000  }
0xc5: {  	[sflag:s30] =	ssyncset.done $0x0  }
0xc6: {  	[sflag:s30] =	ssyncadd.s32 $0xFFFFF000  }
0xc7: {  	_ =	swait.ge [sflag:s30], $0x1000  }
0xc8: {  	[sflag:s30] =	ssyncset.done $0x0  }
0xc9: {  	[sflag:s30] =	ssyncadd.s32 $0xFFFFF000  }
0xca: {  	_ =	swait.ge [sflag:s30], $0x1000  }
0xcb: {  	[sflag:s30] =	ssyncset.done $0x0  }
0xcc: {  	[sflag:s30] =	ssyncadd.s32 $0xFFFFF000  }
0xcd: {  	_ =	swait.ge [sflag:s30], $0x1000  }
0xce: {  	[sflag:s30] =	ssyncset.done $0x0  }
0xcf: {  	[sflag:s30] =	ssyncadd.s32 $0xFFFFF000  }
0xd0: {  	_ =	swait.ge [sflag:s30], $0x1000  }
0xd1: {  	s1 =	sadd.s32 $0x1, s1;
	[sflag:s30] =	ssyncset.done $0x0  }
0xd2: {  	p0 =	sne.s32 s1, s7;
	[sflag:s30] =	ssyncadd.s32 $0xFFFFF000  }
.Ltmp1:
0xd3: {  	[bflag:$0x0] =	sbarrier.arrive $0xFFFF;
	(pc) =	sbr.rel @p0 .LBB2_1-.Ltmp1, $4  }
0xd4: {  	[hbm:s23], [sflag:s10] =	dma.local [spmem:s11], $0x1870  }
0xd5: {  	_ =	swait.ge [sflag:s9], $0x1870  }
0xd6: {  	[sflag:s9] =	ssyncset.done $0x0  }
0xd7: {  	[sflag:s9] =	ssyncadd.s32 $0xFFFFE790  }
0xd8: {  	_ =	sfence.sel $0x180000  }
0xd9: {  	[bflag:$0x0] =	sbarrier.arrive $0xFFFF  }
0xda: {  	_ =	strace $0x9000004D  }
0xdb: {  	s0 =	stileid.u32;
	[bflag:$0x2] =	sbarrier.arrive $0xFFFF  }
0xdc: {  	p0 =	sne.s32 s0, $0x0;
	s0 =	rddreg [dreg:$0x2]  }
0xdd: {  	s0 =	sadd.s32 @!p0 $0x100000, s0  }
0xde: {  	[sflag:s0] =	ssyncadd.tile.s32 @!p0 $0x1;
	_ =	shalt  }
.Lfunc_end2:
_tile_overlayer_lowered:
.L_overlay_start_2:
0xdf: {  	(tag) =	ssettag $0x2  }
0xe0: {  	s0 =	rddreg [dreg:$0x0];
	s2 =	stileid.u32  }
0xe1: {  	s1 =	rddreg [dreg:$0x1];
	p0 =	sne.s32 s2, $0x0  }
0xe2: {  	s3 =	rddreg [dreg:$0x2];
	[bflag:$0x3] =	sbarrier.arrive $0xFFFF;
	s2 =	simm.s32 @!p0 $0x1C04  }
0xe3: {  	[timem:s3], [sflag:s2] =	dma.local @!p0 [hbm:s0], s1  }
0xe4: {  	s0 =	simm.s32 @!p0 $0x4  }
0xe5: {  	_ =	swait.ge @!p0 [sflag:s0], s1  }
0xe6: {  	s1 =	ssub.s32 @!p0 $0x0, s1;
	[sflag:s0] =	ssyncset.done @!p0 $0x0  }
0xe7: {  	[sflag:s0] =	ssyncadd.s32 @!p0 s1  }
0xe8: {  	[bflag:$0x3] =	sbarrier.arrive $0xFFFF  }
0xe9: {  	_ =	shalt  }

// kernel: sc_segsum.7.cloned.1.call-start
scs
__scs_entry_jumppad:
0x0: {  	(pc) =	sbr.rel $0x88, $3  }
0x1: {  	(tag) =	ssettag $0x0;
	lr =	simm.s32 $0x1  }
0x2: {  	[smem:$0x3F82] =	sst lr;
	_ =	strace $0xD0000000  }
0x3: {  	_ = 	snop  }
0x4: {  	_ = 	snop  }
0x5: {  	_ = 	snop  }
0x6: {  	_ = 	snop  }
0x7: {  	_ = 	snop  }
__scs_overlays_trampoline_lowered:
0x8: {  	[smem:$0x3F91] =	sst s0  }
0x9: {  	[smem:$0x3F92] =	sst s1  }
0xa: {  	[smem:$0x3F93] =	sst s2  }
0xb: {  	[smem:$0x3F94] =	sst s3  }
0xc: {  	[smem:$0x3F95] =	sst s4  }
0xd: {  	[smem:$0x3F96] =	sst s5  }
0xe: {  	[smem:$0x3F97] =	sst s6  }
0xf: {  	[smem:$0x3F98] =	sst s7  }
0x10: {  	[smem:$0x3F99] =	sst s8  }
0x11: {  	[smem:$0x3F9A] =	sst s9;
	s0 =	simm.s32 @!p0 $0x0  }
0x12: {  	s1 =	sld [smem:$0x3F80];
	s0 =	simm.s32 @p0 $0x1  }
0x13: {  	[smem:$0x3F9B] =	sst s0;
	s0 =	simm.s32 @!p1 $0x0  }
0x14: {  	s2 =	sld [smem:$0x3F7F];
	s0 =	simm.s32 @p1 $0x1  }
0x15: {  	[smem:$0x3F9C] =	sst s0;
	s0 =	simm.s32 @!p2 $0x0  }
0x16: {  	s3 =	sld [smem:$0x3FDB];
	s0 =	simm.s32 @p2 $0x1  }
0x17: {  	s4 =	simm.s32 $0x1BF5;
	[smem:$0x3F9E] =	sst s0  }
0x18: {  	s0 =	sld [smem:$0x3F81];
	_ =	swait.ge [sflag:s4], $0x0  }
0x19: {  	s7 =	sld [smem:$0x3F82]  }
0x1a: {  	s8 =	sadd.s32 $0xFFFFE003, lr  }
0x1b: {  	s9 =	sadd.s32 $0xFFFFFEF7, lr;
	s5 =	simm.s32 $0xFFFFFFFF;
	p2 =	slt.u32 s8, $0xFFFFF086  }
0x1c: {  	p1 =	slt.u32 s9, $0xF7A;
	s5 =	simm.s32 @!p2 $0x0  }
0x1d: {  	s5 =	simm.s32 @p1 $0x1;
	p0 =	seq.s32 s7, s2  }
0x1e: {  	s7 =	smul.u32 @!p0 $0xF7A, s2;
	p2 =	seq.s32 @!p0 s5, $0x0  }
0x1f: {  	s9 =	smul.u32 $0xF7A, s1;
	s8 =	simm.s32 @!p0 $0x1BF5;
	p2 =	por !p2, p0  }
0x20: {  	[sflag:s8] =	ssyncset.s32 @!p0 $0xFFFFF086;
	s6 =	sadd.s32 @!p0 s3, s7;
	s7 =	simm.s32 @!p0 $0x108  }
0x21: {  	s3 =	sadd.s32 s3, s9;
	s6 =	sadd.s32 @!p0 $0x88, s6;
	s7 =	simm.s32 @p2 $0x1082  }
0x22: {  	[simem:s7], [sflag:s8] =	dma.local @!p0 [hbm:s6], $0xF7A  }
0x23: {  	s9 =	sor.u32 $0xD0000000, s2;
	s6 =	simm.s32 $0x108;
	_ =	swait.ge @!p0 [sflag:s8], $0x0  }
0x24: {  	s3 =	sadd.s32 $0x88, s3;
	s6 =	simm.s32 @!p1 $0x1082;
	[sflag:s4] =	ssyncset.s32 $0xFFFFF086  }
0x25: {  	[simem:s6], [sflag:s4] =	dma.local [hbm:s3], $0xF7A  }
0x26: {  	[smem:$0x3F82] =	sst s1;
	(tag) =	ssettag s2;
	_ =	strace s9  }
0x27: {  	s1 =	sld [smem:$0x3F92]  }
0x28: {  	s2 =	sld [smem:$0x3F93]  }
0x29: {  	s4 =	sld [smem:$0x3F95]  }
0x2a: {  	p0 =	seq.s32 s5, $0x0;
	s5 =	sld [smem:$0x3F96]  }
0x2b: {  	s6 =	sld [smem:$0x3F97]  }
0x2c: {  	s7 =	sld [smem:$0x3F98]  }
0x2d: {  	s3 =	simm.s32 $0x108;
	s8 =	sld [smem:$0x3F99]  }
0x2e: {  	s3 =	simm.s32 @!p0 $0x1082;
	s9 =	sld [smem:$0x3F9A]  }
0x2f: {  	lr =	sadd.s32 s0, s3;
	s0 =	sld [smem:$0x3F91]  }
0x30: {  	s3 =	sld [smem:$0x3F94]  }
0x31: {  	[smem:$0x3F9D] =	sst s10  }
0x32: {  	s10 =	sld [smem:$0x3F9B];
	_ =	sdelay $0x3  }
0x33: {  	p0 =	seq.s32 s10, $0x1;
	s10 =	sld [smem:$0x3F9D];
	_ =	sdelay $0x3  }
0x34: {  	[smem:$0x3F9D] =	sst s10  }
0x35: {  	s10 =	sld [smem:$0x3F9C];
	_ =	sdelay $0x3  }
0x36: {  	p1 =	seq.s32 s10, $0x1;
	s10 =	sld [smem:$0x3F9D];
	_ =	sdelay $0x3  }
0x37: {  	[smem:$0x3F9D] =	sst s10  }
0x38: {  	s10 =	sld [smem:$0x3F9E]  }
0x39: {  	_ = 	snop;
	(pc) =	sbr.ind lr, $3  }
0x3a: {  	_ = 	snop  }
0x3b: {  	_ = 	snop  }
0x3c: {  	p2 =	seq.s32 s10, $0x1;
	s10 =	sld [smem:$0x3F9D]  }
0x3d: {  	_ =	shalt  }
0x3e: {  	_ =	shalt  }
0x3f: {  	_ =	shalt  }
0x40: {  	_ =	shalt  }
0x41: {  	_ =	shalt  }
0x42: {  	_ =	shalt  }
0x43: {  	_ =	shalt  }
0x44: {  	_ =	shalt  }
0x45: {  	_ =	shalt  }
0x46: {  	_ =	shalt  }
0x47: {  	_ =	shalt  }
0x48: {  	_ =	shalt  }
0x49: {  	_ =	shalt  }
0x4a: {  	_ =	shalt  }
0x4b: {  	_ =	shalt  }
0x4c: {  	_ =	shalt  }
0x4d: {  	_ =	shalt  }
0x4e: {  	_ =	shalt  }
0x4f: {  	_ =	shalt  }
0x50: {  	_ =	shalt  }
0x51: {  	_ =	shalt  }
0x52: {  	_ =	shalt  }
0x53: {  	_ =	shalt  }
0x54: {  	_ =	shalt  }
0x55: {  	_ =	shalt  }
0x56: {  	_ =	shalt  }
0x57: {  	_ =	shalt  }
0x58: {  	_ =	shalt  }
0x59: {  	_ =	shalt  }
0x5a: {  	_ =	shalt  }
0x5b: {  	_ =	shalt  }
0x5c: {  	_ =	shalt  }
0x5d: {  	_ =	shalt  }
0x5e: {  	_ =	shalt  }
0x5f: {  	_ =	shalt  }
0x60: {  	_ =	shalt  }
0x61: {  	_ =	shalt  }
0x62: {  	_ =	shalt  }
0x63: {  	_ =	shalt  }
0x64: {  	_ =	shalt  }
0x65: {  	_ =	shalt  }
0x66: {  	_ =	shalt  }
0x67: {  	_ =	shalt  }
0x68: {  	_ =	shalt  }
0x69: {  	_ =	shalt  }
0x6a: {  	_ =	shalt  }
0x6b: {  	_ =	shalt  }
0x6c: {  	_ =	shalt  }
0x6d: {  	_ =	shalt  }
0x6e: {  	_ =	shalt  }
0x6f: {  	_ =	shalt  }
0x70: {  	_ =	shalt  }
0x71: {  	_ =	shalt  }
0x72: {  	_ =	shalt  }
0x73: {  	_ =	shalt  }
0x74: {  	_ =	shalt  }
0x75: {  	_ =	shalt  }
0x76: {  	_ =	shalt  }
0x77: {  	_ =	shalt  }
0x78: {  	_ =	shalt  }
0x79: {  	_ =	shalt  }
0x7a: {  	_ =	shalt  }
0x7b: {  	_ =	shalt  }
0x7c: {  	_ =	shalt  }
0x7d: {  	_ =	shalt  }
0x7e: {  	_ =	shalt  }
0x7f: {  	_ =	shalt  }
0x80: {  	_ =	shalt  }
0x81: {  	_ =	shalt  }
0x82: {  	_ =	shalt  }
0x83: {  	_ =	shalt  }
0x84: {  	_ =	shalt  }
0x85: {  	_ =	shalt  }
0x86: {  	_ =	shalt  }
0x87: {  	_ =	shalt  }
.Lfunc_end0:
.L_simem_size_0:
called_computation.4_lowered:
.L_overlay_start_0:
0x88: {  	s2 =	sld [smem:$0x3FD9]  }
0x89: {  	s3 =	sld [smem:$0x3FFE];
	_ =	sdelay $0x1  }
0x8a: {  	s1 =	srdreg.scid  }
0x8b: {  	s0 =	sand.u32 $0x1, s1  }
0x8c: {  	s16 =	sshll.u32 s0, $0xA;
	s2 =	sadd.s32 s3, s2  }
0x8d: {  	s2 =	sadd.s32 s2, s16  }
0x8e: {  	[smem:$0x3FA9] =	sst s2  }
0x8f: {  	_ = 	snop  }
0x90: {  	(tm) =	ssettm $0x1  }
0x91: {  	s17 =	sld [smem:$0x3FFB];
	_ =	sdelay $0x3  }
0x92: {  	_ =	strace s17  }
0x93: {  	s2 =	sld [smem:$0x3FFC];
	_ =	sdelay $0x3  }
0x94: {  	_ =	strace s2  }
0x95: {  	s2 =	sld [smem:$0x3FFD];
	_ =	sdelay $0x3  }
0x96: {  	_ =	strace s2  }
0x97: {  	_ =	strace $0x8FFFFFFF  }
0x98: {  	s18 =	sld [smem:$0x3FDB];
	_ =	sdelay $0x1  }
0x99: {  	s19 =	simm.s32 $_scs_section_size  }
0x9a: {  	s4 =	simm.s32 $_size__tile_overlayer_lowered;
	s5 =	simm.s32 $_tile_overlayer_lowered  }
0x9b: {  	s22 =	simm.s32 $0x1BFF;
	s21 =	sshll.u32 s5, $0x1;
	s2 =	sadd.s32 s19, s18  }
0x9c: {  	s6 =	simm.s32 $0x0;
	s20 =	sshll.u32 s4, $0x1;
	s4 =	sadd.s32 s21, s2  }
0x9d: {  	[timem:s6], [sflag:s22] =	dma.local [hbm:s4], s20  }
0x9e: {  	_ =	swait.ge [sflag:s22], s20  }
0x9f: {  	s3 =	ssub.s32 $0x0, s20;
	[sflag:s22] =	ssyncset.done $0x0  }
0xa0: {  	[sflag:s22] =	ssyncadd.s32 s3;
	_ =	sdelay $0x1  }
0xa1: {  	s23 =	simm.s32 $0x1B8B  }
0xa2: {  	_ =	swait.ge [sflag:s23], $0x1  }
0xa3: {  	[sflag:s23] =	ssyncset.done $0x0  }
0xa4: {  	s25 =	simm.s32 $0x1B8E;
	s24 =	sld [smem:$0x3FFE];
	[sflag:s23] =	ssyncadd.s32 $0xFFFFFFFF  }
0xa5: {  	s26 =	simm.s32 $execute0_lowered;
	[smem:$0x3FD2] =	sst s25  }
0xa6: {  	s4 =	sshll.u32 s26, $0x1;
	_ =	strace $0x80000052;
	[dreg:$0x1] =	wrdreg $0xFFFFFFFF  }
0xa7: {  	s28 =	simm.s32 $_size_execute0_lowered;
	s2 =	sadd.s32 s2, s4;
	[dreg:$0x0] =	wrdreg $0x0  }
0xa8: {  	s4 =	sshll.u32 s28, $0x1;
	[dreg:$0x2] =	wrdreg s2  }
0xa9: {  	[dreg:$0x3] =	wrdreg s4  }
0xaa: {  	[dreg:$0x4] =	wrdreg $0xC0  }
0xab: {  	_ =	task [dreg:s6], $0x5FFFF  }
0xac: {  	[dreg:$0x1] =	wrdreg $0xFFFFFFFF  }
0xad: {  	[dreg:$0x0] =	wrdreg $0x60  }
0xae: {  	[dreg:$0x2] =	wrdreg s24  }
0xaf: {  	[dreg:$0x3] =	wrdreg $0x136000  }
0xb0: {  	[dreg:$0x4] =	wrdreg $0x9  }
0xb1: {  	_ =	task.clear_ibuf [dreg:s6], $0x5FFFF;
	_ =	strace $0x90000052  }
0xb2: {  	s29 =	simm.s32 $0x9;
	_ =	strace $0x80000054  }
0xb3: {  	_ =	swait.ge [sflag:s29], $0x1  }
0xb4: {  	[sflag:s29] =	ssyncadd.s32 $0xFFFFFFFF  }
0xb5: {  	_ =	strace $0x90000054  }
0xb6: {  	_ =	sfence  }
0xb7: {  	s30 =	sld [smem:$0x0];
	_ =	sdelay $0x2  }
0xb8: {  	s31 =	sshll.u32 s1, $0xD;
	s1 =	sshrl.u32 s1, $0x2  }
0xb9: {  	s3 =	sand.u32 $0x4000, s31;
	s1 =	sadd.s32 s1, s30  }
0xba: {  	s0 =	sor.u32 s3, s0;
	s1 =	sshll.u32 s1, $0x11  }
0xbb: {  	s0 =	sor.u32 s1, s0  }
0xbc: {  	s0 =	sadd.s32 $0x8F2B, s0  }
0xbd: {  	[sflag:s0] =	ssyncadd.remote.s32 $0x1  }
0xbe: {  	_ =	sfence.sel $0xFFFF  }
0xbf: {  	[dreg:$0x0] =	wrdreg $0xFFFFFFFF;
	(pc) =	sbr.abs _section_cstart, $3  }
0xc0: {  	[dreg:$0x1] =	wrdreg $0xFFFFFFFF  }
0xc1: {  	_ =	task.clear_ibuf [dreg:s6], $0x2FFFF;
	_ =	strace $0x9FFFFFFF  }
0xc2: {  	(tm) =	ssettm $0x7FFFFFFF  }
0xc3: {  	_ =	shalt  }
tec
execute0_lowered:
.L_overlay_start_1:
0x0: {  	(tag) =	ssettag $0x1  }
0x1: {  	s12 =	stileid.u32;
	s0 =	rddreg [dreg:$0x0]  }
0x2: {  	s3 =	srdreg.scid;
	s2 =	rddreg [dreg:$0x1];
	s13 =	simm.s32 $0x9600  }
0x3: {  	s14 =	simm.s32 $0x1;
	s28 =	simm.s32 $0x2;
	s7 =	smul.u32 $0xC380, s12  }
0x4: {  	s31 =	simm.s32 $0xF600;
	s1 =	sshrl.u32 s12, $0x3;
	s10 =	smul.u32 $0x12C0, s12  }
0x5: {  	s29 =	simm.s32 $0x12600;
	s4 =	sand.u32 $0x1, s3;
	s1 =	smul.u32 $0x12C000, s1  }
0x6: {  	s30 =	simm.s32 $0x3;
	s3 =	simm.s32 $0x0;
	s5 =	smul.u32 $0x12C00, s4  }
0x7: {  	s16 =	sand.u32 $0x7, s12;
	s25 =	sshll.u32 s12, $0x6;
	s6 =	smul.u32 $0x18700, s4  }
0x8: {  	[smem:$0x7FF] =	sst s3;
	s4 =	ssub.s32 $0x2, s4;
	s18 =	smul.u32 $0x9600, s16  }
0x9: {  	s20 =	smul.u32 $0x25800, s16;
	s16 =	simm.s32 $0xE600;
	_ =	strace $0x80000053  }
0xa: {  	s19 =	sshrl.u32 s7, $0x3;
	s9 =	sshrl.u32 s4, $0x1;
	s11 =	sadd.s32 s7, s2  }
0xb: {  	s1 =	sadd.s32 s1, s0;
	s5 =	sadd.s32 s5, s0;
	s8 =	sadd.s32 s19, s0  }
0xc: {  	s0 =	sadd.s32 s6, s0;
	s4 =	ssub.s32 s4, s9;
	s23 =	sadd.s32 $0x500, s18  }
0xd: {  	s24 =	sadd.s32 $0xA00, s20;
	s22 =	sadd.s32 $0x1E00, s20;
	s11 =	sshrl.u32 s11, $0x3  }
0xe: {  	s5 =	sadd.s32 s10, s5;
	s17 =	sadd.s32 $0x114200, s8;
	s6 =	sadd.s32 $0x2E4600, s1  }
0xf: {  	s0 =	sadd.s32 $0x12CA00, s0;
	s7 =	smax.u32 s4, $0x1;
	s9 =	smin.u32 s23, $0x4AD80  }
0x10: {  	s8 =	sadd.s32 $0xA00, s18;
	s10 =	sor.u32 $0x1C04, s25;
	s18 =	simm.s32 $0xA600  }
0x11: {  	s1 =	simm.s32 $0x0;
	[dreg:$0x4] =	wrdreg s17;
	s5 =	sadd.s32 $0x9A00, s5  }
0x12: {  	s21 =	sshll.u32 s9, $0x2;
	s9 =	simm.s32 $0x4;
	s12 =	sadd.s32 s20, s6  }
0x13: {  	s15 =	sadd.s32 s6, s24;
	s17 =	simm.s32 $0x80;
	s20 =	simm.s32 $0xB600  }
0x14: {  	s26 =	sadd.s32 s6, s22;
	s22 =	simm.s32 $0xC600;
	[dreg:$0x5] =	wrdreg s5  }
0x15: {  	s23 =	sadd.s32 s19, s0;
	s0 =	simm.s32 $0x10600;
	[dreg:$0x3] =	wrdreg s26  }
0x16: {  	s25 =	sadd.s32 s6, s21;
	s26 =	simm.s32 $0xD600;
	s21 =	simm.s32 $0x11600  }
.LBB2_1:
0x17: {  	s4 =	rddreg [dreg:$0x5]  }
0x18: {  	[tilespmem:s3], [sflag:$0x4] =	stream.linear.gather [hbm4b:s4+s3], $0x9600, $0x38;
	[tilespmem:$0x1F980] =	vst v63  }
0x19: {  	_ =	swait.ge [sflag:s9], $0x9600  }
0x1a: {  	[sflag:s9] =	ssyncset.done $0x0  }
0x1b: {  	s24 =	rddreg [dreg:$0x4];
	[sflag:s9] =	ssyncadd.s32 $0xFFFF6A00  }
0x1c: {  	[spmem:s11], [sflag:s10] =	dma.local [hbm:s24], $0x1870  }
0x1d: {  	_ =	swait.ge [sflag:s9], $0x1870  }
0x1e: {  	[sflag:s9] =	ssyncset.done $0x0  }
0x1f: {  	[sflag:s9] =	ssyncadd.s32 $0xFFFFE790  }
0x20: {  	[bflag:$0x0] =	sbarrier.arrive $0xFFFF  }
0x21: {  	[tilespmem:s13], [sflag:$0x1] =	stream.linear.gather [hbm4b:s12+s3], $0x5000, $0x38;
	[tilespmem:$0x1F980] =	vst v63  }
0x22: {  	_ =	swait.ge [sflag:s14], $0x5000  }
0x23: {  	[sflag:s14] =	ssyncset.done $0x0  }
0x24: {  	[sflag:s14] =	ssyncadd.s32 $0xFFFFB000  }
0x25: {  	[tilespmem:s16], [sflag:$0x1] =	stream.linear.gather [hbm4b:s15+s3], $0x5000, $0x38;
	[tilespmem:$0x1F980] =	vst v63  }
0x26: {  	_ = 	snop  }
0x27: {  	[spmem:s2] =	stream.indirect.scatter.add.f32 [tilespmem:s13], [sflag:$0x2], $0x20, s3, s17, $0xb8;
	[tilespmem:$0x1F980] =	vst v63  }
0x28: {  	_ = 	snop  }
0x29: {  	[spmem:s2] =	stream.indirect.scatter.add.f32 [tilespmem:s18], [sflag:$0x2], $0x20, s17, s17, $0xb8;
	[tilespmem:$0x1F980] =	vst v63  }
0x2a: {  	s5 =	simm.s32 $0x100  }
0x2b: {  	[spmem:s2] =	stream.indirect.scatter.add.f32 [tilespmem:s20], [sflag:$0x2], $0x20, s5, s17, $0xb8;
	[tilespmem:$0x1F980] =	vst v63  }
0x2c: {  	s19 =	simm.s32 $0x180  }
0x2d: {  	[spmem:s2] =	stream.indirect.scatter.add.f32 [tilespmem:s22], [sflag:$0x2], $0x20, s19, s17, $0xb8;
	[tilespmem:$0x1F980] =	vst v63  }
0x2e: {  	s24 =	simm.s32 $0x200  }
0x2f: {  	[spmem:s2] =	stream.indirect.scatter.add.f32 [tilespmem:s26], [sflag:$0x2], $0x20, s24, s17, $0xb8;
	[tilespmem:$0x1F980] =	vst v63  }
0x30: {  	_ =	swait.ge [sflag:s14], $0x5000  }
0x31: {  	[sflag:s14] =	ssyncset.done $0x0  }
0x32: {  	[sflag:s14] =	ssyncadd.s32 $0xFFFFB000  }
0x33: {  	_ =	swait.ge [sflag:s28], $0x1000  }
0x34: {  	[sflag:s28] =	ssyncset.done $0x0  }
0x35: {  	[sflag:s28] =	ssyncadd.s32 $0xFFFFF000  }
0x36: {  	_ =	swait.ge [sflag:s28], $0x1000  }
0x37: {  	[sflag:s28] =	ssyncset.done $0x0  }
0x38: {  	[sflag:s28] =	ssyncadd.s32 $0xFFFFF000  }
0x39: {  	_ =	swait.ge [sflag:s28], $0x1000  }
0x3a: {  	[sflag:s28] =	ssyncset.done $0x0  }
0x3b: {  	[sflag:s28] =	ssyncadd.s32 $0xFFFFF000  }
0x3c: {  	_ =	swait.ge [sflag:s28], $0x1000  }
0x3d: {  	[sflag:s28] =	ssyncset.done $0x0  }
0x3e: {  	[sflag:s28] =	ssyncadd.s32 $0xFFFFF000  }
0x3f: {  	_ =	swait.ge [sflag:s28], $0x1000  }
0x40: {  	[sflag:s28] =	ssyncset.done $0x0  }
0x41: {  	[sflag:s28] =	ssyncadd.s32 $0xFFFFF000  }
0x42: {  	[tilespmem:s13], [sflag:$0x1] =	stream.linear.gather [hbm4b:s25+s3], $0x5000, $0x38;
	[tilespmem:$0x1F980] =	vst v63  }
0x43: {  	s5 =	simm.s32 $0x280  }
0x44: {  	[spmem:s2] =	stream.indirect.scatter.add.f32 [tilespmem:s16], [sflag:$0x3], $0x20, s5, s17, $0xb8;
	[tilespmem:$0x1F980] =	vst v63  }
0x45: {  	s19 =	simm.s32 $0x300  }
0x46: {  	[spmem:s2] =	stream.indirect.scatter.add.f32 [tilespmem:s31], [sflag:$0x3], $0x20, s19, s17, $0xb8;
	[tilespmem:$0x1F980] =	vst v63  }
0x47: {  	s24 =	simm.s32 $0x380  }
0x48: {  	[spmem:s2] =	stream.indirect.scatter.add.f32 [tilespmem:s0], [sflag:$0x3], $0x20, s24, s17, $0xb8;
	[tilespmem:$0x1F980] =	vst v63  }
0x49: {  	s5 =	simm.s32 $0x400  }
0x4a: {  	[spmem:s2] =	stream.indirect.scatter.add.f32 [tilespmem:s21], [sflag:$0x3], $0x20, s5, s17, $0xb8;
	[tilespmem:$0x1F980] =	vst v63  }
0x4b: {  	s19 =	simm.s32 $0x480  }
0x4c: {  	[spmem:s2] =	stream.indirect.scatter.add.f32 [tilespmem:s29], [sflag:$0x3], $0x20, s19, s17, $0xb8;
	[tilespmem:$0x1F980] =	vst v63  }
0x4d: {  	_ =	swait.ge [sflag:s14], $0x5000  }
0x4e: {  	[sflag:s14] =	ssyncset.done $0x0  }
0x4f: {  	[sflag:s14] =	ssyncadd.s32 $0xFFFFB000  }
0x50: {  	_ =	swait.ge [sflag:s30], $0x1000  }
0x51: {  	[sflag:s30] =	ssyncset.done $0x0  }
0x52: {  	[sflag:s30] =	ssyncadd.s32 $0xFFFFF000  }
0x53: {  	_ =	swait.ge [sflag:s30], $0x1000  }
0x54: {  	[sflag:s30] =	ssyncset.done $0x0  }
0x55: {  	[sflag:s30] =	ssyncadd.s32 $0xFFFFF000  }
0x56: {  	_ =	swait.ge [sflag:s30], $0x1000  }
0x57: {  	[sflag:s30] =	ssyncset.done $0x0  }
0x58: {  	[sflag:s30] =	ssyncadd.s32 $0xFFFFF000  }
0x59: {  	_ =	swait.ge [sflag:s30], $0x1000  }
0x5a: {  	[sflag:s30] =	ssyncset.done $0x0  }
0x5b: {  	[sflag:s30] =	ssyncadd.s32 $0xFFFFF000  }
0x5c: {  	_ =	swait.ge [sflag:s30], $0x1000  }
0x5d: {  	s24 =	rddreg [dreg:$0x3];
	[sflag:s30] =	ssyncset.done $0x0  }
0x5e: {  	[sflag:s30] =	ssyncadd.s32 $0xFFFFF000;
	s4 =	sadd.s32 $0x0, s24  }
0x5f: {  	[tilespmem:s16], [sflag:$0x1] =	stream.linear.gather [hbm4b:s4+s3], $0x5000, $0x38;
	[tilespmem:$0x1F980] =	vst v63  }
0x60: {  	s5 =	simm.s32 $0x500  }
0x61: {  	[spmem:s2] =	stream.indirect.scatter.add.f32 [tilespmem:s13], [sflag:$0x2], $0x20, s5, s17, $0xb8;
	[tilespmem:$0x1F980] =	vst v63  }
0x62: {  	s19 =	simm.s32 $0x580  }
0x63: {  	[spmem:s2] =	stream.indirect.scatter.add.f32 [tilespmem:s18], [sflag:$0x2], $0x20, s19, s17, $0xb8;
	[tilespmem:$0x1F980] =	vst v63  }
0x64: {  	s24 =	simm.s32 $0x600  }
0x65: {  	[spmem:s2] =	stream.indirect.scatter.add.f32 [tilespmem:s20], [sflag:$0x2], $0x20, s24, s17, $0xb8;
	[tilespmem:$0x1F980] =	vst v63  }
0x66: {  	s5 =	simm.s32 $0x680  }
0x67: {  	[spmem:s2] =	stream.indirect.scatter.add.f32 [tilespmem:s22], [sflag:$0x2], $0x20, s5, s17, $0xb8;
	[tilespmem:$0x1F980] =	vst v63  }
0x68: {  	s19 =	simm.s32 $0x700  }
0x69: {  	[spmem:s2] =	stream.indirect.scatter.add.f32 [tilespmem:s26], [sflag:$0x2], $0x20, s19, s17, $0xb8;
	[tilespmem:$0x1F980] =	vst v63  }
0x6a: {  	_ =	swait.ge [sflag:s14], $0x5000  }
0x6b: {  	[sflag:s14] =	ssyncset.done $0x0  }
0x6c: {  	[sflag:s14] =	ssyncadd.s32 $0xFFFFB000  }
0x6d: {  	_ =	swait.ge [sflag:s28], $0x1000  }
0x6e: {  	[sflag:s28] =	ssyncset.done $0x0  }
0x6f: {  	[sflag:s28] =	ssyncadd.s32 $0xFFFFF000  }
0x70: {  	_ =	swait.ge [sflag:s28], $0x1000  }
0x71: {  	[sflag:s28] =	ssyncset.done $0x0  }
0x72: {  	[sflag:s28] =	ssyncadd.s32 $0xFFFFF000  }
0x73: {  	_ =	swait.ge [sflag:s28], $0x1000  }
0x74: {  	[sflag:s28] =	ssyncset.done $0x0  }
0x75: {  	[sflag:s28] =	ssyncadd.s32 $0xFFFFF000  }
0x76: {  	_ =	swait.ge [sflag:s28], $0x1000  }
0x77: {  	[sflag:s28] =	ssyncset.done $0x0  }
0x78: {  	p0 =	slt.s32 s8, $0x4AD80;
	s4 =	smov.u32 s8;
	[sflag:s28] =	ssyncadd.s32 $0xFFFFF000  }
0x79: {  	s4 =	simm.s32 @!p0 $0x4AD80;
	_ =	swait.ge [sflag:s28], $0x1000  }
0x7a: {  	s4 =	sshll.u32 s4, $0x2;
	[sflag:s28] =	ssyncset.done $0x0  }
0x7b: {  	s4 =	sadd.s32 s6, s4;
	[sflag:s28] =	ssyncadd.s32 $0xFFFFF000  }
0x7c: {  	[tilespmem:s13], [sflag:$0x1] =	stream.linear.gather [hbm4b:s4+s3], $0x5000, $0x38;
	[tilespmem:$0x1F980] =	vst v63  }
0x7d: {  	s24 =	simm.s32 $0x780  }
0x7e: {  	[spmem:s2] =	stream.indirect.scatter.add.f32 [tilespmem:s16], [sflag:$0x3], $0x20, s24, s17, $0xb8;
	[tilespmem:$0x1F980] =	vst v63  }
0x7f: {  	s5 =	simm.s32 $0x800  }
0x80: {  	[spmem:s2] =	stream.indirect.scatter.add.f32 [tilespmem:s31], [sflag:$0x3], $0x20, s5, s17, $0xb8;
	[tilespmem:$0x1F980] =	vst v63  }
0x81: {  	s19 =	simm.s32 $0x880  }
0x82: {  	[spmem:s2] =	stream.indirect.scatter.add.f32 [tilespmem:s0], [sflag:$0x3], $0x20, s19, s17, $0xb8;
	[tilespmem:$0x1F980] =	vst v63  }
0x83: {  	s24 =	simm.s32 $0x900  }
0x84: {  	[spmem:s2] =	stream.indirect.scatter.add.f32 [tilespmem:s21], [sflag:$0x3], $0x20, s24, s17, $0xb8;
	[tilespmem:$0x1F980] =	vst v63  }
0x85: {  	s4 =	simm.s32 $0x980;
	s19 =	simm.s32 $0x1400;
	s24 =	sadd.s32 $0x500, s8  }
.LBB2_2:
0x86: {  	[spmem:s2] =	stream.indirect.scatter.add.f32 [tilespmem:s29], [sflag:$0x3], $0x20, s4, s17, $0xb8;
	[tilespmem:$0x1F980] =	vst v63  }
0x87: {  	_ =	swait.ge [sflag:s14], $0x5000  }
0x88: {  	[sflag:s14] =	ssyncset.done $0x0  }
0x89: {  	[sflag:s14] =	ssyncadd.s32 $0xFFFFB000  }
0x8a: {  	_ =	swait.ge [sflag:s30], $0x1000  }
0x8b: {  	[sflag:s30] =	ssyncset.done $0x0  }
0x8c: {  	[sflag:s30] =	ssyncadd.s32 $0xFFFFF000  }
0x8d: {  	_ =	swait.ge [sflag:s30], $0x1000  }
0x8e: {  	[sflag:s30] =	ssyncset.done $0x0  }
0x8f: {  	[sflag:s30] =	ssyncadd.s32 $0xFFFFF000  }
0x90: {  	_ =	swait.ge [sflag:s30], $0x1000  }
0x91: {  	[sflag:s30] =	ssyncset.done $0x0  }
0x92: {  	[sflag:s30] =	ssyncadd.s32 $0xFFFFF000  }
0x93: {  	_ =	swait.ge [sflag:s30], $0x1000  }
0x94: {  	[sflag:s30] =	ssyncset.done $0x0  }
0x95: {  	[sflag:s30] =	ssyncadd.s32 $0xFFFFF000  }
0x96: {  	_ =	swait.ge [sflag:s30], $0x1000  }
0x97: {  	s4 =	smov.u32 s19;
	s5 =	rddreg [dreg:$0x3];
	[sflag:s30] =	ssyncset.done $0x0  }
0x98: {  	[sflag:s30] =	ssyncadd.s32 $0xFFFFF000;
	s5 =	sadd.s32 s4, s5;
	s4 =	sshra.s32 s4, $0x2  }
0x99: {  	[tilespmem:s16], [sflag:$0x1] =	stream.linear.gather [hbm4b:s5+s3], $0x5000, $0x38;
	[tilespmem:$0x1F980] =	vst v63  }
0x9a: {  	s5 =	sadd.s32 $0x500, s4  }
0x9b: {  	[spmem:s2] =	stream.indirect.scatter.add.f32 [tilespmem:s13], [sflag:$0x2], $0x20, s5, s17, $0xb8;
	[tilespmem:$0x1F980] =	vst v63  }
0x9c: {  	s5 =	sadd.s32 $0x580, s4  }
0x9d: {  	[spmem:s2] =	stream.indirect.scatter.add.f32 [tilespmem:s18], [sflag:$0x2], $0x20, s5, s17, $0xb8;
	[tilespmem:$0x1F980] =	vst v63  }
0x9e: {  	s5 =	sadd.s32 $0x600, s4  }
0x9f: {  	[spmem:s2] =	stream.indirect.scatter.add.f32 [tilespmem:s20], [sflag:$0x2], $0x20, s5, s17, $0xb8;
	[tilespmem:$0x1F980] =	vst v63  }
0xa0: {  	s5 =	sadd.s32 $0x680, s4  }
0xa1: {  	[spmem:s2] =	stream.indirect.scatter.add.f32 [tilespmem:s22], [sflag:$0x2], $0x20, s5, s17, $0xb8;
	[tilespmem:$0x1F980] =	vst v63  }
0xa2: {  	s5 =	sadd.s32 $0x700, s4  }
0xa3: {  	[spmem:s2] =	stream.indirect.scatter.add.f32 [tilespmem:s26], [sflag:$0x2], $0x20, s5, s17, $0xb8;
	[tilespmem:$0x1F980] =	vst v63  }
0xa4: {  	_ =	swait.ge [sflag:s14], $0x5000  }
0xa5: {  	[sflag:s14] =	ssyncset.done $0x0  }
0xa6: {  	[sflag:s14] =	ssyncadd.s32 $0xFFFFB000  }
0xa7: {  	_ =	swait.ge [sflag:s28], $0x1000  }
0xa8: {  	[sflag:s28] =	ssyncset.done $0x0  }
0xa9: {  	[sflag:s28] =	ssyncadd.s32 $0xFFFFF000  }
0xaa: {  	_ =	swait.ge [sflag:s28], $0x1000  }
0xab: {  	[sflag:s28] =	ssyncset.done $0x0  }
0xac: {  	[sflag:s28] =	ssyncadd.s32 $0xFFFFF000  }
0xad: {  	_ =	swait.ge [sflag:s28], $0x1000  }
0xae: {  	[sflag:s28] =	ssyncset.done $0x0  }
0xaf: {  	[sflag:s28] =	ssyncadd.s32 $0xFFFFF000  }
0xb0: {  	_ =	swait.ge [sflag:s28], $0x1000  }
0xb1: {  	[sflag:s28] =	ssyncset.done $0x0  }
0xb2: {  	p1 =	slt.s32 s24, $0x4AD80;
	s5 =	smov.u32 s24;
	[sflag:s28] =	ssyncadd.s32 $0xFFFFF000  }
0xb3: {  	s5 =	simm.s32 @!p1 $0x4AD80;
	_ =	swait.ge [sflag:s28], $0x1000  }
0xb4: {  	s5 =	sshll.u32 s5, $0x2;
	[sflag:s28] =	ssyncset.done $0x0  }
0xb5: {  	s5 =	sadd.s32 s6, s5;
	[sflag:s28] =	ssyncadd.s32 $0xFFFFF000  }
0xb6: {  	[tilespmem:s13], [sflag:$0x1] =	stream.linear.gather [hbm4b:s5+s3], $0x5000, $0x38;
	[tilespmem:$0x1F980] =	vst v63  }
0xb7: {  	s5 =	sadd.s32 $0x780, s4  }
0xb8: {  	[spmem:s2] =	stream.indirect.scatter.add.f32 [tilespmem:s16], [sflag:$0x3], $0x20, s5, s17, $0xb8;
	[tilespmem:$0x1F980] =	vst v63  }
0xb9: {  	p0 =	sne.s32 s19, $0x23000;
	s5 =	sadd.s32 $0x800, s4  }
0xba: {  	[spmem:s2] =	stream.indirect.scatter.add.f32 [tilespmem:s31], [sflag:$0x3], $0x20, s5, s17, $0xb8;
	[tilespmem:$0x1F980] =	vst v63  }
.Ltmp0:
0xbb: {  	_ = 	snop;
	(pc) =	sbr.rel @p0 .LBB2_2-.Ltmp0, $4  }
0xbc: {  	s19 =	sadd.s32 $0x1400, s19;
	s5 =	sadd.s32 $0x880, s4  }
0xbd: {  	[spmem:s2] =	stream.indirect.scatter.add.f32 [tilespmem:s0], [sflag:$0x3], $0x20, s5, s17, $0xb8;
	[tilespmem:$0x1F980] =	vst v63  }
0xbe: {  	s24 =	sadd.s32 $0x500, s24;
	s5 =	sadd.s32 $0x900, s4;
	s4 =	sadd.s32 $0x980, s4  }
0xbf: {  	[spmem:s2] =	stream.indirect.scatter.add.f32 [tilespmem:s21], [sflag:$0x3], $0x20, s5, s17, $0xb8;
	[tilespmem:$0x1F980] =	vst v63  }
0xc0: {  	[spmem:s2] =	stream.indirect.scatter.add.f32 [tilespmem:s29], [sflag:$0x3], $0x20, s4, s17, $0xb8;
	[tilespmem:$0x1F980] =	vst v63  }
0xc1: {  	_ =	swait.ge [sflag:s14], $0x5000  }
0xc2: {  	[sflag:s14] =	ssyncset.done $0x0  }
0xc3: {  	[sflag:s14] =	ssyncadd.s32 $0xFFFFB000  }
0xc4: {  	_ =	swait.ge [sflag:s30], $0x1000  }
0xc5: {  	[sflag:s30] =	ssyncset.done $0x0  }
0xc6: {  	[sflag:s30] =	ssyncadd.s32 $0xFFFFF000  }
0xc7: {  	_ =	swait.ge [sflag:s30], $0x1000  }
0xc8: {  	[sflag:s30] =	ssyncset.done $0x0  }
0xc9: {  	[sflag:s30] =	ssyncadd.s32 $0xFFFFF000  }
0xca: {  	_ =	swait.ge [sflag:s30], $0x1000  }
0xcb: {  	[sflag:s30] =	ssyncset.done $0x0  }
0xcc: {  	[sflag:s30] =	ssyncadd.s32 $0xFFFFF000  }
0xcd: {  	_ =	swait.ge [sflag:s30], $0x1000  }
0xce: {  	[sflag:s30] =	ssyncset.done $0x0  }
0xcf: {  	[sflag:s30] =	ssyncadd.s32 $0xFFFFF000  }
0xd0: {  	_ =	swait.ge [sflag:s30], $0x1000  }
0xd1: {  	s1 =	sadd.s32 $0x1, s1;
	[sflag:s30] =	ssyncset.done $0x0  }
0xd2: {  	p0 =	sne.s32 s1, s7;
	[sflag:s30] =	ssyncadd.s32 $0xFFFFF000  }
.Ltmp1:
0xd3: {  	[bflag:$0x0] =	sbarrier.arrive $0xFFFF;
	(pc) =	sbr.rel @p0 .LBB2_1-.Ltmp1, $4  }
0xd4: {  	[hbm:s23], [sflag:s10] =	dma.local [spmem:s11], $0x1870  }
0xd5: {  	_ =	swait.ge [sflag:s9], $0x1870  }
0xd6: {  	[sflag:s9] =	ssyncset.done $0x0  }
0xd7: {  	[sflag:s9] =	ssyncadd.s32 $0xFFFFE790  }
0xd8: {  	_ =	sfence.sel $0x180000  }
0xd9: {  	[bflag:$0x0] =	sbarrier.arrive $0xFFFF  }
0xda: {  	_ =	strace $0x90000053  }
0xdb: {  	s0 =	stileid.u32;
	[bflag:$0x2] =	sbarrier.arrive $0xFFFF  }
0xdc: {  	p0 =	sne.s32 s0, $0x0;
	s0 =	rddreg [dreg:$0x2]  }
0xdd: {  	s0 =	sadd.s32 @!p0 $0x100000, s0  }
0xde: {  	[sflag:s0] =	ssyncadd.tile.s32 @!p0 $0x1;
	_ =	shalt  }
.Lfunc_end2:
_tile_overlayer_lowered:
.L_overlay_start_2:
0xdf: {  	(tag) =	ssettag $0x2  }
0xe0: {  	s0 =	rddreg [dreg:$0x0];
	s2 =	stileid.u32  }
0xe1: {  	s1 =	rddreg [dreg:$0x1];
	p0 =	sne.s32 s2, $0x0  }
0xe2: {  	s3 =	rddreg [dreg:$0x2];
	[bflag:$0x3] =	sbarrier.arrive $0xFFFF;
	s2 =	simm.s32 @!p0 $0x1C04  }
0xe3: {  	[timem:s3], [sflag:s2] =	dma.local @!p0 [hbm:s0], s1  }
0xe4: {  	s0 =	simm.s32 @!p0 $0x4  }
0xe5: {  	_ =	swait.ge @!p0 [sflag:s0], s1  }
0xe6: {  	s1 =	ssub.s32 @!p0 $0x0, s1;
	[sflag:s0] =	ssyncset.done @!p0 $0x0  }
0xe7: {  	[sflag:s0] =	ssyncadd.s32 @!p0 s1  }
0xe8: {  	[bflag:$0x3] =	sbarrier.arrive $0xFFFF  }
0xe9: {  	_ =	shalt  }

</sc_bundles>
